<compile_context>
chip_gen: v7x
topology: tpu7x:2x2x1
jax: 0.10.2.dev20260603
libtpu: 0.0.44.dev20260713+nightly
codegen_flags: <defaults>
</compile_context>

<pallas_src>
import functools

import jax
import jax.numpy as jnp
from jax import lax
from jax.experimental import pallas as pl
from jax.experimental.pallas import tpu as pltpu
from jax.experimental.pallas import tpu_sc as plsc

L = 16
CHUNK = 128
NB = 5
TC_BLK = 4000
G = 8

_MESH = dict(core_axis_name="c", subcore_axis_name="s")


def _sc_info():
    info = plsc.get_sparse_core_info()
    nw = info.num_cores * info.num_subcores
    return info, nw, nw // G


def _worker_id():
    info = plsc.get_sparse_core_info()
    return lax.axis_index("s") * info.num_cores + lax.axis_index("c")


def _sc_scan(idx, n_rows):
    B = idx.shape[0]
    N = n_rows
    _, NW, NRG = _sc_info()
    SR = -(-N // NW // 8) * 8
    RG = NRG * 0 + (NW // NRG) * SR
    RG = (NW // NRG) * SR
    BS = B // G
    assert B % G == 0 and BS % L == 0 and RG % L == 0

    @functools.partial(
        pl.kernel,
        out_type=jax.ShapeDtypeStruct((G * NRG * RG,), jnp.int32),
        mesh=plsc.VectorSubcoreMesh(**_MESH),
        compiler_params=pltpu.CompilerParams(needs_layout_passes=False),
        scratch_types=[
            pltpu.VMEM((BS,), jnp.int32),
            pltpu.VMEM((RG,), jnp.int32),
        ],
    )
    def k(idx_h, tmp_h, idx_v, tmp):
        wid = _worker_id()
        g = wid // NRG
        r = wid % NRG
        lo = r * RG
        hi = jnp.minimum(lo + RG, N)

        pltpu.sync_copy(idx_h.at[pl.ds(g * BS, BS)], idx_v)

        neg1 = jnp.full((L,), -1, jnp.int32)

        def init_body(i, _):
            for u in range(4):
                tmp[pl.ds((i * 4 + u) * L, L)] = neg1
            return 0
        lax.fori_loop(0, RG // L // 4, init_body, 0)

        iota = lax.iota(jnp.int32, L)
        pos0 = g * BS

        def p1(v, _):
            rows = idx_v[pl.ds(v * L, L)]
            m = (rows >= lo) & (rows < hi)
            local = jnp.where(m, rows - lo, 0)
            pos = iota + (pos0 + v * L)
            _, last_m = plsc.scan_count(local, mask=m)
            plsc.store_scatter(tmp, [local], pos, mask=last_m & m)
            return 0
        lax.fori_loop(0, BS // L, p1, 0)

        pltpu.sync_copy(tmp, tmp_h.at[pl.ds((g * NRG + r) * RG, RG)])

    return k(idx)


def _tc_copy(cell, hidden):
    N, D = cell.shape
    nb = N // TC_BLK

    def body(c_ref, h_ref, o_ref):
        o_ref[0] = c_ref[...]
        o_ref[1] = h_ref[...]

    return pl.pallas_call(
        body,
        grid=(nb,),
        in_specs=[
            pl.BlockSpec((TC_BLK, D), lambda i: (i, 0)),
            pl.BlockSpec((TC_BLK, D), lambda i: (i, 0)),
        ],
        out_specs=pl.BlockSpec((2, TC_BLK, D), lambda i: (0, i, 0)),
        out_shape=jax.ShapeDtypeStruct((2, N, D), jnp.float32),
    )(cell, hidden)


def _sc_scatter(out_ref, tmp_all, values_cell, values_hidden, n_rows):
    N = n_rows
    D = values_cell.shape[1]
    _, NW, NRG = _sc_info()
    RG = tmp_all.shape[0] // (G * NRG)
    SR = RG // (NW // NRG)
    srpad = ((SR + L - 1) // L) * L
    wcap = (srpad // CHUNK + 2) * CHUNK

    @functools.partial(
        pl.kernel,
        mesh=plsc.VectorSubcoreMesh(**_MESH),
        compiler_params=pltpu.CompilerParams(needs_layout_passes=False),
        scratch_types=[pltpu.VMEM((srpad,), jnp.int32)] * G + [
            pltpu.VMEM((wcap,), jnp.int32),
            pltpu.VMEM((wcap,), jnp.int32),
            pltpu.VMEM((NB, CHUNK), jnp.int32),
            pltpu.VMEM((NB, CHUNK), jnp.int32),
            pltpu.VMEM((NB, CHUNK, D), jnp.float32),
        ] + [pltpu.SemaphoreType.DMA] * (2 * NB),
    )
    def k(tmp_h, vc_h, vh_h, out_h, *rest):
        slices = rest[:G]
        (win_row, win_pos, dst2d, src2d, stage) = rest[G:G + 5]
        sems = rest[G + 5:]
        sems_g = sems[:NB]
        sems_s = sems[NB:]
        wid = _worker_id()
        lo = wid * SR
        r = wid // (NW // NRG)
        off = (wid % (NW // NRG)) * SR

        cps = [
            pltpu.make_async_copy(
                tmp_h.at[pl.ds((g * NRG + r) * RG + off, SR)],
                slices[g].at[pl.ds(0, SR)], sems_g[0])
            for g in range(G)
        ]
        for cp in cps:
            cp.start()
        for cp in cps:
            cp.wait()

        iota = lax.iota(jnp.int32, L)

        def p2(t, cnt):
            w = slices[0][pl.ds(t * L, L)]
            for g in range(1, G):
                tg = slices[g][pl.ds(t * L, L)]
                w = jnp.where(tg >= 0, tg, w)
            m = (w >= 0) & (iota + t * L < SR)
            rows16 = iota + t * L + lo
            plsc.store_compressed(win_row.at[pl.ds(cnt, L)], rows16, mask=m)
            plsc.store_compressed(win_pos.at[pl.ds(cnt, L)], w, mask=m)
            return cnt + plsc.all_reduce_population_count(m)[0]
        cnt = lax.fori_loop(0, srpad // L, p2, jnp.int32(0))

        @pl.when(cnt > 0)
        def _pad():
            frv = jnp.full((L,), win_row[pl.ds(0, L)][0], jnp.int32)
            fpv = jnp.full((L,), win_pos[pl.ds(0, L)][0], jnp.int32)
            for j in range(CHUNK // L):
                win_row[pl.ds(cnt + j * L, L)] = frv
                win_pos[pl.ds(cnt + j * L, L)] = fpv

        nch_w = (cnt + CHUNK - 1) // CHUNK
        ntot = 2 * nch_w

        def fire_gather(b, c):
            t_is_h = c >= nch_w
            ci = jnp.where(t_is_h, c - nch_w, c)
            base = jnp.where(t_is_h, N, 0)

            def ld(j, _):
                d2 = dst2d.at[b]
                s2 = src2d.at[b]
                d2[pl.ds(j * L, L)] = (
                    win_row[pl.ds(ci * CHUNK + j * L, L)] + base)
                s2[pl.ds(j * L, L)] = win_pos[pl.ds(ci * CHUNK + j * L, L)]
                return 0
            lax.fori_loop(0, CHUNK // L, ld, 0)

            @pl.when(jnp.logical_not(t_is_h))
            def _():
                pltpu.make_async_copy(
                    vc_h.at[src2d.at[b]], stage.at[b], sems_g[b]).start()

            @pl.when(t_is_h)
            def _():
                pltpu.make_async_copy(
                    vh_h.at[src2d.at[b]], stage.at[b], sems_g[b]).start()

        def drain(sem, b):
            pltpu.make_async_copy(
                vc_h.at[pl.ds(0, CHUNK)], stage.at[b], sem).wait()

        for b in range(NB):
            @pl.when(b < ntot)
            def _(b=b):
                fire_gather(b, jnp.int32(b))

        def ring(g2, _):
            for b in range(NB):
                c = g2 * NB + b

                @pl.when(c < ntot)
                def _(b=b, c=c):
                    drain(sems_g[b], b)
                    pltpu.make_async_copy(
                        stage.at[b], out_h.at[dst2d.at[b]], sems_s[b]).start()
            for b in range(NB):
                c2 = (g2 + 1) * NB + b

                @pl.when(c2 < ntot)
                def _(b=b, c2=c2):
                    drain(sems_s[b], b)
                    fire_gather(b, c2)
            return 0
        ngroups = (ntot + NB - 1) // NB
        lax.fori_loop(0, ngroups, ring, 0)
        for b in range(NB):
            @pl.when(b < ntot)
            def _(b=b):
                drain(sems_s[b], b)

    k(tmp_all, values_cell, values_hidden, out_ref)


def kernel(cell, hidden, node_idxs, values_cell, values_hidden):
    N, D = cell.shape
    idx = node_idxs.astype(jnp.int32)
    out0 = _tc_copy(cell, hidden)
    tmp_all = _sc_scan(idx, N)
    out_ref = jax.new_ref(out0.reshape(2 * N, D))
    _sc_scatter(out_ref, tmp_all, values_cell, values_hidden, N)
    return out_ref[...].reshape(2, N, D)

# --- scband reference (transcript-rebuilt; emitter-appended) ---
"""Pipeline reference for scband-memory-996432413625 (READ-ONLY COPY).

The authoritative reference and input builder live on the scoring server;
editing this copy changes nothing except your own understanding.
"""

import jax, jax.numpy as jnp
import numpy as np

N_NODES = 100000
MEM_DIM = 128
BATCH = 16384

def _xavier_normal(key, shape):
    fan_in, fan_out = shape[0], shape[1]
    std = float(np.sqrt(2.0 / (fan_in + fan_out)))
    return jax.random.normal(key, shape, dtype=jnp.float32) * std

def setup_inputs(seed: int = 0) -> dict:
    key = jax.random.key(seed)
    k_cell, k_hidden, k_idx, k_vc, k_vh = jax.random.split(key, 5)
    # Memory state parameters, initialized per __init_memory__ (zeros then xavier_normal)
    cell = _xavier_normal(k_cell, (N_NODES, MEM_DIM))
    hidden = _xavier_normal(k_hidden, (N_NODES, MEM_DIM))
    node_idxs = jax.random.randint(k_idx, (BATCH,), 0, N_NODES, dtype=jnp.int64)
    values_cell = jax.random.normal(k_vc, (BATCH, MEM_DIM), dtype=jnp.float32)
    values_hidden = jax.random.normal(k_vh, (BATCH, MEM_DIM), dtype=jnp.float32)
    return {"cell": cell, "hidden": hidden, "node_idxs": node_idxs,
            "values_cell": values_cell, "values_hidden": values_hidden}

def reference(cell, hidden, node_idxs, values_cell, values_hidden):
    # Memory.set_cell: self.cell[node_idxs, :] = values  (scatter-overwrite)
    new_cell = cell.at[node_idxs].set(values_cell)
    # Memory.set_hidden: self.hidden[node_idxs, :] = values  (scatter-overwrite)
    new_hidden = hidden.at[node_idxs].set(values_hidden)
    # Memory.get_memory: [self.memory[i][node_idxs, :] for i in range(2)] (gather)
    # Return full updated state stacked (memory = [cell, hidden])
    return jnp.stack([new_cell, new_hidden], axis=0)

if __name__ == "__main__":
    import jax
    _d = setup_inputs()
    print(jax.jit(kernel)(*tuple(_d.values())))

</pallas_src>

<mosaic_0001>
#map = affine_map<(d0, d1) -> (0)>
#map1 = affine_map<(d0, d1) -> (0, 0)>
module attributes {stable_mosaic.version = 14 : i64} {
  func.func @new_body(%arg0: i32, %arg1: i32, %arg2: memref<800768xi32, #tpu.memory_space<hbm>>, %arg3: memref<16384x128xf32, #tpu.memory_space<hbm>>, %arg4: memref<16384x128xf32, #tpu.memory_space<hbm>>, %arg5: memref<200000x128xf32, #tpu.memory_space<hbm>>, %arg6: memref<200000x128xf32, #tpu.memory_space<hbm>>, %arg7: memref<3136xi32, #tpu.memory_space<vmem>>, %arg8: memref<3136xi32, #tpu.memory_space<vmem>>, %arg9: memref<3136xi32, #tpu.memory_space<vmem>>, %arg10: memref<3136xi32, #tpu.memory_space<vmem>>, %arg11: memref<3136xi32, #tpu.memory_space<vmem>>, %arg12: memref<3136xi32, #tpu.memory_space<vmem>>, %arg13: memref<3136xi32, #tpu.memory_space<vmem>>, %arg14: memref<3136xi32, #tpu.memory_space<vmem>>, %arg15: memref<3328xi32, #tpu.memory_space<vmem>>, %arg16: memref<3328xi32, #tpu.memory_space<vmem>>, %arg17: memref<5x128xi32, #tpu.memory_space<vmem>>, %arg18: memref<5x128xi32, #tpu.memory_space<vmem>>, %arg19: memref<5x128x128xf32, #tpu.memory_space<vmem>>, %arg20: memref<!tpu.dma_semaphore, #tpu.memory_space<semaphore_mem>>, %arg21: memref<!tpu.dma_semaphore, #tpu.memory_space<semaphore_mem>>, %arg22: memref<!tpu.dma_semaphore, #tpu.memory_space<semaphore_mem>>, %arg23: memref<!tpu.dma_semaphore, #tpu.memory_space<semaphore_mem>>, %arg24: memref<!tpu.dma_semaphore, #tpu.memory_space<semaphore_mem>>, %arg25: memref<!tpu.dma_semaphore, #tpu.memory_space<semaphore_mem>>, %arg26: memref<!tpu.dma_semaphore, #tpu.memory_space<semaphore_mem>>, %arg27: memref<!tpu.dma_semaphore, #tpu.memory_space<semaphore_mem>>, %arg28: memref<!tpu.dma_semaphore, #tpu.memory_space<semaphore_mem>>, %arg29: memref<!tpu.dma_semaphore, #tpu.memory_space<semaphore_mem>>) attributes {dimension_semantics = [#tpu.dimension_semantics<core_parallel>, #tpu.dimension_semantics<subcore_parallel>], iteration_bounds = array<i64: 2, 16>, scalar_prefetch = 0 : i64, scratch_operands = 23 : i64, tpu.core_type = #tpu.core_type<sc_vector_subcore>, window_params = [{transform_indices = #map}, {transform_indices = #map1}, {transform_indices = #map1}, {transform_indices = #map1}, {transform_indices = #map1}]} {
    %mul3A = arith.constant 2 : i32
    %mul3A_0 = arith.muli %arg1, %mul3A : i32
    %add3A = arith.addi %mul3A_0, %arg0 : i32
    %mul3A_1 = arith.constant 3128 : i32
    %mul3A_2 = arith.muli %add3A, %mul3A_1 : i32
    %jit3A = arith.constant 8 : i32
    %div3A = arith.divsi %add3A, %jit3A : i32
    %sign3A = arith.constant 0 : i32
    %sign3A_3 = arith.cmpi sgt, %add3A, %sign3A : i32
    %sign3A_4 = arith.extui %sign3A_3 : i1 to i32
    %sign3A_5 = arith.constant 0 : i32
    %sign3A_6 = arith.cmpi slt, %add3A, %sign3A_5 : i32
    %sign3A_7 = arith.extui %sign3A_6 : i1 to i32
    %sign3A_8 = arith.subi %sign3A_4, %sign3A_7 : i32
    %sign3A_9 = arith.constant 0 : i32
    %sign3A_10 = arith.cmpi sgt, %jit3A, %sign3A_9 : i32
    %sign3A_11 = arith.extui %sign3A_10 : i1 to i32
    %sign3A_12 = arith.constant 0 : i32
    %sign3A_13 = arith.cmpi slt, %jit3A, %sign3A_12 : i32
    %sign3A_14 = arith.extui %sign3A_13 : i1 to i32
    %sign3A_15 = arith.subi %sign3A_11, %sign3A_14 : i32
    %ne3A = arith.cmpi ne, %sign3A_8, %sign3A_15 : i32
    %rem3A = arith.remsi %add3A, %jit3A : i32
    %ne3A_16 = arith.constant 0 : i32
    %ne3A_17 = arith.cmpi ne, %rem3A, %ne3A_16 : i32
    %and3A = arith.andi %ne3A, %ne3A_17 : i1
    %sub3A = arith.constant 1 : i32
    %sub3A_18 = arith.subi %div3A, %sub3A : i32
    %select_n3A = arith.select %and3A, %sub3A_18, %div3A : i32
    %jit3A_19 = arith.constant 8 : i32
    %eq3A = arith.constant 0 : i32
    %eq3A_20 = arith.cmpi eq, %jit3A_19, %eq3A : i32
    %jit3A_21 = arith.constant 1 : i32
    %select_n3A_22 = arith.select %eq3A_20, %jit3A_21, %jit3A_19 : i32
    %rem3A_23 = arith.remsi %add3A, %select_n3A_22 : i32
    %ne3A_24 = arith.constant 0 : i32
    %ne3A_25 = arith.cmpi ne, %rem3A_23, %ne3A_24 : i32
    %lt3A = arith.constant 0 : i32
    %lt3A_26 = arith.cmpi slt, %rem3A_23, %lt3A : i32
    %lt3A_27 = arith.constant 0 : i32
    %lt3A_28 = arith.cmpi slt, %select_n3A_22, %lt3A_27 : i32
    %ne3A_29 = arith.xori %lt3A_26, %lt3A_28 : i1
    %and3A_30 = arith.andi %ne3A_29, %ne3A_25 : i1
    %add3A_31 = arith.addi %rem3A_23, %select_n3A_22 : i32
    %select_n3A_32 = arith.select %and3A_30, %add3A_31, %rem3A_23 : i32
    %mul3A_33 = arith.constant 3128 : i32
    %mul3A_34 = arith.muli %select_n3A_32, %mul3A_33 : i32
    %add3A_35 = arith.constant 0 : i32
    %add3A_36 = arith.addi %add3A_35, %select_n3A : i32
    %mul3A_37 = arith.constant 25024 : i32
    %mul3A_38 = arith.muli %add3A_36, %mul3A_37 : i32
    %add3A_39 = arith.addi %mul3A_38, %mul3A_34 : i32
    %add3A_40 = arith.constant 4 : i32
    %add3A_41 = arith.addi %add3A_40, %select_n3A : i32
    %mul3A_42 = arith.constant 25024 : i32
    %mul3A_43 = arith.muli %add3A_41, %mul3A_42 : i32
    %add3A_44 = arith.addi %mul3A_43, %mul3A_34 : i32
    %add3A_45 = arith.constant 8 : i32
    %add3A_46 = arith.addi %add3A_45, %select_n3A : i32
    %mul3A_47 = arith.constant 25024 : i32
    %mul3A_48 = arith.muli %add3A_46, %mul3A_47 : i32
    %add3A_49 = arith.addi %mul3A_48, %mul3A_34 : i32
    %add3A_50 = arith.constant 12 : i32
    %add3A_51 = arith.addi %add3A_50, %select_n3A : i32
    %mul3A_52 = arith.constant 25024 : i32
    %mul3A_53 = arith.muli %add3A_51, %mul3A_52 : i32
    %add3A_54 = arith.addi %mul3A_53, %mul3A_34 : i32
    %add3A_55 = arith.constant 16 : i32
    %add3A_56 = arith.addi %add3A_55, %select_n3A : i32
    %mul3A_57 = arith.constant 25024 : i32
    %mul3A_58 = arith.muli %add3A_56, %mul3A_57 : i32
    %add3A_59 = arith.addi %mul3A_58, %mul3A_34 : i32
    %add3A_60 = arith.constant 20 : i32
    %add3A_61 = arith.addi %add3A_60, %select_n3A : i32
    %mul3A_62 = arith.constant 25024 : i32
    %mul3A_63 = arith.muli %add3A_61, %mul3A_62 : i32
    %add3A_64 = arith.addi %mul3A_63, %mul3A_34 : i32
    %add3A_65 = arith.constant 24 : i32
    %add3A_66 = arith.addi %add3A_65, %select_n3A : i32
    %mul3A_67 = arith.constant 25024 : i32
    %mul3A_68 = arith.muli %add3A_66, %mul3A_67 : i32
    %add3A_69 = arith.addi %mul3A_68, %mul3A_34 : i32
    %add3A_70 = arith.constant 28 : i32
    %add3A_71 = arith.addi %add3A_70, %select_n3A : i32
    %mul3A_72 = arith.constant 25024 : i32
    %mul3A_73 = arith.muli %add3A_71, %mul3A_72 : i32
    %add3A_74 = arith.addi %mul3A_73, %mul3A_34 : i32
    %dma_start3A = arith.constant 0 : i32
    %dma_start3A_75 = tpu.memref_slice %arg7[%dma_start3A] : memref<3136xi32, #tpu.memory_space<vmem>> -> memref<3128xi32, #tpu.memory_space<vmem>>
    %dma_start3A_76 = tpu.memref_slice %arg2[%add3A_39] : memref<800768xi32, #tpu.memory_space<hbm>> -> memref<3128xi32, #tpu.memory_space<hbm>>
    %dma_start3A_77 = arith.constant 0 : i32
    %dma_start3A_78 = tpu.memref_slice %arg7[%dma_start3A_77] : memref<3136xi32, #tpu.memory_space<vmem>> -> memref<3128xi32, #tpu.memory_space<vmem>>
    %dma_start3A_79 = tpu.memref_slice %arg2[%add3A_39] : memref<800768xi32, #tpu.memory_space<hbm>> -> memref<3128xi32, #tpu.memory_space<hbm>>
    tpu.enqueue_dma source(%dma_start3A_79 : memref<3128xi32, #tpu.memory_space<hbm>>) target(%dma_start3A_78 : memref<3128xi32, #tpu.memory_space<vmem>>) target_semaphore(%arg20 : memref<!tpu.dma_semaphore, #tpu.memory_space<semaphore_mem>>)
    %dma_start3A_80 = arith.constant 0 : i32
    %dma_start3A_81 = tpu.memref_slice %arg8[%dma_start3A_80] : memref<3136xi32, #tpu.memory_space<vmem>> -> memref<3128xi32, #tpu.memory_space<vmem>>
    %dma_start3A_82 = tpu.memref_slice %arg2[%add3A_44] : memref<800768xi32, #tpu.memory_space<hbm>> -> memref<3128xi32, #tpu.memory_space<hbm>>
    %dma_start3A_83 = arith.constant 0 : i32
    %dma_start3A_84 = tpu.memref_slice %arg8[%dma_start3A_83] : memref<3136xi32, #tpu.memory_space<vmem>> -> memref<3128xi32, #tpu.memory_space<vmem>>
    %dma_start3A_85 = tpu.memref_slice %arg2[%add3A_44] : memref<800768xi32, #tpu.memory_space<hbm>> -> memref<3128xi32, #tpu.memory_space<hbm>>
    tpu.enqueue_dma source(%dma_start3A_85 : memref<3128xi32, #tpu.memory_space<hbm>>) target(%dma_start3A_84 : memref<3128xi32, #tpu.memory_space<vmem>>) target_semaphore(%arg20 : memref<!tpu.dma_semaphore, #tpu.memory_space<semaphore_mem>>)
    %dma_start3A_86 = arith.constant 0 : i32
    %dma_start3A_87 = tpu.memref_slice %arg9[%dma_start3A_86] : memref<3136xi32, #tpu.memory_space<vmem>> -> memref<3128xi32, #tpu.memory_space<vmem>>
    %dma_start3A_88 = tpu.memref_slice %arg2[%add3A_49] : memref<800768xi32, #tpu.memory_space<hbm>> -> memref<3128xi32, #tpu.memory_space<hbm>>
    %dma_start3A_89 = arith.constant 0 : i32
    %dma_start3A_90 = tpu.memref_slice %arg9[%dma_start3A_89] : memref<3136xi32, #tpu.memory_space<vmem>> -> memref<3128xi32, #tpu.memory_space<vmem>>
    %dma_start3A_91 = tpu.memref_slice %arg2[%add3A_49] : memref<800768xi32, #tpu.memory_space<hbm>> -> memref<3128xi32, #tpu.memory_space<hbm>>
    tpu.enqueue_dma source(%dma_start3A_91 : memref<3128xi32, #tpu.memory_space<hbm>>) target(%dma_start3A_90 : memref<3128xi32, #tpu.memory_space<vmem>>) target_semaphore(%arg20 : memref<!tpu.dma_semaphore, #tpu.memory_space<semaphore_mem>>)
    %dma_start3A_92 = arith.constant 0 : i32
    %dma_start3A_93 = tpu.memref_slice %arg10[%dma_start3A_92] : memref<3136xi32, #tpu.memory_space<vmem>> -> memref<3128xi32, #tpu.memory_space<vmem>>
    %dma_start3A_94 = tpu.memref_slice %arg2[%add3A_54] : memref<800768xi32, #tpu.memory_space<hbm>> -> memref<3128xi32, #tpu.memory_space<hbm>>
    %dma_start3A_95 = arith.constant 0 : i32
    %dma_start3A_96 = tpu.memref_slice %arg10[%dma_start3A_95] : memref<3136xi32, #tpu.memory_space<vmem>> -> memref<3128xi32, #tpu.memory_space<vmem>>
    %dma_start3A_97 = tpu.memref_slice %arg2[%add3A_54] : memref<800768xi32, #tpu.memory_space<hbm>> -> memref<3128xi32, #tpu.memory_space<hbm>>
    tpu.enqueue_dma source(%dma_start3A_97 : memref<3128xi32, #tpu.memory_space<hbm>>) target(%dma_start3A_96 : memref<3128xi32, #tpu.memory_space<vmem>>) target_semaphore(%arg20 : memref<!tpu.dma_semaphore, #tpu.memory_space<semaphore_mem>>)
    %dma_start3A_98 = arith.constant 0 : i32
    %dma_start3A_99 = tpu.memref_slice %arg11[%dma_start3A_98] : memref<3136xi32, #tpu.memory_space<vmem>> -> memref<3128xi32, #tpu.memory_space<vmem>>
    %dma_start3A_100 = tpu.memref_slice %arg2[%add3A_59] : memref<800768xi32, #tpu.memory_space<hbm>> -> memref<3128xi32, #tpu.memory_space<hbm>>
    %dma_start3A_101 = arith.constant 0 : i32
    %dma_start3A_102 = tpu.memref_slice %arg11[%dma_start3A_101] : memref<3136xi32, #tpu.memory_space<vmem>> -> memref<3128xi32, #tpu.memory_space<vmem>>
    %dma_start3A_103 = tpu.memref_slice %arg2[%add3A_59] : memref<800768xi32, #tpu.memory_space<hbm>> -> memref<3128xi32, #tpu.memory_space<hbm>>
    tpu.enqueue_dma source(%dma_start3A_103 : memref<3128xi32, #tpu.memory_space<hbm>>) target(%dma_start3A_102 : memref<3128xi32, #tpu.memory_space<vmem>>) target_semaphore(%arg20 : memref<!tpu.dma_semaphore, #tpu.memory_space<semaphore_mem>>)
    %dma_start3A_104 = arith.constant 0 : i32
    %dma_start3A_105 = tpu.memref_slice %arg12[%dma_start3A_104] : memref<3136xi32, #tpu.memory_space<vmem>> -> memref<3128xi32, #tpu.memory_space<vmem>>
    %dma_start3A_106 = tpu.memref_slice %arg2[%add3A_64] : memref<800768xi32, #tpu.memory_space<hbm>> -> memref<3128xi32, #tpu.memory_space<hbm>>
    %dma_start3A_107 = arith.constant 0 : i32
    %dma_start3A_108 = tpu.memref_slice %arg12[%dma_start3A_107] : memref<3136xi32, #tpu.memory_space<vmem>> -> memref<3128xi32, #tpu.memory_space<vmem>>
    %dma_start3A_109 = tpu.memref_slice %arg2[%add3A_64] : memref<800768xi32, #tpu.memory_space<hbm>> -> memref<3128xi32, #tpu.memory_space<hbm>>
    tpu.enqueue_dma source(%dma_start3A_109 : memref<3128xi32, #tpu.memory_space<hbm>>) target(%dma_start3A_108 : memref<3128xi32, #tpu.memory_space<vmem>>) target_semaphore(%arg20 : memref<!tpu.dma_semaphore, #tpu.memory_space<semaphore_mem>>)
    %dma_start3A_110 = arith.constant 0 : i32
    %dma_start3A_111 = tpu.memref_slice %arg13[%dma_start3A_110] : memref<3136xi32, #tpu.memory_space<vmem>> -> memref<3128xi32, #tpu.memory_space<vmem>>
    %dma_start3A_112 = tpu.memref_slice %arg2[%add3A_69] : memref<800768xi32, #tpu.memory_space<hbm>> -> memref<3128xi32, #tpu.memory_space<hbm>>
    %dma_start3A_113 = arith.constant 0 : i32
    %dma_start3A_114 = tpu.memref_slice %arg13[%dma_start3A_113] : memref<3136xi32, #tpu.memory_space<vmem>> -> memref<3128xi32, #tpu.memory_space<vmem>>
    %dma_start3A_115 = tpu.memref_slice %arg2[%add3A_69] : memref<800768xi32, #tpu.memory_space<hbm>> -> memref<3128xi32, #tpu.memory_space<hbm>>
    tpu.enqueue_dma source(%dma_start3A_115 : memref<3128xi32, #tpu.memory_space<hbm>>) target(%dma_start3A_114 : memref<3128xi32, #tpu.memory_space<vmem>>) target_semaphore(%arg20 : memref<!tpu.dma_semaphore, #tpu.memory_space<semaphore_mem>>)
    %dma_start3A_116 = arith.constant 0 : i32
    %dma_start3A_117 = tpu.memref_slice %arg14[%dma_start3A_116] : memref<3136xi32, #tpu.memory_space<vmem>> -> memref<3128xi32, #tpu.memory_space<vmem>>
    %dma_start3A_118 = tpu.memref_slice %arg2[%add3A_74] : memref<800768xi32, #tpu.memory_space<hbm>> -> memref<3128xi32, #tpu.memory_space<hbm>>
    %dma_start3A_119 = arith.constant 0 : i32
    %dma_start3A_120 = tpu.memref_slice %arg14[%dma_start3A_119] : memref<3136xi32, #tpu.memory_space<vmem>> -> memref<3128xi32, #tpu.memory_space<vmem>>
    %dma_start3A_121 = tpu.memref_slice %arg2[%add3A_74] : memref<800768xi32, #tpu.memory_space<hbm>> -> memref<3128xi32, #tpu.memory_space<hbm>>
    tpu.enqueue_dma source(%dma_start3A_121 : memref<3128xi32, #tpu.memory_space<hbm>>) target(%dma_start3A_120 : memref<3128xi32, #tpu.memory_space<vmem>>) target_semaphore(%arg20 : memref<!tpu.dma_semaphore, #tpu.memory_space<semaphore_mem>>)
    %dma_wait3A = arith.constant 0 : i32
    %dma_wait3A_122 = tpu.memref_slice %arg7[%dma_wait3A] : memref<3136xi32, #tpu.memory_space<vmem>> -> memref<3128xi32, #tpu.memory_space<vmem>>
    %dma_wait3A_123 = tpu.memref_slice %arg2[%add3A_39] : memref<800768xi32, #tpu.memory_space<hbm>> -> memref<3128xi32, #tpu.memory_space<hbm>>
    %dma_wait3A_124 = arith.constant 0 : i32
    %dma_wait3A_125 = tpu.memref_slice %arg7[%dma_wait3A_124] : memref<3136xi32, #tpu.memory_space<vmem>> -> memref<3128xi32, #tpu.memory_space<vmem>>
    %dma_wait3A_126 = tpu.memref_slice %arg2[%add3A_39] : memref<800768xi32, #tpu.memory_space<hbm>> -> memref<3128xi32, #tpu.memory_space<hbm>>
    tpu.wait_dma2 semaphore(%arg20 : memref<!tpu.dma_semaphore, #tpu.memory_space<semaphore_mem>>) src(%dma_wait3A_126 : memref<3128xi32, #tpu.memory_space<hbm>>) dst(%dma_wait3A_125 : memref<3128xi32, #tpu.memory_space<vmem>>)
    %dma_wait3A_127 = arith.constant 0 : i32
    %dma_wait3A_128 = tpu.memref_slice %arg8[%dma_wait3A_127] : memref<3136xi32, #tpu.memory_space<vmem>> -> memref<3128xi32, #tpu.memory_space<vmem>>
    %dma_wait3A_129 = tpu.memref_slice %arg2[%add3A_44] : memref<800768xi32, #tpu.memory_space<hbm>> -> memref<3128xi32, #tpu.memory_space<hbm>>
    %dma_wait3A_130 = arith.constant 0 : i32
    %dma_wait3A_131 = tpu.memref_slice %arg8[%dma_wait3A_130] : memref<3136xi32, #tpu.memory_space<vmem>> -> memref<3128xi32, #tpu.memory_space<vmem>>
    %dma_wait3A_132 = tpu.memref_slice %arg2[%add3A_44] : memref<800768xi32, #tpu.memory_space<hbm>> -> memref<3128xi32, #tpu.memory_space<hbm>>
    tpu.wait_dma2 semaphore(%arg20 : memref<!tpu.dma_semaphore, #tpu.memory_space<semaphore_mem>>) src(%dma_wait3A_132 : memref<3128xi32, #tpu.memory_space<hbm>>) dst(%dma_wait3A_131 : memref<3128xi32, #tpu.memory_space<vmem>>)
    %dma_wait3A_133 = arith.constant 0 : i32
    %dma_wait3A_134 = tpu.memref_slice %arg9[%dma_wait3A_133] : memref<3136xi32, #tpu.memory_space<vmem>> -> memref<3128xi32, #tpu.memory_space<vmem>>
    %dma_wait3A_135 = tpu.memref_slice %arg2[%add3A_49] : memref<800768xi32, #tpu.memory_space<hbm>> -> memref<3128xi32, #tpu.memory_space<hbm>>
    %dma_wait3A_136 = arith.constant 0 : i32
    %dma_wait3A_137 = tpu.memref_slice %arg9[%dma_wait3A_136] : memref<3136xi32, #tpu.memory_space<vmem>> -> memref<3128xi32, #tpu.memory_space<vmem>>
    %dma_wait3A_138 = tpu.memref_slice %arg2[%add3A_49] : memref<800768xi32, #tpu.memory_space<hbm>> -> memref<3128xi32, #tpu.memory_space<hbm>>
    tpu.wait_dma2 semaphore(%arg20 : memref<!tpu.dma_semaphore, #tpu.memory_space<semaphore_mem>>) src(%dma_wait3A_138 : memref<3128xi32, #tpu.memory_space<hbm>>) dst(%dma_wait3A_137 : memref<3128xi32, #tpu.memory_space<vmem>>)
    %dma_wait3A_139 = arith.constant 0 : i32
    %dma_wait3A_140 = tpu.memref_slice %arg10[%dma_wait3A_139] : memref<3136xi32, #tpu.memory_space<vmem>> -> memref<3128xi32, #tpu.memory_space<vmem>>
    %dma_wait3A_141 = tpu.memref_slice %arg2[%add3A_54] : memref<800768xi32, #tpu.memory_space<hbm>> -> memref<3128xi32, #tpu.memory_space<hbm>>
    %dma_wait3A_142 = arith.constant 0 : i32
    %dma_wait3A_143 = tpu.memref_slice %arg10[%dma_wait3A_142] : memref<3136xi32, #tpu.memory_space<vmem>> -> memref<3128xi32, #tpu.memory_space<vmem>>
    %dma_wait3A_144 = tpu.memref_slice %arg2[%add3A_54] : memref<800768xi32, #tpu.memory_space<hbm>> -> memref<3128xi32, #tpu.memory_space<hbm>>
    tpu.wait_dma2 semaphore(%arg20 : memref<!tpu.dma_semaphore, #tpu.memory_space<semaphore_mem>>) src(%dma_wait3A_144 : memref<3128xi32, #tpu.memory_space<hbm>>) dst(%dma_wait3A_143 : memref<3128xi32, #tpu.memory_space<vmem>>)
    %dma_wait3A_145 = arith.constant 0 : i32
    %dma_wait3A_146 = tpu.memref_slice %arg11[%dma_wait3A_145] : memref<3136xi32, #tpu.memory_space<vmem>> -> memref<3128xi32, #tpu.memory_space<vmem>>
    %dma_wait3A_147 = tpu.memref_slice %arg2[%add3A_59] : memref<800768xi32, #tpu.memory_space<hbm>> -> memref<3128xi32, #tpu.memory_space<hbm>>
    %dma_wait3A_148 = arith.constant 0 : i32
    %dma_wait3A_149 = tpu.memref_slice %arg11[%dma_wait3A_148] : memref<3136xi32, #tpu.memory_space<vmem>> -> memref<3128xi32, #tpu.memory_space<vmem>>
    %dma_wait3A_150 = tpu.memref_slice %arg2[%add3A_59] : memref<800768xi32, #tpu.memory_space<hbm>> -> memref<3128xi32, #tpu.memory_space<hbm>>
    tpu.wait_dma2 semaphore(%arg20 : memref<!tpu.dma_semaphore, #tpu.memory_space<semaphore_mem>>) src(%dma_wait3A_150 : memref<3128xi32, #tpu.memory_space<hbm>>) dst(%dma_wait3A_149 : memref<3128xi32, #tpu.memory_space<vmem>>)
    %dma_wait3A_151 = arith.constant 0 : i32
    %dma_wait3A_152 = tpu.memref_slice %arg12[%dma_wait3A_151] : memref<3136xi32, #tpu.memory_space<vmem>> -> memref<3128xi32, #tpu.memory_space<vmem>>
    %dma_wait3A_153 = tpu.memref_slice %arg2[%add3A_64] : memref<800768xi32, #tpu.memory_space<hbm>> -> memref<3128xi32, #tpu.memory_space<hbm>>
    %dma_wait3A_154 = arith.constant 0 : i32
    %dma_wait3A_155 = tpu.memref_slice %arg12[%dma_wait3A_154] : memref<3136xi32, #tpu.memory_space<vmem>> -> memref<3128xi32, #tpu.memory_space<vmem>>
    %dma_wait3A_156 = tpu.memref_slice %arg2[%add3A_64] : memref<800768xi32, #tpu.memory_space<hbm>> -> memref<3128xi32, #tpu.memory_space<hbm>>
    tpu.wait_dma2 semaphore(%arg20 : memref<!tpu.dma_semaphore, #tpu.memory_space<semaphore_mem>>) src(%dma_wait3A_156 : memref<3128xi32, #tpu.memory_space<hbm>>) dst(%dma_wait3A_155 : memref<3128xi32, #tpu.memory_space<vmem>>)
    %dma_wait3A_157 = arith.constant 0 : i32
    %dma_wait3A_158 = tpu.memref_slice %arg13[%dma_wait3A_157] : memref<3136xi32, #tpu.memory_space<vmem>> -> memref<3128xi32, #tpu.memory_space<vmem>>
    %dma_wait3A_159 = tpu.memref_slice %arg2[%add3A_69] : memref<800768xi32, #tpu.memory_space<hbm>> -> memref<3128xi32, #tpu.memory_space<hbm>>
    %dma_wait3A_160 = arith.constant 0 : i32
    %dma_wait3A_161 = tpu.memref_slice %arg13[%dma_wait3A_160] : memref<3136xi32, #tpu.memory_space<vmem>> -> memref<3128xi32, #tpu.memory_space<vmem>>
    %dma_wait3A_162 = tpu.memref_slice %arg2[%add3A_69] : memref<800768xi32, #tpu.memory_space<hbm>> -> memref<3128xi32, #tpu.memory_space<hbm>>
    tpu.wait_dma2 semaphore(%arg20 : memref<!tpu.dma_semaphore, #tpu.memory_space<semaphore_mem>>) src(%dma_wait3A_162 : memref<3128xi32, #tpu.memory_space<hbm>>) dst(%dma_wait3A_161 : memref<3128xi32, #tpu.memory_space<vmem>>)
    %dma_wait3A_163 = arith.constant 0 : i32
    %dma_wait3A_164 = tpu.memref_slice %arg14[%dma_wait3A_163] : memref<3136xi32, #tpu.memory_space<vmem>> -> memref<3128xi32, #tpu.memory_space<vmem>>
    %dma_wait3A_165 = tpu.memref_slice %arg2[%add3A_74] : memref<800768xi32, #tpu.memory_space<hbm>> -> memref<3128xi32, #tpu.memory_space<hbm>>
    %dma_wait3A_166 = arith.constant 0 : i32
    %dma_wait3A_167 = tpu.memref_slice %arg14[%dma_wait3A_166] : memref<3136xi32, #tpu.memory_space<vmem>> -> memref<3128xi32, #tpu.memory_space<vmem>>
    %dma_wait3A_168 = tpu.memref_slice %arg2[%add3A_74] : memref<800768xi32, #tpu.memory_space<hbm>> -> memref<3128xi32, #tpu.memory_space<hbm>>
    tpu.wait_dma2 semaphore(%arg20 : memref<!tpu.dma_semaphore, #tpu.memory_space<semaphore_mem>>) src(%dma_wait3A_168 : memref<3128xi32, #tpu.memory_space<hbm>>) dst(%dma_wait3A_167 : memref<3128xi32, #tpu.memory_space<vmem>>)
    %iota3A = tpu.iota {dimensions = array<i32: 0>} : vector<16xi32>
    %scan3A = arith.constant 0 : i32
    %scan3A_169 = arith.constant 0 : i32
    %scan3A_170 = arith.constant 196 : i32
    %scan3A_171 = arith.addi %scan3A_169, %scan3A_170 : i32
    %scan3A_172 = arith.constant 1 : i32
    %scan3A_173 = scf.for %scan3A_296 = %scan3A_169 to %scan3A_171 step %scan3A_172 iter_args(%scan3A_297 = %scan3A) -> (i32)  : i32 {
      %mul3A_298 = arith.constant 16 : i32
      %mul3A_299 = arith.muli %scan3A_296, %mul3A_298 : i32
      %get3A = arith.index_cast %mul3A_299 : i32 to index
      %get3A_300 = tpu.vector_load %arg7[%get3A] {strides = array<i32>} : memref<3136xi32, #tpu.memory_space<vmem>>, vector<16xi32>,
      %mul3A_301 = arith.constant 16 : i32
      %mul3A_302 = arith.muli %scan3A_296, %mul3A_301 : i32
      %get3A_303 = arith.index_cast %mul3A_302 : i32 to index
      %get3A_304 = tpu.vector_load %arg8[%get3A_303] {strides = array<i32>} : memref<3136xi32, #tpu.memory_space<vmem>>, vector<16xi32>,
      %ge3A = arith.constant 0 : i32
      %ge3A_305 = vector.broadcast %ge3A : i32 to vector<16xi32>
      %ge3A_306 = arith.cmpi sge, %get3A_304, %ge3A_305 : vector<16xi32>
      %select_n3A_307 = arith.select %ge3A_306, %get3A_304, %get3A_300 : vector<16xi1>, vector<16xi32>
      %mul3A_308 = arith.constant 16 : i32
      %mul3A_309 = arith.muli %scan3A_296, %mul3A_308 : i32
      %get3A_310 = arith.index_cast %mul3A_309 : i32 to index
      %get3A_311 = tpu.vector_load %arg9[%get3A_310] {strides = array<i32>} : memref<3136xi32, #tpu.memory_space<vmem>>, vector<16xi32>,
      %ge3A_312 = arith.constant 0 : i32
      %ge3A_313 = vector.broadcast %ge3A_312 : i32 to vector<16xi32>
      %ge3A_314 = arith.cmpi sge, %get3A_311, %ge3A_313 : vector<16xi32>
      %select_n3A_315 = arith.select %ge3A_314, %get3A_311, %select_n3A_307 : vector<16xi1>, vector<16xi32>
      %mul3A_316 = arith.constant 16 : i32
      %mul3A_317 = arith.muli %scan3A_296, %mul3A_316 : i32
      %get3A_318 = arith.index_cast %mul3A_317 : i32 to index
      %get3A_319 = tpu.vector_load %arg10[%get3A_318] {strides = array<i32>} : memref<3136xi32, #tpu.memory_space<vmem>>, vector<16xi32>,
      %ge3A_320 = arith.constant 0 : i32
      %ge3A_321 = vector.broadcast %ge3A_320 : i32 to vector<16xi32>
      %ge3A_322 = arith.cmpi sge, %get3A_319, %ge3A_321 : vector<16xi32>
      %select_n3A_323 = arith.select %ge3A_322, %get3A_319, %select_n3A_315 : vector<16xi1>, vector<16xi32>
      %mul3A_324 = arith.constant 16 : i32
      %mul3A_325 = arith.muli %scan3A_296, %mul3A_324 : i32
      %get3A_326 = arith.index_cast %mul3A_325 : i32 to index
      %get3A_327 = tpu.vector_load %arg11[%get3A_326] {strides = array<i32>} : memref<3136xi32, #tpu.memory_space<vmem>>, vector<16xi32>,
      %ge3A_328 = arith.constant 0 : i32
      %ge3A_329 = vector.broadcast %ge3A_328 : i32 to vector<16xi32>
      %ge3A_330 = arith.cmpi sge, %get3A_327, %ge3A_329 : vector<16xi32>
      %select_n3A_331 = arith.select %ge3A_330, %get3A_327, %select_n3A_323 : vector<16xi1>, vector<16xi32>
      %mul3A_332 = arith.constant 16 : i32
      %mul3A_333 = arith.muli %scan3A_296, %mul3A_332 : i32
      %get3A_334 = arith.index_cast %mul3A_333 : i32 to index
      %get3A_335 = tpu.vector_load %arg12[%get3A_334] {strides = array<i32>} : memref<3136xi32, #tpu.memory_space<vmem>>, vector<16xi32>,
      %ge3A_336 = arith.constant 0 : i32
      %ge3A_337 = vector.broadcast %ge3A_336 : i32 to vector<16xi32>
      %ge3A_338 = arith.cmpi sge, %get3A_335, %ge3A_337 : vector<16xi32>
      %select_n3A_339 = arith.select %ge3A_338, %get3A_335, %select_n3A_331 : vector<16xi1>, vector<16xi32>
      %mul3A_340 = arith.constant 16 : i32
      %mul3A_341 = arith.muli %scan3A_296, %mul3A_340 : i32
      %get3A_342 = arith.index_cast %mul3A_341 : i32 to index
      %get3A_343 = tpu.vector_load %arg13[%get3A_342] {strides = array<i32>} : memref<3136xi32, #tpu.memory_space<vmem>>, vector<16xi32>,
      %ge3A_344 = arith.constant 0 : i32
      %ge3A_345 = vector.broadcast %ge3A_344 : i32 to vector<16xi32>
      %ge3A_346 = arith.cmpi sge, %get3A_343, %ge3A_345 : vector<16xi32>
      %select_n3A_347 = arith.select %ge3A_346, %get3A_343, %select_n3A_339 : vector<16xi1>, vector<16xi32>
      %mul3A_348 = arith.constant 16 : i32
      %mul3A_349 = arith.muli %scan3A_296, %mul3A_348 : i32
      %get3A_350 = arith.index_cast %mul3A_349 : i32 to index
      %get3A_351 = tpu.vector_load %arg14[%get3A_350] {strides = array<i32>} : memref<3136xi32, #tpu.memory_space<vmem>>, vector<16xi32>,
      %ge3A_352 = arith.constant 0 : i32
      %ge3A_353 = vector.broadcast %ge3A_352 : i32 to vector<16xi32>
      %ge3A_354 = arith.cmpi sge, %get3A_351, %ge3A_353 : vector<16xi32>
      %select_n3A_355 = arith.select %ge3A_354, %get3A_351, %select_n3A_347 : vector<16xi1>, vector<16xi32>
      %ge3A_356 = arith.constant 0 : i32
      %ge3A_357 = vector.broadcast %ge3A_356 : i32 to vector<16xi32>
      %ge3A_358 = arith.cmpi sge, %select_n3A_355, %ge3A_357 : vector<16xi32>
      %mul3A_359 = arith.constant 16 : i32
      %mul3A_360 = arith.muli %scan3A_296, %mul3A_359 : i32
      %add3A_361 = vector.broadcast %mul3A_360 : i32 to vector<16xi32>
      %add3A_362 = arith.addi %iota3A, %add3A_361 : vector<16xi32>
      %lt3A_363 = arith.constant 3128 : i32
      %lt3A_364 = vector.broadcast %lt3A_363 : i32 to vector<16xi32>
      %lt3A_365 = arith.cmpi slt, %add3A_362, %lt3A_364 : vector<16xi32>
      %and3A_366 = arith.andi %ge3A_358, %lt3A_365 : vector<16xi1>
      %mul3A_367 = arith.constant 16 : i32
      %mul3A_368 = arith.muli %scan3A_296, %mul3A_367 : i32
      %add3A_369 = vector.broadcast %mul3A_368 : i32 to vector<16xi32>
      %add3A_370 = arith.addi %iota3A, %add3A_369 : vector<16xi32>
      %add3A_371 = vector.broadcast %mul3A_2 : i32 to vector<16xi32>
      %add3A_372 = arith.addi %add3A_370, %add3A_371 : vector<16xi32>
      %swap3A = arith.index_cast %scan3A_297 : i32 to index
      %swap3A_373 = tpu.vector_load %arg15[%swap3A] masked %and3A_366 {strides = array<i32>} : memref<3328xi32, #tpu.memory_space<vmem>>, vector<16xi32>, vector<16xi1>
      tpu.vector_store %arg15[%swap3A], %add3A_372 masked %and3A_366 {strides = array<i32>} : memref<3328xi32, #tpu.memory_space<vmem>>, vector<16xi32>, vector<16xi1>
      %swap3A_374 = arith.index_cast %scan3A_297 : i32 to index
      %swap3A_375 = tpu.vector_load %arg16[%swap3A_374] masked %and3A_366 {strides = array<i32>} : memref<3328xi32, #tpu.memory_space<vmem>>, vector<16xi32>, vector<16xi1>
      tpu.vector_store %arg16[%swap3A_374], %select_n3A_355 masked %and3A_366 {strides = array<i32>} : memref<3328xi32, #tpu.memory_space<vmem>>, vector<16xi32>, vector<16xi1>
      %all_reduce_population_count3A = tpu.all_reduce %and3A_366 {dim = 0 : i64, kind = #tpu.reduction_kind<sum>} : vector<16xi1> -> vector<16xi32>
      %slice3A = vector.extract_strided_slice %all_reduce_population_count3A {offsets = [0], sizes = [1], strides = [1]} : vector<16xi32> to vector<1xi32>
      %squeeze3A = vector.extract %slice3A[0] : i32 from vector<1xi32>
      %add3A_376 = arith.addi %scan3A_297, %squeeze3A : i32
      scf.yield %add3A_376 : i32
    }
    %scan3A_174 = arith.constant 196 : i32
    %gt3A = arith.constant 0 : i32
    %gt3A_175 = arith.cmpi sgt, %scan3A_173, %gt3A : i32
    %convert_element_type3A = arith.extui %gt3A_175 : i1 to i32
    %cond3A = arith.constant 0 : i32
    %cond3A_176 = arith.cmpi ne, %convert_element_type3A, %cond3A : i32
    scf.if %cond3A_176 {
      %get3A = arith.constant 0 : index
      %get3A_296 = tpu.vector_load %arg15[%get3A] {strides = array<i32>} : memref<3328xi32, #tpu.memory_space<vmem>>, vector<16xi32>,
      %slice3A = vector.extract_strided_slice %get3A_296 {offsets = [0], sizes = [1], strides = [1]} : vector<16xi32> to vector<1xi32>
      %squeeze3A = vector.extract %slice3A[0] : i32 from vector<1xi32>
      %broadcast_in_dim3A = vector.broadcast %squeeze3A : i32 to vector<16xi32>
      %get3A_297 = arith.constant 0 : index
      %get3A_298 = tpu.vector_load %arg16[%get3A_297] {strides = array<i32>} : memref<3328xi32, #tpu.memory_space<vmem>>, vector<16xi32>,
      %slice3A_299 = vector.extract_strided_slice %get3A_298 {offsets = [0], sizes = [1], strides = [1]} : vector<16xi32> to vector<1xi32>
      %squeeze3A_300 = vector.extract %slice3A_299[0] : i32 from vector<1xi32>
      %broadcast_in_dim3A_301 = vector.broadcast %squeeze3A_300 : i32 to vector<16xi32>
      %add3A_302 = arith.constant 0 : i32
      %add3A_303 = arith.addi %scan3A_173, %add3A_302 : i32
      %swap3A = arith.index_cast %add3A_303 : i32 to index
      %swap3A_304 = tpu.vector_load %arg15[%swap3A] {strides = array<i32>} : memref<3328xi32, #tpu.memory_space<vmem>>, vector<16xi32>,
      tpu.vector_store %arg15[%swap3A], %broadcast_in_dim3A {strides = array<i32>} : memref<3328xi32, #tpu.memory_space<vmem>>, vector<16xi32>,
      %add3A_305 = arith.constant 0 : i32
      %add3A_306 = arith.addi %scan3A_173, %add3A_305 : i32
      %swap3A_307 = arith.index_cast %add3A_306 : i32 to index
      %swap3A_308 = tpu.vector_load %arg16[%swap3A_307] {strides = array<i32>} : memref<3328xi32, #tpu.memory_space<vmem>>, vector<16xi32>,
      tpu.vector_store %arg16[%swap3A_307], %broadcast_in_dim3A_301 {strides = array<i32>} : memref<3328xi32, #tpu.memory_space<vmem>>, vector<16xi32>,
      %add3A_309 = arith.constant 16 : i32
      %add3A_310 = arith.addi %scan3A_173, %add3A_309 : i32
      %swap3A_311 = arith.index_cast %add3A_310 : i32 to index
      %swap3A_312 = tpu.vector_load %arg15[%swap3A_311] {strides = array<i32>} : memref<3328xi32, #tpu.memory_space<vmem>>, vector<16xi32>,
      tpu.vector_store %arg15[%swap3A_311], %broadcast_in_dim3A {strides = array<i32>} : memref<3328xi32, #tpu.memory_space<vmem>>, vector<16xi32>,
      %add3A_313 = arith.constant 16 : i32
      %add3A_314 = arith.addi %scan3A_173, %add3A_313 : i32
      %swap3A_315 = arith.index_cast %add3A_314 : i32 to index
      %swap3A_316 = tpu.vector_load %arg16[%swap3A_315] {strides = array<i32>} : memref<3328xi32, #tpu.memory_space<vmem>>, vector<16xi32>,
      tpu.vector_store %arg16[%swap3A_315], %broadcast_in_dim3A_301 {strides = array<i32>} : memref<3328xi32, #tpu.memory_space<vmem>>, vector<16xi32>,
      %add3A_317 = arith.constant 32 : i32
      %add3A_318 = arith.addi %scan3A_173, %add3A_317 : i32
      %swap3A_319 = arith.index_cast %add3A_318 : i32 to index
      %swap3A_320 = tpu.vector_load %arg15[%swap3A_319] {strides = array<i32>} : memref<3328xi32, #tpu.memory_space<vmem>>, vector<16xi32>,
      tpu.vector_store %arg15[%swap3A_319], %broadcast_in_dim3A {strides = array<i32>} : memref<3328xi32, #tpu.memory_space<vmem>>, vector<16xi32>,
      %add3A_321 = arith.constant 32 : i32
      %add3A_322 = arith.addi %scan3A_173, %add3A_321 : i32
      %swap3A_323 = arith.index_cast %add3A_322 : i32 to index
      %swap3A_324 = tpu.vector_load %arg16[%swap3A_323] {strides = array<i32>} : memref<3328xi32, #tpu.memory_space<vmem>>, vector<16xi32>,
      tpu.vector_store %arg16[%swap3A_323], %broadcast_in_dim3A_301 {strides = array<i32>} : memref<3328xi32, #tpu.memory_space<vmem>>, vector<16xi32>,
      %add3A_325 = arith.constant 48 : i32
      %add3A_326 = arith.addi %scan3A_173, %add3A_325 : i32
      %swap3A_327 = arith.index_cast %add3A_326 : i32 to index
      %swap3A_328 = tpu.vector_load %arg15[%swap3A_327] {strides = array<i32>} : memref<3328xi32, #tpu.memory_space<vmem>>, vector<16xi32>,
      tpu.vector_store %arg15[%swap3A_327], %broadcast_in_dim3A {strides = array<i32>} : memref<3328xi32, #tpu.memory_space<vmem>>, vector<16xi32>,
      %add3A_329 = arith.constant 48 : i32
      %add3A_330 = arith.addi %scan3A_173, %add3A_329 : i32
      %swap3A_331 = arith.index_cast %add3A_330 : i32 to index
      %swap3A_332 = tpu.vector_load %arg16[%swap3A_331] {strides = array<i32>} : memref<3328xi32, #tpu.memory_space<vmem>>, vector<16xi32>,
      tpu.vector_store %arg16[%swap3A_331], %broadcast_in_dim3A_301 {strides = array<i32>} : memref<3328xi32, #tpu.memory_space<vmem>>, vector<16xi32>,
      %add3A_333 = arith.constant 64 : i32
      %add3A_334 = arith.addi %scan3A_173, %add3A_333 : i32
      %swap3A_335 = arith.index_cast %add3A_334 : i32 to index
      %swap3A_336 = tpu.vector_load %arg15[%swap3A_335] {strides = array<i32>} : memref<3328xi32, #tpu.memory_space<vmem>>, vector<16xi32>,
      tpu.vector_store %arg15[%swap3A_335], %broadcast_in_dim3A {strides = array<i32>} : memref<3328xi32, #tpu.memory_space<vmem>>, vector<16xi32>,
      %add3A_337 = arith.constant 64 : i32
      %add3A_338 = arith.addi %scan3A_173, %add3A_337 : i32
      %swap3A_339 = arith.index_cast %add3A_338 : i32 to index
      %swap3A_340 = tpu.vector_load %arg16[%swap3A_339] {strides = array<i32>} : memref<3328xi32, #tpu.memory_space<vmem>>, vector<16xi32>,
      tpu.vector_store %arg16[%swap3A_339], %broadcast_in_dim3A_301 {strides = array<i32>} : memref<3328xi32, #tpu.memory_space<vmem>>, vector<16xi32>,
      %add3A_341 = arith.constant 80 : i32
      %add3A_342 = arith.addi %scan3A_173, %add3A_341 : i32
      %swap3A_343 = arith.index_cast %add3A_342 : i32 to index
      %swap3A_344 = tpu.vector_load %arg15[%swap3A_343] {strides = array<i32>} : memref<3328xi32, #tpu.memory_space<vmem>>, vector<16xi32>,
      tpu.vector_store %arg15[%swap3A_343], %broadcast_in_dim3A {strides = array<i32>} : memref<3328xi32, #tpu.memory_space<vmem>>, vector<16xi32>,
      %add3A_345 = arith.constant 80 : i32
      %add3A_346 = arith.addi %scan3A_173, %add3A_345 : i32
      %swap3A_347 = arith.index_cast %add3A_346 : i32 to index
      %swap3A_348 = tpu.vector_load %arg16[%swap3A_347] {strides = array<i32>} : memref<3328xi32, #tpu.memory_space<vmem>>, vector<16xi32>,
      tpu.vector_store %arg16[%swap3A_347], %broadcast_in_dim3A_301 {strides = array<i32>} : memref<3328xi32, #tpu.memory_space<vmem>>, vector<16xi32>,
      %add3A_349 = arith.constant 96 : i32
      %add3A_350 = arith.addi %scan3A_173, %add3A_349 : i32
      %swap3A_351 = arith.index_cast %add3A_350 : i32 to index
      %swap3A_352 = tpu.vector_load %arg15[%swap3A_351] {strides = array<i32>} : memref<3328xi32, #tpu.memory_space<vmem>>, vector<16xi32>,
      tpu.vector_store %arg15[%swap3A_351], %broadcast_in_dim3A {strides = array<i32>} : memref<3328xi32, #tpu.memory_space<vmem>>, vector<16xi32>,
      %add3A_353 = arith.constant 96 : i32
      %add3A_354 = arith.addi %scan3A_173, %add3A_353 : i32
      %swap3A_355 = arith.index_cast %add3A_354 : i32 to index
      %swap3A_356 = tpu.vector_load %arg16[%swap3A_355] {strides = array<i32>} : memref<3328xi32, #tpu.memory_space<vmem>>, vector<16xi32>,
      tpu.vector_store %arg16[%swap3A_355], %broadcast_in_dim3A_301 {strides = array<i32>} : memref<3328xi32, #tpu.memory_space<vmem>>, vector<16xi32>,
      %add3A_357 = arith.constant 112 : i32
      %add3A_358 = arith.addi %scan3A_173, %add3A_357 : i32
      %swap3A_359 = arith.index_cast %add3A_358 : i32 to index
      %swap3A_360 = tpu.vector_load %arg15[%swap3A_359] {strides = array<i32>} : memref<3328xi32, #tpu.memory_space<vmem>>, vector<16xi32>,
      tpu.vector_store %arg15[%swap3A_359], %broadcast_in_dim3A {strides = array<i32>} : memref<3328xi32, #tpu.memory_space<vmem>>, vector<16xi32>,
      %add3A_361 = arith.constant 112 : i32
      %add3A_362 = arith.addi %scan3A_173, %add3A_361 : i32
      %swap3A_363 = arith.index_cast %add3A_362 : i32 to index
      %swap3A_364 = tpu.vector_load %arg16[%swap3A_363] {strides = array<i32>} : memref<3328xi32, #tpu.memory_space<vmem>>, vector<16xi32>,
      tpu.vector_store %arg16[%swap3A_363], %broadcast_in_dim3A_301 {strides = array<i32>} : memref<3328xi32, #tpu.memory_space<vmem>>, vector<16xi32>,
    } else {
    }
    %add3A_177 = arith.constant 128 : i32
    %add3A_178 = arith.addi %scan3A_173, %add3A_177 : i32
    %sub3A_179 = arith.constant 1 : i32
    %sub3A_180 = arith.subi %add3A_178, %sub3A_179 : i32
    %jit3A_181 = arith.constant 128 : i32
    %div3A_182 = arith.divsi %sub3A_180, %jit3A_181 : i32
    %sign3A_183 = arith.constant 0 : i32
    %sign3A_184 = arith.cmpi sgt, %sub3A_180, %sign3A_183 : i32
    %sign3A_185 = arith.extui %sign3A_184 : i1 to i32
    %sign3A_186 = arith.constant 0 : i32
    %sign3A_187 = arith.cmpi slt, %sub3A_180, %sign3A_186 : i32
    %sign3A_188 = arith.extui %sign3A_187 : i1 to i32
    %sign3A_189 = arith.subi %sign3A_185, %sign3A_188 : i32
    %sign3A_190 = arith.constant 0 : i32
    %sign3A_191 = arith.cmpi sgt, %jit3A_181, %sign3A_190 : i32
    %sign3A_192 = arith.extui %sign3A_191 : i1 to i32
    %sign3A_193 = arith.constant 0 : i32
    %sign3A_194 = arith.cmpi slt, %jit3A_181, %sign3A_193 : i32
    %sign3A_195 = arith.extui %sign3A_194 : i1 to i32
    %sign3A_196 = arith.subi %sign3A_192, %sign3A_195 : i32
    %ne3A_197 = arith.cmpi ne, %sign3A_189, %sign3A_196 : i32
    %rem3A_198 = arith.remsi %sub3A_180, %jit3A_181 : i32
    %ne3A_199 = arith.constant 0 : i32
    %ne3A_200 = arith.cmpi ne, %rem3A_198, %ne3A_199 : i32
    %and3A_201 = arith.andi %ne3A_197, %ne3A_200 : i1
    %sub3A_202 = arith.constant 1 : i32
    %sub3A_203 = arith.subi %div3A_182, %sub3A_202 : i32
    %select_n3A_204 = arith.select %and3A_201, %sub3A_203, %div3A_182 : i32
    %mul3A_205 = arith.constant 2 : i32
    %mul3A_206 = arith.muli %mul3A_205, %select_n3A_204 : i32
    %gt3A_207 = arith.constant 0 : i32
    %gt3A_208 = arith.cmpi sgt, %mul3A_206, %gt3A_207 : i32
    %convert_element_type3A_209 = arith.extui %gt3A_208 : i1 to i32
    %cond3A_210 = arith.constant 0 : i32
    %cond3A_211 = arith.cmpi ne, %convert_element_type3A_209, %cond3A_210 : i32
    scf.if %cond3A_211 {
      %ge3A = arith.constant 0 : i32
      %ge3A_296 = arith.cmpi sge, %ge3A, %select_n3A_204 : i32
      %sub3A_297 = arith.constant 0 : i32
      %sub3A_298 = arith.subi %sub3A_297, %select_n3A_204 : i32
      %jit3A_299 = arith.constant 0 : i32
      %select_n3A_300 = arith.select %ge3A_296, %sub3A_298, %jit3A_299 : i32
      %jit3A_301 = arith.constant 100000 : i32
      %jit3A_302 = arith.constant 0 : i32
      %select_n3A_303 = arith.select %ge3A_296, %jit3A_301, %jit3A_302 : i32
      %scan3A_304 = arith.constant 0 : i32
      %scan3A_305 = arith.constant 0 : i32
      %scan3A_306 = arith.constant 8 : i32
      %scan3A_307 = arith.addi %scan3A_305, %scan3A_306 : i32
      %scan3A_308 = arith.constant 1 : i32
      %scan3A_309 = scf.for %scan3A_318 = %scan3A_305 to %scan3A_307 step %scan3A_308 iter_args(%scan3A_319 = %scan3A_304) -> (i32)  : i32 {
        %mul3A_320 = arith.constant 128 : i32
        %mul3A_321 = arith.muli %select_n3A_300, %mul3A_320 : i32
        %mul3A_322 = arith.constant 16 : i32
        %mul3A_323 = arith.muli %scan3A_318, %mul3A_322 : i32
        %add3A_324 = arith.addi %mul3A_321, %mul3A_323 : i32
        %get3A = arith.index_cast %add3A_324 : i32 to index
        %get3A_325 = tpu.vector_load %arg15[%get3A] {strides = array<i32>} : memref<3328xi32, #tpu.memory_space<vmem>>, vector<16xi32>,
        %add3A_326 = vector.broadcast %select_n3A_303 : i32 to vector<16xi32>
        %add3A_327 = arith.addi %get3A_325, %add3A_326 : vector<16xi32>
        %mul3A_328 = arith.constant 16 : i32
        %mul3A_329 = arith.muli %scan3A_318, %mul3A_328 : i32
        %swap3A = arith.constant 0 : i32
        %swap3A_330 = arith.constant 0 : i32
        %swap3A_331 = tpu.memref_slice %arg17[%swap3A, %swap3A_330] : memref<5x128xi32, #tpu.memory_space<vmem>> -> memref<1x128xi32, #tpu.memory_space<vmem>>
        %swap3A_332 = tpu.memref_squeeze %swap3A_331 : memref<1x128xi32, #tpu.memory_space<vmem>> -> memref<128xi32, #tpu.memory_space<vmem>>
        %swap3A_333 = arith.index_cast %mul3A_329 : i32 to index
        %swap3A_334 = tpu.vector_load %swap3A_332[%swap3A_333] {strides = array<i32>} : memref<128xi32, #tpu.memory_space<vmem>>, vector<16xi32>,
        tpu.vector_store %swap3A_332[%swap3A_333], %add3A_327 {strides = array<i32>} : memref<128xi32, #tpu.memory_space<vmem>>, vector<16xi32>,
        %mul3A_335 = arith.constant 128 : i32
        %mul3A_336 = arith.muli %select_n3A_300, %mul3A_335 : i32
        %mul3A_337 = arith.constant 16 : i32
        %mul3A_338 = arith.muli %scan3A_318, %mul3A_337 : i32
        %add3A_339 = arith.addi %mul3A_336, %mul3A_338 : i32
        %get3A_340 = arith.index_cast %add3A_339 : i32 to index
        %get3A_341 = tpu.vector_load %arg16[%get3A_340] {strides = array<i32>} : memref<3328xi32, #tpu.memory_space<vmem>>, vector<16xi32>,
        %mul3A_342 = arith.constant 16 : i32
        %mul3A_343 = arith.muli %scan3A_318, %mul3A_342 : i32
        %swap3A_344 = arith.constant 0 : i32
        %swap3A_345 = arith.constant 0 : i32
        %swap3A_346 = tpu.memref_slice %arg18[%swap3A_344, %swap3A_345] : memref<5x128xi32, #tpu.memory_space<vmem>> -> memref<1x128xi32, #tpu.memory_space<vmem>>
        %swap3A_347 = tpu.memref_squeeze %swap3A_346 : memref<1x128xi32, #tpu.memory_space<vmem>> -> memref<128xi32, #tpu.memory_space<vmem>>
        %swap3A_348 = arith.index_cast %mul3A_343 : i32 to index
        %swap3A_349 = tpu.vector_load %swap3A_347[%swap3A_348] {strides = array<i32>} : memref<128xi32, #tpu.memory_space<vmem>>, vector<16xi32>,
        tpu.vector_store %swap3A_347[%swap3A_348], %get3A_341 {strides = array<i32>} : memref<128xi32, #tpu.memory_space<vmem>>, vector<16xi32>,
        %scan3A_350 = arith.constant 0 : i32
        scf.yield %scan3A_350 : i32
      }
      %scan3A_310 = arith.constant 8 : i32
      %not3A = arith.constant true
      %not3A_311 = arith.xori %ge3A_296, %not3A : i1
      %convert_element_type3A_312 = arith.extui %not3A_311 : i1 to i32
      %cond3A_313 = arith.constant 0 : i32
      %cond3A_314 = arith.cmpi ne, %convert_element_type3A_312, %cond3A_313 : i32
      scf.if %cond3A_314 {
        %dma_start3A_318 = arith.constant 0 : i32
        %dma_start3A_319 = arith.constant 0 : i32
        %dma_start3A_320 = arith.constant 0 : i32
        %dma_start3A_321 = arith.constant 0 : i32
        %dma_start3A_322 = tpu.memref_slice %arg19[%dma_start3A_319, %dma_start3A_320, %dma_start3A_321] : memref<5x128x128xf32, #tpu.memory_space<vmem>> -> memref<1x128x128xf32, #tpu.memory_space<vmem>>
        %dma_start3A_323 = tpu.memref_squeeze %dma_start3A_322 : memref<1x128x128xf32, #tpu.memory_space<vmem>> -> memref<128x128xf32, #tpu.memory_space<vmem>>
        %dma_start3A_324 = arith.constant 0 : i32
        %dma_start3A_325 = tpu.memref_slice %arg18[%dma_start3A_318, %dma_start3A_324] : memref<5x128xi32, #tpu.memory_space<vmem>> -> memref<1x128xi32, #tpu.memory_space<vmem>>
        %dma_start3A_326 = tpu.memref_squeeze %dma_start3A_325 : memref<1x128xi32, #tpu.memory_space<vmem>> -> memref<128xi32, #tpu.memory_space<vmem>>
        %dma_start3A_327 = arith.constant 0 : i32
        %dma_start3A_328 = arith.constant 0 : i32
        %dma_start3A_329 = tpu.memref_slice %arg3[%dma_start3A_327, %dma_start3A_328] : memref<16384x128xf32, #tpu.memory_space<hbm>> -> memref<16384x128xf32, #tpu.memory_space<hbm>>
        tpu.enqueue_indirect_dma source(%dma_start3A_329 : memref<16384x128xf32, #tpu.memory_space<hbm>>) target(%dma_start3A_323 : memref<128x128xf32, #tpu.memory_space<vmem>>) offsets(%dma_start3A_326 : memref<128xi32, #tpu.memory_space<vmem>>) semaphore(%arg20 : memref<!tpu.dma_semaphore, #tpu.memory_space<semaphore_mem>>)
      } else {
      }
      %convert_element_type3A_315 = arith.extui %ge3A_296 : i1 to i32
      %cond3A_316 = arith.constant 0 : i32
      %cond3A_317 = arith.cmpi ne, %convert_element_type3A_315, %cond3A_316 : i32
      scf.if %cond3A_317 {
        %dma_start3A_318 = arith.constant 0 : i32
        %dma_start3A_319 = arith.constant 0 : i32
        %dma_start3A_320 = arith.constant 0 : i32
        %dma_start3A_321 = arith.constant 0 : i32
        %dma_start3A_322 = tpu.memref_slice %arg19[%dma_start3A_319, %dma_start3A_320, %dma_start3A_321] : memref<5x128x128xf32, #tpu.memory_space<vmem>> -> memref<1x128x128xf32, #tpu.memory_space<vmem>>
        %dma_start3A_323 = tpu.memref_squeeze %dma_start3A_322 : memref<1x128x128xf32, #tpu.memory_space<vmem>> -> memref<128x128xf32, #tpu.memory_space<vmem>>
        %dma_start3A_324 = arith.constant 0 : i32
        %dma_start3A_325 = tpu.memref_slice %arg18[%dma_start3A_318, %dma_start3A_324] : memref<5x128xi32, #tpu.memory_space<vmem>> -> memref<1x128xi32, #tpu.memory_space<vmem>>
        %dma_start3A_326 = tpu.memref_squeeze %dma_start3A_325 : memref<1x128xi32, #tpu.memory_space<vmem>> -> memref<128xi32, #tpu.memory_space<vmem>>
        %dma_start3A_327 = arith.constant 0 : i32
        %dma_start3A_328 = arith.constant 0 : i32
        %dma_start3A_329 = tpu.memref_slice %arg4[%dma_start3A_327, %dma_start3A_328] : memref<16384x128xf32, #tpu.memory_space<hbm>> -> memref<16384x128xf32, #tpu.memory_space<hbm>>
        tpu.enqueue_indirect_dma source(%dma_start3A_329 : memref<16384x128xf32, #tpu.memory_space<hbm>>) target(%dma_start3A_323 : memref<128x128xf32, #tpu.memory_space<vmem>>) offsets(%dma_start3A_326 : memref<128xi32, #tpu.memory_space<vmem>>) semaphore(%arg20 : memref<!tpu.dma_semaphore, #tpu.memory_space<semaphore_mem>>)
      } else {
      }
    } else {
    }
    %gt3A_212 = arith.constant 1 : i32
    %gt3A_213 = arith.cmpi sgt, %mul3A_206, %gt3A_212 : i32
    %convert_element_type3A_214 = arith.extui %gt3A_213 : i1 to i32
    %cond3A_215 = arith.constant 0 : i32
    %cond3A_216 = arith.cmpi ne, %convert_element_type3A_214, %cond3A_215 : i32
    scf.if %cond3A_216 {
      %ge3A = arith.constant 1 : i32
      %ge3A_296 = arith.cmpi sge, %ge3A, %select_n3A_204 : i32
      %sub3A_297 = arith.constant 1 : i32
      %sub3A_298 = arith.subi %sub3A_297, %select_n3A_204 : i32
      %jit3A_299 = arith.constant 1 : i32
      %select_n3A_300 = arith.select %ge3A_296, %sub3A_298, %jit3A_299 : i32
      %jit3A_301 = arith.constant 100000 : i32
      %jit3A_302 = arith.constant 0 : i32
      %select_n3A_303 = arith.select %ge3A_296, %jit3A_301, %jit3A_302 : i32
      %scan3A_304 = arith.constant 0 : i32
      %scan3A_305 = arith.constant 0 : i32
      %scan3A_306 = arith.constant 8 : i32
      %scan3A_307 = arith.addi %scan3A_305, %scan3A_306 : i32
      %scan3A_308 = arith.constant 1 : i32
      %scan3A_309 = scf.for %scan3A_318 = %scan3A_305 to %scan3A_307 step %scan3A_308 iter_args(%scan3A_319 = %scan3A_304) -> (i32)  : i32 {
        %mul3A_320 = arith.constant 128 : i32
        %mul3A_321 = arith.muli %select_n3A_300, %mul3A_320 : i32
        %mul3A_322 = arith.constant 16 : i32
        %mul3A_323 = arith.muli %scan3A_318, %mul3A_322 : i32
        %add3A_324 = arith.addi %mul3A_321, %mul3A_323 : i32
        %get3A = arith.index_cast %add3A_324 : i32 to index
        %get3A_325 = tpu.vector_load %arg15[%get3A] {strides = array<i32>} : memref<3328xi32, #tpu.memory_space<vmem>>, vector<16xi32>,
        %add3A_326 = vector.broadcast %select_n3A_303 : i32 to vector<16xi32>
        %add3A_327 = arith.addi %get3A_325, %add3A_326 : vector<16xi32>
        %mul3A_328 = arith.constant 16 : i32
        %mul3A_329 = arith.muli %scan3A_318, %mul3A_328 : i32
        %swap3A = arith.constant 1 : i32
        %swap3A_330 = arith.constant 0 : i32
        %swap3A_331 = tpu.memref_slice %arg17[%swap3A, %swap3A_330] : memref<5x128xi32, #tpu.memory_space<vmem>> -> memref<1x128xi32, #tpu.memory_space<vmem>>
        %swap3A_332 = tpu.memref_squeeze %swap3A_331 : memref<1x128xi32, #tpu.memory_space<vmem>> -> memref<128xi32, #tpu.memory_space<vmem>>
        %swap3A_333 = arith.index_cast %mul3A_329 : i32 to index
        %swap3A_334 = tpu.vector_load %swap3A_332[%swap3A_333] {strides = array<i32>} : memref<128xi32, #tpu.memory_space<vmem>>, vector<16xi32>,
        tpu.vector_store %swap3A_332[%swap3A_333], %add3A_327 {strides = array<i32>} : memref<128xi32, #tpu.memory_space<vmem>>, vector<16xi32>,
        %mul3A_335 = arith.constant 128 : i32
        %mul3A_336 = arith.muli %select_n3A_300, %mul3A_335 : i32
        %mul3A_337 = arith.constant 16 : i32
        %mul3A_338 = arith.muli %scan3A_318, %mul3A_337 : i32
        %add3A_339 = arith.addi %mul3A_336, %mul3A_338 : i32
        %get3A_340 = arith.index_cast %add3A_339 : i32 to index
        %get3A_341 = tpu.vector_load %arg16[%get3A_340] {strides = array<i32>} : memref<3328xi32, #tpu.memory_space<vmem>>, vector<16xi32>,
        %mul3A_342 = arith.constant 16 : i32
        %mul3A_343 = arith.muli %scan3A_318, %mul3A_342 : i32
        %swap3A_344 = arith.constant 1 : i32
        %swap3A_345 = arith.constant 0 : i32
        %swap3A_346 = tpu.memref_slice %arg18[%swap3A_344, %swap3A_345] : memref<5x128xi32, #tpu.memory_space<vmem>> -> memref<1x128xi32, #tpu.memory_space<vmem>>
        %swap3A_347 = tpu.memref_squeeze %swap3A_346 : memref<1x128xi32, #tpu.memory_space<vmem>> -> memref<128xi32, #tpu.memory_space<vmem>>
        %swap3A_348 = arith.index_cast %mul3A_343 : i32 to index
        %swap3A_349 = tpu.vector_load %swap3A_347[%swap3A_348] {strides = array<i32>} : memref<128xi32, #tpu.memory_space<vmem>>, vector<16xi32>,
        tpu.vector_store %swap3A_347[%swap3A_348], %get3A_341 {strides = array<i32>} : memref<128xi32, #tpu.memory_space<vmem>>, vector<16xi32>,
        %scan3A_350 = arith.constant 0 : i32
        scf.yield %scan3A_350 : i32
      }
      %scan3A_310 = arith.constant 8 : i32
      %not3A = arith.constant true
      %not3A_311 = arith.xori %ge3A_296, %not3A : i1
      %convert_element_type3A_312 = arith.extui %not3A_311 : i1 to i32
      %cond3A_313 = arith.constant 0 : i32
      %cond3A_314 = arith.cmpi ne, %convert_element_type3A_312, %cond3A_313 : i32
      scf.if %cond3A_314 {
        %dma_start3A_318 = arith.constant 1 : i32
        %dma_start3A_319 = arith.constant 1 : i32
        %dma_start3A_320 = arith.constant 0 : i32
        %dma_start3A_321 = arith.constant 0 : i32
        %dma_start3A_322 = tpu.memref_slice %arg19[%dma_start3A_319, %dma_start3A_320, %dma_start3A_321] : memref<5x128x128xf32, #tpu.memory_space<vmem>> -> memref<1x128x128xf32, #tpu.memory_space<vmem>>
        %dma_start3A_323 = tpu.memref_squeeze %dma_start3A_322 : memref<1x128x128xf32, #tpu.memory_space<vmem>> -> memref<128x128xf32, #tpu.memory_space<vmem>>
        %dma_start3A_324 = arith.constant 0 : i32
        %dma_start3A_325 = tpu.memref_slice %arg18[%dma_start3A_318, %dma_start3A_324] : memref<5x128xi32, #tpu.memory_space<vmem>> -> memref<1x128xi32, #tpu.memory_space<vmem>>
        %dma_start3A_326 = tpu.memref_squeeze %dma_start3A_325 : memref<1x128xi32, #tpu.memory_space<vmem>> -> memref<128xi32, #tpu.memory_space<vmem>>
        %dma_start3A_327 = arith.constant 0 : i32
        %dma_start3A_328 = arith.constant 0 : i32
        %dma_start3A_329 = tpu.memref_slice %arg3[%dma_start3A_327, %dma_start3A_328] : memref<16384x128xf32, #tpu.memory_space<hbm>> -> memref<16384x128xf32, #tpu.memory_space<hbm>>
        tpu.enqueue_indirect_dma source(%dma_start3A_329 : memref<16384x128xf32, #tpu.memory_space<hbm>>) target(%dma_start3A_323 : memref<128x128xf32, #tpu.memory_space<vmem>>) offsets(%dma_start3A_326 : memref<128xi32, #tpu.memory_space<vmem>>) semaphore(%arg21 : memref<!tpu.dma_semaphore, #tpu.memory_space<semaphore_mem>>)
      } else {
      }
      %convert_element_type3A_315 = arith.extui %ge3A_296 : i1 to i32
      %cond3A_316 = arith.constant 0 : i32
      %cond3A_317 = arith.cmpi ne, %convert_element_type3A_315, %cond3A_316 : i32
      scf.if %cond3A_317 {
        %dma_start3A_318 = arith.constant 1 : i32
        %dma_start3A_319 = arith.constant 1 : i32
        %dma_start3A_320 = arith.constant 0 : i32
        %dma_start3A_321 = arith.constant 0 : i32
        %dma_start3A_322 = tpu.memref_slice %arg19[%dma_start3A_319, %dma_start3A_320, %dma_start3A_321] : memref<5x128x128xf32, #tpu.memory_space<vmem>> -> memref<1x128x128xf32, #tpu.memory_space<vmem>>
        %dma_start3A_323 = tpu.memref_squeeze %dma_start3A_322 : memref<1x128x128xf32, #tpu.memory_space<vmem>> -> memref<128x128xf32, #tpu.memory_space<vmem>>
        %dma_start3A_324 = arith.constant 0 : i32
        %dma_start3A_325 = tpu.memref_slice %arg18[%dma_start3A_318, %dma_start3A_324] : memref<5x128xi32, #tpu.memory_space<vmem>> -> memref<1x128xi32, #tpu.memory_space<vmem>>
        %dma_start3A_326 = tpu.memref_squeeze %dma_start3A_325 : memref<1x128xi32, #tpu.memory_space<vmem>> -> memref<128xi32, #tpu.memory_space<vmem>>
        %dma_start3A_327 = arith.constant 0 : i32
        %dma_start3A_328 = arith.constant 0 : i32
        %dma_start3A_329 = tpu.memref_slice %arg4[%dma_start3A_327, %dma_start3A_328] : memref<16384x128xf32, #tpu.memory_space<hbm>> -> memref<16384x128xf32, #tpu.memory_space<hbm>>
        tpu.enqueue_indirect_dma source(%dma_start3A_329 : memref<16384x128xf32, #tpu.memory_space<hbm>>) target(%dma_start3A_323 : memref<128x128xf32, #tpu.memory_space<vmem>>) offsets(%dma_start3A_326 : memref<128xi32, #tpu.memory_space<vmem>>) semaphore(%arg21 : memref<!tpu.dma_semaphore, #tpu.memory_space<semaphore_mem>>)
      } else {
      }
    } else {
    }
    %gt3A_217 = arith.constant 2 : i32
    %gt3A_218 = arith.cmpi sgt, %mul3A_206, %gt3A_217 : i32
    %convert_element_type3A_219 = arith.extui %gt3A_218 : i1 to i32
    %cond3A_220 = arith.constant 0 : i32
    %cond3A_221 = arith.cmpi ne, %convert_element_type3A_219, %cond3A_220 : i32
    scf.if %cond3A_221 {
      %ge3A = arith.constant 2 : i32
      %ge3A_296 = arith.cmpi sge, %ge3A, %select_n3A_204 : i32
      %sub3A_297 = arith.constant 2 : i32
      %sub3A_298 = arith.subi %sub3A_297, %select_n3A_204 : i32
      %jit3A_299 = arith.constant 2 : i32
      %select_n3A_300 = arith.select %ge3A_296, %sub3A_298, %jit3A_299 : i32
      %jit3A_301 = arith.constant 100000 : i32
      %jit3A_302 = arith.constant 0 : i32
      %select_n3A_303 = arith.select %ge3A_296, %jit3A_301, %jit3A_302 : i32
      %scan3A_304 = arith.constant 0 : i32
      %scan3A_305 = arith.constant 0 : i32
      %scan3A_306 = arith.constant 8 : i32
      %scan3A_307 = arith.addi %scan3A_305, %scan3A_306 : i32
      %scan3A_308 = arith.constant 1 : i32
      %scan3A_309 = scf.for %scan3A_318 = %scan3A_305 to %scan3A_307 step %scan3A_308 iter_args(%scan3A_319 = %scan3A_304) -> (i32)  : i32 {
        %mul3A_320 = arith.constant 128 : i32
        %mul3A_321 = arith.muli %select_n3A_300, %mul3A_320 : i32
        %mul3A_322 = arith.constant 16 : i32
        %mul3A_323 = arith.muli %scan3A_318, %mul3A_322 : i32
        %add3A_324 = arith.addi %mul3A_321, %mul3A_323 : i32
        %get3A = arith.index_cast %add3A_324 : i32 to index
        %get3A_325 = tpu.vector_load %arg15[%get3A] {strides = array<i32>} : memref<3328xi32, #tpu.memory_space<vmem>>, vector<16xi32>,
        %add3A_326 = vector.broadcast %select_n3A_303 : i32 to vector<16xi32>
        %add3A_327 = arith.addi %get3A_325, %add3A_326 : vector<16xi32>
        %mul3A_328 = arith.constant 16 : i32
        %mul3A_329 = arith.muli %scan3A_318, %mul3A_328 : i32
        %swap3A = arith.constant 2 : i32
        %swap3A_330 = arith.constant 0 : i32
        %swap3A_331 = tpu.memref_slice %arg17[%swap3A, %swap3A_330] : memref<5x128xi32, #tpu.memory_space<vmem>> -> memref<1x128xi32, #tpu.memory_space<vmem>>
        %swap3A_332 = tpu.memref_squeeze %swap3A_331 : memref<1x128xi32, #tpu.memory_space<vmem>> -> memref<128xi32, #tpu.memory_space<vmem>>
        %swap3A_333 = arith.index_cast %mul3A_329 : i32 to index
        %swap3A_334 = tpu.vector_load %swap3A_332[%swap3A_333] {strides = array<i32>} : memref<128xi32, #tpu.memory_space<vmem>>, vector<16xi32>,
        tpu.vector_store %swap3A_332[%swap3A_333], %add3A_327 {strides = array<i32>} : memref<128xi32, #tpu.memory_space<vmem>>, vector<16xi32>,
        %mul3A_335 = arith.constant 128 : i32
        %mul3A_336 = arith.muli %select_n3A_300, %mul3A_335 : i32
        %mul3A_337 = arith.constant 16 : i32
        %mul3A_338 = arith.muli %scan3A_318, %mul3A_337 : i32
        %add3A_339 = arith.addi %mul3A_336, %mul3A_338 : i32
        %get3A_340 = arith.index_cast %add3A_339 : i32 to index
        %get3A_341 = tpu.vector_load %arg16[%get3A_340] {strides = array<i32>} : memref<3328xi32, #tpu.memory_space<vmem>>, vector<16xi32>,
        %mul3A_342 = arith.constant 16 : i32
        %mul3A_343 = arith.muli %scan3A_318, %mul3A_342 : i32
        %swap3A_344 = arith.constant 2 : i32
        %swap3A_345 = arith.constant 0 : i32
        %swap3A_346 = tpu.memref_slice %arg18[%swap3A_344, %swap3A_345] : memref<5x128xi32, #tpu.memory_space<vmem>> -> memref<1x128xi32, #tpu.memory_space<vmem>>
        %swap3A_347 = tpu.memref_squeeze %swap3A_346 : memref<1x128xi32, #tpu.memory_space<vmem>> -> memref<128xi32, #tpu.memory_space<vmem>>
        %swap3A_348 = arith.index_cast %mul3A_343 : i32 to index
        %swap3A_349 = tpu.vector_load %swap3A_347[%swap3A_348] {strides = array<i32>} : memref<128xi32, #tpu.memory_space<vmem>>, vector<16xi32>,
        tpu.vector_store %swap3A_347[%swap3A_348], %get3A_341 {strides = array<i32>} : memref<128xi32, #tpu.memory_space<vmem>>, vector<16xi32>,
        %scan3A_350 = arith.constant 0 : i32
        scf.yield %scan3A_350 : i32
      }
      %scan3A_310 = arith.constant 8 : i32
      %not3A = arith.constant true
      %not3A_311 = arith.xori %ge3A_296, %not3A : i1
      %convert_element_type3A_312 = arith.extui %not3A_311 : i1 to i32
      %cond3A_313 = arith.constant 0 : i32
      %cond3A_314 = arith.cmpi ne, %convert_element_type3A_312, %cond3A_313 : i32
      scf.if %cond3A_314 {
        %dma_start3A_318 = arith.constant 2 : i32
        %dma_start3A_319 = arith.constant 2 : i32
        %dma_start3A_320 = arith.constant 0 : i32
        %dma_start3A_321 = arith.constant 0 : i32
        %dma_start3A_322 = tpu.memref_slice %arg19[%dma_start3A_319, %dma_start3A_320, %dma_start3A_321] : memref<5x128x128xf32, #tpu.memory_space<vmem>> -> memref<1x128x128xf32, #tpu.memory_space<vmem>>
        %dma_start3A_323 = tpu.memref_squeeze %dma_start3A_322 : memref<1x128x128xf32, #tpu.memory_space<vmem>> -> memref<128x128xf32, #tpu.memory_space<vmem>>
        %dma_start3A_324 = arith.constant 0 : i32
        %dma_start3A_325 = tpu.memref_slice %arg18[%dma_start3A_318, %dma_start3A_324] : memref<5x128xi32, #tpu.memory_space<vmem>> -> memref<1x128xi32, #tpu.memory_space<vmem>>
        %dma_start3A_326 = tpu.memref_squeeze %dma_start3A_325 : memref<1x128xi32, #tpu.memory_space<vmem>> -> memref<128xi32, #tpu.memory_space<vmem>>
        %dma_start3A_327 = arith.constant 0 : i32
        %dma_start3A_328 = arith.constant 0 : i32
        %dma_start3A_329 = tpu.memref_slice %arg3[%dma_start3A_327, %dma_start3A_328] : memref<16384x128xf32, #tpu.memory_space<hbm>> -> memref<16384x128xf32, #tpu.memory_space<hbm>>
        tpu.enqueue_indirect_dma source(%dma_start3A_329 : memref<16384x128xf32, #tpu.memory_space<hbm>>) target(%dma_start3A_323 : memref<128x128xf32, #tpu.memory_space<vmem>>) offsets(%dma_start3A_326 : memref<128xi32, #tpu.memory_space<vmem>>) semaphore(%arg22 : memref<!tpu.dma_semaphore, #tpu.memory_space<semaphore_mem>>)
      } else {
      }
      %convert_element_type3A_315 = arith.extui %ge3A_296 : i1 to i32
      %cond3A_316 = arith.constant 0 : i32
      %cond3A_317 = arith.cmpi ne, %convert_element_type3A_315, %cond3A_316 : i32
      scf.if %cond3A_317 {
        %dma_start3A_318 = arith.constant 2 : i32
        %dma_start3A_319 = arith.constant 2 : i32
        %dma_start3A_320 = arith.constant 0 : i32
        %dma_start3A_321 = arith.constant 0 : i32
        %dma_start3A_322 = tpu.memref_slice %arg19[%dma_start3A_319, %dma_start3A_320, %dma_start3A_321] : memref<5x128x128xf32, #tpu.memory_space<vmem>> -> memref<1x128x128xf32, #tpu.memory_space<vmem>>
        %dma_start3A_323 = tpu.memref_squeeze %dma_start3A_322 : memref<1x128x128xf32, #tpu.memory_space<vmem>> -> memref<128x128xf32, #tpu.memory_space<vmem>>
        %dma_start3A_324 = arith.constant 0 : i32
        %dma_start3A_325 = tpu.memref_slice %arg18[%dma_start3A_318, %dma_start3A_324] : memref<5x128xi32, #tpu.memory_space<vmem>> -> memref<1x128xi32, #tpu.memory_space<vmem>>
        %dma_start3A_326 = tpu.memref_squeeze %dma_start3A_325 : memref<1x128xi32, #tpu.memory_space<vmem>> -> memref<128xi32, #tpu.memory_space<vmem>>
        %dma_start3A_327 = arith.constant 0 : i32
        %dma_start3A_328 = arith.constant 0 : i32
        %dma_start3A_329 = tpu.memref_slice %arg4[%dma_start3A_327, %dma_start3A_328] : memref<16384x128xf32, #tpu.memory_space<hbm>> -> memref<16384x128xf32, #tpu.memory_space<hbm>>
        tpu.enqueue_indirect_dma source(%dma_start3A_329 : memref<16384x128xf32, #tpu.memory_space<hbm>>) target(%dma_start3A_323 : memref<128x128xf32, #tpu.memory_space<vmem>>) offsets(%dma_start3A_326 : memref<128xi32, #tpu.memory_space<vmem>>) semaphore(%arg22 : memref<!tpu.dma_semaphore, #tpu.memory_space<semaphore_mem>>)
      } else {
      }
    } else {
    }
    %gt3A_222 = arith.constant 3 : i32
    %gt3A_223 = arith.cmpi sgt, %mul3A_206, %gt3A_222 : i32
    %convert_element_type3A_224 = arith.extui %gt3A_223 : i1 to i32
    %cond3A_225 = arith.constant 0 : i32
    %cond3A_226 = arith.cmpi ne, %convert_element_type3A_224, %cond3A_225 : i32
    scf.if %cond3A_226 {
      %ge3A = arith.constant 3 : i32
      %ge3A_296 = arith.cmpi sge, %ge3A, %select_n3A_204 : i32
      %sub3A_297 = arith.constant 3 : i32
      %sub3A_298 = arith.subi %sub3A_297, %select_n3A_204 : i32
      %jit3A_299 = arith.constant 3 : i32
      %select_n3A_300 = arith.select %ge3A_296, %sub3A_298, %jit3A_299 : i32
      %jit3A_301 = arith.constant 100000 : i32
      %jit3A_302 = arith.constant 0 : i32
      %select_n3A_303 = arith.select %ge3A_296, %jit3A_301, %jit3A_302 : i32
      %scan3A_304 = arith.constant 0 : i32
      %scan3A_305 = arith.constant 0 : i32
      %scan3A_306 = arith.constant 8 : i32
      %scan3A_307 = arith.addi %scan3A_305, %scan3A_306 : i32
      %scan3A_308 = arith.constant 1 : i32
      %scan3A_309 = scf.for %scan3A_318 = %scan3A_305 to %scan3A_307 step %scan3A_308 iter_args(%scan3A_319 = %scan3A_304) -> (i32)  : i32 {
        %mul3A_320 = arith.constant 128 : i32
        %mul3A_321 = arith.muli %select_n3A_300, %mul3A_320 : i32
        %mul3A_322 = arith.constant 16 : i32
        %mul3A_323 = arith.muli %scan3A_318, %mul3A_322 : i32
        %add3A_324 = arith.addi %mul3A_321, %mul3A_323 : i32
        %get3A = arith.index_cast %add3A_324 : i32 to index
        %get3A_325 = tpu.vector_load %arg15[%get3A] {strides = array<i32>} : memref<3328xi32, #tpu.memory_space<vmem>>, vector<16xi32>,
        %add3A_326 = vector.broadcast %select_n3A_303 : i32 to vector<16xi32>
        %add3A_327 = arith.addi %get3A_325, %add3A_326 : vector<16xi32>
        %mul3A_328 = arith.constant 16 : i32
        %mul3A_329 = arith.muli %scan3A_318, %mul3A_328 : i32
        %swap3A = arith.constant 3 : i32
        %swap3A_330 = arith.constant 0 : i32
        %swap3A_331 = tpu.memref_slice %arg17[%swap3A, %swap3A_330] : memref<5x128xi32, #tpu.memory_space<vmem>> -> memref<1x128xi32, #tpu.memory_space<vmem>>
        %swap3A_332 = tpu.memref_squeeze %swap3A_331 : memref<1x128xi32, #tpu.memory_space<vmem>> -> memref<128xi32, #tpu.memory_space<vmem>>
        %swap3A_333 = arith.index_cast %mul3A_329 : i32 to index
        %swap3A_334 = tpu.vector_load %swap3A_332[%swap3A_333] {strides = array<i32>} : memref<128xi32, #tpu.memory_space<vmem>>, vector<16xi32>,
        tpu.vector_store %swap3A_332[%swap3A_333], %add3A_327 {strides = array<i32>} : memref<128xi32, #tpu.memory_space<vmem>>, vector<16xi32>,
        %mul3A_335 = arith.constant 128 : i32
        %mul3A_336 = arith.muli %select_n3A_300, %mul3A_335 : i32
        %mul3A_337 = arith.constant 16 : i32
        %mul3A_338 = arith.muli %scan3A_318, %mul3A_337 : i32
        %add3A_339 = arith.addi %mul3A_336, %mul3A_338 : i32
        %get3A_340 = arith.index_cast %add3A_339 : i32 to index
        %get3A_341 = tpu.vector_load %arg16[%get3A_340] {strides = array<i32>} : memref<3328xi32, #tpu.memory_space<vmem>>, vector<16xi32>,
        %mul3A_342 = arith.constant 16 : i32
        %mul3A_343 = arith.muli %scan3A_318, %mul3A_342 : i32
        %swap3A_344 = arith.constant 3 : i32
        %swap3A_345 = arith.constant 0 : i32
        %swap3A_346 = tpu.memref_slice %arg18[%swap3A_344, %swap3A_345] : memref<5x128xi32, #tpu.memory_space<vmem>> -> memref<1x128xi32, #tpu.memory_space<vmem>>
        %swap3A_347 = tpu.memref_squeeze %swap3A_346 : memref<1x128xi32, #tpu.memory_space<vmem>> -> memref<128xi32, #tpu.memory_space<vmem>>
        %swap3A_348 = arith.index_cast %mul3A_343 : i32 to index
        %swap3A_349 = tpu.vector_load %swap3A_347[%swap3A_348] {strides = array<i32>} : memref<128xi32, #tpu.memory_space<vmem>>, vector<16xi32>,
        tpu.vector_store %swap3A_347[%swap3A_348], %get3A_341 {strides = array<i32>} : memref<128xi32, #tpu.memory_space<vmem>>, vector<16xi32>,
        %scan3A_350 = arith.constant 0 : i32
        scf.yield %scan3A_350 : i32
      }
      %scan3A_310 = arith.constant 8 : i32
      %not3A = arith.constant true
      %not3A_311 = arith.xori %ge3A_296, %not3A : i1
      %convert_element_type3A_312 = arith.extui %not3A_311 : i1 to i32
      %cond3A_313 = arith.constant 0 : i32
      %cond3A_314 = arith.cmpi ne, %convert_element_type3A_312, %cond3A_313 : i32
      scf.if %cond3A_314 {
        %dma_start3A_318 = arith.constant 3 : i32
        %dma_start3A_319 = arith.constant 3 : i32
        %dma_start3A_320 = arith.constant 0 : i32
        %dma_start3A_321 = arith.constant 0 : i32
        %dma_start3A_322 = tpu.memref_slice %arg19[%dma_start3A_319, %dma_start3A_320, %dma_start3A_321] : memref<5x128x128xf32, #tpu.memory_space<vmem>> -> memref<1x128x128xf32, #tpu.memory_space<vmem>>
        %dma_start3A_323 = tpu.memref_squeeze %dma_start3A_322 : memref<1x128x128xf32, #tpu.memory_space<vmem>> -> memref<128x128xf32, #tpu.memory_space<vmem>>
        %dma_start3A_324 = arith.constant 0 : i32
        %dma_start3A_325 = tpu.memref_slice %arg18[%dma_start3A_318, %dma_start3A_324] : memref<5x128xi32, #tpu.memory_space<vmem>> -> memref<1x128xi32, #tpu.memory_space<vmem>>
        %dma_start3A_326 = tpu.memref_squeeze %dma_start3A_325 : memref<1x128xi32, #tpu.memory_space<vmem>> -> memref<128xi32, #tpu.memory_space<vmem>>
        %dma_start3A_327 = arith.constant 0 : i32
        %dma_start3A_328 = arith.constant 0 : i32
        %dma_start3A_329 = tpu.memref_slice %arg3[%dma_start3A_327, %dma_start3A_328] : memref<16384x128xf32, #tpu.memory_space<hbm>> -> memref<16384x128xf32, #tpu.memory_space<hbm>>
        tpu.enqueue_indirect_dma source(%dma_start3A_329 : memref<16384x128xf32, #tpu.memory_space<hbm>>) target(%dma_start3A_323 : memref<128x128xf32, #tpu.memory_space<vmem>>) offsets(%dma_start3A_326 : memref<128xi32, #tpu.memory_space<vmem>>) semaphore(%arg23 : memref<!tpu.dma_semaphore, #tpu.memory_space<semaphore_mem>>)
      } else {
      }
      %convert_element_type3A_315 = arith.extui %ge3A_296 : i1 to i32
      %cond3A_316 = arith.constant 0 : i32
      %cond3A_317 = arith.cmpi ne, %convert_element_type3A_315, %cond3A_316 : i32
      scf.if %cond3A_317 {
        %dma_start3A_318 = arith.constant 3 : i32
        %dma_start3A_319 = arith.constant 3 : i32
        %dma_start3A_320 = arith.constant 0 : i32
        %dma_start3A_321 = arith.constant 0 : i32
        %dma_start3A_322 = tpu.memref_slice %arg19[%dma_start3A_319, %dma_start3A_320, %dma_start3A_321] : memref<5x128x128xf32, #tpu.memory_space<vmem>> -> memref<1x128x128xf32, #tpu.memory_space<vmem>>
        %dma_start3A_323 = tpu.memref_squeeze %dma_start3A_322 : memref<1x128x128xf32, #tpu.memory_space<vmem>> -> memref<128x128xf32, #tpu.memory_space<vmem>>
        %dma_start3A_324 = arith.constant 0 : i32
        %dma_start3A_325 = tpu.memref_slice %arg18[%dma_start3A_318, %dma_start3A_324] : memref<5x128xi32, #tpu.memory_space<vmem>> -> memref<1x128xi32, #tpu.memory_space<vmem>>
        %dma_start3A_326 = tpu.memref_squeeze %dma_start3A_325 : memref<1x128xi32, #tpu.memory_space<vmem>> -> memref<128xi32, #tpu.memory_space<vmem>>
        %dma_start3A_327 = arith.constant 0 : i32
        %dma_start3A_328 = arith.constant 0 : i32
        %dma_start3A_329 = tpu.memref_slice %arg4[%dma_start3A_327, %dma_start3A_328] : memref<16384x128xf32, #tpu.memory_space<hbm>> -> memref<16384x128xf32, #tpu.memory_space<hbm>>
        tpu.enqueue_indirect_dma source(%dma_start3A_329 : memref<16384x128xf32, #tpu.memory_space<hbm>>) target(%dma_start3A_323 : memref<128x128xf32, #tpu.memory_space<vmem>>) offsets(%dma_start3A_326 : memref<128xi32, #tpu.memory_space<vmem>>) semaphore(%arg23 : memref<!tpu.dma_semaphore, #tpu.memory_space<semaphore_mem>>)
      } else {
      }
    } else {
    }
    %gt3A_227 = arith.constant 4 : i32
    %gt3A_228 = arith.cmpi sgt, %mul3A_206, %gt3A_227 : i32
    %convert_element_type3A_229 = arith.extui %gt3A_228 : i1 to i32
    %cond3A_230 = arith.constant 0 : i32
    %cond3A_231 = arith.cmpi ne, %convert_element_type3A_229, %cond3A_230 : i32
    scf.if %cond3A_231 {
      %ge3A = arith.constant 4 : i32
      %ge3A_296 = arith.cmpi sge, %ge3A, %select_n3A_204 : i32
      %sub3A_297 = arith.constant 4 : i32
      %sub3A_298 = arith.subi %sub3A_297, %select_n3A_204 : i32
      %jit3A_299 = arith.constant 4 : i32
      %select_n3A_300 = arith.select %ge3A_296, %sub3A_298, %jit3A_299 : i32
      %jit3A_301 = arith.constant 100000 : i32
      %jit3A_302 = arith.constant 0 : i32
      %select_n3A_303 = arith.select %ge3A_296, %jit3A_301, %jit3A_302 : i32
      %scan3A_304 = arith.constant 0 : i32
      %scan3A_305 = arith.constant 0 : i32
      %scan3A_306 = arith.constant 8 : i32
      %scan3A_307 = arith.addi %scan3A_305, %scan3A_306 : i32
      %scan3A_308 = arith.constant 1 : i32
      %scan3A_309 = scf.for %scan3A_318 = %scan3A_305 to %scan3A_307 step %scan3A_308 iter_args(%scan3A_319 = %scan3A_304) -> (i32)  : i32 {
        %mul3A_320 = arith.constant 128 : i32
        %mul3A_321 = arith.muli %select_n3A_300, %mul3A_320 : i32
        %mul3A_322 = arith.constant 16 : i32
        %mul3A_323 = arith.muli %scan3A_318, %mul3A_322 : i32
        %add3A_324 = arith.addi %mul3A_321, %mul3A_323 : i32
        %get3A = arith.index_cast %add3A_324 : i32 to index
        %get3A_325 = tpu.vector_load %arg15[%get3A] {strides = array<i32>} : memref<3328xi32, #tpu.memory_space<vmem>>, vector<16xi32>,
        %add3A_326 = vector.broadcast %select_n3A_303 : i32 to vector<16xi32>
        %add3A_327 = arith.addi %get3A_325, %add3A_326 : vector<16xi32>
        %mul3A_328 = arith.constant 16 : i32
        %mul3A_329 = arith.muli %scan3A_318, %mul3A_328 : i32
        %swap3A = arith.constant 4 : i32
        %swap3A_330 = arith.constant 0 : i32
        %swap3A_331 = tpu.memref_slice %arg17[%swap3A, %swap3A_330] : memref<5x128xi32, #tpu.memory_space<vmem>> -> memref<1x128xi32, #tpu.memory_space<vmem>>
        %swap3A_332 = tpu.memref_squeeze %swap3A_331 : memref<1x128xi32, #tpu.memory_space<vmem>> -> memref<128xi32, #tpu.memory_space<vmem>>
        %swap3A_333 = arith.index_cast %mul3A_329 : i32 to index
        %swap3A_334 = tpu.vector_load %swap3A_332[%swap3A_333] {strides = array<i32>} : memref<128xi32, #tpu.memory_space<vmem>>, vector<16xi32>,
        tpu.vector_store %swap3A_332[%swap3A_333], %add3A_327 {strides = array<i32>} : memref<128xi32, #tpu.memory_space<vmem>>, vector<16xi32>,
        %mul3A_335 = arith.constant 128 : i32
        %mul3A_336 = arith.muli %select_n3A_300, %mul3A_335 : i32
        %mul3A_337 = arith.constant 16 : i32
        %mul3A_338 = arith.muli %scan3A_318, %mul3A_337 : i32
        %add3A_339 = arith.addi %mul3A_336, %mul3A_338 : i32
        %get3A_340 = arith.index_cast %add3A_339 : i32 to index
        %get3A_341 = tpu.vector_load %arg16[%get3A_340] {strides = array<i32>} : memref<3328xi32, #tpu.memory_space<vmem>>, vector<16xi32>,
        %mul3A_342 = arith.constant 16 : i32
        %mul3A_343 = arith.muli %scan3A_318, %mul3A_342 : i32
        %swap3A_344 = arith.constant 4 : i32
        %swap3A_345 = arith.constant 0 : i32
        %swap3A_346 = tpu.memref_slice %arg18[%swap3A_344, %swap3A_345] : memref<5x128xi32, #tpu.memory_space<vmem>> -> memref<1x128xi32, #tpu.memory_space<vmem>>
        %swap3A_347 = tpu.memref_squeeze %swap3A_346 : memref<1x128xi32, #tpu.memory_space<vmem>> -> memref<128xi32, #tpu.memory_space<vmem>>
        %swap3A_348 = arith.index_cast %mul3A_343 : i32 to index
        %swap3A_349 = tpu.vector_load %swap3A_347[%swap3A_348] {strides = array<i32>} : memref<128xi32, #tpu.memory_space<vmem>>, vector<16xi32>,
        tpu.vector_store %swap3A_347[%swap3A_348], %get3A_341 {strides = array<i32>} : memref<128xi32, #tpu.memory_space<vmem>>, vector<16xi32>,
        %scan3A_350 = arith.constant 0 : i32
        scf.yield %scan3A_350 : i32
      }
      %scan3A_310 = arith.constant 8 : i32
      %not3A = arith.constant true
      %not3A_311 = arith.xori %ge3A_296, %not3A : i1
      %convert_element_type3A_312 = arith.extui %not3A_311 : i1 to i32
      %cond3A_313 = arith.constant 0 : i32
      %cond3A_314 = arith.cmpi ne, %convert_element_type3A_312, %cond3A_313 : i32
      scf.if %cond3A_314 {
        %dma_start3A_318 = arith.constant 4 : i32
        %dma_start3A_319 = arith.constant 4 : i32
        %dma_start3A_320 = arith.constant 0 : i32
        %dma_start3A_321 = arith.constant 0 : i32
        %dma_start3A_322 = tpu.memref_slice %arg19[%dma_start3A_319, %dma_start3A_320, %dma_start3A_321] : memref<5x128x128xf32, #tpu.memory_space<vmem>> -> memref<1x128x128xf32, #tpu.memory_space<vmem>>
        %dma_start3A_323 = tpu.memref_squeeze %dma_start3A_322 : memref<1x128x128xf32, #tpu.memory_space<vmem>> -> memref<128x128xf32, #tpu.memory_space<vmem>>
        %dma_start3A_324 = arith.constant 0 : i32
        %dma_start3A_325 = tpu.memref_slice %arg18[%dma_start3A_318, %dma_start3A_324] : memref<5x128xi32, #tpu.memory_space<vmem>> -> memref<1x128xi32, #tpu.memory_space<vmem>>
        %dma_start3A_326 = tpu.memref_squeeze %dma_start3A_325 : memref<1x128xi32, #tpu.memory_space<vmem>> -> memref<128xi32, #tpu.memory_space<vmem>>
        %dma_start3A_327 = arith.constant 0 : i32
        %dma_start3A_328 = arith.constant 0 : i32
        %dma_start3A_329 = tpu.memref_slice %arg3[%dma_start3A_327, %dma_start3A_328] : memref<16384x128xf32, #tpu.memory_space<hbm>> -> memref<16384x128xf32, #tpu.memory_space<hbm>>
        tpu.enqueue_indirect_dma source(%dma_start3A_329 : memref<16384x128xf32, #tpu.memory_space<hbm>>) target(%dma_start3A_323 : memref<128x128xf32, #tpu.memory_space<vmem>>) offsets(%dma_start3A_326 : memref<128xi32, #tpu.memory_space<vmem>>) semaphore(%arg24 : memref<!tpu.dma_semaphore, #tpu.memory_space<semaphore_mem>>)
      } else {
      }
      %convert_element_type3A_315 = arith.extui %ge3A_296 : i1 to i32
      %cond3A_316 = arith.constant 0 : i32
      %cond3A_317 = arith.cmpi ne, %convert_element_type3A_315, %cond3A_316 : i32
      scf.if %cond3A_317 {
        %dma_start3A_318 = arith.constant 4 : i32
        %dma_start3A_319 = arith.constant 4 : i32
        %dma_start3A_320 = arith.constant 0 : i32
        %dma_start3A_321 = arith.constant 0 : i32
        %dma_start3A_322 = tpu.memref_slice %arg19[%dma_start3A_319, %dma_start3A_320, %dma_start3A_321] : memref<5x128x128xf32, #tpu.memory_space<vmem>> -> memref<1x128x128xf32, #tpu.memory_space<vmem>>
        %dma_start3A_323 = tpu.memref_squeeze %dma_start3A_322 : memref<1x128x128xf32, #tpu.memory_space<vmem>> -> memref<128x128xf32, #tpu.memory_space<vmem>>
        %dma_start3A_324 = arith.constant 0 : i32
        %dma_start3A_325 = tpu.memref_slice %arg18[%dma_start3A_318, %dma_start3A_324] : memref<5x128xi32, #tpu.memory_space<vmem>> -> memref<1x128xi32, #tpu.memory_space<vmem>>
        %dma_start3A_326 = tpu.memref_squeeze %dma_start3A_325 : memref<1x128xi32, #tpu.memory_space<vmem>> -> memref<128xi32, #tpu.memory_space<vmem>>
        %dma_start3A_327 = arith.constant 0 : i32
        %dma_start3A_328 = arith.constant 0 : i32
        %dma_start3A_329 = tpu.memref_slice %arg4[%dma_start3A_327, %dma_start3A_328] : memref<16384x128xf32, #tpu.memory_space<hbm>> -> memref<16384x128xf32, #tpu.memory_space<hbm>>
        tpu.enqueue_indirect_dma source(%dma_start3A_329 : memref<16384x128xf32, #tpu.memory_space<hbm>>) target(%dma_start3A_323 : memref<128x128xf32, #tpu.memory_space<vmem>>) offsets(%dma_start3A_326 : memref<128xi32, #tpu.memory_space<vmem>>) semaphore(%arg24 : memref<!tpu.dma_semaphore, #tpu.memory_space<semaphore_mem>>)
      } else {
      }
    } else {
    }
    %add3A_232 = arith.constant 5 : i32
    %add3A_233 = arith.addi %mul3A_206, %add3A_232 : i32
    %sub3A_234 = arith.constant 1 : i32
    %sub3A_235 = arith.subi %add3A_233, %sub3A_234 : i32
    %jit3A_236 = arith.constant 5 : i32
    %div3A_237 = arith.divsi %sub3A_235, %jit3A_236 : i32
    %sign3A_238 = arith.constant 0 : i32
    %sign3A_239 = arith.cmpi sgt, %sub3A_235, %sign3A_238 : i32
    %sign3A_240 = arith.extui %sign3A_239 : i1 to i32
    %sign3A_241 = arith.constant 0 : i32
    %sign3A_242 = arith.cmpi slt, %sub3A_235, %sign3A_241 : i32
    %sign3A_243 = arith.extui %sign3A_242 : i1 to i32
    %sign3A_244 = arith.subi %sign3A_240, %sign3A_243 : i32
    %sign3A_245 = arith.constant 0 : i32
    %sign3A_246 = arith.cmpi sgt, %jit3A_236, %sign3A_245 : i32
    %sign3A_247 = arith.extui %sign3A_246 : i1 to i32
    %sign3A_248 = arith.constant 0 : i32
    %sign3A_249 = arith.cmpi slt, %jit3A_236, %sign3A_248 : i32
    %sign3A_250 = arith.extui %sign3A_249 : i1 to i32
    %sign3A_251 = arith.subi %sign3A_247, %sign3A_250 : i32
    %ne3A_252 = arith.cmpi ne, %sign3A_244, %sign3A_251 : i32
    %rem3A_253 = arith.remsi %sub3A_235, %jit3A_236 : i32
    %ne3A_254 = arith.constant 0 : i32
    %ne3A_255 = arith.cmpi ne, %rem3A_253, %ne3A_254 : i32
    %and3A_256 = arith.andi %ne3A_252, %ne3A_255 : i1
    %sub3A_257 = arith.constant 1 : i32
    %sub3A_258 = arith.subi %div3A_237, %sub3A_257 : i32
    %select_n3A_259 = arith.select %and3A_256, %sub3A_258, %div3A_237 : i32
    %while3A = arith.constant 0 : i32
    %while3A_260 = arith.constant 0 : i32
    %while3A_261 = arith.subi %select_n3A_259, %while3A : i32
    %while3A_262 = arith.addi %while3A, %while3A_261 : i32
    %while3A_263 = arith.constant 1 : i32
    %while3A_264 = arith.divsi %while3A_261, %while3A_263 : i32
    %while3A_265 = arith.muli %while3A_264, %while3A_263 : i32
    %while3A_266 = arith.addi %while3A, %while3A_265 : i32
    %while3A_267 = arith.constant 1 : i32
    %while3A_268 = scf.for %while3A_296 = %while3A to %while3A_266 step %while3A_267 iter_args(%while3A_297 = %while3A_260) -> (i32)  : i32 {
      %mul3A_298 = arith.constant 5 : i32
      %mul3A_299 = arith.muli %while3A_296, %mul3A_298 : i32
      %add3A_300 = arith.constant 0 : i32
      %add3A_301 = arith.addi %mul3A_299, %add3A_300 : i32
      %lt3A_302 = arith.cmpi slt, %add3A_301, %mul3A_206 : i32
      %convert_element_type3A_303 = arith.extui %lt3A_302 : i1 to i32
      %cond3A_304 = arith.constant 0 : i32
      %cond3A_305 = arith.cmpi ne, %convert_element_type3A_303, %cond3A_304 : i32
      scf.if %cond3A_305 {
        %dma_wait3A_389 = arith.constant 0 : i32
        %dma_wait3A_390 = arith.constant 0 : i32
        %dma_wait3A_391 = arith.constant 0 : i32
        %dma_wait3A_392 = tpu.memref_slice %arg19[%dma_wait3A_389, %dma_wait3A_390, %dma_wait3A_391] : memref<5x128x128xf32, #tpu.memory_space<vmem>> -> memref<1x128x128xf32, #tpu.memory_space<vmem>>
        %dma_wait3A_393 = tpu.memref_squeeze %dma_wait3A_392 : memref<1x128x128xf32, #tpu.memory_space<vmem>> -> memref<128x128xf32, #tpu.memory_space<vmem>>
        %dma_wait3A_394 = arith.constant 0 : i32
        %dma_wait3A_395 = arith.constant 0 : i32
        %dma_wait3A_396 = tpu.memref_slice %arg3[%dma_wait3A_394, %dma_wait3A_395] : memref<16384x128xf32, #tpu.memory_space<hbm>> -> memref<128x128xf32, #tpu.memory_space<hbm>>
        %dma_wait3A_397 = arith.constant 0 : i32
        %dma_wait3A_398 = arith.constant 0 : i32
        %dma_wait3A_399 = tpu.memref_slice %arg19[%dma_wait3A_389, %dma_wait3A_397, %dma_wait3A_398] : memref<5x128x128xf32, #tpu.memory_space<vmem>> -> memref<1x128x128xf32, #tpu.memory_space<vmem>>
        %dma_wait3A_400 = tpu.memref_squeeze %dma_wait3A_399 : memref<1x128x128xf32, #tpu.memory_space<vmem>> -> memref<128x128xf32, #tpu.memory_space<vmem>>
        %dma_wait3A_401 = arith.constant 0 : i32
        %dma_wait3A_402 = arith.constant 0 : i32
        %dma_wait3A_403 = tpu.memref_slice %arg3[%dma_wait3A_401, %dma_wait3A_402] : memref<16384x128xf32, #tpu.memory_space<hbm>> -> memref<128x128xf32, #tpu.memory_space<hbm>>
        tpu.wait_dma2 semaphore(%arg20 : memref<!tpu.dma_semaphore, #tpu.memory_space<semaphore_mem>>) src(%dma_wait3A_403 : memref<128x128xf32, #tpu.memory_space<hbm>>) dst(%dma_wait3A_400 : memref<128x128xf32, #tpu.memory_space<vmem>>)
        %dma_start3A_404 = arith.constant 0 : i32
        %dma_start3A_405 = arith.constant 0 : i32
        %dma_start3A_406 = arith.constant 0 : i32
        %dma_start3A_407 = arith.constant 0 : i32
        %dma_start3A_408 = tpu.memref_slice %arg19[%dma_start3A_404, %dma_start3A_406, %dma_start3A_407] : memref<5x128x128xf32, #tpu.memory_space<vmem>> -> memref<1x128x128xf32, #tpu.memory_space<vmem>>
        %dma_start3A_409 = tpu.memref_squeeze %dma_start3A_408 : memref<1x128x128xf32, #tpu.memory_space<vmem>> -> memref<128x128xf32, #tpu.memory_space<vmem>>
        %dma_start3A_410 = arith.constant 0 : i32
        %dma_start3A_411 = tpu.memref_slice %arg17[%dma_start3A_405, %dma_start3A_410] : memref<5x128xi32, #tpu.memory_space<vmem>> -> memref<1x128xi32, #tpu.memory_space<vmem>>
        %dma_start3A_412 = tpu.memref_squeeze %dma_start3A_411 : memref<1x128xi32, #tpu.memory_space<vmem>> -> memref<128xi32, #tpu.memory_space<vmem>>
        %dma_start3A_413 = arith.constant 0 : i32
        %dma_start3A_414 = arith.constant 0 : i32
        %dma_start3A_415 = tpu.memref_slice %arg5[%dma_start3A_413, %dma_start3A_414] : memref<200000x128xf32, #tpu.memory_space<hbm>> -> memref<200000x128xf32, #tpu.memory_space<hbm>>
        tpu.enqueue_indirect_dma source(%dma_start3A_409 : memref<128x128xf32, #tpu.memory_space<vmem>>) target(%dma_start3A_415 : memref<200000x128xf32, #tpu.memory_space<hbm>>) offsets(%dma_start3A_412 : memref<128xi32, #tpu.memory_space<vmem>>) semaphore(%arg25 : memref<!tpu.dma_semaphore, #tpu.memory_space<semaphore_mem>>)
      } else {
      }
      %mul3A_306 = arith.constant 5 : i32
      %mul3A_307 = arith.muli %while3A_296, %mul3A_306 : i32
      %add3A_308 = arith.constant 1 : i32
      %add3A_309 = arith.addi %mul3A_307, %add3A_308 : i32
      %lt3A_310 = arith.cmpi slt, %add3A_309, %mul3A_206 : i32
      %convert_element_type3A_311 = arith.extui %lt3A_310 : i1 to i32
      %cond3A_312 = arith.constant 0 : i32
      %cond3A_313 = arith.cmpi ne, %convert_element_type3A_311, %cond3A_312 : i32
      scf.if %cond3A_313 {
        %dma_wait3A_389 = arith.constant 1 : i32
        %dma_wait3A_390 = arith.constant 0 : i32
        %dma_wait3A_391 = arith.constant 0 : i32
        %dma_wait3A_392 = tpu.memref_slice %arg19[%dma_wait3A_389, %dma_wait3A_390, %dma_wait3A_391] : memref<5x128x128xf32, #tpu.memory_space<vmem>> -> memref<1x128x128xf32, #tpu.memory_space<vmem>>
        %dma_wait3A_393 = tpu.memref_squeeze %dma_wait3A_392 : memref<1x128x128xf32, #tpu.memory_space<vmem>> -> memref<128x128xf32, #tpu.memory_space<vmem>>
        %dma_wait3A_394 = arith.constant 0 : i32
        %dma_wait3A_395 = arith.constant 0 : i32
        %dma_wait3A_396 = tpu.memref_slice %arg3[%dma_wait3A_394, %dma_wait3A_395] : memref<16384x128xf32, #tpu.memory_space<hbm>> -> memref<128x128xf32, #tpu.memory_space<hbm>>
        %dma_wait3A_397 = arith.constant 0 : i32
        %dma_wait3A_398 = arith.constant 0 : i32
        %dma_wait3A_399 = tpu.memref_slice %arg19[%dma_wait3A_389, %dma_wait3A_397, %dma_wait3A_398] : memref<5x128x128xf32, #tpu.memory_space<vmem>> -> memref<1x128x128xf32, #tpu.memory_space<vmem>>
        %dma_wait3A_400 = tpu.memref_squeeze %dma_wait3A_399 : memref<1x128x128xf32, #tpu.memory_space<vmem>> -> memref<128x128xf32, #tpu.memory_space<vmem>>
        %dma_wait3A_401 = arith.constant 0 : i32
        %dma_wait3A_402 = arith.constant 0 : i32
        %dma_wait3A_403 = tpu.memref_slice %arg3[%dma_wait3A_401, %dma_wait3A_402] : memref<16384x128xf32, #tpu.memory_space<hbm>> -> memref<128x128xf32, #tpu.memory_space<hbm>>
        tpu.wait_dma2 semaphore(%arg21 : memref<!tpu.dma_semaphore, #tpu.memory_space<semaphore_mem>>) src(%dma_wait3A_403 : memref<128x128xf32, #tpu.memory_space<hbm>>) dst(%dma_wait3A_400 : memref<128x128xf32, #tpu.memory_space<vmem>>)
        %dma_start3A_404 = arith.constant 1 : i32
        %dma_start3A_405 = arith.constant 1 : i32
        %dma_start3A_406 = arith.constant 0 : i32
        %dma_start3A_407 = arith.constant 0 : i32
        %dma_start3A_408 = tpu.memref_slice %arg19[%dma_start3A_404, %dma_start3A_406, %dma_start3A_407] : memref<5x128x128xf32, #tpu.memory_space<vmem>> -> memref<1x128x128xf32, #tpu.memory_space<vmem>>
        %dma_start3A_409 = tpu.memref_squeeze %dma_start3A_408 : memref<1x128x128xf32, #tpu.memory_space<vmem>> -> memref<128x128xf32, #tpu.memory_space<vmem>>
        %dma_start3A_410 = arith.constant 0 : i32
        %dma_start3A_411 = tpu.memref_slice %arg17[%dma_start3A_405, %dma_start3A_410] : memref<5x128xi32, #tpu.memory_space<vmem>> -> memref<1x128xi32, #tpu.memory_space<vmem>>
        %dma_start3A_412 = tpu.memref_squeeze %dma_start3A_411 : memref<1x128xi32, #tpu.memory_space<vmem>> -> memref<128xi32, #tpu.memory_space<vmem>>
        %dma_start3A_413 = arith.constant 0 : i32
        %dma_start3A_414 = arith.constant 0 : i32
        %dma_start3A_415 = tpu.memref_slice %arg5[%dma_start3A_413, %dma_start3A_414] : memref<200000x128xf32, #tpu.memory_space<hbm>> -> memref<200000x128xf32, #tpu.memory_space<hbm>>
        tpu.enqueue_indirect_dma source(%dma_start3A_409 : memref<128x128xf32, #tpu.memory_space<vmem>>) target(%dma_start3A_415 : memref<200000x128xf32, #tpu.memory_space<hbm>>) offsets(%dma_start3A_412 : memref<128xi32, #tpu.memory_space<vmem>>) semaphore(%arg26 : memref<!tpu.dma_semaphore, #tpu.memory_space<semaphore_mem>>)
      } else {
      }
      %mul3A_314 = arith.constant 5 : i32
      %mul3A_315 = arith.muli %while3A_296, %mul3A_314 : i32
      %add3A_316 = arith.constant 2 : i32
      %add3A_317 = arith.addi %mul3A_315, %add3A_316 : i32
      %lt3A_318 = arith.cmpi slt, %add3A_317, %mul3A_206 : i32
      %convert_element_type3A_319 = arith.extui %lt3A_318 : i1 to i32
      %cond3A_320 = arith.constant 0 : i32
      %cond3A_321 = arith.cmpi ne, %convert_element_type3A_319, %cond3A_320 : i32
      scf.if %cond3A_321 {
        %dma_wait3A_389 = arith.constant 2 : i32
        %dma_wait3A_390 = arith.constant 0 : i32
        %dma_wait3A_391 = arith.constant 0 : i32
        %dma_wait3A_392 = tpu.memref_slice %arg19[%dma_wait3A_389, %dma_wait3A_390, %dma_wait3A_391] : memref<5x128x128xf32, #tpu.memory_space<vmem>> -> memref<1x128x128xf32, #tpu.memory_space<vmem>>
        %dma_wait3A_393 = tpu.memref_squeeze %dma_wait3A_392 : memref<1x128x128xf32, #tpu.memory_space<vmem>> -> memref<128x128xf32, #tpu.memory_space<vmem>>
        %dma_wait3A_394 = arith.constant 0 : i32
        %dma_wait3A_395 = arith.constant 0 : i32
        %dma_wait3A_396 = tpu.memref_slice %arg3[%dma_wait3A_394, %dma_wait3A_395] : memref<16384x128xf32, #tpu.memory_space<hbm>> -> memref<128x128xf32, #tpu.memory_space<hbm>>
        %dma_wait3A_397 = arith.constant 0 : i32
        %dma_wait3A_398 = arith.constant 0 : i32
        %dma_wait3A_399 = tpu.memref_slice %arg19[%dma_wait3A_389, %dma_wait3A_397, %dma_wait3A_398] : memref<5x128x128xf32, #tpu.memory_space<vmem>> -> memref<1x128x128xf32, #tpu.memory_space<vmem>>
        %dma_wait3A_400 = tpu.memref_squeeze %dma_wait3A_399 : memref<1x128x128xf32, #tpu.memory_space<vmem>> -> memref<128x128xf32, #tpu.memory_space<vmem>>
        %dma_wait3A_401 = arith.constant 0 : i32
        %dma_wait3A_402 = arith.constant 0 : i32
        %dma_wait3A_403 = tpu.memref_slice %arg3[%dma_wait3A_401, %dma_wait3A_402] : memref<16384x128xf32, #tpu.memory_space<hbm>> -> memref<128x128xf32, #tpu.memory_space<hbm>>
        tpu.wait_dma2 semaphore(%arg22 : memref<!tpu.dma_semaphore, #tpu.memory_space<semaphore_mem>>) src(%dma_wait3A_403 : memref<128x128xf32, #tpu.memory_space<hbm>>) dst(%dma_wait3A_400 : memref<128x128xf32, #tpu.memory_space<vmem>>)
        %dma_start3A_404 = arith.constant 2 : i32
        %dma_start3A_405 = arith.constant 2 : i32
        %dma_start3A_406 = arith.constant 0 : i32
        %dma_start3A_407 = arith.constant 0 : i32
        %dma_start3A_408 = tpu.memref_slice %arg19[%dma_start3A_404, %dma_start3A_406, %dma_start3A_407] : memref<5x128x128xf32, #tpu.memory_space<vmem>> -> memref<1x128x128xf32, #tpu.memory_space<vmem>>
        %dma_start3A_409 = tpu.memref_squeeze %dma_start3A_408 : memref<1x128x128xf32, #tpu.memory_space<vmem>> -> memref<128x128xf32, #tpu.memory_space<vmem>>
        %dma_start3A_410 = arith.constant 0 : i32
        %dma_start3A_411 = tpu.memref_slice %arg17[%dma_start3A_405, %dma_start3A_410] : memref<5x128xi32, #tpu.memory_space<vmem>> -> memref<1x128xi32, #tpu.memory_space<vmem>>
        %dma_start3A_412 = tpu.memref_squeeze %dma_start3A_411 : memref<1x128xi32, #tpu.memory_space<vmem>> -> memref<128xi32, #tpu.memory_space<vmem>>
        %dma_start3A_413 = arith.constant 0 : i32
        %dma_start3A_414 = arith.constant 0 : i32
        %dma_start3A_415 = tpu.memref_slice %arg5[%dma_start3A_413, %dma_start3A_414] : memref<200000x128xf32, #tpu.memory_space<hbm>> -> memref<200000x128xf32, #tpu.memory_space<hbm>>
        tpu.enqueue_indirect_dma source(%dma_start3A_409 : memref<128x128xf32, #tpu.memory_space<vmem>>) target(%dma_start3A_415 : memref<200000x128xf32, #tpu.memory_space<hbm>>) offsets(%dma_start3A_412 : memref<128xi32, #tpu.memory_space<vmem>>) semaphore(%arg27 : memref<!tpu.dma_semaphore, #tpu.memory_space<semaphore_mem>>)
      } else {
      }
      %mul3A_322 = arith.constant 5 : i32
      %mul3A_323 = arith.muli %while3A_296, %mul3A_322 : i32
      %add3A_324 = arith.constant 3 : i32
      %add3A_325 = arith.addi %mul3A_323, %add3A_324 : i32
      %lt3A_326 = arith.cmpi slt, %add3A_325, %mul3A_206 : i32
      %convert_element_type3A_327 = arith.extui %lt3A_326 : i1 to i32
      %cond3A_328 = arith.constant 0 : i32
      %cond3A_329 = arith.cmpi ne, %convert_element_type3A_327, %cond3A_328 : i32
      scf.if %cond3A_329 {
        %dma_wait3A_389 = arith.constant 3 : i32
        %dma_wait3A_390 = arith.constant 0 : i32
        %dma_wait3A_391 = arith.constant 0 : i32
        %dma_wait3A_392 = tpu.memref_slice %arg19[%dma_wait3A_389, %dma_wait3A_390, %dma_wait3A_391] : memref<5x128x128xf32, #tpu.memory_space<vmem>> -> memref<1x128x128xf32, #tpu.memory_space<vmem>>
        %dma_wait3A_393 = tpu.memref_squeeze %dma_wait3A_392 : memref<1x128x128xf32, #tpu.memory_space<vmem>> -> memref<128x128xf32, #tpu.memory_space<vmem>>
        %dma_wait3A_394 = arith.constant 0 : i32
        %dma_wait3A_395 = arith.constant 0 : i32
        %dma_wait3A_396 = tpu.memref_slice %arg3[%dma_wait3A_394, %dma_wait3A_395] : memref<16384x128xf32, #tpu.memory_space<hbm>> -> memref<128x128xf32, #tpu.memory_space<hbm>>
        %dma_wait3A_397 = arith.constant 0 : i32
        %dma_wait3A_398 = arith.constant 0 : i32
        %dma_wait3A_399 = tpu.memref_slice %arg19[%dma_wait3A_389, %dma_wait3A_397, %dma_wait3A_398] : memref<5x128x128xf32, #tpu.memory_space<vmem>> -> memref<1x128x128xf32, #tpu.memory_space<vmem>>
        %dma_wait3A_400 = tpu.memref_squeeze %dma_wait3A_399 : memref<1x128x128xf32, #tpu.memory_space<vmem>> -> memref<128x128xf32, #tpu.memory_space<vmem>>
        %dma_wait3A_401 = arith.constant 0 : i32
        %dma_wait3A_402 = arith.constant 0 : i32
        %dma_wait3A_403 = tpu.memref_slice %arg3[%dma_wait3A_401, %dma_wait3A_402] : memref<16384x128xf32, #tpu.memory_space<hbm>> -> memref<128x128xf32, #tpu.memory_space<hbm>>
        tpu.wait_dma2 semaphore(%arg23 : memref<!tpu.dma_semaphore, #tpu.memory_space<semaphore_mem>>) src(%dma_wait3A_403 : memref<128x128xf32, #tpu.memory_space<hbm>>) dst(%dma_wait3A_400 : memref<128x128xf32, #tpu.memory_space<vmem>>)
        %dma_start3A_404 = arith.constant 3 : i32
        %dma_start3A_405 = arith.constant 3 : i32
        %dma_start3A_406 = arith.constant 0 : i32
        %dma_start3A_407 = arith.constant 0 : i32
        %dma_start3A_408 = tpu.memref_slice %arg19[%dma_start3A_404, %dma_start3A_406, %dma_start3A_407] : memref<5x128x128xf32, #tpu.memory_space<vmem>> -> memref<1x128x128xf32, #tpu.memory_space<vmem>>
        %dma_start3A_409 = tpu.memref_squeeze %dma_start3A_408 : memref<1x128x128xf32, #tpu.memory_space<vmem>> -> memref<128x128xf32, #tpu.memory_space<vmem>>
        %dma_start3A_410 = arith.constant 0 : i32
        %dma_start3A_411 = tpu.memref_slice %arg17[%dma_start3A_405, %dma_start3A_410] : memref<5x128xi32, #tpu.memory_space<vmem>> -> memref<1x128xi32, #tpu.memory_space<vmem>>
        %dma_start3A_412 = tpu.memref_squeeze %dma_start3A_411 : memref<1x128xi32, #tpu.memory_space<vmem>> -> memref<128xi32, #tpu.memory_space<vmem>>
        %dma_start3A_413 = arith.constant 0 : i32
        %dma_start3A_414 = arith.constant 0 : i32
        %dma_start3A_415 = tpu.memref_slice %arg5[%dma_start3A_413, %dma_start3A_414] : memref<200000x128xf32, #tpu.memory_space<hbm>> -> memref<200000x128xf32, #tpu.memory_space<hbm>>
        tpu.enqueue_indirect_dma source(%dma_start3A_409 : memref<128x128xf32, #tpu.memory_space<vmem>>) target(%dma_start3A_415 : memref<200000x128xf32, #tpu.memory_space<hbm>>) offsets(%dma_start3A_412 : memref<128xi32, #tpu.memory_space<vmem>>) semaphore(%arg28 : memref<!tpu.dma_semaphore, #tpu.memory_space<semaphore_mem>>)
      } else {
      }
      %mul3A_330 = arith.constant 5 : i32
      %mul3A_331 = arith.muli %while3A_296, %mul3A_330 : i32
      %add3A_332 = arith.constant 4 : i32
      %add3A_333 = arith.addi %mul3A_331, %add3A_332 : i32
      %lt3A_334 = arith.cmpi slt, %add3A_333, %mul3A_206 : i32
      %convert_element_type3A_335 = arith.extui %lt3A_334 : i1 to i32
      %cond3A_336 = arith.constant 0 : i32
      %cond3A_337 = arith.cmpi ne, %convert_element_type3A_335, %cond3A_336 : i32
      scf.if %cond3A_337 {
        %dma_wait3A_389 = arith.constant 4 : i32
        %dma_wait3A_390 = arith.constant 0 : i32
        %dma_wait3A_391 = arith.constant 0 : i32
        %dma_wait3A_392 = tpu.memref_slice %arg19[%dma_wait3A_389, %dma_wait3A_390, %dma_wait3A_391] : memref<5x128x128xf32, #tpu.memory_space<vmem>> -> memref<1x128x128xf32, #tpu.memory_space<vmem>>
        %dma_wait3A_393 = tpu.memref_squeeze %dma_wait3A_392 : memref<1x128x128xf32, #tpu.memory_space<vmem>> -> memref<128x128xf32, #tpu.memory_space<vmem>>
        %dma_wait3A_394 = arith.constant 0 : i32
        %dma_wait3A_395 = arith.constant 0 : i32
        %dma_wait3A_396 = tpu.memref_slice %arg3[%dma_wait3A_394, %dma_wait3A_395] : memref<16384x128xf32, #tpu.memory_space<hbm>> -> memref<128x128xf32, #tpu.memory_space<hbm>>
        %dma_wait3A_397 = arith.constant 0 : i32
        %dma_wait3A_398 = arith.constant 0 : i32
        %dma_wait3A_399 = tpu.memref_slice %arg19[%dma_wait3A_389, %dma_wait3A_397, %dma_wait3A_398] : memref<5x128x128xf32, #tpu.memory_space<vmem>> -> memref<1x128x128xf32, #tpu.memory_space<vmem>>
        %dma_wait3A_400 = tpu.memref_squeeze %dma_wait3A_399 : memref<1x128x128xf32, #tpu.memory_space<vmem>> -> memref<128x128xf32, #tpu.memory_space<vmem>>
        %dma_wait3A_401 = arith.constant 0 : i32
        %dma_wait3A_402 = arith.constant 0 : i32
        %dma_wait3A_403 = tpu.memref_slice %arg3[%dma_wait3A_401, %dma_wait3A_402] : memref<16384x128xf32, #tpu.memory_space<hbm>> -> memref<128x128xf32, #tpu.memory_space<hbm>>
        tpu.wait_dma2 semaphore(%arg24 : memref<!tpu.dma_semaphore, #tpu.memory_space<semaphore_mem>>) src(%dma_wait3A_403 : memref<128x128xf32, #tpu.memory_space<hbm>>) dst(%dma_wait3A_400 : memref<128x128xf32, #tpu.memory_space<vmem>>)
        %dma_start3A_404 = arith.constant 4 : i32
        %dma_start3A_405 = arith.constant 4 : i32
        %dma_start3A_406 = arith.constant 0 : i32
        %dma_start3A_407 = arith.constant 0 : i32
        %dma_start3A_408 = tpu.memref_slice %arg19[%dma_start3A_404, %dma_start3A_406, %dma_start3A_407] : memref<5x128x128xf32, #tpu.memory_space<vmem>> -> memref<1x128x128xf32, #tpu.memory_space<vmem>>
        %dma_start3A_409 = tpu.memref_squeeze %dma_start3A_408 : memref<1x128x128xf32, #tpu.memory_space<vmem>> -> memref<128x128xf32, #tpu.memory_space<vmem>>
        %dma_start3A_410 = arith.constant 0 : i32
        %dma_start3A_411 = tpu.memref_slice %arg17[%dma_start3A_405, %dma_start3A_410] : memref<5x128xi32, #tpu.memory_space<vmem>> -> memref<1x128xi32, #tpu.memory_space<vmem>>
        %dma_start3A_412 = tpu.memref_squeeze %dma_start3A_411 : memref<1x128xi32, #tpu.memory_space<vmem>> -> memref<128xi32, #tpu.memory_space<vmem>>
        %dma_start3A_413 = arith.constant 0 : i32
        %dma_start3A_414 = arith.constant 0 : i32
        %dma_start3A_415 = tpu.memref_slice %arg5[%dma_start3A_413, %dma_start3A_414] : memref<200000x128xf32, #tpu.memory_space<hbm>> -> memref<200000x128xf32, #tpu.memory_space<hbm>>
        tpu.enqueue_indirect_dma source(%dma_start3A_409 : memref<128x128xf32, #tpu.memory_space<vmem>>) target(%dma_start3A_415 : memref<200000x128xf32, #tpu.memory_space<hbm>>) offsets(%dma_start3A_412 : memref<128xi32, #tpu.memory_space<vmem>>) semaphore(%arg29 : memref<!tpu.dma_semaphore, #tpu.memory_space<semaphore_mem>>)
      } else {
      }
      %add3A_338 = arith.constant 1 : i32
      %add3A_339 = arith.addi %while3A_296, %add3A_338 : i32
      %mul3A_340 = arith.constant 5 : i32
      %mul3A_341 = arith.muli %add3A_339, %mul3A_340 : i32
      %add3A_342 = arith.constant 0 : i32
      %add3A_343 = arith.addi %mul3A_341, %add3A_342 : i32
      %lt3A_344 = arith.cmpi slt, %add3A_343, %mul3A_206 : i32
      %convert_element_type3A_345 = arith.extui %lt3A_344 : i1 to i32
      %cond3A_346 = arith.constant 0 : i32
      %cond3A_347 = arith.cmpi ne, %convert_element_type3A_345, %cond3A_346 : i32
      scf.if %cond3A_347 {
        %dma_wait3A_389 = arith.constant 0 : i32
        %dma_wait3A_390 = arith.constant 0 : i32
        %dma_wait3A_391 = arith.constant 0 : i32
        %dma_wait3A_392 = tpu.memref_slice %arg19[%dma_wait3A_389, %dma_wait3A_390, %dma_wait3A_391] : memref<5x128x128xf32, #tpu.memory_space<vmem>> -> memref<1x128x128xf32, #tpu.memory_space<vmem>>
        %dma_wait3A_393 = tpu.memref_squeeze %dma_wait3A_392 : memref<1x128x128xf32, #tpu.memory_space<vmem>> -> memref<128x128xf32, #tpu.memory_space<vmem>>
        %dma_wait3A_394 = arith.constant 0 : i32
        %dma_wait3A_395 = arith.constant 0 : i32
        %dma_wait3A_396 = tpu.memref_slice %arg3[%dma_wait3A_394, %dma_wait3A_395] : memref<16384x128xf32, #tpu.memory_space<hbm>> -> memref<128x128xf32, #tpu.memory_space<hbm>>
        %dma_wait3A_397 = arith.constant 0 : i32
        %dma_wait3A_398 = arith.constant 0 : i32
        %dma_wait3A_399 = tpu.memref_slice %arg19[%dma_wait3A_389, %dma_wait3A_397, %dma_wait3A_398] : memref<5x128x128xf32, #tpu.memory_space<vmem>> -> memref<1x128x128xf32, #tpu.memory_space<vmem>>
        %dma_wait3A_400 = tpu.memref_squeeze %dma_wait3A_399 : memref<1x128x128xf32, #tpu.memory_space<vmem>> -> memref<128x128xf32, #tpu.memory_space<vmem>>
        %dma_wait3A_401 = arith.constant 0 : i32
        %dma_wait3A_402 = arith.constant 0 : i32
        %dma_wait3A_403 = tpu.memref_slice %arg3[%dma_wait3A_401, %dma_wait3A_402] : memref<16384x128xf32, #tpu.memory_space<hbm>> -> memref<128x128xf32, #tpu.memory_space<hbm>>
        tpu.wait_dma2 semaphore(%arg25 : memref<!tpu.dma_semaphore, #tpu.memory_space<semaphore_mem>>) src(%dma_wait3A_403 : memref<128x128xf32, #tpu.memory_space<hbm>>) dst(%dma_wait3A_400 : memref<128x128xf32, #tpu.memory_space<vmem>>)
        %ge3A = arith.cmpi sge, %add3A_343, %select_n3A_204 : i32
        %sub3A_404 = arith.subi %add3A_343, %select_n3A_204 : i32
        %select_n3A_405 = arith.select %ge3A, %sub3A_404, %add3A_343 : i32
        %jit3A_406 = arith.constant 100000 : i32
        %jit3A_407 = arith.constant 0 : i32
        %select_n3A_408 = arith.select %ge3A, %jit3A_406, %jit3A_407 : i32
        %scan3A_409 = arith.constant 0 : i32
        %scan3A_410 = arith.constant 0 : i32
        %scan3A_411 = arith.constant 8 : i32
        %scan3A_412 = arith.addi %scan3A_410, %scan3A_411 : i32
        %scan3A_413 = arith.constant 1 : i32
        %scan3A_414 = scf.for %scan3A_423 = %scan3A_410 to %scan3A_412 step %scan3A_413 iter_args(%scan3A_424 = %scan3A_409) -> (i32)  : i32 {
          %mul3A_425 = arith.constant 128 : i32
          %mul3A_426 = arith.muli %select_n3A_405, %mul3A_425 : i32
          %mul3A_427 = arith.constant 16 : i32
          %mul3A_428 = arith.muli %scan3A_423, %mul3A_427 : i32
          %add3A_429 = arith.addi %mul3A_426, %mul3A_428 : i32
          %get3A = arith.index_cast %add3A_429 : i32 to index
          %get3A_430 = tpu.vector_load %arg15[%get3A] {strides = array<i32>} : memref<3328xi32, #tpu.memory_space<vmem>>, vector<16xi32>,
          %add3A_431 = vector.broadcast %select_n3A_408 : i32 to vector<16xi32>
          %add3A_432 = arith.addi %get3A_430, %add3A_431 : vector<16xi32>
          %mul3A_433 = arith.constant 16 : i32
          %mul3A_434 = arith.muli %scan3A_423, %mul3A_433 : i32
          %swap3A = arith.constant 0 : i32
          %swap3A_435 = arith.constant 0 : i32
          %swap3A_436 = tpu.memref_slice %arg17[%swap3A, %swap3A_435] : memref<5x128xi32, #tpu.memory_space<vmem>> -> memref<1x128xi32, #tpu.memory_space<vmem>>
          %swap3A_437 = tpu.memref_squeeze %swap3A_436 : memref<1x128xi32, #tpu.memory_space<vmem>> -> memref<128xi32, #tpu.memory_space<vmem>>
          %swap3A_438 = arith.index_cast %mul3A_434 : i32 to index
          %swap3A_439 = tpu.vector_load %swap3A_437[%swap3A_438] {strides = array<i32>} : memref<128xi32, #tpu.memory_space<vmem>>, vector<16xi32>,
          tpu.vector_store %swap3A_437[%swap3A_438], %add3A_432 {strides = array<i32>} : memref<128xi32, #tpu.memory_space<vmem>>, vector<16xi32>,
          %mul3A_440 = arith.constant 128 : i32
          %mul3A_441 = arith.muli %select_n3A_405, %mul3A_440 : i32
          %mul3A_442 = arith.constant 16 : i32
          %mul3A_443 = arith.muli %scan3A_423, %mul3A_442 : i32
          %add3A_444 = arith.addi %mul3A_441, %mul3A_443 : i32
          %get3A_445 = arith.index_cast %add3A_444 : i32 to index
          %get3A_446 = tpu.vector_load %arg16[%get3A_445] {strides = array<i32>} : memref<3328xi32, #tpu.memory_space<vmem>>, vector<16xi32>,
          %mul3A_447 = arith.constant 16 : i32
          %mul3A_448 = arith.muli %scan3A_423, %mul3A_447 : i32
          %swap3A_449 = arith.constant 0 : i32
          %swap3A_450 = arith.constant 0 : i32
          %swap3A_451 = tpu.memref_slice %arg18[%swap3A_449, %swap3A_450] : memref<5x128xi32, #tpu.memory_space<vmem>> -> memref<1x128xi32, #tpu.memory_space<vmem>>
          %swap3A_452 = tpu.memref_squeeze %swap3A_451 : memref<1x128xi32, #tpu.memory_space<vmem>> -> memref<128xi32, #tpu.memory_space<vmem>>
          %swap3A_453 = arith.index_cast %mul3A_448 : i32 to index
          %swap3A_454 = tpu.vector_load %swap3A_452[%swap3A_453] {strides = array<i32>} : memref<128xi32, #tpu.memory_space<vmem>>, vector<16xi32>,
          tpu.vector_store %swap3A_452[%swap3A_453], %get3A_446 {strides = array<i32>} : memref<128xi32, #tpu.memory_space<vmem>>, vector<16xi32>,
          %scan3A_455 = arith.constant 0 : i32
          scf.yield %scan3A_455 : i32
        }
        %scan3A_415 = arith.constant 8 : i32
        %not3A = arith.constant true
        %not3A_416 = arith.xori %ge3A, %not3A : i1
        %convert_element_type3A_417 = arith.extui %not3A_416 : i1 to i32
        %cond3A_418 = arith.constant 0 : i32
        %cond3A_419 = arith.cmpi ne, %convert_element_type3A_417, %cond3A_418 : i32
        scf.if %cond3A_419 {
          %dma_start3A_423 = arith.constant 0 : i32
          %dma_start3A_424 = arith.constant 0 : i32
          %dma_start3A_425 = arith.constant 0 : i32
          %dma_start3A_426 = arith.constant 0 : i32
          %dma_start3A_427 = tpu.memref_slice %arg19[%dma_start3A_424, %dma_start3A_425, %dma_start3A_426] : memref<5x128x128xf32, #tpu.memory_space<vmem>> -> memref<1x128x128xf32, #tpu.memory_space<vmem>>
          %dma_start3A_428 = tpu.memref_squeeze %dma_start3A_427 : memref<1x128x128xf32, #tpu.memory_space<vmem>> -> memref<128x128xf32, #tpu.memory_space<vmem>>
          %dma_start3A_429 = arith.constant 0 : i32
          %dma_start3A_430 = tpu.memref_slice %arg18[%dma_start3A_423, %dma_start3A_429] : memref<5x128xi32, #tpu.memory_space<vmem>> -> memref<1x128xi32, #tpu.memory_space<vmem>>
          %dma_start3A_431 = tpu.memref_squeeze %dma_start3A_430 : memref<1x128xi32, #tpu.memory_space<vmem>> -> memref<128xi32, #tpu.memory_space<vmem>>
          %dma_start3A_432 = arith.constant 0 : i32
          %dma_start3A_433 = arith.constant 0 : i32
          %dma_start3A_434 = tpu.memref_slice %arg3[%dma_start3A_432, %dma_start3A_433] : memref<16384x128xf32, #tpu.memory_space<hbm>> -> memref<16384x128xf32, #tpu.memory_space<hbm>>
          tpu.enqueue_indirect_dma source(%dma_start3A_434 : memref<16384x128xf32, #tpu.memory_space<hbm>>) target(%dma_start3A_428 : memref<128x128xf32, #tpu.memory_space<vmem>>) offsets(%dma_start3A_431 : memref<128xi32, #tpu.memory_space<vmem>>) semaphore(%arg20 : memref<!tpu.dma_semaphore, #tpu.memory_space<semaphore_mem>>)
        } else {
        }
        %convert_element_type3A_420 = arith.extui %ge3A : i1 to i32
        %cond3A_421 = arith.constant 0 : i32
        %cond3A_422 = arith.cmpi ne, %convert_element_type3A_420, %cond3A_421 : i32
        scf.if %cond3A_422 {
          %dma_start3A_423 = arith.constant 0 : i32
          %dma_start3A_424 = arith.constant 0 : i32
          %dma_start3A_425 = arith.constant 0 : i32
          %dma_start3A_426 = arith.constant 0 : i32
          %dma_start3A_427 = tpu.memref_slice %arg19[%dma_start3A_424, %dma_start3A_425, %dma_start3A_426] : memref<5x128x128xf32, #tpu.memory_space<vmem>> -> memref<1x128x128xf32, #tpu.memory_space<vmem>>
          %dma_start3A_428 = tpu.memref_squeeze %dma_start3A_427 : memref<1x128x128xf32, #tpu.memory_space<vmem>> -> memref<128x128xf32, #tpu.memory_space<vmem>>
          %dma_start3A_429 = arith.constant 0 : i32
          %dma_start3A_430 = tpu.memref_slice %arg18[%dma_start3A_423, %dma_start3A_429] : memref<5x128xi32, #tpu.memory_space<vmem>> -> memref<1x128xi32, #tpu.memory_space<vmem>>
          %dma_start3A_431 = tpu.memref_squeeze %dma_start3A_430 : memref<1x128xi32, #tpu.memory_space<vmem>> -> memref<128xi32, #tpu.memory_space<vmem>>
          %dma_start3A_432 = arith.constant 0 : i32
          %dma_start3A_433 = arith.constant 0 : i32
          %dma_start3A_434 = tpu.memref_slice %arg4[%dma_start3A_432, %dma_start3A_433] : memref<16384x128xf32, #tpu.memory_space<hbm>> -> memref<16384x128xf32, #tpu.memory_space<hbm>>
          tpu.enqueue_indirect_dma source(%dma_start3A_434 : memref<16384x128xf32, #tpu.memory_space<hbm>>) target(%dma_start3A_428 : memref<128x128xf32, #tpu.memory_space<vmem>>) offsets(%dma_start3A_431 : memref<128xi32, #tpu.memory_space<vmem>>) semaphore(%arg20 : memref<!tpu.dma_semaphore, #tpu.memory_space<semaphore_mem>>)
        } else {
        }
      } else {
      }
      %add3A_348 = arith.constant 1 : i32
      %add3A_349 = arith.addi %while3A_296, %add3A_348 : i32
      %mul3A_350 = arith.constant 5 : i32
      %mul3A_351 = arith.muli %add3A_349, %mul3A_350 : i32
      %add3A_352 = arith.constant 1 : i32
      %add3A_353 = arith.addi %mul3A_351, %add3A_352 : i32
      %lt3A_354 = arith.cmpi slt, %add3A_353, %mul3A_206 : i32
      %convert_element_type3A_355 = arith.extui %lt3A_354 : i1 to i32
      %cond3A_356 = arith.constant 0 : i32
      %cond3A_357 = arith.cmpi ne, %convert_element_type3A_355, %cond3A_356 : i32
      scf.if %cond3A_357 {
        %dma_wait3A_389 = arith.constant 1 : i32
        %dma_wait3A_390 = arith.constant 0 : i32
        %dma_wait3A_391 = arith.constant 0 : i32
        %dma_wait3A_392 = tpu.memref_slice %arg19[%dma_wait3A_389, %dma_wait3A_390, %dma_wait3A_391] : memref<5x128x128xf32, #tpu.memory_space<vmem>> -> memref<1x128x128xf32, #tpu.memory_space<vmem>>
        %dma_wait3A_393 = tpu.memref_squeeze %dma_wait3A_392 : memref<1x128x128xf32, #tpu.memory_space<vmem>> -> memref<128x128xf32, #tpu.memory_space<vmem>>
        %dma_wait3A_394 = arith.constant 0 : i32
        %dma_wait3A_395 = arith.constant 0 : i32
        %dma_wait3A_396 = tpu.memref_slice %arg3[%dma_wait3A_394, %dma_wait3A_395] : memref<16384x128xf32, #tpu.memory_space<hbm>> -> memref<128x128xf32, #tpu.memory_space<hbm>>
        %dma_wait3A_397 = arith.constant 0 : i32
        %dma_wait3A_398 = arith.constant 0 : i32
        %dma_wait3A_399 = tpu.memref_slice %arg19[%dma_wait3A_389, %dma_wait3A_397, %dma_wait3A_398] : memref<5x128x128xf32, #tpu.memory_space<vmem>> -> memref<1x128x128xf32, #tpu.memory_space<vmem>>
        %dma_wait3A_400 = tpu.memref_squeeze %dma_wait3A_399 : memref<1x128x128xf32, #tpu.memory_space<vmem>> -> memref<128x128xf32, #tpu.memory_space<vmem>>
        %dma_wait3A_401 = arith.constant 0 : i32
        %dma_wait3A_402 = arith.constant 0 : i32
        %dma_wait3A_403 = tpu.memref_slice %arg3[%dma_wait3A_401, %dma_wait3A_402] : memref<16384x128xf32, #tpu.memory_space<hbm>> -> memref<128x128xf32, #tpu.memory_space<hbm>>
        tpu.wait_dma2 semaphore(%arg26 : memref<!tpu.dma_semaphore, #tpu.memory_space<semaphore_mem>>) src(%dma_wait3A_403 : memref<128x128xf32, #tpu.memory_space<hbm>>) dst(%dma_wait3A_400 : memref<128x128xf32, #tpu.memory_space<vmem>>)
        %ge3A = arith.cmpi sge, %add3A_353, %select_n3A_204 : i32
        %sub3A_404 = arith.subi %add3A_353, %select_n3A_204 : i32
        %select_n3A_405 = arith.select %ge3A, %sub3A_404, %add3A_353 : i32
        %jit3A_406 = arith.constant 100000 : i32
        %jit3A_407 = arith.constant 0 : i32
        %select_n3A_408 = arith.select %ge3A, %jit3A_406, %jit3A_407 : i32
        %scan3A_409 = arith.constant 0 : i32
        %scan3A_410 = arith.constant 0 : i32
        %scan3A_411 = arith.constant 8 : i32
        %scan3A_412 = arith.addi %scan3A_410, %scan3A_411 : i32
        %scan3A_413 = arith.constant 1 : i32
        %scan3A_414 = scf.for %scan3A_423 = %scan3A_410 to %scan3A_412 step %scan3A_413 iter_args(%scan3A_424 = %scan3A_409) -> (i32)  : i32 {
          %mul3A_425 = arith.constant 128 : i32
          %mul3A_426 = arith.muli %select_n3A_405, %mul3A_425 : i32
          %mul3A_427 = arith.constant 16 : i32
          %mul3A_428 = arith.muli %scan3A_423, %mul3A_427 : i32
          %add3A_429 = arith.addi %mul3A_426, %mul3A_428 : i32
          %get3A = arith.index_cast %add3A_429 : i32 to index
          %get3A_430 = tpu.vector_load %arg15[%get3A] {strides = array<i32>} : memref<3328xi32, #tpu.memory_space<vmem>>, vector<16xi32>,
          %add3A_431 = vector.broadcast %select_n3A_408 : i32 to vector<16xi32>
          %add3A_432 = arith.addi %get3A_430, %add3A_431 : vector<16xi32>
          %mul3A_433 = arith.constant 16 : i32
          %mul3A_434 = arith.muli %scan3A_423, %mul3A_433 : i32
          %swap3A = arith.constant 1 : i32
          %swap3A_435 = arith.constant 0 : i32
          %swap3A_436 = tpu.memref_slice %arg17[%swap3A, %swap3A_435] : memref<5x128xi32, #tpu.memory_space<vmem>> -> memref<1x128xi32, #tpu.memory_space<vmem>>
          %swap3A_437 = tpu.memref_squeeze %swap3A_436 : memref<1x128xi32, #tpu.memory_space<vmem>> -> memref<128xi32, #tpu.memory_space<vmem>>
          %swap3A_438 = arith.index_cast %mul3A_434 : i32 to index
          %swap3A_439 = tpu.vector_load %swap3A_437[%swap3A_438] {strides = array<i32>} : memref<128xi32, #tpu.memory_space<vmem>>, vector<16xi32>,
          tpu.vector_store %swap3A_437[%swap3A_438], %add3A_432 {strides = array<i32>} : memref<128xi32, #tpu.memory_space<vmem>>, vector<16xi32>,
          %mul3A_440 = arith.constant 128 : i32
          %mul3A_441 = arith.muli %select_n3A_405, %mul3A_440 : i32
          %mul3A_442 = arith.constant 16 : i32
          %mul3A_443 = arith.muli %scan3A_423, %mul3A_442 : i32
          %add3A_444 = arith.addi %mul3A_441, %mul3A_443 : i32
          %get3A_445 = arith.index_cast %add3A_444 : i32 to index
          %get3A_446 = tpu.vector_load %arg16[%get3A_445] {strides = array<i32>} : memref<3328xi32, #tpu.memory_space<vmem>>, vector<16xi32>,
          %mul3A_447 = arith.constant 16 : i32
          %mul3A_448 = arith.muli %scan3A_423, %mul3A_447 : i32
          %swap3A_449 = arith.constant 1 : i32
          %swap3A_450 = arith.constant 0 : i32
          %swap3A_451 = tpu.memref_slice %arg18[%swap3A_449, %swap3A_450] : memref<5x128xi32, #tpu.memory_space<vmem>> -> memref<1x128xi32, #tpu.memory_space<vmem>>
          %swap3A_452 = tpu.memref_squeeze %swap3A_451 : memref<1x128xi32, #tpu.memory_space<vmem>> -> memref<128xi32, #tpu.memory_space<vmem>>
          %swap3A_453 = arith.index_cast %mul3A_448 : i32 to index
          %swap3A_454 = tpu.vector_load %swap3A_452[%swap3A_453] {strides = array<i32>} : memref<128xi32, #tpu.memory_space<vmem>>, vector<16xi32>,
          tpu.vector_store %swap3A_452[%swap3A_453], %get3A_446 {strides = array<i32>} : memref<128xi32, #tpu.memory_space<vmem>>, vector<16xi32>,
          %scan3A_455 = arith.constant 0 : i32
          scf.yield %scan3A_455 : i32
        }
        %scan3A_415 = arith.constant 8 : i32
        %not3A = arith.constant true
        %not3A_416 = arith.xori %ge3A, %not3A : i1
        %convert_element_type3A_417 = arith.extui %not3A_416 : i1 to i32
        %cond3A_418 = arith.constant 0 : i32
        %cond3A_419 = arith.cmpi ne, %convert_element_type3A_417, %cond3A_418 : i32
        scf.if %cond3A_419 {
          %dma_start3A_423 = arith.constant 1 : i32
          %dma_start3A_424 = arith.constant 1 : i32
          %dma_start3A_425 = arith.constant 0 : i32
          %dma_start3A_426 = arith.constant 0 : i32
          %dma_start3A_427 = tpu.memref_slice %arg19[%dma_start3A_424, %dma_start3A_425, %dma_start3A_426] : memref<5x128x128xf32, #tpu.memory_space<vmem>> -> memref<1x128x128xf32, #tpu.memory_space<vmem>>
          %dma_start3A_428 = tpu.memref_squeeze %dma_start3A_427 : memref<1x128x128xf32, #tpu.memory_space<vmem>> -> memref<128x128xf32, #tpu.memory_space<vmem>>
          %dma_start3A_429 = arith.constant 0 : i32
          %dma_start3A_430 = tpu.memref_slice %arg18[%dma_start3A_423, %dma_start3A_429] : memref<5x128xi32, #tpu.memory_space<vmem>> -> memref<1x128xi32, #tpu.memory_space<vmem>>
          %dma_start3A_431 = tpu.memref_squeeze %dma_start3A_430 : memref<1x128xi32, #tpu.memory_space<vmem>> -> memref<128xi32, #tpu.memory_space<vmem>>
          %dma_start3A_432 = arith.constant 0 : i32
          %dma_start3A_433 = arith.constant 0 : i32
          %dma_start3A_434 = tpu.memref_slice %arg3[%dma_start3A_432, %dma_start3A_433] : memref<16384x128xf32, #tpu.memory_space<hbm>> -> memref<16384x128xf32, #tpu.memory_space<hbm>>
          tpu.enqueue_indirect_dma source(%dma_start3A_434 : memref<16384x128xf32, #tpu.memory_space<hbm>>) target(%dma_start3A_428 : memref<128x128xf32, #tpu.memory_space<vmem>>) offsets(%dma_start3A_431 : memref<128xi32, #tpu.memory_space<vmem>>) semaphore(%arg21 : memref<!tpu.dma_semaphore, #tpu.memory_space<semaphore_mem>>)
        } else {
        }
        %convert_element_type3A_420 = arith.extui %ge3A : i1 to i32
        %cond3A_421 = arith.constant 0 : i32
        %cond3A_422 = arith.cmpi ne, %convert_element_type3A_420, %cond3A_421 : i32
        scf.if %cond3A_422 {
          %dma_start3A_423 = arith.constant 1 : i32
          %dma_start3A_424 = arith.constant 1 : i32
          %dma_start3A_425 = arith.constant 0 : i32
          %dma_start3A_426 = arith.constant 0 : i32
          %dma_start3A_427 = tpu.memref_slice %arg19[%dma_start3A_424, %dma_start3A_425, %dma_start3A_426] : memref<5x128x128xf32, #tpu.memory_space<vmem>> -> memref<1x128x128xf32, #tpu.memory_space<vmem>>
          %dma_start3A_428 = tpu.memref_squeeze %dma_start3A_427 : memref<1x128x128xf32, #tpu.memory_space<vmem>> -> memref<128x128xf32, #tpu.memory_space<vmem>>
          %dma_start3A_429 = arith.constant 0 : i32
          %dma_start3A_430 = tpu.memref_slice %arg18[%dma_start3A_423, %dma_start3A_429] : memref<5x128xi32, #tpu.memory_space<vmem>> -> memref<1x128xi32, #tpu.memory_space<vmem>>
          %dma_start3A_431 = tpu.memref_squeeze %dma_start3A_430 : memref<1x128xi32, #tpu.memory_space<vmem>> -> memref<128xi32, #tpu.memory_space<vmem>>
          %dma_start3A_432 = arith.constant 0 : i32
          %dma_start3A_433 = arith.constant 0 : i32
          %dma_start3A_434 = tpu.memref_slice %arg4[%dma_start3A_432, %dma_start3A_433] : memref<16384x128xf32, #tpu.memory_space<hbm>> -> memref<16384x128xf32, #tpu.memory_space<hbm>>
          tpu.enqueue_indirect_dma source(%dma_start3A_434 : memref<16384x128xf32, #tpu.memory_space<hbm>>) target(%dma_start3A_428 : memref<128x128xf32, #tpu.memory_space<vmem>>) offsets(%dma_start3A_431 : memref<128xi32, #tpu.memory_space<vmem>>) semaphore(%arg21 : memref<!tpu.dma_semaphore, #tpu.memory_space<semaphore_mem>>)
        } else {
        }
      } else {
      }
      %add3A_358 = arith.constant 1 : i32
      %add3A_359 = arith.addi %while3A_296, %add3A_358 : i32
      %mul3A_360 = arith.constant 5 : i32
      %mul3A_361 = arith.muli %add3A_359, %mul3A_360 : i32
      %add3A_362 = arith.constant 2 : i32
      %add3A_363 = arith.addi %mul3A_361, %add3A_362 : i32
      %lt3A_364 = arith.cmpi slt, %add3A_363, %mul3A_206 : i32
      %convert_element_type3A_365 = arith.extui %lt3A_364 : i1 to i32
      %cond3A_366 = arith.constant 0 : i32
      %cond3A_367 = arith.cmpi ne, %convert_element_type3A_365, %cond3A_366 : i32
      scf.if %cond3A_367 {
        %dma_wait3A_389 = arith.constant 2 : i32
        %dma_wait3A_390 = arith.constant 0 : i32
        %dma_wait3A_391 = arith.constant 0 : i32
        %dma_wait3A_392 = tpu.memref_slice %arg19[%dma_wait3A_389, %dma_wait3A_390, %dma_wait3A_391] : memref<5x128x128xf32, #tpu.memory_space<vmem>> -> memref<1x128x128xf32, #tpu.memory_space<vmem>>
        %dma_wait3A_393 = tpu.memref_squeeze %dma_wait3A_392 : memref<1x128x128xf32, #tpu.memory_space<vmem>> -> memref<128x128xf32, #tpu.memory_space<vmem>>
        %dma_wait3A_394 = arith.constant 0 : i32
        %dma_wait3A_395 = arith.constant 0 : i32
        %dma_wait3A_396 = tpu.memref_slice %arg3[%dma_wait3A_394, %dma_wait3A_395] : memref<16384x128xf32, #tpu.memory_space<hbm>> -> memref<128x128xf32, #tpu.memory_space<hbm>>
        %dma_wait3A_397 = arith.constant 0 : i32
        %dma_wait3A_398 = arith.constant 0 : i32
        %dma_wait3A_399 = tpu.memref_slice %arg19[%dma_wait3A_389, %dma_wait3A_397, %dma_wait3A_398] : memref<5x128x128xf32, #tpu.memory_space<vmem>> -> memref<1x128x128xf32, #tpu.memory_space<vmem>>
        %dma_wait3A_400 = tpu.memref_squeeze %dma_wait3A_399 : memref<1x128x128xf32, #tpu.memory_space<vmem>> -> memref<128x128xf32, #tpu.memory_space<vmem>>
        %dma_wait3A_401 = arith.constant 0 : i32
        %dma_wait3A_402 = arith.constant 0 : i32
        %dma_wait3A_403 = tpu.memref_slice %arg3[%dma_wait3A_401, %dma_wait3A_402] : memref<16384x128xf32, #tpu.memory_space<hbm>> -> memref<128x128xf32, #tpu.memory_space<hbm>>
        tpu.wait_dma2 semaphore(%arg27 : memref<!tpu.dma_semaphore, #tpu.memory_space<semaphore_mem>>) src(%dma_wait3A_403 : memref<128x128xf32, #tpu.memory_space<hbm>>) dst(%dma_wait3A_400 : memref<128x128xf32, #tpu.memory_space<vmem>>)
        %ge3A = arith.cmpi sge, %add3A_363, %select_n3A_204 : i32
        %sub3A_404 = arith.subi %add3A_363, %select_n3A_204 : i32
        %select_n3A_405 = arith.select %ge3A, %sub3A_404, %add3A_363 : i32
        %jit3A_406 = arith.constant 100000 : i32
        %jit3A_407 = arith.constant 0 : i32
        %select_n3A_408 = arith.select %ge3A, %jit3A_406, %jit3A_407 : i32
        %scan3A_409 = arith.constant 0 : i32
        %scan3A_410 = arith.constant 0 : i32
        %scan3A_411 = arith.constant 8 : i32
        %scan3A_412 = arith.addi %scan3A_410, %scan3A_411 : i32
        %scan3A_413 = arith.constant 1 : i32
        %scan3A_414 = scf.for %scan3A_423 = %scan3A_410 to %scan3A_412 step %scan3A_413 iter_args(%scan3A_424 = %scan3A_409) -> (i32)  : i32 {
          %mul3A_425 = arith.constant 128 : i32
          %mul3A_426 = arith.muli %select_n3A_405, %mul3A_425 : i32
          %mul3A_427 = arith.constant 16 : i32
          %mul3A_428 = arith.muli %scan3A_423, %mul3A_427 : i32
          %add3A_429 = arith.addi %mul3A_426, %mul3A_428 : i32
          %get3A = arith.index_cast %add3A_429 : i32 to index
          %get3A_430 = tpu.vector_load %arg15[%get3A] {strides = array<i32>} : memref<3328xi32, #tpu.memory_space<vmem>>, vector<16xi32>,
          %add3A_431 = vector.broadcast %select_n3A_408 : i32 to vector<16xi32>
          %add3A_432 = arith.addi %get3A_430, %add3A_431 : vector<16xi32>
          %mul3A_433 = arith.constant 16 : i32
          %mul3A_434 = arith.muli %scan3A_423, %mul3A_433 : i32
          %swap3A = arith.constant 2 : i32
          %swap3A_435 = arith.constant 0 : i32
          %swap3A_436 = tpu.memref_slice %arg17[%swap3A, %swap3A_435] : memref<5x128xi32, #tpu.memory_space<vmem>> -> memref<1x128xi32, #tpu.memory_space<vmem>>
          %swap3A_437 = tpu.memref_squeeze %swap3A_436 : memref<1x128xi32, #tpu.memory_space<vmem>> -> memref<128xi32, #tpu.memory_space<vmem>>
          %swap3A_438 = arith.index_cast %mul3A_434 : i32 to index
          %swap3A_439 = tpu.vector_load %swap3A_437[%swap3A_438] {strides = array<i32>} : memref<128xi32, #tpu.memory_space<vmem>>, vector<16xi32>,
          tpu.vector_store %swap3A_437[%swap3A_438], %add3A_432 {strides = array<i32>} : memref<128xi32, #tpu.memory_space<vmem>>, vector<16xi32>,
          %mul3A_440 = arith.constant 128 : i32
          %mul3A_441 = arith.muli %select_n3A_405, %mul3A_440 : i32
          %mul3A_442 = arith.constant 16 : i32
          %mul3A_443 = arith.muli %scan3A_423, %mul3A_442 : i32
          %add3A_444 = arith.addi %mul3A_441, %mul3A_443 : i32
          %get3A_445 = arith.index_cast %add3A_444 : i32 to index
          %get3A_446 = tpu.vector_load %arg16[%get3A_445] {strides = array<i32>} : memref<3328xi32, #tpu.memory_space<vmem>>, vector<16xi32>,
          %mul3A_447 = arith.constant 16 : i32
          %mul3A_448 = arith.muli %scan3A_423, %mul3A_447 : i32
          %swap3A_449 = arith.constant 2 : i32
          %swap3A_450 = arith.constant 0 : i32
          %swap3A_451 = tpu.memref_slice %arg18[%swap3A_449, %swap3A_450] : memref<5x128xi32, #tpu.memory_space<vmem>> -> memref<1x128xi32, #tpu.memory_space<vmem>>
          %swap3A_452 = tpu.memref_squeeze %swap3A_451 : memref<1x128xi32, #tpu.memory_space<vmem>> -> memref<128xi32, #tpu.memory_space<vmem>>
          %swap3A_453 = arith.index_cast %mul3A_448 : i32 to index
          %swap3A_454 = tpu.vector_load %swap3A_452[%swap3A_453] {strides = array<i32>} : memref<128xi32, #tpu.memory_space<vmem>>, vector<16xi32>,
          tpu.vector_store %swap3A_452[%swap3A_453], %get3A_446 {strides = array<i32>} : memref<128xi32, #tpu.memory_space<vmem>>, vector<16xi32>,
          %scan3A_455 = arith.constant 0 : i32
          scf.yield %scan3A_455 : i32
        }
        %scan3A_415 = arith.constant 8 : i32
        %not3A = arith.constant true
        %not3A_416 = arith.xori %ge3A, %not3A : i1
        %convert_element_type3A_417 = arith.extui %not3A_416 : i1 to i32
        %cond3A_418 = arith.constant 0 : i32
        %cond3A_419 = arith.cmpi ne, %convert_element_type3A_417, %cond3A_418 : i32
        scf.if %cond3A_419 {
          %dma_start3A_423 = arith.constant 2 : i32
          %dma_start3A_424 = arith.constant 2 : i32
          %dma_start3A_425 = arith.constant 0 : i32
          %dma_start3A_426 = arith.constant 0 : i32
          %dma_start3A_427 = tpu.memref_slice %arg19[%dma_start3A_424, %dma_start3A_425, %dma_start3A_426] : memref<5x128x128xf32, #tpu.memory_space<vmem>> -> memref<1x128x128xf32, #tpu.memory_space<vmem>>
          %dma_start3A_428 = tpu.memref_squeeze %dma_start3A_427 : memref<1x128x128xf32, #tpu.memory_space<vmem>> -> memref<128x128xf32, #tpu.memory_space<vmem>>
          %dma_start3A_429 = arith.constant 0 : i32
          %dma_start3A_430 = tpu.memref_slice %arg18[%dma_start3A_423, %dma_start3A_429] : memref<5x128xi32, #tpu.memory_space<vmem>> -> memref<1x128xi32, #tpu.memory_space<vmem>>
          %dma_start3A_431 = tpu.memref_squeeze %dma_start3A_430 : memref<1x128xi32, #tpu.memory_space<vmem>> -> memref<128xi32, #tpu.memory_space<vmem>>
          %dma_start3A_432 = arith.constant 0 : i32
          %dma_start3A_433 = arith.constant 0 : i32
          %dma_start3A_434 = tpu.memref_slice %arg3[%dma_start3A_432, %dma_start3A_433] : memref<16384x128xf32, #tpu.memory_space<hbm>> -> memref<16384x128xf32, #tpu.memory_space<hbm>>
          tpu.enqueue_indirect_dma source(%dma_start3A_434 : memref<16384x128xf32, #tpu.memory_space<hbm>>) target(%dma_start3A_428 : memref<128x128xf32, #tpu.memory_space<vmem>>) offsets(%dma_start3A_431 : memref<128xi32, #tpu.memory_space<vmem>>) semaphore(%arg22 : memref<!tpu.dma_semaphore, #tpu.memory_space<semaphore_mem>>)
        } else {
        }
        %convert_element_type3A_420 = arith.extui %ge3A : i1 to i32
        %cond3A_421 = arith.constant 0 : i32
        %cond3A_422 = arith.cmpi ne, %convert_element_type3A_420, %cond3A_421 : i32
        scf.if %cond3A_422 {
          %dma_start3A_423 = arith.constant 2 : i32
          %dma_start3A_424 = arith.constant 2 : i32
          %dma_start3A_425 = arith.constant 0 : i32
          %dma_start3A_426 = arith.constant 0 : i32
          %dma_start3A_427 = tpu.memref_slice %arg19[%dma_start3A_424, %dma_start3A_425, %dma_start3A_426] : memref<5x128x128xf32, #tpu.memory_space<vmem>> -> memref<1x128x128xf32, #tpu.memory_space<vmem>>
          %dma_start3A_428 = tpu.memref_squeeze %dma_start3A_427 : memref<1x128x128xf32, #tpu.memory_space<vmem>> -> memref<128x128xf32, #tpu.memory_space<vmem>>
          %dma_start3A_429 = arith.constant 0 : i32
          %dma_start3A_430 = tpu.memref_slice %arg18[%dma_start3A_423, %dma_start3A_429] : memref<5x128xi32, #tpu.memory_space<vmem>> -> memref<1x128xi32, #tpu.memory_space<vmem>>
          %dma_start3A_431 = tpu.memref_squeeze %dma_start3A_430 : memref<1x128xi32, #tpu.memory_space<vmem>> -> memref<128xi32, #tpu.memory_space<vmem>>
          %dma_start3A_432 = arith.constant 0 : i32
          %dma_start3A_433 = arith.constant 0 : i32
          %dma_start3A_434 = tpu.memref_slice %arg4[%dma_start3A_432, %dma_start3A_433] : memref<16384x128xf32, #tpu.memory_space<hbm>> -> memref<16384x128xf32, #tpu.memory_space<hbm>>
          tpu.enqueue_indirect_dma source(%dma_start3A_434 : memref<16384x128xf32, #tpu.memory_space<hbm>>) target(%dma_start3A_428 : memref<128x128xf32, #tpu.memory_space<vmem>>) offsets(%dma_start3A_431 : memref<128xi32, #tpu.memory_space<vmem>>) semaphore(%arg22 : memref<!tpu.dma_semaphore, #tpu.memory_space<semaphore_mem>>)
        } else {
        }
      } else {
      }
      %add3A_368 = arith.constant 1 : i32
      %add3A_369 = arith.addi %while3A_296, %add3A_368 : i32
      %mul3A_370 = arith.constant 5 : i32
      %mul3A_371 = arith.muli %add3A_369, %mul3A_370 : i32
      %add3A_372 = arith.constant 3 : i32
      %add3A_373 = arith.addi %mul3A_371, %add3A_372 : i32
      %lt3A_374 = arith.cmpi slt, %add3A_373, %mul3A_206 : i32
      %convert_element_type3A_375 = arith.extui %lt3A_374 : i1 to i32
      %cond3A_376 = arith.constant 0 : i32
      %cond3A_377 = arith.cmpi ne, %convert_element_type3A_375, %cond3A_376 : i32
      scf.if %cond3A_377 {
        %dma_wait3A_389 = arith.constant 3 : i32
        %dma_wait3A_390 = arith.constant 0 : i32
        %dma_wait3A_391 = arith.constant 0 : i32
        %dma_wait3A_392 = tpu.memref_slice %arg19[%dma_wait3A_389, %dma_wait3A_390, %dma_wait3A_391] : memref<5x128x128xf32, #tpu.memory_space<vmem>> -> memref<1x128x128xf32, #tpu.memory_space<vmem>>
        %dma_wait3A_393 = tpu.memref_squeeze %dma_wait3A_392 : memref<1x128x128xf32, #tpu.memory_space<vmem>> -> memref<128x128xf32, #tpu.memory_space<vmem>>
        %dma_wait3A_394 = arith.constant 0 : i32
        %dma_wait3A_395 = arith.constant 0 : i32
        %dma_wait3A_396 = tpu.memref_slice %arg3[%dma_wait3A_394, %dma_wait3A_395] : memref<16384x128xf32, #tpu.memory_space<hbm>> -> memref<128x128xf32, #tpu.memory_space<hbm>>
        %dma_wait3A_397 = arith.constant 0 : i32
        %dma_wait3A_398 = arith.constant 0 : i32
        %dma_wait3A_399 = tpu.memref_slice %arg19[%dma_wait3A_389, %dma_wait3A_397, %dma_wait3A_398] : memref<5x128x128xf32, #tpu.memory_space<vmem>> -> memref<1x128x128xf32, #tpu.memory_space<vmem>>
        %dma_wait3A_400 = tpu.memref_squeeze %dma_wait3A_399 : memref<1x128x128xf32, #tpu.memory_space<vmem>> -> memref<128x128xf32, #tpu.memory_space<vmem>>
        %dma_wait3A_401 = arith.constant 0 : i32
        %dma_wait3A_402 = arith.constant 0 : i32
        %dma_wait3A_403 = tpu.memref_slice %arg3[%dma_wait3A_401, %dma_wait3A_402] : memref<16384x128xf32, #tpu.memory_space<hbm>> -> memref<128x128xf32, #tpu.memory_space<hbm>>
        tpu.wait_dma2 semaphore(%arg28 : memref<!tpu.dma_semaphore, #tpu.memory_space<semaphore_mem>>) src(%dma_wait3A_403 : memref<128x128xf32, #tpu.memory_space<hbm>>) dst(%dma_wait3A_400 : memref<128x128xf32, #tpu.memory_space<vmem>>)
        %ge3A = arith.cmpi sge, %add3A_373, %select_n3A_204 : i32
        %sub3A_404 = arith.subi %add3A_373, %select_n3A_204 : i32
        %select_n3A_405 = arith.select %ge3A, %sub3A_404, %add3A_373 : i32
        %jit3A_406 = arith.constant 100000 : i32
        %jit3A_407 = arith.constant 0 : i32
        %select_n3A_408 = arith.select %ge3A, %jit3A_406, %jit3A_407 : i32
        %scan3A_409 = arith.constant 0 : i32
        %scan3A_410 = arith.constant 0 : i32
        %scan3A_411 = arith.constant 8 : i32
        %scan3A_412 = arith.addi %scan3A_410, %scan3A_411 : i32
        %scan3A_413 = arith.constant 1 : i32
        %scan3A_414 = scf.for %scan3A_423 = %scan3A_410 to %scan3A_412 step %scan3A_413 iter_args(%scan3A_424 = %scan3A_409) -> (i32)  : i32 {
          %mul3A_425 = arith.constant 128 : i32
          %mul3A_426 = arith.muli %select_n3A_405, %mul3A_425 : i32
          %mul3A_427 = arith.constant 16 : i32
          %mul3A_428 = arith.muli %scan3A_423, %mul3A_427 : i32
          %add3A_429 = arith.addi %mul3A_426, %mul3A_428 : i32
          %get3A = arith.index_cast %add3A_429 : i32 to index
          %get3A_430 = tpu.vector_load %arg15[%get3A] {strides = array<i32>} : memref<3328xi32, #tpu.memory_space<vmem>>, vector<16xi32>,
          %add3A_431 = vector.broadcast %select_n3A_408 : i32 to vector<16xi32>
          %add3A_432 = arith.addi %get3A_430, %add3A_431 : vector<16xi32>
          %mul3A_433 = arith.constant 16 : i32
          %mul3A_434 = arith.muli %scan3A_423, %mul3A_433 : i32
          %swap3A = arith.constant 3 : i32
          %swap3A_435 = arith.constant 0 : i32
          %swap3A_436 = tpu.memref_slice %arg17[%swap3A, %swap3A_435] : memref<5x128xi32, #tpu.memory_space<vmem>> -> memref<1x128xi32, #tpu.memory_space<vmem>>
          %swap3A_437 = tpu.memref_squeeze %swap3A_436 : memref<1x128xi32, #tpu.memory_space<vmem>> -> memref<128xi32, #tpu.memory_space<vmem>>
          %swap3A_438 = arith.index_cast %mul3A_434 : i32 to index
          %swap3A_439 = tpu.vector_load %swap3A_437[%swap3A_438] {strides = array<i32>} : memref<128xi32, #tpu.memory_space<vmem>>, vector<16xi32>,
          tpu.vector_store %swap3A_437[%swap3A_438], %add3A_432 {strides = array<i32>} : memref<128xi32, #tpu.memory_space<vmem>>, vector<16xi32>,
          %mul3A_440 = arith.constant 128 : i32
          %mul3A_441 = arith.muli %select_n3A_405, %mul3A_440 : i32
          %mul3A_442 = arith.constant 16 : i32
          %mul3A_443 = arith.muli %scan3A_423, %mul3A_442 : i32
          %add3A_444 = arith.addi %mul3A_441, %mul3A_443 : i32
          %get3A_445 = arith.index_cast %add3A_444 : i32 to index
          %get3A_446 = tpu.vector_load %arg16[%get3A_445] {strides = array<i32>} : memref<3328xi32, #tpu.memory_space<vmem>>, vector<16xi32>,
          %mul3A_447 = arith.constant 16 : i32
          %mul3A_448 = arith.muli %scan3A_423, %mul3A_447 : i32
          %swap3A_449 = arith.constant 3 : i32
          %swap3A_450 = arith.constant 0 : i32
          %swap3A_451 = tpu.memref_slice %arg18[%swap3A_449, %swap3A_450] : memref<5x128xi32, #tpu.memory_space<vmem>> -> memref<1x128xi32, #tpu.memory_space<vmem>>
          %swap3A_452 = tpu.memref_squeeze %swap3A_451 : memref<1x128xi32, #tpu.memory_space<vmem>> -> memref<128xi32, #tpu.memory_space<vmem>>
          %swap3A_453 = arith.index_cast %mul3A_448 : i32 to index
          %swap3A_454 = tpu.vector_load %swap3A_452[%swap3A_453] {strides = array<i32>} : memref<128xi32, #tpu.memory_space<vmem>>, vector<16xi32>,
          tpu.vector_store %swap3A_452[%swap3A_453], %get3A_446 {strides = array<i32>} : memref<128xi32, #tpu.memory_space<vmem>>, vector<16xi32>,
          %scan3A_455 = arith.constant 0 : i32
          scf.yield %scan3A_455 : i32
        }
        %scan3A_415 = arith.constant 8 : i32
        %not3A = arith.constant true
        %not3A_416 = arith.xori %ge3A, %not3A : i1
        %convert_element_type3A_417 = arith.extui %not3A_416 : i1 to i32
        %cond3A_418 = arith.constant 0 : i32
        %cond3A_419 = arith.cmpi ne, %convert_element_type3A_417, %cond3A_418 : i32
        scf.if %cond3A_419 {
          %dma_start3A_423 = arith.constant 3 : i32
          %dma_start3A_424 = arith.constant 3 : i32
          %dma_start3A_425 = arith.constant 0 : i32
          %dma_start3A_426 = arith.constant 0 : i32
          %dma_start3A_427 = tpu.memref_slice %arg19[%dma_start3A_424, %dma_start3A_425, %dma_start3A_426] : memref<5x128x128xf32, #tpu.memory_space<vmem>> -> memref<1x128x128xf32, #tpu.memory_space<vmem>>
          %dma_start3A_428 = tpu.memref_squeeze %dma_start3A_427 : memref<1x128x128xf32, #tpu.memory_space<vmem>> -> memref<128x128xf32, #tpu.memory_space<vmem>>
          %dma_start3A_429 = arith.constant 0 : i32
          %dma_start3A_430 = tpu.memref_slice %arg18[%dma_start3A_423, %dma_start3A_429] : memref<5x128xi32, #tpu.memory_space<vmem>> -> memref<1x128xi32, #tpu.memory_space<vmem>>
          %dma_start3A_431 = tpu.memref_squeeze %dma_start3A_430 : memref<1x128xi32, #tpu.memory_space<vmem>> -> memref<128xi32, #tpu.memory_space<vmem>>
          %dma_start3A_432 = arith.constant 0 : i32
          %dma_start3A_433 = arith.constant 0 : i32
          %dma_start3A_434 = tpu.memref_slice %arg3[%dma_start3A_432, %dma_start3A_433] : memref<16384x128xf32, #tpu.memory_space<hbm>> -> memref<16384x128xf32, #tpu.memory_space<hbm>>
          tpu.enqueue_indirect_dma source(%dma_start3A_434 : memref<16384x128xf32, #tpu.memory_space<hbm>>) target(%dma_start3A_428 : memref<128x128xf32, #tpu.memory_space<vmem>>) offsets(%dma_start3A_431 : memref<128xi32, #tpu.memory_space<vmem>>) semaphore(%arg23 : memref<!tpu.dma_semaphore, #tpu.memory_space<semaphore_mem>>)
        } else {
        }
        %convert_element_type3A_420 = arith.extui %ge3A : i1 to i32
        %cond3A_421 = arith.constant 0 : i32
        %cond3A_422 = arith.cmpi ne, %convert_element_type3A_420, %cond3A_421 : i32
        scf.if %cond3A_422 {
          %dma_start3A_423 = arith.constant 3 : i32
          %dma_start3A_424 = arith.constant 3 : i32
          %dma_start3A_425 = arith.constant 0 : i32
          %dma_start3A_426 = arith.constant 0 : i32
          %dma_start3A_427 = tpu.memref_slice %arg19[%dma_start3A_424, %dma_start3A_425, %dma_start3A_426] : memref<5x128x128xf32, #tpu.memory_space<vmem>> -> memref<1x128x128xf32, #tpu.memory_space<vmem>>
          %dma_start3A_428 = tpu.memref_squeeze %dma_start3A_427 : memref<1x128x128xf32, #tpu.memory_space<vmem>> -> memref<128x128xf32, #tpu.memory_space<vmem>>
          %dma_start3A_429 = arith.constant 0 : i32
          %dma_start3A_430 = tpu.memref_slice %arg18[%dma_start3A_423, %dma_start3A_429] : memref<5x128xi32, #tpu.memory_space<vmem>> -> memref<1x128xi32, #tpu.memory_space<vmem>>
          %dma_start3A_431 = tpu.memref_squeeze %dma_start3A_430 : memref<1x128xi32, #tpu.memory_space<vmem>> -> memref<128xi32, #tpu.memory_space<vmem>>
          %dma_start3A_432 = arith.constant 0 : i32
          %dma_start3A_433 = arith.constant 0 : i32
          %dma_start3A_434 = tpu.memref_slice %arg4[%dma_start3A_432, %dma_start3A_433] : memref<16384x128xf32, #tpu.memory_space<hbm>> -> memref<16384x128xf32, #tpu.memory_space<hbm>>
          tpu.enqueue_indirect_dma source(%dma_start3A_434 : memref<16384x128xf32, #tpu.memory_space<hbm>>) target(%dma_start3A_428 : memref<128x128xf32, #tpu.memory_space<vmem>>) offsets(%dma_start3A_431 : memref<128xi32, #tpu.memory_space<vmem>>) semaphore(%arg23 : memref<!tpu.dma_semaphore, #tpu.memory_space<semaphore_mem>>)
        } else {
        }
      } else {
      }
      %add3A_378 = arith.constant 1 : i32
      %add3A_379 = arith.addi %while3A_296, %add3A_378 : i32
      %mul3A_380 = arith.constant 5 : i32
      %mul3A_381 = arith.muli %add3A_379, %mul3A_380 : i32
      %add3A_382 = arith.constant 4 : i32
      %add3A_383 = arith.addi %mul3A_381, %add3A_382 : i32
      %lt3A_384 = arith.cmpi slt, %add3A_383, %mul3A_206 : i32
      %convert_element_type3A_385 = arith.extui %lt3A_384 : i1 to i32
      %cond3A_386 = arith.constant 0 : i32
      %cond3A_387 = arith.cmpi ne, %convert_element_type3A_385, %cond3A_386 : i32
      scf.if %cond3A_387 {
        %dma_wait3A_389 = arith.constant 4 : i32
        %dma_wait3A_390 = arith.constant 0 : i32
        %dma_wait3A_391 = arith.constant 0 : i32
        %dma_wait3A_392 = tpu.memref_slice %arg19[%dma_wait3A_389, %dma_wait3A_390, %dma_wait3A_391] : memref<5x128x128xf32, #tpu.memory_space<vmem>> -> memref<1x128x128xf32, #tpu.memory_space<vmem>>
        %dma_wait3A_393 = tpu.memref_squeeze %dma_wait3A_392 : memref<1x128x128xf32, #tpu.memory_space<vmem>> -> memref<128x128xf32, #tpu.memory_space<vmem>>
        %dma_wait3A_394 = arith.constant 0 : i32
        %dma_wait3A_395 = arith.constant 0 : i32
        %dma_wait3A_396 = tpu.memref_slice %arg3[%dma_wait3A_394, %dma_wait3A_395] : memref<16384x128xf32, #tpu.memory_space<hbm>> -> memref<128x128xf32, #tpu.memory_space<hbm>>
        %dma_wait3A_397 = arith.constant 0 : i32
        %dma_wait3A_398 = arith.constant 0 : i32
        %dma_wait3A_399 = tpu.memref_slice %arg19[%dma_wait3A_389, %dma_wait3A_397, %dma_wait3A_398] : memref<5x128x128xf32, #tpu.memory_space<vmem>> -> memref<1x128x128xf32, #tpu.memory_space<vmem>>
        %dma_wait3A_400 = tpu.memref_squeeze %dma_wait3A_399 : memref<1x128x128xf32, #tpu.memory_space<vmem>> -> memref<128x128xf32, #tpu.memory_space<vmem>>
        %dma_wait3A_401 = arith.constant 0 : i32
        %dma_wait3A_402 = arith.constant 0 : i32
        %dma_wait3A_403 = tpu.memref_slice %arg3[%dma_wait3A_401, %dma_wait3A_402] : memref<16384x128xf32, #tpu.memory_space<hbm>> -> memref<128x128xf32, #tpu.memory_space<hbm>>
        tpu.wait_dma2 semaphore(%arg29 : memref<!tpu.dma_semaphore, #tpu.memory_space<semaphore_mem>>) src(%dma_wait3A_403 : memref<128x128xf32, #tpu.memory_space<hbm>>) dst(%dma_wait3A_400 : memref<128x128xf32, #tpu.memory_space<vmem>>)
        %ge3A = arith.cmpi sge, %add3A_383, %select_n3A_204 : i32
        %sub3A_404 = arith.subi %add3A_383, %select_n3A_204 : i32
        %select_n3A_405 = arith.select %ge3A, %sub3A_404, %add3A_383 : i32
        %jit3A_406 = arith.constant 100000 : i32
        %jit3A_407 = arith.constant 0 : i32
        %select_n3A_408 = arith.select %ge3A, %jit3A_406, %jit3A_407 : i32
        %scan3A_409 = arith.constant 0 : i32
        %scan3A_410 = arith.constant 0 : i32
        %scan3A_411 = arith.constant 8 : i32
        %scan3A_412 = arith.addi %scan3A_410, %scan3A_411 : i32
        %scan3A_413 = arith.constant 1 : i32
        %scan3A_414 = scf.for %scan3A_423 = %scan3A_410 to %scan3A_412 step %scan3A_413 iter_args(%scan3A_424 = %scan3A_409) -> (i32)  : i32 {
          %mul3A_425 = arith.constant 128 : i32
          %mul3A_426 = arith.muli %select_n3A_405, %mul3A_425 : i32
          %mul3A_427 = arith.constant 16 : i32
          %mul3A_428 = arith.muli %scan3A_423, %mul3A_427 : i32
          %add3A_429 = arith.addi %mul3A_426, %mul3A_428 : i32
          %get3A = arith.index_cast %add3A_429 : i32 to index
          %get3A_430 = tpu.vector_load %arg15[%get3A] {strides = array<i32>} : memref<3328xi32, #tpu.memory_space<vmem>>, vector<16xi32>,
          %add3A_431 = vector.broadcast %select_n3A_408 : i32 to vector<16xi32>
          %add3A_432 = arith.addi %get3A_430, %add3A_431 : vector<16xi32>
          %mul3A_433 = arith.constant 16 : i32
          %mul3A_434 = arith.muli %scan3A_423, %mul3A_433 : i32
          %swap3A = arith.constant 4 : i32
          %swap3A_435 = arith.constant 0 : i32
          %swap3A_436 = tpu.memref_slice %arg17[%swap3A, %swap3A_435] : memref<5x128xi32, #tpu.memory_space<vmem>> -> memref<1x128xi32, #tpu.memory_space<vmem>>
          %swap3A_437 = tpu.memref_squeeze %swap3A_436 : memref<1x128xi32, #tpu.memory_space<vmem>> -> memref<128xi32, #tpu.memory_space<vmem>>
          %swap3A_438 = arith.index_cast %mul3A_434 : i32 to index
          %swap3A_439 = tpu.vector_load %swap3A_437[%swap3A_438] {strides = array<i32>} : memref<128xi32, #tpu.memory_space<vmem>>, vector<16xi32>,
          tpu.vector_store %swap3A_437[%swap3A_438], %add3A_432 {strides = array<i32>} : memref<128xi32, #tpu.memory_space<vmem>>, vector<16xi32>,
          %mul3A_440 = arith.constant 128 : i32
          %mul3A_441 = arith.muli %select_n3A_405, %mul3A_440 : i32
          %mul3A_442 = arith.constant 16 : i32
          %mul3A_443 = arith.muli %scan3A_423, %mul3A_442 : i32
          %add3A_444 = arith.addi %mul3A_441, %mul3A_443 : i32
          %get3A_445 = arith.index_cast %add3A_444 : i32 to index
          %get3A_446 = tpu.vector_load %arg16[%get3A_445] {strides = array<i32>} : memref<3328xi32, #tpu.memory_space<vmem>>, vector<16xi32>,
          %mul3A_447 = arith.constant 16 : i32
          %mul3A_448 = arith.muli %scan3A_423, %mul3A_447 : i32
          %swap3A_449 = arith.constant 4 : i32
          %swap3A_450 = arith.constant 0 : i32
          %swap3A_451 = tpu.memref_slice %arg18[%swap3A_449, %swap3A_450] : memref<5x128xi32, #tpu.memory_space<vmem>> -> memref<1x128xi32, #tpu.memory_space<vmem>>
          %swap3A_452 = tpu.memref_squeeze %swap3A_451 : memref<1x128xi32, #tpu.memory_space<vmem>> -> memref<128xi32, #tpu.memory_space<vmem>>
          %swap3A_453 = arith.index_cast %mul3A_448 : i32 to index
          %swap3A_454 = tpu.vector_load %swap3A_452[%swap3A_453] {strides = array<i32>} : memref<128xi32, #tpu.memory_space<vmem>>, vector<16xi32>,
          tpu.vector_store %swap3A_452[%swap3A_453], %get3A_446 {strides = array<i32>} : memref<128xi32, #tpu.memory_space<vmem>>, vector<16xi32>,
          %scan3A_455 = arith.constant 0 : i32
          scf.yield %scan3A_455 : i32
        }
        %scan3A_415 = arith.constant 8 : i32
        %not3A = arith.constant true
        %not3A_416 = arith.xori %ge3A, %not3A : i1
        %convert_element_type3A_417 = arith.extui %not3A_416 : i1 to i32
        %cond3A_418 = arith.constant 0 : i32
        %cond3A_419 = arith.cmpi ne, %convert_element_type3A_417, %cond3A_418 : i32
        scf.if %cond3A_419 {
          %dma_start3A_423 = arith.constant 4 : i32
          %dma_start3A_424 = arith.constant 4 : i32
          %dma_start3A_425 = arith.constant 0 : i32
          %dma_start3A_426 = arith.constant 0 : i32
          %dma_start3A_427 = tpu.memref_slice %arg19[%dma_start3A_424, %dma_start3A_425, %dma_start3A_426] : memref<5x128x128xf32, #tpu.memory_space<vmem>> -> memref<1x128x128xf32, #tpu.memory_space<vmem>>
          %dma_start3A_428 = tpu.memref_squeeze %dma_start3A_427 : memref<1x128x128xf32, #tpu.memory_space<vmem>> -> memref<128x128xf32, #tpu.memory_space<vmem>>
          %dma_start3A_429 = arith.constant 0 : i32
          %dma_start3A_430 = tpu.memref_slice %arg18[%dma_start3A_423, %dma_start3A_429] : memref<5x128xi32, #tpu.memory_space<vmem>> -> memref<1x128xi32, #tpu.memory_space<vmem>>
          %dma_start3A_431 = tpu.memref_squeeze %dma_start3A_430 : memref<1x128xi32, #tpu.memory_space<vmem>> -> memref<128xi32, #tpu.memory_space<vmem>>
          %dma_start3A_432 = arith.constant 0 : i32
          %dma_start3A_433 = arith.constant 0 : i32
          %dma_start3A_434 = tpu.memref_slice %arg3[%dma_start3A_432, %dma_start3A_433] : memref<16384x128xf32, #tpu.memory_space<hbm>> -> memref<16384x128xf32, #tpu.memory_space<hbm>>
          tpu.enqueue_indirect_dma source(%dma_start3A_434 : memref<16384x128xf32, #tpu.memory_space<hbm>>) target(%dma_start3A_428 : memref<128x128xf32, #tpu.memory_space<vmem>>) offsets(%dma_start3A_431 : memref<128xi32, #tpu.memory_space<vmem>>) semaphore(%arg24 : memref<!tpu.dma_semaphore, #tpu.memory_space<semaphore_mem>>)
        } else {
        }
        %convert_element_type3A_420 = arith.extui %ge3A : i1 to i32
        %cond3A_421 = arith.constant 0 : i32
        %cond3A_422 = arith.cmpi ne, %convert_element_type3A_420, %cond3A_421 : i32
        scf.if %cond3A_422 {
          %dma_start3A_423 = arith.constant 4 : i32
          %dma_start3A_424 = arith.constant 4 : i32
          %dma_start3A_425 = arith.constant 0 : i32
          %dma_start3A_426 = arith.constant 0 : i32
          %dma_start3A_427 = tpu.memref_slice %arg19[%dma_start3A_424, %dma_start3A_425, %dma_start3A_426] : memref<5x128x128xf32, #tpu.memory_space<vmem>> -> memref<1x128x128xf32, #tpu.memory_space<vmem>>
          %dma_start3A_428 = tpu.memref_squeeze %dma_start3A_427 : memref<1x128x128xf32, #tpu.memory_space<vmem>> -> memref<128x128xf32, #tpu.memory_space<vmem>>
          %dma_start3A_429 = arith.constant 0 : i32
          %dma_start3A_430 = tpu.memref_slice %arg18[%dma_start3A_423, %dma_start3A_429] : memref<5x128xi32, #tpu.memory_space<vmem>> -> memref<1x128xi32, #tpu.memory_space<vmem>>
          %dma_start3A_431 = tpu.memref_squeeze %dma_start3A_430 : memref<1x128xi32, #tpu.memory_space<vmem>> -> memref<128xi32, #tpu.memory_space<vmem>>
          %dma_start3A_432 = arith.constant 0 : i32
          %dma_start3A_433 = arith.constant 0 : i32
          %dma_start3A_434 = tpu.memref_slice %arg4[%dma_start3A_432, %dma_start3A_433] : memref<16384x128xf32, #tpu.memory_space<hbm>> -> memref<16384x128xf32, #tpu.memory_space<hbm>>
          tpu.enqueue_indirect_dma source(%dma_start3A_434 : memref<16384x128xf32, #tpu.memory_space<hbm>>) target(%dma_start3A_428 : memref<128x128xf32, #tpu.memory_space<vmem>>) offsets(%dma_start3A_431 : memref<128xi32, #tpu.memory_space<vmem>>) semaphore(%arg24 : memref<!tpu.dma_semaphore, #tpu.memory_space<semaphore_mem>>)
        } else {
        }
      } else {
      }
      %while3A_388 = arith.constant 0 : i32
      scf.yield %while3A_388 : i32
    }
    %while3A_269 = arith.constant 1 : i32
    %while3A_270 = scf.for %while3A_296 = %while3A_266 to %while3A_262 step %while3A_269 iter_args(%while3A_297 = %while3A_268) -> (i32)  : i32 {
      %mul3A_298 = arith.constant 5 : i32
      %mul3A_299 = arith.muli %while3A_296, %mul3A_298 : i32
      %add3A_300 = arith.constant 0 : i32
      %add3A_301 = arith.addi %mul3A_299, %add3A_300 : i32
      %lt3A_302 = arith.cmpi slt, %add3A_301, %mul3A_206 : i32
      %convert_element_type3A_303 = arith.extui %lt3A_302 : i1 to i32
      %cond3A_304 = arith.constant 0 : i32
      %cond3A_305 = arith.cmpi ne, %convert_element_type3A_303, %cond3A_304 : i32
      scf.if %cond3A_305 {
        %dma_wait3A_389 = arith.constant 0 : i32
        %dma_wait3A_390 = arith.constant 0 : i32
        %dma_wait3A_391 = arith.constant 0 : i32
        %dma_wait3A_392 = tpu.memref_slice %arg19[%dma_wait3A_389, %dma_wait3A_390, %dma_wait3A_391] : memref<5x128x128xf32, #tpu.memory_space<vmem>> -> memref<1x128x128xf32, #tpu.memory_space<vmem>>
        %dma_wait3A_393 = tpu.memref_squeeze %dma_wait3A_392 : memref<1x128x128xf32, #tpu.memory_space<vmem>> -> memref<128x128xf32, #tpu.memory_space<vmem>>
        %dma_wait3A_394 = arith.constant 0 : i32
        %dma_wait3A_395 = arith.constant 0 : i32
        %dma_wait3A_396 = tpu.memref_slice %arg3[%dma_wait3A_394, %dma_wait3A_395] : memref<16384x128xf32, #tpu.memory_space<hbm>> -> memref<128x128xf32, #tpu.memory_space<hbm>>
        %dma_wait3A_397 = arith.constant 0 : i32
        %dma_wait3A_398 = arith.constant 0 : i32
        %dma_wait3A_399 = tpu.memref_slice %arg19[%dma_wait3A_389, %dma_wait3A_397, %dma_wait3A_398] : memref<5x128x128xf32, #tpu.memory_space<vmem>> -> memref<1x128x128xf32, #tpu.memory_space<vmem>>
        %dma_wait3A_400 = tpu.memref_squeeze %dma_wait3A_399 : memref<1x128x128xf32, #tpu.memory_space<vmem>> -> memref<128x128xf32, #tpu.memory_space<vmem>>
        %dma_wait3A_401 = arith.constant 0 : i32
        %dma_wait3A_402 = arith.constant 0 : i32
        %dma_wait3A_403 = tpu.memref_slice %arg3[%dma_wait3A_401, %dma_wait3A_402] : memref<16384x128xf32, #tpu.memory_space<hbm>> -> memref<128x128xf32, #tpu.memory_space<hbm>>
        tpu.wait_dma2 semaphore(%arg20 : memref<!tpu.dma_semaphore, #tpu.memory_space<semaphore_mem>>) src(%dma_wait3A_403 : memref<128x128xf32, #tpu.memory_space<hbm>>) dst(%dma_wait3A_400 : memref<128x128xf32, #tpu.memory_space<vmem>>)
        %dma_start3A_404 = arith.constant 0 : i32
        %dma_start3A_405 = arith.constant 0 : i32
        %dma_start3A_406 = arith.constant 0 : i32
        %dma_start3A_407 = arith.constant 0 : i32
        %dma_start3A_408 = tpu.memref_slice %arg19[%dma_start3A_404, %dma_start3A_406, %dma_start3A_407] : memref<5x128x128xf32, #tpu.memory_space<vmem>> -> memref<1x128x128xf32, #tpu.memory_space<vmem>>
        %dma_start3A_409 = tpu.memref_squeeze %dma_start3A_408 : memref<1x128x128xf32, #tpu.memory_space<vmem>> -> memref<128x128xf32, #tpu.memory_space<vmem>>
        %dma_start3A_410 = arith.constant 0 : i32
        %dma_start3A_411 = tpu.memref_slice %arg17[%dma_start3A_405, %dma_start3A_410] : memref<5x128xi32, #tpu.memory_space<vmem>> -> memref<1x128xi32, #tpu.memory_space<vmem>>
        %dma_start3A_412 = tpu.memref_squeeze %dma_start3A_411 : memref<1x128xi32, #tpu.memory_space<vmem>> -> memref<128xi32, #tpu.memory_space<vmem>>
        %dma_start3A_413 = arith.constant 0 : i32
        %dma_start3A_414 = arith.constant 0 : i32
        %dma_start3A_415 = tpu.memref_slice %arg5[%dma_start3A_413, %dma_start3A_414] : memref<200000x128xf32, #tpu.memory_space<hbm>> -> memref<200000x128xf32, #tpu.memory_space<hbm>>
        tpu.enqueue_indirect_dma source(%dma_start3A_409 : memref<128x128xf32, #tpu.memory_space<vmem>>) target(%dma_start3A_415 : memref<200000x128xf32, #tpu.memory_space<hbm>>) offsets(%dma_start3A_412 : memref<128xi32, #tpu.memory_space<vmem>>) semaphore(%arg25 : memref<!tpu.dma_semaphore, #tpu.memory_space<semaphore_mem>>)
      } else {
      }
      %mul3A_306 = arith.constant 5 : i32
      %mul3A_307 = arith.muli %while3A_296, %mul3A_306 : i32
      %add3A_308 = arith.constant 1 : i32
      %add3A_309 = arith.addi %mul3A_307, %add3A_308 : i32
      %lt3A_310 = arith.cmpi slt, %add3A_309, %mul3A_206 : i32
      %convert_element_type3A_311 = arith.extui %lt3A_310 : i1 to i32
      %cond3A_312 = arith.constant 0 : i32
      %cond3A_313 = arith.cmpi ne, %convert_element_type3A_311, %cond3A_312 : i32
      scf.if %cond3A_313 {
        %dma_wait3A_389 = arith.constant 1 : i32
        %dma_wait3A_390 = arith.constant 0 : i32
        %dma_wait3A_391 = arith.constant 0 : i32
        %dma_wait3A_392 = tpu.memref_slice %arg19[%dma_wait3A_389, %dma_wait3A_390, %dma_wait3A_391] : memref<5x128x128xf32, #tpu.memory_space<vmem>> -> memref<1x128x128xf32, #tpu.memory_space<vmem>>
        %dma_wait3A_393 = tpu.memref_squeeze %dma_wait3A_392 : memref<1x128x128xf32, #tpu.memory_space<vmem>> -> memref<128x128xf32, #tpu.memory_space<vmem>>
        %dma_wait3A_394 = arith.constant 0 : i32
        %dma_wait3A_395 = arith.constant 0 : i32
        %dma_wait3A_396 = tpu.memref_slice %arg3[%dma_wait3A_394, %dma_wait3A_395] : memref<16384x128xf32, #tpu.memory_space<hbm>> -> memref<128x128xf32, #tpu.memory_space<hbm>>
        %dma_wait3A_397 = arith.constant 0 : i32
        %dma_wait3A_398 = arith.constant 0 : i32
        %dma_wait3A_399 = tpu.memref_slice %arg19[%dma_wait3A_389, %dma_wait3A_397, %dma_wait3A_398] : memref<5x128x128xf32, #tpu.memory_space<vmem>> -> memref<1x128x128xf32, #tpu.memory_space<vmem>>
        %dma_wait3A_400 = tpu.memref_squeeze %dma_wait3A_399 : memref<1x128x128xf32, #tpu.memory_space<vmem>> -> memref<128x128xf32, #tpu.memory_space<vmem>>
        %dma_wait3A_401 = arith.constant 0 : i32
        %dma_wait3A_402 = arith.constant 0 : i32
        %dma_wait3A_403 = tpu.memref_slice %arg3[%dma_wait3A_401, %dma_wait3A_402] : memref<16384x128xf32, #tpu.memory_space<hbm>> -> memref<128x128xf32, #tpu.memory_space<hbm>>
        tpu.wait_dma2 semaphore(%arg21 : memref<!tpu.dma_semaphore, #tpu.memory_space<semaphore_mem>>) src(%dma_wait3A_403 : memref<128x128xf32, #tpu.memory_space<hbm>>) dst(%dma_wait3A_400 : memref<128x128xf32, #tpu.memory_space<vmem>>)
        %dma_start3A_404 = arith.constant 1 : i32
        %dma_start3A_405 = arith.constant 1 : i32
        %dma_start3A_406 = arith.constant 0 : i32
        %dma_start3A_407 = arith.constant 0 : i32
        %dma_start3A_408 = tpu.memref_slice %arg19[%dma_start3A_404, %dma_start3A_406, %dma_start3A_407] : memref<5x128x128xf32, #tpu.memory_space<vmem>> -> memref<1x128x128xf32, #tpu.memory_space<vmem>>
        %dma_start3A_409 = tpu.memref_squeeze %dma_start3A_408 : memref<1x128x128xf32, #tpu.memory_space<vmem>> -> memref<128x128xf32, #tpu.memory_space<vmem>>
        %dma_start3A_410 = arith.constant 0 : i32
        %dma_start3A_411 = tpu.memref_slice %arg17[%dma_start3A_405, %dma_start3A_410] : memref<5x128xi32, #tpu.memory_space<vmem>> -> memref<1x128xi32, #tpu.memory_space<vmem>>
        %dma_start3A_412 = tpu.memref_squeeze %dma_start3A_411 : memref<1x128xi32, #tpu.memory_space<vmem>> -> memref<128xi32, #tpu.memory_space<vmem>>
        %dma_start3A_413 = arith.constant 0 : i32
        %dma_start3A_414 = arith.constant 0 : i32
        %dma_start3A_415 = tpu.memref_slice %arg5[%dma_start3A_413, %dma_start3A_414] : memref<200000x128xf32, #tpu.memory_space<hbm>> -> memref<200000x128xf32, #tpu.memory_space<hbm>>
        tpu.enqueue_indirect_dma source(%dma_start3A_409 : memref<128x128xf32, #tpu.memory_space<vmem>>) target(%dma_start3A_415 : memref<200000x128xf32, #tpu.memory_space<hbm>>) offsets(%dma_start3A_412 : memref<128xi32, #tpu.memory_space<vmem>>) semaphore(%arg26 : memref<!tpu.dma_semaphore, #tpu.memory_space<semaphore_mem>>)
      } else {
      }
      %mul3A_314 = arith.constant 5 : i32
      %mul3A_315 = arith.muli %while3A_296, %mul3A_314 : i32
      %add3A_316 = arith.constant 2 : i32
      %add3A_317 = arith.addi %mul3A_315, %add3A_316 : i32
      %lt3A_318 = arith.cmpi slt, %add3A_317, %mul3A_206 : i32
      %convert_element_type3A_319 = arith.extui %lt3A_318 : i1 to i32
      %cond3A_320 = arith.constant 0 : i32
      %cond3A_321 = arith.cmpi ne, %convert_element_type3A_319, %cond3A_320 : i32
      scf.if %cond3A_321 {
        %dma_wait3A_389 = arith.constant 2 : i32
        %dma_wait3A_390 = arith.constant 0 : i32
        %dma_wait3A_391 = arith.constant 0 : i32
        %dma_wait3A_392 = tpu.memref_slice %arg19[%dma_wait3A_389, %dma_wait3A_390, %dma_wait3A_391] : memref<5x128x128xf32, #tpu.memory_space<vmem>> -> memref<1x128x128xf32, #tpu.memory_space<vmem>>
        %dma_wait3A_393 = tpu.memref_squeeze %dma_wait3A_392 : memref<1x128x128xf32, #tpu.memory_space<vmem>> -> memref<128x128xf32, #tpu.memory_space<vmem>>
        %dma_wait3A_394 = arith.constant 0 : i32
        %dma_wait3A_395 = arith.constant 0 : i32
        %dma_wait3A_396 = tpu.memref_slice %arg3[%dma_wait3A_394, %dma_wait3A_395] : memref<16384x128xf32, #tpu.memory_space<hbm>> -> memref<128x128xf32, #tpu.memory_space<hbm>>
        %dma_wait3A_397 = arith.constant 0 : i32
        %dma_wait3A_398 = arith.constant 0 : i32
        %dma_wait3A_399 = tpu.memref_slice %arg19[%dma_wait3A_389, %dma_wait3A_397, %dma_wait3A_398] : memref<5x128x128xf32, #tpu.memory_space<vmem>> -> memref<1x128x128xf32, #tpu.memory_space<vmem>>
        %dma_wait3A_400 = tpu.memref_squeeze %dma_wait3A_399 : memref<1x128x128xf32, #tpu.memory_space<vmem>> -> memref<128x128xf32, #tpu.memory_space<vmem>>
        %dma_wait3A_401 = arith.constant 0 : i32
        %dma_wait3A_402 = arith.constant 0 : i32
        %dma_wait3A_403 = tpu.memref_slice %arg3[%dma_wait3A_401, %dma_wait3A_402] : memref<16384x128xf32, #tpu.memory_space<hbm>> -> memref<128x128xf32, #tpu.memory_space<hbm>>
        tpu.wait_dma2 semaphore(%arg22 : memref<!tpu.dma_semaphore, #tpu.memory_space<semaphore_mem>>) src(%dma_wait3A_403 : memref<128x128xf32, #tpu.memory_space<hbm>>) dst(%dma_wait3A_400 : memref<128x128xf32, #tpu.memory_space<vmem>>)
        %dma_start3A_404 = arith.constant 2 : i32
        %dma_start3A_405 = arith.constant 2 : i32
        %dma_start3A_406 = arith.constant 0 : i32
        %dma_start3A_407 = arith.constant 0 : i32
        %dma_start3A_408 = tpu.memref_slice %arg19[%dma_start3A_404, %dma_start3A_406, %dma_start3A_407] : memref<5x128x128xf32, #tpu.memory_space<vmem>> -> memref<1x128x128xf32, #tpu.memory_space<vmem>>
        %dma_start3A_409 = tpu.memref_squeeze %dma_start3A_408 : memref<1x128x128xf32, #tpu.memory_space<vmem>> -> memref<128x128xf32, #tpu.memory_space<vmem>>
        %dma_start3A_410 = arith.constant 0 : i32
        %dma_start3A_411 = tpu.memref_slice %arg17[%dma_start3A_405, %dma_start3A_410] : memref<5x128xi32, #tpu.memory_space<vmem>> -> memref<1x128xi32, #tpu.memory_space<vmem>>
        %dma_start3A_412 = tpu.memref_squeeze %dma_start3A_411 : memref<1x128xi32, #tpu.memory_space<vmem>> -> memref<128xi32, #tpu.memory_space<vmem>>
        %dma_start3A_413 = arith.constant 0 : i32
        %dma_start3A_414 = arith.constant 0 : i32
        %dma_start3A_415 = tpu.memref_slice %arg5[%dma_start3A_413, %dma_start3A_414] : memref<200000x128xf32, #tpu.memory_space<hbm>> -> memref<200000x128xf32, #tpu.memory_space<hbm>>
        tpu.enqueue_indirect_dma source(%dma_start3A_409 : memref<128x128xf32, #tpu.memory_space<vmem>>) target(%dma_start3A_415 : memref<200000x128xf32, #tpu.memory_space<hbm>>) offsets(%dma_start3A_412 : memref<128xi32, #tpu.memory_space<vmem>>) semaphore(%arg27 : memref<!tpu.dma_semaphore, #tpu.memory_space<semaphore_mem>>)
      } else {
      }
      %mul3A_322 = arith.constant 5 : i32
      %mul3A_323 = arith.muli %while3A_296, %mul3A_322 : i32
      %add3A_324 = arith.constant 3 : i32
      %add3A_325 = arith.addi %mul3A_323, %add3A_324 : i32
      %lt3A_326 = arith.cmpi slt, %add3A_325, %mul3A_206 : i32
      %convert_element_type3A_327 = arith.extui %lt3A_326 : i1 to i32
      %cond3A_328 = arith.constant 0 : i32
      %cond3A_329 = arith.cmpi ne, %convert_element_type3A_327, %cond3A_328 : i32
      scf.if %cond3A_329 {
        %dma_wait3A_389 = arith.constant 3 : i32
        %dma_wait3A_390 = arith.constant 0 : i32
        %dma_wait3A_391 = arith.constant 0 : i32
        %dma_wait3A_392 = tpu.memref_slice %arg19[%dma_wait3A_389, %dma_wait3A_390, %dma_wait3A_391] : memref<5x128x128xf32, #tpu.memory_space<vmem>> -> memref<1x128x128xf32, #tpu.memory_space<vmem>>
        %dma_wait3A_393 = tpu.memref_squeeze %dma_wait3A_392 : memref<1x128x128xf32, #tpu.memory_space<vmem>> -> memref<128x128xf32, #tpu.memory_space<vmem>>
        %dma_wait3A_394 = arith.constant 0 : i32
        %dma_wait3A_395 = arith.constant 0 : i32
        %dma_wait3A_396 = tpu.memref_slice %arg3[%dma_wait3A_394, %dma_wait3A_395] : memref<16384x128xf32, #tpu.memory_space<hbm>> -> memref<128x128xf32, #tpu.memory_space<hbm>>
        %dma_wait3A_397 = arith.constant 0 : i32
        %dma_wait3A_398 = arith.constant 0 : i32
        %dma_wait3A_399 = tpu.memref_slice %arg19[%dma_wait3A_389, %dma_wait3A_397, %dma_wait3A_398] : memref<5x128x128xf32, #tpu.memory_space<vmem>> -> memref<1x128x128xf32, #tpu.memory_space<vmem>>
        %dma_wait3A_400 = tpu.memref_squeeze %dma_wait3A_399 : memref<1x128x128xf32, #tpu.memory_space<vmem>> -> memref<128x128xf32, #tpu.memory_space<vmem>>
        %dma_wait3A_401 = arith.constant 0 : i32
        %dma_wait3A_402 = arith.constant 0 : i32
        %dma_wait3A_403 = tpu.memref_slice %arg3[%dma_wait3A_401, %dma_wait3A_402] : memref<16384x128xf32, #tpu.memory_space<hbm>> -> memref<128x128xf32, #tpu.memory_space<hbm>>
        tpu.wait_dma2 semaphore(%arg23 : memref<!tpu.dma_semaphore, #tpu.memory_space<semaphore_mem>>) src(%dma_wait3A_403 : memref<128x128xf32, #tpu.memory_space<hbm>>) dst(%dma_wait3A_400 : memref<128x128xf32, #tpu.memory_space<vmem>>)
        %dma_start3A_404 = arith.constant 3 : i32
        %dma_start3A_405 = arith.constant 3 : i32
        %dma_start3A_406 = arith.constant 0 : i32
        %dma_start3A_407 = arith.constant 0 : i32
        %dma_start3A_408 = tpu.memref_slice %arg19[%dma_start3A_404, %dma_start3A_406, %dma_start3A_407] : memref<5x128x128xf32, #tpu.memory_space<vmem>> -> memref<1x128x128xf32, #tpu.memory_space<vmem>>
        %dma_start3A_409 = tpu.memref_squeeze %dma_start3A_408 : memref<1x128x128xf32, #tpu.memory_space<vmem>> -> memref<128x128xf32, #tpu.memory_space<vmem>>
        %dma_start3A_410 = arith.constant 0 : i32
        %dma_start3A_411 = tpu.memref_slice %arg17[%dma_start3A_405, %dma_start3A_410] : memref<5x128xi32, #tpu.memory_space<vmem>> -> memref<1x128xi32, #tpu.memory_space<vmem>>
        %dma_start3A_412 = tpu.memref_squeeze %dma_start3A_411 : memref<1x128xi32, #tpu.memory_space<vmem>> -> memref<128xi32, #tpu.memory_space<vmem>>
        %dma_start3A_413 = arith.constant 0 : i32
        %dma_start3A_414 = arith.constant 0 : i32
        %dma_start3A_415 = tpu.memref_slice %arg5[%dma_start3A_413, %dma_start3A_414] : memref<200000x128xf32, #tpu.memory_space<hbm>> -> memref<200000x128xf32, #tpu.memory_space<hbm>>
        tpu.enqueue_indirect_dma source(%dma_start3A_409 : memref<128x128xf32, #tpu.memory_space<vmem>>) target(%dma_start3A_415 : memref<200000x128xf32, #tpu.memory_space<hbm>>) offsets(%dma_start3A_412 : memref<128xi32, #tpu.memory_space<vmem>>) semaphore(%arg28 : memref<!tpu.dma_semaphore, #tpu.memory_space<semaphore_mem>>)
      } else {
      }
      %mul3A_330 = arith.constant 5 : i32
      %mul3A_331 = arith.muli %while3A_296, %mul3A_330 : i32
      %add3A_332 = arith.constant 4 : i32
      %add3A_333 = arith.addi %mul3A_331, %add3A_332 : i32
      %lt3A_334 = arith.cmpi slt, %add3A_333, %mul3A_206 : i32
      %convert_element_type3A_335 = arith.extui %lt3A_334 : i1 to i32
      %cond3A_336 = arith.constant 0 : i32
      %cond3A_337 = arith.cmpi ne, %convert_element_type3A_335, %cond3A_336 : i32
      scf.if %cond3A_337 {
        %dma_wait3A_389 = arith.constant 4 : i32
        %dma_wait3A_390 = arith.constant 0 : i32
        %dma_wait3A_391 = arith.constant 0 : i32
        %dma_wait3A_392 = tpu.memref_slice %arg19[%dma_wait3A_389, %dma_wait3A_390, %dma_wait3A_391] : memref<5x128x128xf32, #tpu.memory_space<vmem>> -> memref<1x128x128xf32, #tpu.memory_space<vmem>>
        %dma_wait3A_393 = tpu.memref_squeeze %dma_wait3A_392 : memref<1x128x128xf32, #tpu.memory_space<vmem>> -> memref<128x128xf32, #tpu.memory_space<vmem>>
        %dma_wait3A_394 = arith.constant 0 : i32
        %dma_wait3A_395 = arith.constant 0 : i32
        %dma_wait3A_396 = tpu.memref_slice %arg3[%dma_wait3A_394, %dma_wait3A_395] : memref<16384x128xf32, #tpu.memory_space<hbm>> -> memref<128x128xf32, #tpu.memory_space<hbm>>
        %dma_wait3A_397 = arith.constant 0 : i32
        %dma_wait3A_398 = arith.constant 0 : i32
        %dma_wait3A_399 = tpu.memref_slice %arg19[%dma_wait3A_389, %dma_wait3A_397, %dma_wait3A_398] : memref<5x128x128xf32, #tpu.memory_space<vmem>> -> memref<1x128x128xf32, #tpu.memory_space<vmem>>
        %dma_wait3A_400 = tpu.memref_squeeze %dma_wait3A_399 : memref<1x128x128xf32, #tpu.memory_space<vmem>> -> memref<128x128xf32, #tpu.memory_space<vmem>>
        %dma_wait3A_401 = arith.constant 0 : i32
        %dma_wait3A_402 = arith.constant 0 : i32
        %dma_wait3A_403 = tpu.memref_slice %arg3[%dma_wait3A_401, %dma_wait3A_402] : memref<16384x128xf32, #tpu.memory_space<hbm>> -> memref<128x128xf32, #tpu.memory_space<hbm>>
        tpu.wait_dma2 semaphore(%arg24 : memref<!tpu.dma_semaphore, #tpu.memory_space<semaphore_mem>>) src(%dma_wait3A_403 : memref<128x128xf32, #tpu.memory_space<hbm>>) dst(%dma_wait3A_400 : memref<128x128xf32, #tpu.memory_space<vmem>>)
        %dma_start3A_404 = arith.constant 4 : i32
        %dma_start3A_405 = arith.constant 4 : i32
        %dma_start3A_406 = arith.constant 0 : i32
        %dma_start3A_407 = arith.constant 0 : i32
        %dma_start3A_408 = tpu.memref_slice %arg19[%dma_start3A_404, %dma_start3A_406, %dma_start3A_407] : memref<5x128x128xf32, #tpu.memory_space<vmem>> -> memref<1x128x128xf32, #tpu.memory_space<vmem>>
        %dma_start3A_409 = tpu.memref_squeeze %dma_start3A_408 : memref<1x128x128xf32, #tpu.memory_space<vmem>> -> memref<128x128xf32, #tpu.memory_space<vmem>>
        %dma_start3A_410 = arith.constant 0 : i32
        %dma_start3A_411 = tpu.memref_slice %arg17[%dma_start3A_405, %dma_start3A_410] : memref<5x128xi32, #tpu.memory_space<vmem>> -> memref<1x128xi32, #tpu.memory_space<vmem>>
        %dma_start3A_412 = tpu.memref_squeeze %dma_start3A_411 : memref<1x128xi32, #tpu.memory_space<vmem>> -> memref<128xi32, #tpu.memory_space<vmem>>
        %dma_start3A_413 = arith.constant 0 : i32
        %dma_start3A_414 = arith.constant 0 : i32
        %dma_start3A_415 = tpu.memref_slice %arg5[%dma_start3A_413, %dma_start3A_414] : memref<200000x128xf32, #tpu.memory_space<hbm>> -> memref<200000x128xf32, #tpu.memory_space<hbm>>
        tpu.enqueue_indirect_dma source(%dma_start3A_409 : memref<128x128xf32, #tpu.memory_space<vmem>>) target(%dma_start3A_415 : memref<200000x128xf32, #tpu.memory_space<hbm>>) offsets(%dma_start3A_412 : memref<128xi32, #tpu.memory_space<vmem>>) semaphore(%arg29 : memref<!tpu.dma_semaphore, #tpu.memory_space<semaphore_mem>>)
      } else {
      }
      %add3A_338 = arith.constant 1 : i32
      %add3A_339 = arith.addi %while3A_296, %add3A_338 : i32
      %mul3A_340 = arith.constant 5 : i32
      %mul3A_341 = arith.muli %add3A_339, %mul3A_340 : i32
      %add3A_342 = arith.constant 0 : i32
      %add3A_343 = arith.addi %mul3A_341, %add3A_342 : i32
      %lt3A_344 = arith.cmpi slt, %add3A_343, %mul3A_206 : i32
      %convert_element_type3A_345 = arith.extui %lt3A_344 : i1 to i32
      %cond3A_346 = arith.constant 0 : i32
      %cond3A_347 = arith.cmpi ne, %convert_element_type3A_345, %cond3A_346 : i32
      scf.if %cond3A_347 {
        %dma_wait3A_389 = arith.constant 0 : i32
        %dma_wait3A_390 = arith.constant 0 : i32
        %dma_wait3A_391 = arith.constant 0 : i32
        %dma_wait3A_392 = tpu.memref_slice %arg19[%dma_wait3A_389, %dma_wait3A_390, %dma_wait3A_391] : memref<5x128x128xf32, #tpu.memory_space<vmem>> -> memref<1x128x128xf32, #tpu.memory_space<vmem>>
        %dma_wait3A_393 = tpu.memref_squeeze %dma_wait3A_392 : memref<1x128x128xf32, #tpu.memory_space<vmem>> -> memref<128x128xf32, #tpu.memory_space<vmem>>
        %dma_wait3A_394 = arith.constant 0 : i32
        %dma_wait3A_395 = arith.constant 0 : i32
        %dma_wait3A_396 = tpu.memref_slice %arg3[%dma_wait3A_394, %dma_wait3A_395] : memref<16384x128xf32, #tpu.memory_space<hbm>> -> memref<128x128xf32, #tpu.memory_space<hbm>>
        %dma_wait3A_397 = arith.constant 0 : i32
        %dma_wait3A_398 = arith.constant 0 : i32
        %dma_wait3A_399 = tpu.memref_slice %arg19[%dma_wait3A_389, %dma_wait3A_397, %dma_wait3A_398] : memref<5x128x128xf32, #tpu.memory_space<vmem>> -> memref<1x128x128xf32, #tpu.memory_space<vmem>>
        %dma_wait3A_400 = tpu.memref_squeeze %dma_wait3A_399 : memref<1x128x128xf32, #tpu.memory_space<vmem>> -> memref<128x128xf32, #tpu.memory_space<vmem>>
        %dma_wait3A_401 = arith.constant 0 : i32
        %dma_wait3A_402 = arith.constant 0 : i32
        %dma_wait3A_403 = tpu.memref_slice %arg3[%dma_wait3A_401, %dma_wait3A_402] : memref<16384x128xf32, #tpu.memory_space<hbm>> -> memref<128x128xf32, #tpu.memory_space<hbm>>
        tpu.wait_dma2 semaphore(%arg25 : memref<!tpu.dma_semaphore, #tpu.memory_space<semaphore_mem>>) src(%dma_wait3A_403 : memref<128x128xf32, #tpu.memory_space<hbm>>) dst(%dma_wait3A_400 : memref<128x128xf32, #tpu.memory_space<vmem>>)
        %ge3A = arith.cmpi sge, %add3A_343, %select_n3A_204 : i32
        %sub3A_404 = arith.subi %add3A_343, %select_n3A_204 : i32
        %select_n3A_405 = arith.select %ge3A, %sub3A_404, %add3A_343 : i32
        %jit3A_406 = arith.constant 100000 : i32
        %jit3A_407 = arith.constant 0 : i32
        %select_n3A_408 = arith.select %ge3A, %jit3A_406, %jit3A_407 : i32
        %scan3A_409 = arith.constant 0 : i32
        %scan3A_410 = arith.constant 0 : i32
        %scan3A_411 = arith.constant 8 : i32
        %scan3A_412 = arith.addi %scan3A_410, %scan3A_411 : i32
        %scan3A_413 = arith.constant 1 : i32
        %scan3A_414 = scf.for %scan3A_423 = %scan3A_410 to %scan3A_412 step %scan3A_413 iter_args(%scan3A_424 = %scan3A_409) -> (i32)  : i32 {
          %mul3A_425 = arith.constant 128 : i32
          %mul3A_426 = arith.muli %select_n3A_405, %mul3A_425 : i32
          %mul3A_427 = arith.constant 16 : i32
          %mul3A_428 = arith.muli %scan3A_423, %mul3A_427 : i32
          %add3A_429 = arith.addi %mul3A_426, %mul3A_428 : i32
          %get3A = arith.index_cast %add3A_429 : i32 to index
          %get3A_430 = tpu.vector_load %arg15[%get3A] {strides = array<i32>} : memref<3328xi32, #tpu.memory_space<vmem>>, vector<16xi32>,
          %add3A_431 = vector.broadcast %select_n3A_408 : i32 to vector<16xi32>
          %add3A_432 = arith.addi %get3A_430, %add3A_431 : vector<16xi32>
          %mul3A_433 = arith.constant 16 : i32
          %mul3A_434 = arith.muli %scan3A_423, %mul3A_433 : i32
          %swap3A = arith.constant 0 : i32
          %swap3A_435 = arith.constant 0 : i32
          %swap3A_436 = tpu.memref_slice %arg17[%swap3A, %swap3A_435] : memref<5x128xi32, #tpu.memory_space<vmem>> -> memref<1x128xi32, #tpu.memory_space<vmem>>
          %swap3A_437 = tpu.memref_squeeze %swap3A_436 : memref<1x128xi32, #tpu.memory_space<vmem>> -> memref<128xi32, #tpu.memory_space<vmem>>
          %swap3A_438 = arith.index_cast %mul3A_434 : i32 to index
          %swap3A_439 = tpu.vector_load %swap3A_437[%swap3A_438] {strides = array<i32>} : memref<128xi32, #tpu.memory_space<vmem>>, vector<16xi32>,
          tpu.vector_store %swap3A_437[%swap3A_438], %add3A_432 {strides = array<i32>} : memref<128xi32, #tpu.memory_space<vmem>>, vector<16xi32>,
          %mul3A_440 = arith.constant 128 : i32
          %mul3A_441 = arith.muli %select_n3A_405, %mul3A_440 : i32
          %mul3A_442 = arith.constant 16 : i32
          %mul3A_443 = arith.muli %scan3A_423, %mul3A_442 : i32
          %add3A_444 = arith.addi %mul3A_441, %mul3A_443 : i32
          %get3A_445 = arith.index_cast %add3A_444 : i32 to index
          %get3A_446 = tpu.vector_load %arg16[%get3A_445] {strides = array<i32>} : memref<3328xi32, #tpu.memory_space<vmem>>, vector<16xi32>,
          %mul3A_447 = arith.constant 16 : i32
          %mul3A_448 = arith.muli %scan3A_423, %mul3A_447 : i32
          %swap3A_449 = arith.constant 0 : i32
          %swap3A_450 = arith.constant 0 : i32
          %swap3A_451 = tpu.memref_slice %arg18[%swap3A_449, %swap3A_450] : memref<5x128xi32, #tpu.memory_space<vmem>> -> memref<1x128xi32, #tpu.memory_space<vmem>>
          %swap3A_452 = tpu.memref_squeeze %swap3A_451 : memref<1x128xi32, #tpu.memory_space<vmem>> -> memref<128xi32, #tpu.memory_space<vmem>>
          %swap3A_453 = arith.index_cast %mul3A_448 : i32 to index
          %swap3A_454 = tpu.vector_load %swap3A_452[%swap3A_453] {strides = array<i32>} : memref<128xi32, #tpu.memory_space<vmem>>, vector<16xi32>,
          tpu.vector_store %swap3A_452[%swap3A_453], %get3A_446 {strides = array<i32>} : memref<128xi32, #tpu.memory_space<vmem>>, vector<16xi32>,
          %scan3A_455 = arith.constant 0 : i32
          scf.yield %scan3A_455 : i32
        }
        %scan3A_415 = arith.constant 8 : i32
        %not3A = arith.constant true
        %not3A_416 = arith.xori %ge3A, %not3A : i1
        %convert_element_type3A_417 = arith.extui %not3A_416 : i1 to i32
        %cond3A_418 = arith.constant 0 : i32
        %cond3A_419 = arith.cmpi ne, %convert_element_type3A_417, %cond3A_418 : i32
        scf.if %cond3A_419 {
          %dma_start3A_423 = arith.constant 0 : i32
          %dma_start3A_424 = arith.constant 0 : i32
          %dma_start3A_425 = arith.constant 0 : i32
          %dma_start3A_426 = arith.constant 0 : i32
          %dma_start3A_427 = tpu.memref_slice %arg19[%dma_start3A_424, %dma_start3A_425, %dma_start3A_426] : memref<5x128x128xf32, #tpu.memory_space<vmem>> -> memref<1x128x128xf32, #tpu.memory_space<vmem>>
          %dma_start3A_428 = tpu.memref_squeeze %dma_start3A_427 : memref<1x128x128xf32, #tpu.memory_space<vmem>> -> memref<128x128xf32, #tpu.memory_space<vmem>>
          %dma_start3A_429 = arith.constant 0 : i32
          %dma_start3A_430 = tpu.memref_slice %arg18[%dma_start3A_423, %dma_start3A_429] : memref<5x128xi32, #tpu.memory_space<vmem>> -> memref<1x128xi32, #tpu.memory_space<vmem>>
          %dma_start3A_431 = tpu.memref_squeeze %dma_start3A_430 : memref<1x128xi32, #tpu.memory_space<vmem>> -> memref<128xi32, #tpu.memory_space<vmem>>
          %dma_start3A_432 = arith.constant 0 : i32
          %dma_start3A_433 = arith.constant 0 : i32
          %dma_start3A_434 = tpu.memref_slice %arg3[%dma_start3A_432, %dma_start3A_433] : memref<16384x128xf32, #tpu.memory_space<hbm>> -> memref<16384x128xf32, #tpu.memory_space<hbm>>
          tpu.enqueue_indirect_dma source(%dma_start3A_434 : memref<16384x128xf32, #tpu.memory_space<hbm>>) target(%dma_start3A_428 : memref<128x128xf32, #tpu.memory_space<vmem>>) offsets(%dma_start3A_431 : memref<128xi32, #tpu.memory_space<vmem>>) semaphore(%arg20 : memref<!tpu.dma_semaphore, #tpu.memory_space<semaphore_mem>>)
        } else {
        }
        %convert_element_type3A_420 = arith.extui %ge3A : i1 to i32
        %cond3A_421 = arith.constant 0 : i32
        %cond3A_422 = arith.cmpi ne, %convert_element_type3A_420, %cond3A_421 : i32
        scf.if %cond3A_422 {
          %dma_start3A_423 = arith.constant 0 : i32
          %dma_start3A_424 = arith.constant 0 : i32
          %dma_start3A_425 = arith.constant 0 : i32
          %dma_start3A_426 = arith.constant 0 : i32
          %dma_start3A_427 = tpu.memref_slice %arg19[%dma_start3A_424, %dma_start3A_425, %dma_start3A_426] : memref<5x128x128xf32, #tpu.memory_space<vmem>> -> memref<1x128x128xf32, #tpu.memory_space<vmem>>
          %dma_start3A_428 = tpu.memref_squeeze %dma_start3A_427 : memref<1x128x128xf32, #tpu.memory_space<vmem>> -> memref<128x128xf32, #tpu.memory_space<vmem>>
          %dma_start3A_429 = arith.constant 0 : i32
          %dma_start3A_430 = tpu.memref_slice %arg18[%dma_start3A_423, %dma_start3A_429] : memref<5x128xi32, #tpu.memory_space<vmem>> -> memref<1x128xi32, #tpu.memory_space<vmem>>
          %dma_start3A_431 = tpu.memref_squeeze %dma_start3A_430 : memref<1x128xi32, #tpu.memory_space<vmem>> -> memref<128xi32, #tpu.memory_space<vmem>>
          %dma_start3A_432 = arith.constant 0 : i32
          %dma_start3A_433 = arith.constant 0 : i32
          %dma_start3A_434 = tpu.memref_slice %arg4[%dma_start3A_432, %dma_start3A_433] : memref<16384x128xf32, #tpu.memory_space<hbm>> -> memref<16384x128xf32, #tpu.memory_space<hbm>>
          tpu.enqueue_indirect_dma source(%dma_start3A_434 : memref<16384x128xf32, #tpu.memory_space<hbm>>) target(%dma_start3A_428 : memref<128x128xf32, #tpu.memory_space<vmem>>) offsets(%dma_start3A_431 : memref<128xi32, #tpu.memory_space<vmem>>) semaphore(%arg20 : memref<!tpu.dma_semaphore, #tpu.memory_space<semaphore_mem>>)
        } else {
        }
      } else {
      }
      %add3A_348 = arith.constant 1 : i32
      %add3A_349 = arith.addi %while3A_296, %add3A_348 : i32
      %mul3A_350 = arith.constant 5 : i32
      %mul3A_351 = arith.muli %add3A_349, %mul3A_350 : i32
      %add3A_352 = arith.constant 1 : i32
      %add3A_353 = arith.addi %mul3A_351, %add3A_352 : i32
      %lt3A_354 = arith.cmpi slt, %add3A_353, %mul3A_206 : i32
      %convert_element_type3A_355 = arith.extui %lt3A_354 : i1 to i32
      %cond3A_356 = arith.constant 0 : i32
      %cond3A_357 = arith.cmpi ne, %convert_element_type3A_355, %cond3A_356 : i32
      scf.if %cond3A_357 {
        %dma_wait3A_389 = arith.constant 1 : i32
        %dma_wait3A_390 = arith.constant 0 : i32
        %dma_wait3A_391 = arith.constant 0 : i32
        %dma_wait3A_392 = tpu.memref_slice %arg19[%dma_wait3A_389, %dma_wait3A_390, %dma_wait3A_391] : memref<5x128x128xf32, #tpu.memory_space<vmem>> -> memref<1x128x128xf32, #tpu.memory_space<vmem>>
        %dma_wait3A_393 = tpu.memref_squeeze %dma_wait3A_392 : memref<1x128x128xf32, #tpu.memory_space<vmem>> -> memref<128x128xf32, #tpu.memory_space<vmem>>
        %dma_wait3A_394 = arith.constant 0 : i32
        %dma_wait3A_395 = arith.constant 0 : i32
        %dma_wait3A_396 = tpu.memref_slice %arg3[%dma_wait3A_394, %dma_wait3A_395] : memref<16384x128xf32, #tpu.memory_space<hbm>> -> memref<128x128xf32, #tpu.memory_space<hbm>>
        %dma_wait3A_397 = arith.constant 0 : i32
        %dma_wait3A_398 = arith.constant 0 : i32
        %dma_wait3A_399 = tpu.memref_slice %arg19[%dma_wait3A_389, %dma_wait3A_397, %dma_wait3A_398] : memref<5x128x128xf32, #tpu.memory_space<vmem>> -> memref<1x128x128xf32, #tpu.memory_space<vmem>>
        %dma_wait3A_400 = tpu.memref_squeeze %dma_wait3A_399 : memref<1x128x128xf32, #tpu.memory_space<vmem>> -> memref<128x128xf32, #tpu.memory_space<vmem>>
        %dma_wait3A_401 = arith.constant 0 : i32
        %dma_wait3A_402 = arith.constant 0 : i32
        %dma_wait3A_403 = tpu.memref_slice %arg3[%dma_wait3A_401, %dma_wait3A_402] : memref<16384x128xf32, #tpu.memory_space<hbm>> -> memref<128x128xf32, #tpu.memory_space<hbm>>
        tpu.wait_dma2 semaphore(%arg26 : memref<!tpu.dma_semaphore, #tpu.memory_space<semaphore_mem>>) src(%dma_wait3A_403 : memref<128x128xf32, #tpu.memory_space<hbm>>) dst(%dma_wait3A_400 : memref<128x128xf32, #tpu.memory_space<vmem>>)
        %ge3A = arith.cmpi sge, %add3A_353, %select_n3A_204 : i32
        %sub3A_404 = arith.subi %add3A_353, %select_n3A_204 : i32
        %select_n3A_405 = arith.select %ge3A, %sub3A_404, %add3A_353 : i32
        %jit3A_406 = arith.constant 100000 : i32
        %jit3A_407 = arith.constant 0 : i32
        %select_n3A_408 = arith.select %ge3A, %jit3A_406, %jit3A_407 : i32
        %scan3A_409 = arith.constant 0 : i32
        %scan3A_410 = arith.constant 0 : i32
        %scan3A_411 = arith.constant 8 : i32
        %scan3A_412 = arith.addi %scan3A_410, %scan3A_411 : i32
        %scan3A_413 = arith.constant 1 : i32
        %scan3A_414 = scf.for %scan3A_423 = %scan3A_410 to %scan3A_412 step %scan3A_413 iter_args(%scan3A_424 = %scan3A_409) -> (i32)  : i32 {
          %mul3A_425 = arith.constant 128 : i32
          %mul3A_426 = arith.muli %select_n3A_405, %mul3A_425 : i32
          %mul3A_427 = arith.constant 16 : i32
          %mul3A_428 = arith.muli %scan3A_423, %mul3A_427 : i32
          %add3A_429 = arith.addi %mul3A_426, %mul3A_428 : i32
          %get3A = arith.index_cast %add3A_429 : i32 to index
          %get3A_430 = tpu.vector_load %arg15[%get3A] {strides = array<i32>} : memref<3328xi32, #tpu.memory_space<vmem>>, vector<16xi32>,
          %add3A_431 = vector.broadcast %select_n3A_408 : i32 to vector<16xi32>
          %add3A_432 = arith.addi %get3A_430, %add3A_431 : vector<16xi32>
          %mul3A_433 = arith.constant 16 : i32
          %mul3A_434 = arith.muli %scan3A_423, %mul3A_433 : i32
          %swap3A = arith.constant 1 : i32
          %swap3A_435 = arith.constant 0 : i32
          %swap3A_436 = tpu.memref_slice %arg17[%swap3A, %swap3A_435] : memref<5x128xi32, #tpu.memory_space<vmem>> -> memref<1x128xi32, #tpu.memory_space<vmem>>
          %swap3A_437 = tpu.memref_squeeze %swap3A_436 : memref<1x128xi32, #tpu.memory_space<vmem>> -> memref<128xi32, #tpu.memory_space<vmem>>
          %swap3A_438 = arith.index_cast %mul3A_434 : i32 to index
          %swap3A_439 = tpu.vector_load %swap3A_437[%swap3A_438] {strides = array<i32>} : memref<128xi32, #tpu.memory_space<vmem>>, vector<16xi32>,
          tpu.vector_store %swap3A_437[%swap3A_438], %add3A_432 {strides = array<i32>} : memref<128xi32, #tpu.memory_space<vmem>>, vector<16xi32>,
          %mul3A_440 = arith.constant 128 : i32
          %mul3A_441 = arith.muli %select_n3A_405, %mul3A_440 : i32
          %mul3A_442 = arith.constant 16 : i32
          %mul3A_443 = arith.muli %scan3A_423, %mul3A_442 : i32
          %add3A_444 = arith.addi %mul3A_441, %mul3A_443 : i32
          %get3A_445 = arith.index_cast %add3A_444 : i32 to index
          %get3A_446 = tpu.vector_load %arg16[%get3A_445] {strides = array<i32>} : memref<3328xi32, #tpu.memory_space<vmem>>, vector<16xi32>,
          %mul3A_447 = arith.constant 16 : i32
          %mul3A_448 = arith.muli %scan3A_423, %mul3A_447 : i32
          %swap3A_449 = arith.constant 1 : i32
          %swap3A_450 = arith.constant 0 : i32
          %swap3A_451 = tpu.memref_slice %arg18[%swap3A_449, %swap3A_450] : memref<5x128xi32, #tpu.memory_space<vmem>> -> memref<1x128xi32, #tpu.memory_space<vmem>>
          %swap3A_452 = tpu.memref_squeeze %swap3A_451 : memref<1x128xi32, #tpu.memory_space<vmem>> -> memref<128xi32, #tpu.memory_space<vmem>>
          %swap3A_453 = arith.index_cast %mul3A_448 : i32 to index
          %swap3A_454 = tpu.vector_load %swap3A_452[%swap3A_453] {strides = array<i32>} : memref<128xi32, #tpu.memory_space<vmem>>, vector<16xi32>,
          tpu.vector_store %swap3A_452[%swap3A_453], %get3A_446 {strides = array<i32>} : memref<128xi32, #tpu.memory_space<vmem>>, vector<16xi32>,
          %scan3A_455 = arith.constant 0 : i32
          scf.yield %scan3A_455 : i32
        }
        %scan3A_415 = arith.constant 8 : i32
        %not3A = arith.constant true
        %not3A_416 = arith.xori %ge3A, %not3A : i1
        %convert_element_type3A_417 = arith.extui %not3A_416 : i1 to i32
        %cond3A_418 = arith.constant 0 : i32
        %cond3A_419 = arith.cmpi ne, %convert_element_type3A_417, %cond3A_418 : i32
        scf.if %cond3A_419 {
          %dma_start3A_423 = arith.constant 1 : i32
          %dma_start3A_424 = arith.constant 1 : i32
          %dma_start3A_425 = arith.constant 0 : i32
          %dma_start3A_426 = arith.constant 0 : i32
          %dma_start3A_427 = tpu.memref_slice %arg19[%dma_start3A_424, %dma_start3A_425, %dma_start3A_426] : memref<5x128x128xf32, #tpu.memory_space<vmem>> -> memref<1x128x128xf32, #tpu.memory_space<vmem>>
          %dma_start3A_428 = tpu.memref_squeeze %dma_start3A_427 : memref<1x128x128xf32, #tpu.memory_space<vmem>> -> memref<128x128xf32, #tpu.memory_space<vmem>>
          %dma_start3A_429 = arith.constant 0 : i32
          %dma_start3A_430 = tpu.memref_slice %arg18[%dma_start3A_423, %dma_start3A_429] : memref<5x128xi32, #tpu.memory_space<vmem>> -> memref<1x128xi32, #tpu.memory_space<vmem>>
          %dma_start3A_431 = tpu.memref_squeeze %dma_start3A_430 : memref<1x128xi32, #tpu.memory_space<vmem>> -> memref<128xi32, #tpu.memory_space<vmem>>
          %dma_start3A_432 = arith.constant 0 : i32
          %dma_start3A_433 = arith.constant 0 : i32
          %dma_start3A_434 = tpu.memref_slice %arg3[%dma_start3A_432, %dma_start3A_433] : memref<16384x128xf32, #tpu.memory_space<hbm>> -> memref<16384x128xf32, #tpu.memory_space<hbm>>
          tpu.enqueue_indirect_dma source(%dma_start3A_434 : memref<16384x128xf32, #tpu.memory_space<hbm>>) target(%dma_start3A_428 : memref<128x128xf32, #tpu.memory_space<vmem>>) offsets(%dma_start3A_431 : memref<128xi32, #tpu.memory_space<vmem>>) semaphore(%arg21 : memref<!tpu.dma_semaphore, #tpu.memory_space<semaphore_mem>>)
        } else {
        }
        %convert_element_type3A_420 = arith.extui %ge3A : i1 to i32
        %cond3A_421 = arith.constant 0 : i32
        %cond3A_422 = arith.cmpi ne, %convert_element_type3A_420, %cond3A_421 : i32
        scf.if %cond3A_422 {
          %dma_start3A_423 = arith.constant 1 : i32
          %dma_start3A_424 = arith.constant 1 : i32
          %dma_start3A_425 = arith.constant 0 : i32
          %dma_start3A_426 = arith.constant 0 : i32
          %dma_start3A_427 = tpu.memref_slice %arg19[%dma_start3A_424, %dma_start3A_425, %dma_start3A_426] : memref<5x128x128xf32, #tpu.memory_space<vmem>> -> memref<1x128x128xf32, #tpu.memory_space<vmem>>
          %dma_start3A_428 = tpu.memref_squeeze %dma_start3A_427 : memref<1x128x128xf32, #tpu.memory_space<vmem>> -> memref<128x128xf32, #tpu.memory_space<vmem>>
          %dma_start3A_429 = arith.constant 0 : i32
          %dma_start3A_430 = tpu.memref_slice %arg18[%dma_start3A_423, %dma_start3A_429] : memref<5x128xi32, #tpu.memory_space<vmem>> -> memref<1x128xi32, #tpu.memory_space<vmem>>
          %dma_start3A_431 = tpu.memref_squeeze %dma_start3A_430 : memref<1x128xi32, #tpu.memory_space<vmem>> -> memref<128xi32, #tpu.memory_space<vmem>>
          %dma_start3A_432 = arith.constant 0 : i32
          %dma_start3A_433 = arith.constant 0 : i32
          %dma_start3A_434 = tpu.memref_slice %arg4[%dma_start3A_432, %dma_start3A_433] : memref<16384x128xf32, #tpu.memory_space<hbm>> -> memref<16384x128xf32, #tpu.memory_space<hbm>>
          tpu.enqueue_indirect_dma source(%dma_start3A_434 : memref<16384x128xf32, #tpu.memory_space<hbm>>) target(%dma_start3A_428 : memref<128x128xf32, #tpu.memory_space<vmem>>) offsets(%dma_start3A_431 : memref<128xi32, #tpu.memory_space<vmem>>) semaphore(%arg21 : memref<!tpu.dma_semaphore, #tpu.memory_space<semaphore_mem>>)
        } else {
        }
      } else {
      }
      %add3A_358 = arith.constant 1 : i32
      %add3A_359 = arith.addi %while3A_296, %add3A_358 : i32
      %mul3A_360 = arith.constant 5 : i32
      %mul3A_361 = arith.muli %add3A_359, %mul3A_360 : i32
      %add3A_362 = arith.constant 2 : i32
      %add3A_363 = arith.addi %mul3A_361, %add3A_362 : i32
      %lt3A_364 = arith.cmpi slt, %add3A_363, %mul3A_206 : i32
      %convert_element_type3A_365 = arith.extui %lt3A_364 : i1 to i32
      %cond3A_366 = arith.constant 0 : i32
      %cond3A_367 = arith.cmpi ne, %convert_element_type3A_365, %cond3A_366 : i32
      scf.if %cond3A_367 {
        %dma_wait3A_389 = arith.constant 2 : i32
        %dma_wait3A_390 = arith.constant 0 : i32
        %dma_wait3A_391 = arith.constant 0 : i32
        %dma_wait3A_392 = tpu.memref_slice %arg19[%dma_wait3A_389, %dma_wait3A_390, %dma_wait3A_391] : memref<5x128x128xf32, #tpu.memory_space<vmem>> -> memref<1x128x128xf32, #tpu.memory_space<vmem>>
        %dma_wait3A_393 = tpu.memref_squeeze %dma_wait3A_392 : memref<1x128x128xf32, #tpu.memory_space<vmem>> -> memref<128x128xf32, #tpu.memory_space<vmem>>
        %dma_wait3A_394 = arith.constant 0 : i32
        %dma_wait3A_395 = arith.constant 0 : i32
        %dma_wait3A_396 = tpu.memref_slice %arg3[%dma_wait3A_394, %dma_wait3A_395] : memref<16384x128xf32, #tpu.memory_space<hbm>> -> memref<128x128xf32, #tpu.memory_space<hbm>>
        %dma_wait3A_397 = arith.constant 0 : i32
        %dma_wait3A_398 = arith.constant 0 : i32
        %dma_wait3A_399 = tpu.memref_slice %arg19[%dma_wait3A_389, %dma_wait3A_397, %dma_wait3A_398] : memref<5x128x128xf32, #tpu.memory_space<vmem>> -> memref<1x128x128xf32, #tpu.memory_space<vmem>>
        %dma_wait3A_400 = tpu.memref_squeeze %dma_wait3A_399 : memref<1x128x128xf32, #tpu.memory_space<vmem>> -> memref<128x128xf32, #tpu.memory_space<vmem>>
        %dma_wait3A_401 = arith.constant 0 : i32
        %dma_wait3A_402 = arith.constant 0 : i32
        %dma_wait3A_403 = tpu.memref_slice %arg3[%dma_wait3A_401, %dma_wait3A_402] : memref<16384x128xf32, #tpu.memory_space<hbm>> -> memref<128x128xf32, #tpu.memory_space<hbm>>
        tpu.wait_dma2 semaphore(%arg27 : memref<!tpu.dma_semaphore, #tpu.memory_space<semaphore_mem>>) src(%dma_wait3A_403 : memref<128x128xf32, #tpu.memory_space<hbm>>) dst(%dma_wait3A_400 : memref<128x128xf32, #tpu.memory_space<vmem>>)
        %ge3A = arith.cmpi sge, %add3A_363, %select_n3A_204 : i32
        %sub3A_404 = arith.subi %add3A_363, %select_n3A_204 : i32
        %select_n3A_405 = arith.select %ge3A, %sub3A_404, %add3A_363 : i32
        %jit3A_406 = arith.constant 100000 : i32
        %jit3A_407 = arith.constant 0 : i32
        %select_n3A_408 = arith.select %ge3A, %jit3A_406, %jit3A_407 : i32
        %scan3A_409 = arith.constant 0 : i32
        %scan3A_410 = arith.constant 0 : i32
        %scan3A_411 = arith.constant 8 : i32
        %scan3A_412 = arith.addi %scan3A_410, %scan3A_411 : i32
        %scan3A_413 = arith.constant 1 : i32
        %scan3A_414 = scf.for %scan3A_423 = %scan3A_410 to %scan3A_412 step %scan3A_413 iter_args(%scan3A_424 = %scan3A_409) -> (i32)  : i32 {
          %mul3A_425 = arith.constant 128 : i32
          %mul3A_426 = arith.muli %select_n3A_405, %mul3A_425 : i32
          %mul3A_427 = arith.constant 16 : i32
          %mul3A_428 = arith.muli %scan3A_423, %mul3A_427 : i32
          %add3A_429 = arith.addi %mul3A_426, %mul3A_428 : i32
          %get3A = arith.index_cast %add3A_429 : i32 to index
          %get3A_430 = tpu.vector_load %arg15[%get3A] {strides = array<i32>} : memref<3328xi32, #tpu.memory_space<vmem>>, vector<16xi32>,
          %add3A_431 = vector.broadcast %select_n3A_408 : i32 to vector<16xi32>
          %add3A_432 = arith.addi %get3A_430, %add3A_431 : vector<16xi32>
          %mul3A_433 = arith.constant 16 : i32
          %mul3A_434 = arith.muli %scan3A_423, %mul3A_433 : i32
          %swap3A = arith.constant 2 : i32
          %swap3A_435 = arith.constant 0 : i32
          %swap3A_436 = tpu.memref_slice %arg17[%swap3A, %swap3A_435] : memref<5x128xi32, #tpu.memory_space<vmem>> -> memref<1x128xi32, #tpu.memory_space<vmem>>
          %swap3A_437 = tpu.memref_squeeze %swap3A_436 : memref<1x128xi32, #tpu.memory_space<vmem>> -> memref<128xi32, #tpu.memory_space<vmem>>
          %swap3A_438 = arith.index_cast %mul3A_434 : i32 to index
          %swap3A_439 = tpu.vector_load %swap3A_437[%swap3A_438] {strides = array<i32>} : memref<128xi32, #tpu.memory_space<vmem>>, vector<16xi32>,
          tpu.vector_store %swap3A_437[%swap3A_438], %add3A_432 {strides = array<i32>} : memref<128xi32, #tpu.memory_space<vmem>>, vector<16xi32>,
          %mul3A_440 = arith.constant 128 : i32
          %mul3A_441 = arith.muli %select_n3A_405, %mul3A_440 : i32
          %mul3A_442 = arith.constant 16 : i32
          %mul3A_443 = arith.muli %scan3A_423, %mul3A_442 : i32
          %add3A_444 = arith.addi %mul3A_441, %mul3A_443 : i32
          %get3A_445 = arith.index_cast %add3A_444 : i32 to index
          %get3A_446 = tpu.vector_load %arg16[%get3A_445] {strides = array<i32>} : memref<3328xi32, #tpu.memory_space<vmem>>, vector<16xi32>,
          %mul3A_447 = arith.constant 16 : i32
          %mul3A_448 = arith.muli %scan3A_423, %mul3A_447 : i32
          %swap3A_449 = arith.constant 2 : i32
          %swap3A_450 = arith.constant 0 : i32
          %swap3A_451 = tpu.memref_slice %arg18[%swap3A_449, %swap3A_450] : memref<5x128xi32, #tpu.memory_space<vmem>> -> memref<1x128xi32, #tpu.memory_space<vmem>>
          %swap3A_452 = tpu.memref_squeeze %swap3A_451 : memref<1x128xi32, #tpu.memory_space<vmem>> -> memref<128xi32, #tpu.memory_space<vmem>>
          %swap3A_453 = arith.index_cast %mul3A_448 : i32 to index
          %swap3A_454 = tpu.vector_load %swap3A_452[%swap3A_453] {strides = array<i32>} : memref<128xi32, #tpu.memory_space<vmem>>, vector<16xi32>,
          tpu.vector_store %swap3A_452[%swap3A_453], %get3A_446 {strides = array<i32>} : memref<128xi32, #tpu.memory_space<vmem>>, vector<16xi32>,
          %scan3A_455 = arith.constant 0 : i32
          scf.yield %scan3A_455 : i32
        }
        %scan3A_415 = arith.constant 8 : i32
        %not3A = arith.constant true
        %not3A_416 = arith.xori %ge3A, %not3A : i1
        %convert_element_type3A_417 = arith.extui %not3A_416 : i1 to i32
        %cond3A_418 = arith.constant 0 : i32
        %cond3A_419 = arith.cmpi ne, %convert_element_type3A_417, %cond3A_418 : i32
        scf.if %cond3A_419 {
          %dma_start3A_423 = arith.constant 2 : i32
          %dma_start3A_424 = arith.constant 2 : i32
          %dma_start3A_425 = arith.constant 0 : i32
          %dma_start3A_426 = arith.constant 0 : i32
          %dma_start3A_427 = tpu.memref_slice %arg19[%dma_start3A_424, %dma_start3A_425, %dma_start3A_426] : memref<5x128x128xf32, #tpu.memory_space<vmem>> -> memref<1x128x128xf32, #tpu.memory_space<vmem>>
          %dma_start3A_428 = tpu.memref_squeeze %dma_start3A_427 : memref<1x128x128xf32, #tpu.memory_space<vmem>> -> memref<128x128xf32, #tpu.memory_space<vmem>>
          %dma_start3A_429 = arith.constant 0 : i32
          %dma_start3A_430 = tpu.memref_slice %arg18[%dma_start3A_423, %dma_start3A_429] : memref<5x128xi32, #tpu.memory_space<vmem>> -> memref<1x128xi32, #tpu.memory_space<vmem>>
          %dma_start3A_431 = tpu.memref_squeeze %dma_start3A_430 : memref<1x128xi32, #tpu.memory_space<vmem>> -> memref<128xi32, #tpu.memory_space<vmem>>
          %dma_start3A_432 = arith.constant 0 : i32
          %dma_start3A_433 = arith.constant 0 : i32
          %dma_start3A_434 = tpu.memref_slice %arg3[%dma_start3A_432, %dma_start3A_433] : memref<16384x128xf32, #tpu.memory_space<hbm>> -> memref<16384x128xf32, #tpu.memory_space<hbm>>
          tpu.enqueue_indirect_dma source(%dma_start3A_434 : memref<16384x128xf32, #tpu.memory_space<hbm>>) target(%dma_start3A_428 : memref<128x128xf32, #tpu.memory_space<vmem>>) offsets(%dma_start3A_431 : memref<128xi32, #tpu.memory_space<vmem>>) semaphore(%arg22 : memref<!tpu.dma_semaphore, #tpu.memory_space<semaphore_mem>>)
        } else {
        }
        %convert_element_type3A_420 = arith.extui %ge3A : i1 to i32
        %cond3A_421 = arith.constant 0 : i32
        %cond3A_422 = arith.cmpi ne, %convert_element_type3A_420, %cond3A_421 : i32
        scf.if %cond3A_422 {
          %dma_start3A_423 = arith.constant 2 : i32
          %dma_start3A_424 = arith.constant 2 : i32
          %dma_start3A_425 = arith.constant 0 : i32
          %dma_start3A_426 = arith.constant 0 : i32
          %dma_start3A_427 = tpu.memref_slice %arg19[%dma_start3A_424, %dma_start3A_425, %dma_start3A_426] : memref<5x128x128xf32, #tpu.memory_space<vmem>> -> memref<1x128x128xf32, #tpu.memory_space<vmem>>
          %dma_start3A_428 = tpu.memref_squeeze %dma_start3A_427 : memref<1x128x128xf32, #tpu.memory_space<vmem>> -> memref<128x128xf32, #tpu.memory_space<vmem>>
          %dma_start3A_429 = arith.constant 0 : i32
          %dma_start3A_430 = tpu.memref_slice %arg18[%dma_start3A_423, %dma_start3A_429] : memref<5x128xi32, #tpu.memory_space<vmem>> -> memref<1x128xi32, #tpu.memory_space<vmem>>
          %dma_start3A_431 = tpu.memref_squeeze %dma_start3A_430 : memref<1x128xi32, #tpu.memory_space<vmem>> -> memref<128xi32, #tpu.memory_space<vmem>>
          %dma_start3A_432 = arith.constant 0 : i32
          %dma_start3A_433 = arith.constant 0 : i32
          %dma_start3A_434 = tpu.memref_slice %arg4[%dma_start3A_432, %dma_start3A_433] : memref<16384x128xf32, #tpu.memory_space<hbm>> -> memref<16384x128xf32, #tpu.memory_space<hbm>>
          tpu.enqueue_indirect_dma source(%dma_start3A_434 : memref<16384x128xf32, #tpu.memory_space<hbm>>) target(%dma_start3A_428 : memref<128x128xf32, #tpu.memory_space<vmem>>) offsets(%dma_start3A_431 : memref<128xi32, #tpu.memory_space<vmem>>) semaphore(%arg22 : memref<!tpu.dma_semaphore, #tpu.memory_space<semaphore_mem>>)
        } else {
        }
      } else {
      }
      %add3A_368 = arith.constant 1 : i32
      %add3A_369 = arith.addi %while3A_296, %add3A_368 : i32
      %mul3A_370 = arith.constant 5 : i32
      %mul3A_371 = arith.muli %add3A_369, %mul3A_370 : i32
      %add3A_372 = arith.constant 3 : i32
      %add3A_373 = arith.addi %mul3A_371, %add3A_372 : i32
      %lt3A_374 = arith.cmpi slt, %add3A_373, %mul3A_206 : i32
      %convert_element_type3A_375 = arith.extui %lt3A_374 : i1 to i32
      %cond3A_376 = arith.constant 0 : i32
      %cond3A_377 = arith.cmpi ne, %convert_element_type3A_375, %cond3A_376 : i32
      scf.if %cond3A_377 {
        %dma_wait3A_389 = arith.constant 3 : i32
        %dma_wait3A_390 = arith.constant 0 : i32
        %dma_wait3A_391 = arith.constant 0 : i32
        %dma_wait3A_392 = tpu.memref_slice %arg19[%dma_wait3A_389, %dma_wait3A_390, %dma_wait3A_391] : memref<5x128x128xf32, #tpu.memory_space<vmem>> -> memref<1x128x128xf32, #tpu.memory_space<vmem>>
        %dma_wait3A_393 = tpu.memref_squeeze %dma_wait3A_392 : memref<1x128x128xf32, #tpu.memory_space<vmem>> -> memref<128x128xf32, #tpu.memory_space<vmem>>
        %dma_wait3A_394 = arith.constant 0 : i32
        %dma_wait3A_395 = arith.constant 0 : i32
        %dma_wait3A_396 = tpu.memref_slice %arg3[%dma_wait3A_394, %dma_wait3A_395] : memref<16384x128xf32, #tpu.memory_space<hbm>> -> memref<128x128xf32, #tpu.memory_space<hbm>>
        %dma_wait3A_397 = arith.constant 0 : i32
        %dma_wait3A_398 = arith.constant 0 : i32
        %dma_wait3A_399 = tpu.memref_slice %arg19[%dma_wait3A_389, %dma_wait3A_397, %dma_wait3A_398] : memref<5x128x128xf32, #tpu.memory_space<vmem>> -> memref<1x128x128xf32, #tpu.memory_space<vmem>>
        %dma_wait3A_400 = tpu.memref_squeeze %dma_wait3A_399 : memref<1x128x128xf32, #tpu.memory_space<vmem>> -> memref<128x128xf32, #tpu.memory_space<vmem>>
        %dma_wait3A_401 = arith.constant 0 : i32
        %dma_wait3A_402 = arith.constant 0 : i32
        %dma_wait3A_403 = tpu.memref_slice %arg3[%dma_wait3A_401, %dma_wait3A_402] : memref<16384x128xf32, #tpu.memory_space<hbm>> -> memref<128x128xf32, #tpu.memory_space<hbm>>
        tpu.wait_dma2 semaphore(%arg28 : memref<!tpu.dma_semaphore, #tpu.memory_space<semaphore_mem>>) src(%dma_wait3A_403 : memref<128x128xf32, #tpu.memory_space<hbm>>) dst(%dma_wait3A_400 : memref<128x128xf32, #tpu.memory_space<vmem>>)
        %ge3A = arith.cmpi sge, %add3A_373, %select_n3A_204 : i32
        %sub3A_404 = arith.subi %add3A_373, %select_n3A_204 : i32
        %select_n3A_405 = arith.select %ge3A, %sub3A_404, %add3A_373 : i32
        %jit3A_406 = arith.constant 100000 : i32
        %jit3A_407 = arith.constant 0 : i32
        %select_n3A_408 = arith.select %ge3A, %jit3A_406, %jit3A_407 : i32
        %scan3A_409 = arith.constant 0 : i32
        %scan3A_410 = arith.constant 0 : i32
        %scan3A_411 = arith.constant 8 : i32
        %scan3A_412 = arith.addi %scan3A_410, %scan3A_411 : i32
        %scan3A_413 = arith.constant 1 : i32
        %scan3A_414 = scf.for %scan3A_423 = %scan3A_410 to %scan3A_412 step %scan3A_413 iter_args(%scan3A_424 = %scan3A_409) -> (i32)  : i32 {
          %mul3A_425 = arith.constant 128 : i32
          %mul3A_426 = arith.muli %select_n3A_405, %mul3A_425 : i32
          %mul3A_427 = arith.constant 16 : i32
          %mul3A_428 = arith.muli %scan3A_423, %mul3A_427 : i32
          %add3A_429 = arith.addi %mul3A_426, %mul3A_428 : i32
          %get3A = arith.index_cast %add3A_429 : i32 to index
          %get3A_430 = tpu.vector_load %arg15[%get3A] {strides = array<i32>} : memref<3328xi32, #tpu.memory_space<vmem>>, vector<16xi32>,
          %add3A_431 = vector.broadcast %select_n3A_408 : i32 to vector<16xi32>
          %add3A_432 = arith.addi %get3A_430, %add3A_431 : vector<16xi32>
          %mul3A_433 = arith.constant 16 : i32
          %mul3A_434 = arith.muli %scan3A_423, %mul3A_433 : i32
          %swap3A = arith.constant 3 : i32
          %swap3A_435 = arith.constant 0 : i32
          %swap3A_436 = tpu.memref_slice %arg17[%swap3A, %swap3A_435] : memref<5x128xi32, #tpu.memory_space<vmem>> -> memref<1x128xi32, #tpu.memory_space<vmem>>
          %swap3A_437 = tpu.memref_squeeze %swap3A_436 : memref<1x128xi32, #tpu.memory_space<vmem>> -> memref<128xi32, #tpu.memory_space<vmem>>
          %swap3A_438 = arith.index_cast %mul3A_434 : i32 to index
          %swap3A_439 = tpu.vector_load %swap3A_437[%swap3A_438] {strides = array<i32>} : memref<128xi32, #tpu.memory_space<vmem>>, vector<16xi32>,
          tpu.vector_store %swap3A_437[%swap3A_438], %add3A_432 {strides = array<i32>} : memref<128xi32, #tpu.memory_space<vmem>>, vector<16xi32>,
          %mul3A_440 = arith.constant 128 : i32
          %mul3A_441 = arith.muli %select_n3A_405, %mul3A_440 : i32
          %mul3A_442 = arith.constant 16 : i32
          %mul3A_443 = arith.muli %scan3A_423, %mul3A_442 : i32
          %add3A_444 = arith.addi %mul3A_441, %mul3A_443 : i32
          %get3A_445 = arith.index_cast %add3A_444 : i32 to index
          %get3A_446 = tpu.vector_load %arg16[%get3A_445] {strides = array<i32>} : memref<3328xi32, #tpu.memory_space<vmem>>, vector<16xi32>,
          %mul3A_447 = arith.constant 16 : i32
          %mul3A_448 = arith.muli %scan3A_423, %mul3A_447 : i32
          %swap3A_449 = arith.constant 3 : i32
          %swap3A_450 = arith.constant 0 : i32
          %swap3A_451 = tpu.memref_slice %arg18[%swap3A_449, %swap3A_450] : memref<5x128xi32, #tpu.memory_space<vmem>> -> memref<1x128xi32, #tpu.memory_space<vmem>>
          %swap3A_452 = tpu.memref_squeeze %swap3A_451 : memref<1x128xi32, #tpu.memory_space<vmem>> -> memref<128xi32, #tpu.memory_space<vmem>>
          %swap3A_453 = arith.index_cast %mul3A_448 : i32 to index
          %swap3A_454 = tpu.vector_load %swap3A_452[%swap3A_453] {strides = array<i32>} : memref<128xi32, #tpu.memory_space<vmem>>, vector<16xi32>,
          tpu.vector_store %swap3A_452[%swap3A_453], %get3A_446 {strides = array<i32>} : memref<128xi32, #tpu.memory_space<vmem>>, vector<16xi32>,
          %scan3A_455 = arith.constant 0 : i32
          scf.yield %scan3A_455 : i32
        }
        %scan3A_415 = arith.constant 8 : i32
        %not3A = arith.constant true
        %not3A_416 = arith.xori %ge3A, %not3A : i1
        %convert_element_type3A_417 = arith.extui %not3A_416 : i1 to i32
        %cond3A_418 = arith.constant 0 : i32
        %cond3A_419 = arith.cmpi ne, %convert_element_type3A_417, %cond3A_418 : i32
        scf.if %cond3A_419 {
          %dma_start3A_423 = arith.constant 3 : i32
          %dma_start3A_424 = arith.constant 3 : i32
          %dma_start3A_425 = arith.constant 0 : i32
          %dma_start3A_426 = arith.constant 0 : i32
          %dma_start3A_427 = tpu.memref_slice %arg19[%dma_start3A_424, %dma_start3A_425, %dma_start3A_426] : memref<5x128x128xf32, #tpu.memory_space<vmem>> -> memref<1x128x128xf32, #tpu.memory_space<vmem>>
          %dma_start3A_428 = tpu.memref_squeeze %dma_start3A_427 : memref<1x128x128xf32, #tpu.memory_space<vmem>> -> memref<128x128xf32, #tpu.memory_space<vmem>>
          %dma_start3A_429 = arith.constant 0 : i32
          %dma_start3A_430 = tpu.memref_slice %arg18[%dma_start3A_423, %dma_start3A_429] : memref<5x128xi32, #tpu.memory_space<vmem>> -> memref<1x128xi32, #tpu.memory_space<vmem>>
          %dma_start3A_431 = tpu.memref_squeeze %dma_start3A_430 : memref<1x128xi32, #tpu.memory_space<vmem>> -> memref<128xi32, #tpu.memory_space<vmem>>
          %dma_start3A_432 = arith.constant 0 : i32
          %dma_start3A_433 = arith.constant 0 : i32
          %dma_start3A_434 = tpu.memref_slice %arg3[%dma_start3A_432, %dma_start3A_433] : memref<16384x128xf32, #tpu.memory_space<hbm>> -> memref<16384x128xf32, #tpu.memory_space<hbm>>
          tpu.enqueue_indirect_dma source(%dma_start3A_434 : memref<16384x128xf32, #tpu.memory_space<hbm>>) target(%dma_start3A_428 : memref<128x128xf32, #tpu.memory_space<vmem>>) offsets(%dma_start3A_431 : memref<128xi32, #tpu.memory_space<vmem>>) semaphore(%arg23 : memref<!tpu.dma_semaphore, #tpu.memory_space<semaphore_mem>>)
        } else {
        }
        %convert_element_type3A_420 = arith.extui %ge3A : i1 to i32
        %cond3A_421 = arith.constant 0 : i32
        %cond3A_422 = arith.cmpi ne, %convert_element_type3A_420, %cond3A_421 : i32
        scf.if %cond3A_422 {
          %dma_start3A_423 = arith.constant 3 : i32
          %dma_start3A_424 = arith.constant 3 : i32
          %dma_start3A_425 = arith.constant 0 : i32
          %dma_start3A_426 = arith.constant 0 : i32
          %dma_start3A_427 = tpu.memref_slice %arg19[%dma_start3A_424, %dma_start3A_425, %dma_start3A_426] : memref<5x128x128xf32, #tpu.memory_space<vmem>> -> memref<1x128x128xf32, #tpu.memory_space<vmem>>
          %dma_start3A_428 = tpu.memref_squeeze %dma_start3A_427 : memref<1x128x128xf32, #tpu.memory_space<vmem>> -> memref<128x128xf32, #tpu.memory_space<vmem>>
          %dma_start3A_429 = arith.constant 0 : i32
          %dma_start3A_430 = tpu.memref_slice %arg18[%dma_start3A_423, %dma_start3A_429] : memref<5x128xi32, #tpu.memory_space<vmem>> -> memref<1x128xi32, #tpu.memory_space<vmem>>
          %dma_start3A_431 = tpu.memref_squeeze %dma_start3A_430 : memref<1x128xi32, #tpu.memory_space<vmem>> -> memref<128xi32, #tpu.memory_space<vmem>>
          %dma_start3A_432 = arith.constant 0 : i32
          %dma_start3A_433 = arith.constant 0 : i32
          %dma_start3A_434 = tpu.memref_slice %arg4[%dma_start3A_432, %dma_start3A_433] : memref<16384x128xf32, #tpu.memory_space<hbm>> -> memref<16384x128xf32, #tpu.memory_space<hbm>>
          tpu.enqueue_indirect_dma source(%dma_start3A_434 : memref<16384x128xf32, #tpu.memory_space<hbm>>) target(%dma_start3A_428 : memref<128x128xf32, #tpu.memory_space<vmem>>) offsets(%dma_start3A_431 : memref<128xi32, #tpu.memory_space<vmem>>) semaphore(%arg23 : memref<!tpu.dma_semaphore, #tpu.memory_space<semaphore_mem>>)
        } else {
        }
      } else {
      }
      %add3A_378 = arith.constant 1 : i32
      %add3A_379 = arith.addi %while3A_296, %add3A_378 : i32
      %mul3A_380 = arith.constant 5 : i32
      %mul3A_381 = arith.muli %add3A_379, %mul3A_380 : i32
      %add3A_382 = arith.constant 4 : i32
      %add3A_383 = arith.addi %mul3A_381, %add3A_382 : i32
      %lt3A_384 = arith.cmpi slt, %add3A_383, %mul3A_206 : i32
      %convert_element_type3A_385 = arith.extui %lt3A_384 : i1 to i32
      %cond3A_386 = arith.constant 0 : i32
      %cond3A_387 = arith.cmpi ne, %convert_element_type3A_385, %cond3A_386 : i32
      scf.if %cond3A_387 {
        %dma_wait3A_389 = arith.constant 4 : i32
        %dma_wait3A_390 = arith.constant 0 : i32
        %dma_wait3A_391 = arith.constant 0 : i32
        %dma_wait3A_392 = tpu.memref_slice %arg19[%dma_wait3A_389, %dma_wait3A_390, %dma_wait3A_391] : memref<5x128x128xf32, #tpu.memory_space<vmem>> -> memref<1x128x128xf32, #tpu.memory_space<vmem>>
        %dma_wait3A_393 = tpu.memref_squeeze %dma_wait3A_392 : memref<1x128x128xf32, #tpu.memory_space<vmem>> -> memref<128x128xf32, #tpu.memory_space<vmem>>
        %dma_wait3A_394 = arith.constant 0 : i32
        %dma_wait3A_395 = arith.constant 0 : i32
        %dma_wait3A_396 = tpu.memref_slice %arg3[%dma_wait3A_394, %dma_wait3A_395] : memref<16384x128xf32, #tpu.memory_space<hbm>> -> memref<128x128xf32, #tpu.memory_space<hbm>>
        %dma_wait3A_397 = arith.constant 0 : i32
        %dma_wait3A_398 = arith.constant 0 : i32
        %dma_wait3A_399 = tpu.memref_slice %arg19[%dma_wait3A_389, %dma_wait3A_397, %dma_wait3A_398] : memref<5x128x128xf32, #tpu.memory_space<vmem>> -> memref<1x128x128xf32, #tpu.memory_space<vmem>>
        %dma_wait3A_400 = tpu.memref_squeeze %dma_wait3A_399 : memref<1x128x128xf32, #tpu.memory_space<vmem>> -> memref<128x128xf32, #tpu.memory_space<vmem>>
        %dma_wait3A_401 = arith.constant 0 : i32
        %dma_wait3A_402 = arith.constant 0 : i32
        %dma_wait3A_403 = tpu.memref_slice %arg3[%dma_wait3A_401, %dma_wait3A_402] : memref<16384x128xf32, #tpu.memory_space<hbm>> -> memref<128x128xf32, #tpu.memory_space<hbm>>
        tpu.wait_dma2 semaphore(%arg29 : memref<!tpu.dma_semaphore, #tpu.memory_space<semaphore_mem>>) src(%dma_wait3A_403 : memref<128x128xf32, #tpu.memory_space<hbm>>) dst(%dma_wait3A_400 : memref<128x128xf32, #tpu.memory_space<vmem>>)
        %ge3A = arith.cmpi sge, %add3A_383, %select_n3A_204 : i32
        %sub3A_404 = arith.subi %add3A_383, %select_n3A_204 : i32
        %select_n3A_405 = arith.select %ge3A, %sub3A_404, %add3A_383 : i32
        %jit3A_406 = arith.constant 100000 : i32
        %jit3A_407 = arith.constant 0 : i32
        %select_n3A_408 = arith.select %ge3A, %jit3A_406, %jit3A_407 : i32
        %scan3A_409 = arith.constant 0 : i32
        %scan3A_410 = arith.constant 0 : i32
        %scan3A_411 = arith.constant 8 : i32
        %scan3A_412 = arith.addi %scan3A_410, %scan3A_411 : i32
        %scan3A_413 = arith.constant 1 : i32
        %scan3A_414 = scf.for %scan3A_423 = %scan3A_410 to %scan3A_412 step %scan3A_413 iter_args(%scan3A_424 = %scan3A_409) -> (i32)  : i32 {
          %mul3A_425 = arith.constant 128 : i32
          %mul3A_426 = arith.muli %select_n3A_405, %mul3A_425 : i32
          %mul3A_427 = arith.constant 16 : i32
          %mul3A_428 = arith.muli %scan3A_423, %mul3A_427 : i32
          %add3A_429 = arith.addi %mul3A_426, %mul3A_428 : i32
          %get3A = arith.index_cast %add3A_429 : i32 to index
          %get3A_430 = tpu.vector_load %arg15[%get3A] {strides = array<i32>} : memref<3328xi32, #tpu.memory_space<vmem>>, vector<16xi32>,
          %add3A_431 = vector.broadcast %select_n3A_408 : i32 to vector<16xi32>
          %add3A_432 = arith.addi %get3A_430, %add3A_431 : vector<16xi32>
          %mul3A_433 = arith.constant 16 : i32
          %mul3A_434 = arith.muli %scan3A_423, %mul3A_433 : i32
          %swap3A = arith.constant 4 : i32
          %swap3A_435 = arith.constant 0 : i32
          %swap3A_436 = tpu.memref_slice %arg17[%swap3A, %swap3A_435] : memref<5x128xi32, #tpu.memory_space<vmem>> -> memref<1x128xi32, #tpu.memory_space<vmem>>
          %swap3A_437 = tpu.memref_squeeze %swap3A_436 : memref<1x128xi32, #tpu.memory_space<vmem>> -> memref<128xi32, #tpu.memory_space<vmem>>
          %swap3A_438 = arith.index_cast %mul3A_434 : i32 to index
          %swap3A_439 = tpu.vector_load %swap3A_437[%swap3A_438] {strides = array<i32>} : memref<128xi32, #tpu.memory_space<vmem>>, vector<16xi32>,
          tpu.vector_store %swap3A_437[%swap3A_438], %add3A_432 {strides = array<i32>} : memref<128xi32, #tpu.memory_space<vmem>>, vector<16xi32>,
          %mul3A_440 = arith.constant 128 : i32
          %mul3A_441 = arith.muli %select_n3A_405, %mul3A_440 : i32
          %mul3A_442 = arith.constant 16 : i32
          %mul3A_443 = arith.muli %scan3A_423, %mul3A_442 : i32
          %add3A_444 = arith.addi %mul3A_441, %mul3A_443 : i32
          %get3A_445 = arith.index_cast %add3A_444 : i32 to index
          %get3A_446 = tpu.vector_load %arg16[%get3A_445] {strides = array<i32>} : memref<3328xi32, #tpu.memory_space<vmem>>, vector<16xi32>,
          %mul3A_447 = arith.constant 16 : i32
          %mul3A_448 = arith.muli %scan3A_423, %mul3A_447 : i32
          %swap3A_449 = arith.constant 4 : i32
          %swap3A_450 = arith.constant 0 : i32
          %swap3A_451 = tpu.memref_slice %arg18[%swap3A_449, %swap3A_450] : memref<5x128xi32, #tpu.memory_space<vmem>> -> memref<1x128xi32, #tpu.memory_space<vmem>>
          %swap3A_452 = tpu.memref_squeeze %swap3A_451 : memref<1x128xi32, #tpu.memory_space<vmem>> -> memref<128xi32, #tpu.memory_space<vmem>>
          %swap3A_453 = arith.index_cast %mul3A_448 : i32 to index
          %swap3A_454 = tpu.vector_load %swap3A_452[%swap3A_453] {strides = array<i32>} : memref<128xi32, #tpu.memory_space<vmem>>, vector<16xi32>,
          tpu.vector_store %swap3A_452[%swap3A_453], %get3A_446 {strides = array<i32>} : memref<128xi32, #tpu.memory_space<vmem>>, vector<16xi32>,
          %scan3A_455 = arith.constant 0 : i32
          scf.yield %scan3A_455 : i32
        }
        %scan3A_415 = arith.constant 8 : i32
        %not3A = arith.constant true
        %not3A_416 = arith.xori %ge3A, %not3A : i1
        %convert_element_type3A_417 = arith.extui %not3A_416 : i1 to i32
        %cond3A_418 = arith.constant 0 : i32
        %cond3A_419 = arith.cmpi ne, %convert_element_type3A_417, %cond3A_418 : i32
        scf.if %cond3A_419 {
          %dma_start3A_423 = arith.constant 4 : i32
          %dma_start3A_424 = arith.constant 4 : i32
          %dma_start3A_425 = arith.constant 0 : i32
          %dma_start3A_426 = arith.constant 0 : i32
          %dma_start3A_427 = tpu.memref_slice %arg19[%dma_start3A_424, %dma_start3A_425, %dma_start3A_426] : memref<5x128x128xf32, #tpu.memory_space<vmem>> -> memref<1x128x128xf32, #tpu.memory_space<vmem>>
          %dma_start3A_428 = tpu.memref_squeeze %dma_start3A_427 : memref<1x128x128xf32, #tpu.memory_space<vmem>> -> memref<128x128xf32, #tpu.memory_space<vmem>>
          %dma_start3A_429 = arith.constant 0 : i32
          %dma_start3A_430 = tpu.memref_slice %arg18[%dma_start3A_423, %dma_start3A_429] : memref<5x128xi32, #tpu.memory_space<vmem>> -> memref<1x128xi32, #tpu.memory_space<vmem>>
          %dma_start3A_431 = tpu.memref_squeeze %dma_start3A_430 : memref<1x128xi32, #tpu.memory_space<vmem>> -> memref<128xi32, #tpu.memory_space<vmem>>
          %dma_start3A_432 = arith.constant 0 : i32
          %dma_start3A_433 = arith.constant 0 : i32
          %dma_start3A_434 = tpu.memref_slice %arg3[%dma_start3A_432, %dma_start3A_433] : memref<16384x128xf32, #tpu.memory_space<hbm>> -> memref<16384x128xf32, #tpu.memory_space<hbm>>
          tpu.enqueue_indirect_dma source(%dma_start3A_434 : memref<16384x128xf32, #tpu.memory_space<hbm>>) target(%dma_start3A_428 : memref<128x128xf32, #tpu.memory_space<vmem>>) offsets(%dma_start3A_431 : memref<128xi32, #tpu.memory_space<vmem>>) semaphore(%arg24 : memref<!tpu.dma_semaphore, #tpu.memory_space<semaphore_mem>>)
        } else {
        }
        %convert_element_type3A_420 = arith.extui %ge3A : i1 to i32
        %cond3A_421 = arith.constant 0 : i32
        %cond3A_422 = arith.cmpi ne, %convert_element_type3A_420, %cond3A_421 : i32
        scf.if %cond3A_422 {
          %dma_start3A_423 = arith.constant 4 : i32
          %dma_start3A_424 = arith.constant 4 : i32
          %dma_start3A_425 = arith.constant 0 : i32
          %dma_start3A_426 = arith.constant 0 : i32
          %dma_start3A_427 = tpu.memref_slice %arg19[%dma_start3A_424, %dma_start3A_425, %dma_start3A_426] : memref<5x128x128xf32, #tpu.memory_space<vmem>> -> memref<1x128x128xf32, #tpu.memory_space<vmem>>
          %dma_start3A_428 = tpu.memref_squeeze %dma_start3A_427 : memref<1x128x128xf32, #tpu.memory_space<vmem>> -> memref<128x128xf32, #tpu.memory_space<vmem>>
          %dma_start3A_429 = arith.constant 0 : i32
          %dma_start3A_430 = tpu.memref_slice %arg18[%dma_start3A_423, %dma_start3A_429] : memref<5x128xi32, #tpu.memory_space<vmem>> -> memref<1x128xi32, #tpu.memory_space<vmem>>
          %dma_start3A_431 = tpu.memref_squeeze %dma_start3A_430 : memref<1x128xi32, #tpu.memory_space<vmem>> -> memref<128xi32, #tpu.memory_space<vmem>>
          %dma_start3A_432 = arith.constant 0 : i32
          %dma_start3A_433 = arith.constant 0 : i32
          %dma_start3A_434 = tpu.memref_slice %arg4[%dma_start3A_432, %dma_start3A_433] : memref<16384x128xf32, #tpu.memory_space<hbm>> -> memref<16384x128xf32, #tpu.memory_space<hbm>>
          tpu.enqueue_indirect_dma source(%dma_start3A_434 : memref<16384x128xf32, #tpu.memory_space<hbm>>) target(%dma_start3A_428 : memref<128x128xf32, #tpu.memory_space<vmem>>) offsets(%dma_start3A_431 : memref<128xi32, #tpu.memory_space<vmem>>) semaphore(%arg24 : memref<!tpu.dma_semaphore, #tpu.memory_space<semaphore_mem>>)
        } else {
        }
      } else {
      }
      %while3A_388 = arith.constant 0 : i32
      scf.yield %while3A_388 : i32
    }
    %gt3A_271 = arith.constant 0 : i32
    %gt3A_272 = arith.cmpi sgt, %mul3A_206, %gt3A_271 : i32
    %convert_element_type3A_273 = arith.extui %gt3A_272 : i1 to i32
    %cond3A_274 = arith.constant 0 : i32
    %cond3A_275 = arith.cmpi ne, %convert_element_type3A_273, %cond3A_274 : i32
    scf.if %cond3A_275 {
      %dma_wait3A_296 = arith.constant 0 : i32
      %dma_wait3A_297 = arith.constant 0 : i32
      %dma_wait3A_298 = arith.constant 0 : i32
      %dma_wait3A_299 = tpu.memref_slice %arg19[%dma_wait3A_296, %dma_wait3A_297, %dma_wait3A_298] : memref<5x128x128xf32, #tpu.memory_space<vmem>> -> memref<1x128x128xf32, #tpu.memory_space<vmem>>
      %dma_wait3A_300 = tpu.memref_squeeze %dma_wait3A_299 : memref<1x128x128xf32, #tpu.memory_space<vmem>> -> memref<128x128xf32, #tpu.memory_space<vmem>>
      %dma_wait3A_301 = arith.constant 0 : i32
      %dma_wait3A_302 = arith.constant 0 : i32
      %dma_wait3A_303 = tpu.memref_slice %arg3[%dma_wait3A_301, %dma_wait3A_302] : memref<16384x128xf32, #tpu.memory_space<hbm>> -> memref<128x128xf32, #tpu.memory_space<hbm>>
      %dma_wait3A_304 = arith.constant 0 : i32
      %dma_wait3A_305 = arith.constant 0 : i32
      %dma_wait3A_306 = tpu.memref_slice %arg19[%dma_wait3A_296, %dma_wait3A_304, %dma_wait3A_305] : memref<5x128x128xf32, #tpu.memory_space<vmem>> -> memref<1x128x128xf32, #tpu.memory_space<vmem>>
      %dma_wait3A_307 = tpu.memref_squeeze %dma_wait3A_306 : memref<1x128x128xf32, #tpu.memory_space<vmem>> -> memref<128x128xf32, #tpu.memory_space<vmem>>
      %dma_wait3A_308 = arith.constant 0 : i32
      %dma_wait3A_309 = arith.constant 0 : i32
      %dma_wait3A_310 = tpu.memref_slice %arg3[%dma_wait3A_308, %dma_wait3A_309] : memref<16384x128xf32, #tpu.memory_space<hbm>> -> memref<128x128xf32, #tpu.memory_space<hbm>>
      tpu.wait_dma2 semaphore(%arg25 : memref<!tpu.dma_semaphore, #tpu.memory_space<semaphore_mem>>) src(%dma_wait3A_310 : memref<128x128xf32, #tpu.memory_space<hbm>>) dst(%dma_wait3A_307 : memref<128x128xf32, #tpu.memory_space<vmem>>)
    } else {
    }
    %gt3A_276 = arith.constant 1 : i32
    %gt3A_277 = arith.cmpi sgt, %mul3A_206, %gt3A_276 : i32
    %convert_element_type3A_278 = arith.extui %gt3A_277 : i1 to i32
    %cond3A_279 = arith.constant 0 : i32
    %cond3A_280 = arith.cmpi ne, %convert_element_type3A_278, %cond3A_279 : i32
    scf.if %cond3A_280 {
      %dma_wait3A_296 = arith.constant 1 : i32
      %dma_wait3A_297 = arith.constant 0 : i32
      %dma_wait3A_298 = arith.constant 0 : i32
      %dma_wait3A_299 = tpu.memref_slice %arg19[%dma_wait3A_296, %dma_wait3A_297, %dma_wait3A_298] : memref<5x128x128xf32, #tpu.memory_space<vmem>> -> memref<1x128x128xf32, #tpu.memory_space<vmem>>
      %dma_wait3A_300 = tpu.memref_squeeze %dma_wait3A_299 : memref<1x128x128xf32, #tpu.memory_space<vmem>> -> memref<128x128xf32, #tpu.memory_space<vmem>>
      %dma_wait3A_301 = arith.constant 0 : i32
      %dma_wait3A_302 = arith.constant 0 : i32
      %dma_wait3A_303 = tpu.memref_slice %arg3[%dma_wait3A_301, %dma_wait3A_302] : memref<16384x128xf32, #tpu.memory_space<hbm>> -> memref<128x128xf32, #tpu.memory_space<hbm>>
      %dma_wait3A_304 = arith.constant 0 : i32
      %dma_wait3A_305 = arith.constant 0 : i32
      %dma_wait3A_306 = tpu.memref_slice %arg19[%dma_wait3A_296, %dma_wait3A_304, %dma_wait3A_305] : memref<5x128x128xf32, #tpu.memory_space<vmem>> -> memref<1x128x128xf32, #tpu.memory_space<vmem>>
      %dma_wait3A_307 = tpu.memref_squeeze %dma_wait3A_306 : memref<1x128x128xf32, #tpu.memory_space<vmem>> -> memref<128x128xf32, #tpu.memory_space<vmem>>
      %dma_wait3A_308 = arith.constant 0 : i32
      %dma_wait3A_309 = arith.constant 0 : i32
      %dma_wait3A_310 = tpu.memref_slice %arg3[%dma_wait3A_308, %dma_wait3A_309] : memref<16384x128xf32, #tpu.memory_space<hbm>> -> memref<128x128xf32, #tpu.memory_space<hbm>>
      tpu.wait_dma2 semaphore(%arg26 : memref<!tpu.dma_semaphore, #tpu.memory_space<semaphore_mem>>) src(%dma_wait3A_310 : memref<128x128xf32, #tpu.memory_space<hbm>>) dst(%dma_wait3A_307 : memref<128x128xf32, #tpu.memory_space<vmem>>)
    } else {
    }
    %gt3A_281 = arith.constant 2 : i32
    %gt3A_282 = arith.cmpi sgt, %mul3A_206, %gt3A_281 : i32
    %convert_element_type3A_283 = arith.extui %gt3A_282 : i1 to i32
    %cond3A_284 = arith.constant 0 : i32
    %cond3A_285 = arith.cmpi ne, %convert_element_type3A_283, %cond3A_284 : i32
    scf.if %cond3A_285 {
      %dma_wait3A_296 = arith.constant 2 : i32
      %dma_wait3A_297 = arith.constant 0 : i32
      %dma_wait3A_298 = arith.constant 0 : i32
      %dma_wait3A_299 = tpu.memref_slice %arg19[%dma_wait3A_296, %dma_wait3A_297, %dma_wait3A_298] : memref<5x128x128xf32, #tpu.memory_space<vmem>> -> memref<1x128x128xf32, #tpu.memory_space<vmem>>
      %dma_wait3A_300 = tpu.memref_squeeze %dma_wait3A_299 : memref<1x128x128xf32, #tpu.memory_space<vmem>> -> memref<128x128xf32, #tpu.memory_space<vmem>>
      %dma_wait3A_301 = arith.constant 0 : i32
      %dma_wait3A_302 = arith.constant 0 : i32
      %dma_wait3A_303 = tpu.memref_slice %arg3[%dma_wait3A_301, %dma_wait3A_302] : memref<16384x128xf32, #tpu.memory_space<hbm>> -> memref<128x128xf32, #tpu.memory_space<hbm>>
      %dma_wait3A_304 = arith.constant 0 : i32
      %dma_wait3A_305 = arith.constant 0 : i32
      %dma_wait3A_306 = tpu.memref_slice %arg19[%dma_wait3A_296, %dma_wait3A_304, %dma_wait3A_305] : memref<5x128x128xf32, #tpu.memory_space<vmem>> -> memref<1x128x128xf32, #tpu.memory_space<vmem>>
      %dma_wait3A_307 = tpu.memref_squeeze %dma_wait3A_306 : memref<1x128x128xf32, #tpu.memory_space<vmem>> -> memref<128x128xf32, #tpu.memory_space<vmem>>
      %dma_wait3A_308 = arith.constant 0 : i32
      %dma_wait3A_309 = arith.constant 0 : i32
      %dma_wait3A_310 = tpu.memref_slice %arg3[%dma_wait3A_308, %dma_wait3A_309] : memref<16384x128xf32, #tpu.memory_space<hbm>> -> memref<128x128xf32, #tpu.memory_space<hbm>>
      tpu.wait_dma2 semaphore(%arg27 : memref<!tpu.dma_semaphore, #tpu.memory_space<semaphore_mem>>) src(%dma_wait3A_310 : memref<128x128xf32, #tpu.memory_space<hbm>>) dst(%dma_wait3A_307 : memref<128x128xf32, #tpu.memory_space<vmem>>)
    } else {
    }
    %gt3A_286 = arith.constant 3 : i32
    %gt3A_287 = arith.cmpi sgt, %mul3A_206, %gt3A_286 : i32
    %convert_element_type3A_288 = arith.extui %gt3A_287 : i1 to i32
    %cond3A_289 = arith.constant 0 : i32
    %cond3A_290 = arith.cmpi ne, %convert_element_type3A_288, %cond3A_289 : i32
    scf.if %cond3A_290 {
      %dma_wait3A_296 = arith.constant 3 : i32
      %dma_wait3A_297 = arith.constant 0 : i32
      %dma_wait3A_298 = arith.constant 0 : i32
      %dma_wait3A_299 = tpu.memref_slice %arg19[%dma_wait3A_296, %dma_wait3A_297, %dma_wait3A_298] : memref<5x128x128xf32, #tpu.memory_space<vmem>> -> memref<1x128x128xf32, #tpu.memory_space<vmem>>
      %dma_wait3A_300 = tpu.memref_squeeze %dma_wait3A_299 : memref<1x128x128xf32, #tpu.memory_space<vmem>> -> memref<128x128xf32, #tpu.memory_space<vmem>>
      %dma_wait3A_301 = arith.constant 0 : i32
      %dma_wait3A_302 = arith.constant 0 : i32
      %dma_wait3A_303 = tpu.memref_slice %arg3[%dma_wait3A_301, %dma_wait3A_302] : memref<16384x128xf32, #tpu.memory_space<hbm>> -> memref<128x128xf32, #tpu.memory_space<hbm>>
      %dma_wait3A_304 = arith.constant 0 : i32
      %dma_wait3A_305 = arith.constant 0 : i32
      %dma_wait3A_306 = tpu.memref_slice %arg19[%dma_wait3A_296, %dma_wait3A_304, %dma_wait3A_305] : memref<5x128x128xf32, #tpu.memory_space<vmem>> -> memref<1x128x128xf32, #tpu.memory_space<vmem>>
      %dma_wait3A_307 = tpu.memref_squeeze %dma_wait3A_306 : memref<1x128x128xf32, #tpu.memory_space<vmem>> -> memref<128x128xf32, #tpu.memory_space<vmem>>
      %dma_wait3A_308 = arith.constant 0 : i32
      %dma_wait3A_309 = arith.constant 0 : i32
      %dma_wait3A_310 = tpu.memref_slice %arg3[%dma_wait3A_308, %dma_wait3A_309] : memref<16384x128xf32, #tpu.memory_space<hbm>> -> memref<128x128xf32, #tpu.memory_space<hbm>>
      tpu.wait_dma2 semaphore(%arg28 : memref<!tpu.dma_semaphore, #tpu.memory_space<semaphore_mem>>) src(%dma_wait3A_310 : memref<128x128xf32, #tpu.memory_space<hbm>>) dst(%dma_wait3A_307 : memref<128x128xf32, #tpu.memory_space<vmem>>)
    } else {
    }
    %gt3A_291 = arith.constant 4 : i32
    %gt3A_292 = arith.cmpi sgt, %mul3A_206, %gt3A_291 : i32
    %convert_element_type3A_293 = arith.extui %gt3A_292 : i1 to i32
    %cond3A_294 = arith.constant 0 : i32
    %cond3A_295 = arith.cmpi ne, %convert_element_type3A_293, %cond3A_294 : i32
    scf.if %cond3A_295 {
      %dma_wait3A_296 = arith.constant 4 : i32
      %dma_wait3A_297 = arith.constant 0 : i32
      %dma_wait3A_298 = arith.constant 0 : i32
      %dma_wait3A_299 = tpu.memref_slice %arg19[%dma_wait3A_296, %dma_wait3A_297, %dma_wait3A_298] : memref<5x128x128xf32, #tpu.memory_space<vmem>> -> memref<1x128x128xf32, #tpu.memory_space<vmem>>
      %dma_wait3A_300 = tpu.memref_squeeze %dma_wait3A_299 : memref<1x128x128xf32, #tpu.memory_space<vmem>> -> memref<128x128xf32, #tpu.memory_space<vmem>>
      %dma_wait3A_301 = arith.constant 0 : i32
      %dma_wait3A_302 = arith.constant 0 : i32
      %dma_wait3A_303 = tpu.memref_slice %arg3[%dma_wait3A_301, %dma_wait3A_302] : memref<16384x128xf32, #tpu.memory_space<hbm>> -> memref<128x128xf32, #tpu.memory_space<hbm>>
      %dma_wait3A_304 = arith.constant 0 : i32
      %dma_wait3A_305 = arith.constant 0 : i32
      %dma_wait3A_306 = tpu.memref_slice %arg19[%dma_wait3A_296, %dma_wait3A_304, %dma_wait3A_305] : memref<5x128x128xf32, #tpu.memory_space<vmem>> -> memref<1x128x128xf32, #tpu.memory_space<vmem>>
      %dma_wait3A_307 = tpu.memref_squeeze %dma_wait3A_306 : memref<1x128x128xf32, #tpu.memory_space<vmem>> -> memref<128x128xf32, #tpu.memory_space<vmem>>
      %dma_wait3A_308 = arith.constant 0 : i32
      %dma_wait3A_309 = arith.constant 0 : i32
      %dma_wait3A_310 = tpu.memref_slice %arg3[%dma_wait3A_308, %dma_wait3A_309] : memref<16384x128xf32, #tpu.memory_space<hbm>> -> memref<128x128xf32, #tpu.memory_space<hbm>>
      tpu.wait_dma2 semaphore(%arg29 : memref<!tpu.dma_semaphore, #tpu.memory_space<semaphore_mem>>) src(%dma_wait3A_310 : memref<128x128xf32, #tpu.memory_space<hbm>>) dst(%dma_wait3A_307 : memref<128x128xf32, #tpu.memory_space<vmem>>)
    } else {
    }
    return
  }
}

#map = affine_map<(d0, d1) -> (0)>
module attributes {stable_mosaic.version = 14 : i64} {
  func.func @k(%arg0: i32, %arg1: i32, %arg2: memref<16384xi32, #tpu.memory_space<hbm>>, %arg3: memref<800768xi32, #tpu.memory_space<hbm>>, %arg4: memref<2048xi32, #tpu.memory_space<vmem>>, %arg5: memref<25024xi32, #tpu.memory_space<vmem>>) attributes {dimension_semantics = [#tpu.dimension_semantics<core_parallel>, #tpu.dimension_semantics<subcore_parallel>], iteration_bounds = array<i64: 2, 16>, scalar_prefetch = 0 : i64, scratch_operands = 2 : i64, tpu.core_type = #tpu.core_type<sc_vector_subcore>, window_params = [{transform_indices = #map}, {transform_indices = #map}]} {
    %mul3A = arith.constant 2 : i32
    %mul3A_0 = arith.muli %arg1, %mul3A : i32
    %add3A = arith.addi %mul3A_0, %arg0 : i32
    %jit3A = arith.constant 4 : i32
    %div3A = arith.divsi %add3A, %jit3A : i32
    %sign3A = arith.constant 0 : i32
    %sign3A_1 = arith.cmpi sgt, %add3A, %sign3A : i32
    %sign3A_2 = arith.extui %sign3A_1 : i1 to i32
    %sign3A_3 = arith.constant 0 : i32
    %sign3A_4 = arith.cmpi slt, %add3A, %sign3A_3 : i32
    %sign3A_5 = arith.extui %sign3A_4 : i1 to i32
    %sign3A_6 = arith.subi %sign3A_2, %sign3A_5 : i32
    %sign3A_7 = arith.constant 0 : i32
    %sign3A_8 = arith.cmpi sgt, %jit3A, %sign3A_7 : i32
    %sign3A_9 = arith.extui %sign3A_8 : i1 to i32
    %sign3A_10 = arith.constant 0 : i32
    %sign3A_11 = arith.cmpi slt, %jit3A, %sign3A_10 : i32
    %sign3A_12 = arith.extui %sign3A_11 : i1 to i32
    %sign3A_13 = arith.subi %sign3A_9, %sign3A_12 : i32
    %ne3A = arith.cmpi ne, %sign3A_6, %sign3A_13 : i32
    %rem3A = arith.remsi %add3A, %jit3A : i32
    %ne3A_14 = arith.constant 0 : i32
    %ne3A_15 = arith.cmpi ne, %rem3A, %ne3A_14 : i32
    %and3A = arith.andi %ne3A, %ne3A_15 : i1
    %sub3A = arith.constant 1 : i32
    %sub3A_16 = arith.subi %div3A, %sub3A : i32
    %select_n3A = arith.select %and3A, %sub3A_16, %div3A : i32
    %jit3A_17 = arith.constant 4 : i32
    %eq3A = arith.constant 0 : i32
    %eq3A_18 = arith.cmpi eq, %jit3A_17, %eq3A : i32
    %jit3A_19 = arith.constant 1 : i32
    %select_n3A_20 = arith.select %eq3A_18, %jit3A_19, %jit3A_17 : i32
    %rem3A_21 = arith.remsi %add3A, %select_n3A_20 : i32
    %ne3A_22 = arith.constant 0 : i32
    %ne3A_23 = arith.cmpi ne, %rem3A_21, %ne3A_22 : i32
    %lt3A = arith.constant 0 : i32
    %lt3A_24 = arith.cmpi slt, %rem3A_21, %lt3A : i32
    %lt3A_25 = arith.constant 0 : i32
    %lt3A_26 = arith.cmpi slt, %select_n3A_20, %lt3A_25 : i32
    %ne3A_27 = arith.xori %lt3A_24, %lt3A_26 : i1
    %and3A_28 = arith.andi %ne3A_27, %ne3A_23 : i1
    %add3A_29 = arith.addi %rem3A_21, %select_n3A_20 : i32
    %select_n3A_30 = arith.select %and3A_28, %add3A_29, %rem3A_21 : i32
    %mul3A_31 = arith.constant 25024 : i32
    %mul3A_32 = arith.muli %select_n3A_30, %mul3A_31 : i32
    %add3A_33 = arith.constant 25024 : i32
    %add3A_34 = arith.addi %mul3A_32, %add3A_33 : i32
    %min3A = arith.constant 100000 : i32
    %min3A_35 = arith.minsi %add3A_34, %min3A : i32
    %mul3A_36 = arith.constant 2048 : i32
    %mul3A_37 = arith.muli %select_n3A, %mul3A_36 : i32
    "tpu.region"() ({
      %run_scoped3A = tpu.sem_alloc : memref<!tpu.dma_semaphore, #tpu.memory_space<semaphore_mem>>
      %dma_start3A = tpu.memref_slice %arg2[%mul3A_37] : memref<16384xi32, #tpu.memory_space<hbm>> -> memref<2048xi32, #tpu.memory_space<hbm>>
      %dma_start3A_59 = tpu.memref_slice %arg2[%mul3A_37] : memref<16384xi32, #tpu.memory_space<hbm>> -> memref<2048xi32, #tpu.memory_space<hbm>>
      tpu.enqueue_dma source(%dma_start3A_59 : memref<2048xi32, #tpu.memory_space<hbm>>) target(%arg4 : memref<2048xi32, #tpu.memory_space<vmem>>) target_semaphore(%run_scoped3A : memref<!tpu.dma_semaphore, #tpu.memory_space<semaphore_mem>>)
      %dma_wait3A = tpu.memref_slice %arg2[%mul3A_37] : memref<16384xi32, #tpu.memory_space<hbm>> -> memref<2048xi32, #tpu.memory_space<hbm>>
      %dma_wait3A_60 = tpu.memref_slice %arg2[%mul3A_37] : memref<16384xi32, #tpu.memory_space<hbm>> -> memref<2048xi32, #tpu.memory_space<hbm>>
      tpu.wait_dma2 semaphore(%run_scoped3A : memref<!tpu.dma_semaphore, #tpu.memory_space<semaphore_mem>>) src(%dma_wait3A_60 : memref<2048xi32, #tpu.memory_space<hbm>>) dst(%arg4 : memref<2048xi32, #tpu.memory_space<vmem>>)
      tpu.yield
    }) : () -> ()
    %broadcast_in_dim3A = arith.constant -1 : i32
    %broadcast_in_dim3A_38 = vector.broadcast %broadcast_in_dim3A : i32 to vector<16xi32>
    %scan3A = arith.constant 0 : i32
    %scan3A_39 = arith.constant 0 : i32
    %scan3A_40 = arith.constant 391 : i32
    %scan3A_41 = arith.addi %scan3A_39, %scan3A_40 : i32
    %scan3A_42 = arith.constant 1 : i32
    %scan3A_43 = scf.for %scan3A_59 = %scan3A_39 to %scan3A_41 step %scan3A_42 iter_args(%scan3A_60 = %scan3A) -> (i32)  : i32 {
      %mul3A_61 = arith.constant 4 : i32
      %mul3A_62 = arith.muli %scan3A_59, %mul3A_61 : i32
      %add3A_63 = arith.constant 0 : i32
      %add3A_64 = arith.addi %mul3A_62, %add3A_63 : i32
      %mul3A_65 = arith.constant 16 : i32
      %mul3A_66 = arith.muli %add3A_64, %mul3A_65 : i32
      %swap3A = arith.index_cast %mul3A_66 : i32 to index
      %swap3A_67 = tpu.vector_load %arg5[%swap3A] {strides = array<i32>} : memref<25024xi32, #tpu.memory_space<vmem>>, vector<16xi32>,
      tpu.vector_store %arg5[%swap3A], %broadcast_in_dim3A_38 {strides = array<i32>} : memref<25024xi32, #tpu.memory_space<vmem>>, vector<16xi32>,
      %mul3A_68 = arith.constant 4 : i32
      %mul3A_69 = arith.muli %scan3A_59, %mul3A_68 : i32
      %add3A_70 = arith.constant 1 : i32
      %add3A_71 = arith.addi %mul3A_69, %add3A_70 : i32
      %mul3A_72 = arith.constant 16 : i32
      %mul3A_73 = arith.muli %add3A_71, %mul3A_72 : i32
      %swap3A_74 = arith.index_cast %mul3A_73 : i32 to index
      %swap3A_75 = tpu.vector_load %arg5[%swap3A_74] {strides = array<i32>} : memref<25024xi32, #tpu.memory_space<vmem>>, vector<16xi32>,
      tpu.vector_store %arg5[%swap3A_74], %broadcast_in_dim3A_38 {strides = array<i32>} : memref<25024xi32, #tpu.memory_space<vmem>>, vector<16xi32>,
      %mul3A_76 = arith.constant 4 : i32
      %mul3A_77 = arith.muli %scan3A_59, %mul3A_76 : i32
      %add3A_78 = arith.constant 2 : i32
      %add3A_79 = arith.addi %mul3A_77, %add3A_78 : i32
      %mul3A_80 = arith.constant 16 : i32
      %mul3A_81 = arith.muli %add3A_79, %mul3A_80 : i32
      %swap3A_82 = arith.index_cast %mul3A_81 : i32 to index
      %swap3A_83 = tpu.vector_load %arg5[%swap3A_82] {strides = array<i32>} : memref<25024xi32, #tpu.memory_space<vmem>>, vector<16xi32>,
      tpu.vector_store %arg5[%swap3A_82], %broadcast_in_dim3A_38 {strides = array<i32>} : memref<25024xi32, #tpu.memory_space<vmem>>, vector<16xi32>,
      %mul3A_84 = arith.constant 4 : i32
      %mul3A_85 = arith.muli %scan3A_59, %mul3A_84 : i32
      %add3A_86 = arith.constant 3 : i32
      %add3A_87 = arith.addi %mul3A_85, %add3A_86 : i32
      %mul3A_88 = arith.constant 16 : i32
      %mul3A_89 = arith.muli %add3A_87, %mul3A_88 : i32
      %swap3A_90 = arith.index_cast %mul3A_89 : i32 to index
      %swap3A_91 = tpu.vector_load %arg5[%swap3A_90] {strides = array<i32>} : memref<25024xi32, #tpu.memory_space<vmem>>, vector<16xi32>,
      tpu.vector_store %arg5[%swap3A_90], %broadcast_in_dim3A_38 {strides = array<i32>} : memref<25024xi32, #tpu.memory_space<vmem>>, vector<16xi32>,
      %scan3A_92 = arith.constant 0 : i32
      scf.yield %scan3A_92 : i32
    }
    %scan3A_44 = arith.constant 391 : i32
    %iota3A = tpu.iota {dimensions = array<i32: 0>} : vector<16xi32>
    %mul3A_45 = arith.constant 2048 : i32
    %mul3A_46 = arith.muli %select_n3A, %mul3A_45 : i32
    %scan3A_47 = arith.constant 0 : i32
    %scan3A_48 = arith.constant 0 : i32
    %scan3A_49 = arith.constant 128 : i32
    %scan3A_50 = arith.addi %scan3A_48, %scan3A_49 : i32
    %scan3A_51 = arith.constant 1 : i32
    %scan3A_52 = scf.for %scan3A_59 = %scan3A_48 to %scan3A_50 step %scan3A_51 iter_args(%scan3A_60 = %scan3A_47) -> (i32)  : i32 {
      %mul3A_61 = arith.constant 16 : i32
      %mul3A_62 = arith.muli %scan3A_59, %mul3A_61 : i32
      %get3A = arith.index_cast %mul3A_62 : i32 to index
      %get3A_63 = tpu.vector_load %arg4[%get3A] {strides = array<i32>} : memref<2048xi32, #tpu.memory_space<vmem>>, vector<16xi32>,
      %ge3A = vector.broadcast %mul3A_32 : i32 to vector<16xi32>
      %ge3A_64 = arith.cmpi sge, %get3A_63, %ge3A : vector<16xi32>
      %lt3A_65 = vector.broadcast %min3A_35 : i32 to vector<16xi32>
      %lt3A_66 = arith.cmpi slt, %get3A_63, %lt3A_65 : vector<16xi32>
      %and3A_67 = arith.andi %ge3A_64, %lt3A_66 : vector<16xi1>
      %sub3A_68 = vector.broadcast %mul3A_32 : i32 to vector<16xi32>
      %sub3A_69 = arith.subi %get3A_63, %sub3A_68 : vector<16xi32>
      %jit3A_70 = arith.constant 0 : i32
      %broadcast_in_dim3A_71 = vector.broadcast %jit3A_70 : i32 to vector<16xi32>
      %select_n3A_72 = arith.select %and3A_67, %sub3A_69, %broadcast_in_dim3A_71 : vector<16xi1>, vector<16xi32>
      %mul3A_73 = arith.constant 16 : i32
      %mul3A_74 = arith.muli %scan3A_59, %mul3A_73 : i32
      %add3A_75 = arith.addi %mul3A_46, %mul3A_74 : i32
      %add3A_76 = vector.broadcast %add3A_75 : i32 to vector<16xi32>
      %add3A_77 = arith.addi %iota3A, %add3A_76 : vector<16xi32>
      %unique3A, %unique3A_78 = tpu.scan_count mask(%and3A_67 : vector<16xi1>) value(%select_n3A_72 : vector<16xi32>) : vector<16xi1>, vector<16xi32>
      %and3A_79 = arith.andi %unique3A, %and3A_67 : vector<16xi1>
      tpu.vector_store_idx %arg5[%select_n3A_72], %add3A_77 masked %and3A_79 : memref<25024xi32, #tpu.memory_space<vmem>>[vector<16xi32>], vector<16xi32>, vector<16xi1>
      %scan3A_80 = arith.constant 0 : i32
      scf.yield %scan3A_80 : i32
    }
    %scan3A_53 = arith.constant 128 : i32
    %mul3A_54 = arith.constant 4 : i32
    %mul3A_55 = arith.muli %select_n3A, %mul3A_54 : i32
    %add3A_56 = arith.addi %mul3A_55, %select_n3A_30 : i32
    %mul3A_57 = arith.constant 25024 : i32
    %mul3A_58 = arith.muli %add3A_56, %mul3A_57 : i32
    "tpu.region"() ({
      %run_scoped3A = tpu.sem_alloc : memref<!tpu.dma_semaphore, #tpu.memory_space<semaphore_mem>>
      %dma_start3A = tpu.memref_slice %arg3[%mul3A_58] : memref<800768xi32, #tpu.memory_space<hbm>> -> memref<25024xi32, #tpu.memory_space<hbm>>
      %dma_start3A_59 = tpu.memref_slice %arg3[%mul3A_58] : memref<800768xi32, #tpu.memory_space<hbm>> -> memref<25024xi32, #tpu.memory_space<hbm>>
      tpu.enqueue_dma source(%arg5 : memref<25024xi32, #tpu.memory_space<vmem>>) target(%dma_start3A_59 : memref<25024xi32, #tpu.memory_space<hbm>>) target_semaphore(%run_scoped3A : memref<!tpu.dma_semaphore, #tpu.memory_space<semaphore_mem>>)
      %dma_wait3A = tpu.memref_slice %arg3[%mul3A_58] : memref<800768xi32, #tpu.memory_space<hbm>> -> memref<25024xi32, #tpu.memory_space<hbm>>
      %dma_wait3A_60 = tpu.memref_slice %arg3[%mul3A_58] : memref<800768xi32, #tpu.memory_space<hbm>> -> memref<25024xi32, #tpu.memory_space<hbm>>
      tpu.wait_dma2 semaphore(%run_scoped3A : memref<!tpu.dma_semaphore, #tpu.memory_space<semaphore_mem>>) src(%arg5 : memref<25024xi32, #tpu.memory_space<vmem>>) dst(%dma_wait3A_60 : memref<25024xi32, #tpu.memory_space<hbm>>)
      tpu.yield
    }) : () -> ()
    return
  }
}

module attributes {stable_mosaic.version = 14 : i64} {
  func.func @body(%arg0: i32, %arg1: memref<4000x128xf32, #tpu.memory_space<vmem>>, %arg2: memref<4000x128xf32, #tpu.memory_space<vmem>>, %arg3: memref<2x4000x128xf32, #tpu.memory_space<vmem>>) attributes {dimension_semantics = [#tpu.dimension_semantics<arbitrary>], iteration_bounds = array<i64: 25>, scalar_prefetch = 0 : i64, scratch_operands = 0 : i64, tpu.core_type = #tpu.core_type<tc>, window_params = [{transform_indices = @transform_0, window_bounds = array<i64: 4000, 128>}, {transform_indices = @transform_1, window_bounds = array<i64: 4000, 128>}, {transform_indices = @transform_2, window_bounds = array<i64: 2, 4000, 128>}]} {
    %get3A = arith.constant 0 : index
    %get3A_0 = arith.constant 0 : index
    %get3A_1 = vector.load %arg1[%get3A, %get3A_0] : memref<4000x128xf32, #tpu.memory_space<vmem>>, vector<4000x128xf32>
    %swap3A = arith.constant 0 : index
    %swap3A_2 = arith.constant 0 : index
    %swap3A_3 = arith.constant 0 : index
    %swap3A_4 = vector.load %arg3[%swap3A, %swap3A_2, %swap3A_3] : memref<2x4000x128xf32, #tpu.memory_space<vmem>>, vector<1x4000x128xf32>
    %swap3A_5 = vector.shape_cast %swap3A_4 : vector<1x4000x128xf32> to vector<4000x128xf32>
    %swap3A_6 = vector.shape_cast %get3A_1 : vector<4000x128xf32> to vector<1x4000x128xf32>
    tpu.vector_store %arg3[%swap3A, %swap3A_2, %swap3A_3], %swap3A_6 {strides = array<i32>} : memref<2x4000x128xf32, #tpu.memory_space<vmem>>, vector<1x4000x128xf32>,
    %get3A_7 = arith.constant 0 : index
    %get3A_8 = arith.constant 0 : index
    %get3A_9 = vector.load %arg2[%get3A_7, %get3A_8] : memref<4000x128xf32, #tpu.memory_space<vmem>>, vector<4000x128xf32>
    %swap3A_10 = arith.constant 1 : index
    %swap3A_11 = arith.constant 0 : index
    %swap3A_12 = arith.constant 0 : index
    %swap3A_13 = vector.load %arg3[%swap3A_10, %swap3A_11, %swap3A_12] : memref<2x4000x128xf32, #tpu.memory_space<vmem>>, vector<1x4000x128xf32>
    %swap3A_14 = vector.shape_cast %swap3A_13 : vector<1x4000x128xf32> to vector<4000x128xf32>
    %swap3A_15 = vector.shape_cast %get3A_9 : vector<4000x128xf32> to vector<1x4000x128xf32>
    tpu.vector_store %arg3[%swap3A_10, %swap3A_11, %swap3A_12], %swap3A_15 {strides = array<i32>} : memref<2x4000x128xf32, #tpu.memory_space<vmem>>, vector<1x4000x128xf32>,
    return
  }
  func.func @transform_0(%arg0: i32) -> (i32, i32) {
    %c0_i32 = arith.constant 0 : i32
    %c0_i32_0 = arith.constant 0 : i32
    return %arg0, %c0_i32 : i32, i32
  }
  func.func @transform_1(%arg0: i32) -> (i32, i32) {
    %c0_i32 = arith.constant 0 : i32
    %c0_i32_0 = arith.constant 0 : i32
    return %arg0, %c0_i32 : i32, i32
  }
  func.func @transform_2(%arg0: i32) -> (i32, i32, i32) {
    %c0_i32 = arith.constant 0 : i32
    %c0_i32_0 = arith.constant 0 : i32
    %c0_i32_1 = arith.constant 0 : i32
    return %c0_i32, %arg0, %c0_i32_0 : i32, i32, i32
  }
}

</mosaic_0001>

<sc_bundles>
// kernel: kernel.5.cloned.1.call-start
scs
__scs_entry_jumppad:
0x0: {  	(pc) =	sbr.rel $0x88, $3  }
0x1: {  	(tag) =	ssettag $0x0;
	lr =	simm.s32 $0x1  }
0x2: {  	[smem:$0x3F9C] =	sst lr;
	_ =	strace $0xD0000000  }
0x3: {  	_ = 	snop  }
0x4: {  	_ = 	snop  }
0x5: {  	_ = 	snop  }
0x6: {  	_ = 	snop  }
0x7: {  	_ = 	snop  }
__scs_overlays_trampoline_lowered:
0x8: {  	[smem:$0x3FAB] =	sst s0  }
0x9: {  	[smem:$0x3FAC] =	sst s1  }
0xa: {  	[smem:$0x3FAD] =	sst s2  }
0xb: {  	[smem:$0x3FAE] =	sst s3  }
0xc: {  	[smem:$0x3FAF] =	sst s4  }
0xd: {  	[smem:$0x3FB0] =	sst s5  }
0xe: {  	[smem:$0x3FB1] =	sst s6  }
0xf: {  	[smem:$0x3FB2] =	sst s7  }
0x10: {  	[smem:$0x3FB3] =	sst s8  }
0x11: {  	[smem:$0x3FB4] =	sst s9;
	s0 =	simm.s32 @!p0 $0x0  }
0x12: {  	s1 =	sld [smem:$0x3F9A];
	s0 =	simm.s32 @p0 $0x1  }
0x13: {  	[smem:$0x3FB5] =	sst s0;
	s0 =	simm.s32 @!p1 $0x0  }
0x14: {  	s2 =	sld [smem:$0x3F99];
	s0 =	simm.s32 @p1 $0x1  }
0x15: {  	[smem:$0x3FB6] =	sst s0;
	s0 =	simm.s32 @!p2 $0x0  }
0x16: {  	s3 =	sld [smem:$0x3FDB];
	s0 =	simm.s32 @p2 $0x1  }
0x17: {  	s4 =	simm.s32 $0x1BF5;
	[smem:$0x3FB8] =	sst s0  }
0x18: {  	s0 =	sld [smem:$0x3F9B];
	_ =	swait.ge [sflag:s4], $0x0  }
0x19: {  	s7 =	sld [smem:$0x3F9C]  }
0x1a: {  	s8 =	sadd.s32 $0xFFFFE003, lr  }
0x1b: {  	s9 =	sadd.s32 $0xFFFFFEF7, lr;
	s5 =	simm.s32 $0xFFFFFFFF;
	p2 =	slt.u32 s8, $0xFFFFF086  }
0x1c: {  	p1 =	slt.u32 s9, $0xF7A;
	s5 =	simm.s32 @!p2 $0x0  }
0x1d: {  	s5 =	simm.s32 @p1 $0x1;
	p0 =	seq.s32 s7, s2  }
0x1e: {  	s7 =	smul.u32 @!p0 $0xF7A, s2;
	p2 =	seq.s32 @!p0 s5, $0x0  }
0x1f: {  	s9 =	smul.u32 $0xF7A, s1;
	s8 =	simm.s32 @!p0 $0x1BF5;
	p2 =	por !p2, p0  }
0x20: {  	[sflag:s8] =	ssyncset.s32 @!p0 $0xFFFFF086;
	s6 =	sadd.s32 @!p0 s3, s7;
	s7 =	simm.s32 @!p0 $0x108  }
0x21: {  	s3 =	sadd.s32 s3, s9;
	s6 =	sadd.s32 @!p0 $0x88, s6;
	s7 =	simm.s32 @p2 $0x1082  }
0x22: {  	[simem:s7], [sflag:s8] =	dma.local @!p0 [hbm:s6], $0xF7A  }
0x23: {  	s9 =	sor.u32 $0xD0000000, s2;
	s6 =	simm.s32 $0x108;
	_ =	swait.ge @!p0 [sflag:s8], $0x0  }
0x24: {  	s3 =	sadd.s32 $0x88, s3;
	s6 =	simm.s32 @!p1 $0x1082;
	[sflag:s4] =	ssyncset.s32 $0xFFFFF086  }
0x25: {  	[simem:s6], [sflag:s4] =	dma.local [hbm:s3], $0xF7A  }
0x26: {  	[smem:$0x3F9C] =	sst s1;
	(tag) =	ssettag s2;
	_ =	strace s9  }
0x27: {  	s1 =	sld [smem:$0x3FAC]  }
0x28: {  	s2 =	sld [smem:$0x3FAD]  }
0x29: {  	s4 =	sld [smem:$0x3FAF]  }
0x2a: {  	p0 =	seq.s32 s5, $0x0;
	s5 =	sld [smem:$0x3FB0]  }
0x2b: {  	s6 =	sld [smem:$0x3FB1]  }
0x2c: {  	s7 =	sld [smem:$0x3FB2]  }
0x2d: {  	s3 =	simm.s32 $0x108;
	s8 =	sld [smem:$0x3FB3]  }
0x2e: {  	s3 =	simm.s32 @!p0 $0x1082;
	s9 =	sld [smem:$0x3FB4]  }
0x2f: {  	lr =	sadd.s32 s0, s3;
	s0 =	sld [smem:$0x3FAB]  }
0x30: {  	s3 =	sld [smem:$0x3FAE]  }
0x31: {  	[smem:$0x3FB7] =	sst s10  }
0x32: {  	s10 =	sld [smem:$0x3FB5];
	_ =	sdelay $0x3  }
0x33: {  	p0 =	seq.s32 s10, $0x1;
	s10 =	sld [smem:$0x3FB7];
	_ =	sdelay $0x3  }
0x34: {  	[smem:$0x3FB7] =	sst s10  }
0x35: {  	s10 =	sld [smem:$0x3FB6];
	_ =	sdelay $0x3  }
0x36: {  	p1 =	seq.s32 s10, $0x1;
	s10 =	sld [smem:$0x3FB7];
	_ =	sdelay $0x3  }
0x37: {  	[smem:$0x3FB7] =	sst s10  }
0x38: {  	s10 =	sld [smem:$0x3FB8]  }
0x39: {  	_ = 	snop;
	(pc) =	sbr.ind lr, $3  }
0x3a: {  	_ = 	snop  }
0x3b: {  	_ = 	snop  }
0x3c: {  	p2 =	seq.s32 s10, $0x1;
	s10 =	sld [smem:$0x3FB7]  }
0x3d: {  	_ =	shalt  }
0x3e: {  	_ =	shalt  }
0x3f: {  	_ =	shalt  }
0x40: {  	_ =	shalt  }
0x41: {  	_ =	shalt  }
0x42: {  	_ =	shalt  }
0x43: {  	_ =	shalt  }
0x44: {  	_ =	shalt  }
0x45: {  	_ =	shalt  }
0x46: {  	_ =	shalt  }
0x47: {  	_ =	shalt  }
0x48: {  	_ =	shalt  }
0x49: {  	_ =	shalt  }
0x4a: {  	_ =	shalt  }
0x4b: {  	_ =	shalt  }
0x4c: {  	_ =	shalt  }
0x4d: {  	_ =	shalt  }
0x4e: {  	_ =	shalt  }
0x4f: {  	_ =	shalt  }
0x50: {  	_ =	shalt  }
0x51: {  	_ =	shalt  }
0x52: {  	_ =	shalt  }
0x53: {  	_ =	shalt  }
0x54: {  	_ =	shalt  }
0x55: {  	_ =	shalt  }
0x56: {  	_ =	shalt  }
0x57: {  	_ =	shalt  }
0x58: {  	_ =	shalt  }
0x59: {  	_ =	shalt  }
0x5a: {  	_ =	shalt  }
0x5b: {  	_ =	shalt  }
0x5c: {  	_ =	shalt  }
0x5d: {  	_ =	shalt  }
0x5e: {  	_ =	shalt  }
0x5f: {  	_ =	shalt  }
0x60: {  	_ =	shalt  }
0x61: {  	_ =	shalt  }
0x62: {  	_ =	shalt  }
0x63: {  	_ =	shalt  }
0x64: {  	_ =	shalt  }
0x65: {  	_ =	shalt  }
0x66: {  	_ =	shalt  }
0x67: {  	_ =	shalt  }
0x68: {  	_ =	shalt  }
0x69: {  	_ =	shalt  }
0x6a: {  	_ =	shalt  }
0x6b: {  	_ =	shalt  }
0x6c: {  	_ =	shalt  }
0x6d: {  	_ =	shalt  }
0x6e: {  	_ =	shalt  }
0x6f: {  	_ =	shalt  }
0x70: {  	_ =	shalt  }
0x71: {  	_ =	shalt  }
0x72: {  	_ =	shalt  }
0x73: {  	_ =	shalt  }
0x74: {  	_ =	shalt  }
0x75: {  	_ =	shalt  }
0x76: {  	_ =	shalt  }
0x77: {  	_ =	shalt  }
0x78: {  	_ =	shalt  }
0x79: {  	_ =	shalt  }
0x7a: {  	_ =	shalt  }
0x7b: {  	_ =	shalt  }
0x7c: {  	_ =	shalt  }
0x7d: {  	_ =	shalt  }
0x7e: {  	_ =	shalt  }
0x7f: {  	_ =	shalt  }
0x80: {  	_ =	shalt  }
0x81: {  	_ =	shalt  }
0x82: {  	_ =	shalt  }
0x83: {  	_ =	shalt  }
0x84: {  	_ =	shalt  }
0x85: {  	_ =	shalt  }
0x86: {  	_ =	shalt  }
0x87: {  	_ =	shalt  }
.Lfunc_end0:
.L_simem_size_0:
called_computation_lowered:
.L_overlay_start_0:
0x88: {  	s2 =	sld [smem:$0x3FD9]  }
0x89: {  	s3 =	sld [smem:$0x3FFE];
	_ =	sdelay $0x1  }
0x8a: {  	s1 =	srdreg.scid  }
0x8b: {  	s0 =	sand.u32 $0x1, s1  }
0x8c: {  	s17 =	sshll.u32 s0, $0xA;
	s2 =	sadd.s32 s3, s2  }
0x8d: {  	s2 =	sadd.s32 s2, s17  }
0x8e: {  	[smem:$0x3FC3] =	sst s2  }
0x8f: {  	_ = 	snop  }
0x90: {  	s2 =	sld [smem:$0x3FC7];
	(tm) =	ssettm $0x1  }
0x91: {  	s18 =	sld [smem:$0x3FFB];
	_ =	sdelay $0x3  }
0x92: {  	_ =	strace s18  }
0x93: {  	s3 =	sld [smem:$0x3FFC];
	_ =	sdelay $0x3  }
0x94: {  	_ =	strace s3  }
0x95: {  	s3 =	sld [smem:$0x3FFD];
	_ =	sdelay $0x3  }
0x96: {  	_ =	strace s3  }
0x97: {  	_ =	strace $0x8FFFFFFF  }
0x98: {  	s19 =	sld [smem:$0x3FDB];
	_ =	sdelay $0x1  }
0x99: {  	s4 =	simm.s32 $_scs_section_size  }
0x9a: {  	s5 =	simm.s32 $_size__tile_overlayer_lowered;
	s6 =	simm.s32 $_tile_overlayer_lowered  }
0x9b: {  	s22 =	simm.s32 $0x1BFF;
	s21 =	sshll.u32 s6, $0x1;
	s3 =	sadd.s32 s4, s19  }
0x9c: {  	s7 =	simm.s32 $0x0;
	s20 =	sshll.u32 s5, $0x1;
	s5 =	sadd.s32 s21, s3  }
0x9d: {  	[timem:s7], [sflag:s22] =	dma.local [hbm:s5], s20  }
0x9e: {  	_ =	swait.ge [sflag:s22], s20  }
0x9f: {  	s4 =	ssub.s32 $0x0, s20;
	[sflag:s22] =	ssyncset.done $0x0  }
0xa0: {  	[sflag:s22] =	ssyncadd.s32 s4;
	_ =	sdelay $0x1  }
0xa1: {  	s23 =	simm.s32 $0x1B8B  }
0xa2: {  	_ =	swait.ge [sflag:s23], $0x1  }
0xa3: {  	[sflag:s23] =	ssyncset.done $0x0  }
0xa4: {  	s25 =	simm.s32 $0x1B8E;
	s24 =	sld [smem:$0x3FFE];
	[sflag:s23] =	ssyncadd.s32 $0xFFFFFFFF  }
0xa5: {  	s26 =	simm.s32 $execute0_lowered;
	[smem:$0x3FD2] =	sst s25  }
0xa6: {  	s5 =	sshll.u32 s26, $0x1;
	_ =	strace $0x80000046;
	[dreg:$0x1] =	wrdreg $0xFFFFFFFF  }
0xa7: {  	s28 =	simm.s32 $_size_execute0_lowered;
	s3 =	sadd.s32 s3, s5;
	[dreg:$0x0] =	wrdreg $0x0  }
0xa8: {  	s5 =	sshll.u32 s28, $0x1;
	[dreg:$0x2] =	wrdreg s3  }
0xa9: {  	[dreg:$0x3] =	wrdreg s5  }
0xaa: {  	[dreg:$0x4] =	wrdreg $0xC0  }
0xab: {  	_ =	task [dreg:s7], $0x5FFFF  }
0xac: {  	[dreg:$0x1] =	wrdreg $0xFFFFFFFF  }
0xad: {  	[dreg:$0x0] =	wrdreg $0x60  }
0xae: {  	[dreg:$0x2] =	wrdreg s2  }
0xaf: {  	[dreg:$0x3] =	wrdreg s24  }
0xb0: {  	[dreg:$0x4] =	wrdreg $0x9  }
0xb1: {  	_ =	task.clear_ibuf [dreg:s7], $0x5FFFF;
	_ =	strace $0x90000046  }
0xb2: {  	s29 =	simm.s32 $0x9;
	_ =	strace $0x80000048  }
0xb3: {  	_ =	swait.ge [sflag:s29], $0x1  }
0xb4: {  	[sflag:s29] =	ssyncadd.s32 $0xFFFFFFFF  }
0xb5: {  	_ =	strace $0x90000048  }
0xb6: {  	_ =	sfence  }
0xb7: {  	s30 =	sld [smem:$0x0];
	_ =	sdelay $0x2  }
0xb8: {  	s31 =	sshll.u32 s1, $0xD;
	s1 =	sshrl.u32 s1, $0x2  }
0xb9: {  	s3 =	sand.u32 $0x4000, s31;
	s1 =	sadd.s32 s1, s30  }
0xba: {  	s0 =	sor.u32 s3, s0;
	s1 =	sshll.u32 s1, $0x11  }
0xbb: {  	s0 =	sor.u32 s1, s0  }
0xbc: {  	s0 =	sadd.s32 $0x8F2B, s0  }
0xbd: {  	[sflag:s0] =	ssyncadd.remote.s32 $0x1  }
0xbe: {  	_ =	sfence.sel $0xFFFF  }
0xbf: {  	[dreg:$0x0] =	wrdreg $0xFFFFFFFF;
	(pc) =	sbr.abs _section_cstart, $3  }
0xc0: {  	[dreg:$0x1] =	wrdreg $0xFFFFFFFF  }
0xc1: {  	_ =	task.clear_ibuf [dreg:s7], $0x2FFFF;
	_ =	strace $0x9FFFFFFF  }
0xc2: {  	(tm) =	ssettm $0x7FFFFFFF  }
0xc3: {  	_ =	shalt  }
tec
execute0_lowered:
.L_overlay_start_1:
0x0: {  	(tag) =	ssettag $0x1  }
0x1: {  	s0 =	stileid.u32;
	s5 =	rddreg [dreg:$0x0]  }
0x2: {  	s1 =	srdreg.scid;
	s7 =	rddreg [dreg:$0x1]  }
0x3: {  	s2 =	sshll.u32 s0, $0x1;
	s3 =	sand.u32 $0x1, s1;
	s4 =	sshrl.u32 s0, $0x1  }
0x4: {  	s1 =	rddreg [dreg:$0x2];
	s26 =	sand.u32 $0x2, s2;
	s2 =	simm.s32 $0x0  }
0x5: {  	s28 =	sshll.u32 s4, $0x2;
	s6 =	sor.u32 s3, s26;
	[smem:$0x7FF] =	sst s2  }
0x6: {  	s3 =	ssub.s32 $0x2, s3;
	s8 =	sor.u32 s28, s6;
	s6 =	smul.u32 $0x61C0, s6  }
0x7: {  	_ =	strace $0x80000047;
	s9 =	sshrl.u32 s3, $0x1;
	s8 =	smul.u32 $0xC38, s8  }
0x8: {  	s29 =	ssub.s32 s3, s9;
	s3 =	sshll.u32 s4, $0xB;
	s4 =	sshll.u32 s4, $0x8  }
0x9: {  	s9 =	simm.s32 $0x0;
	s30 =	smin.u32 s6, $0x124E0;
	s4 =	sadd.s32 s5, s4  }
0xa: {  	v0 =	vmov s6;
	s6 =	smax.u32 s29, $0x1;
	s7 =	sadd.s32 s8, s7;
	s31 =	sadd.s32 $0x61C0, s30  }
0xb: {  	v2 =	vimm.s32 $0xFFFFFFFF;
	v3 =	vlaneseq.u32;
	s8 =	simm.s32 $0x800;
	s5 =	sadd.s32 $0x800, s7;
	v1 =	vmov s31;
	s7 =	simm.s32 $0x1  }
.LBB2_1:
0xc: {  	[tilespmem:s2], [sflag:$0x1] =	stream.linear.gather [hbm4b:s4+s2], $0x800, $0x38;
	[tilespmem:$0x6A00] =	vst v63  }
0xd: {  	_ =	swait.ge [sflag:s7], $0x800  }
0xe: {  	[sflag:s7] =	ssyncset.done $0x0  }
0xf: {  	s10 =	simm.s32 $0x0;
	[sflag:s7] =	ssyncadd.s32 $0xFFFFF800  }
.LBB2_2:
0x10: {  	p0 =	sne.s32 s10, $0x18600  }
.Ltmp0:
0x11: {  	s11 =	sshra.s32 s10, $0x2;
	(pc) =	sbr.rel @p0 .LBB2_2-.Ltmp0, $4  }
0x12: {  	[tilespmem:s11+$0x800] =	vst v2  }
0x13: {  	[tilespmem:s11+$0x810] =	vst v2  }
0x14: {  	[tilespmem:s11+$0x820] =	vst v2  }
0x15: {  	s10 =	sadd.s32 $0x100, s10;
	[tilespmem:s11+$0x830] =	vst v2  }
0x16: {  	s10 =	simm.s32 $0x0  }
0x17: {  	v4 =	vld [tilespmem:s10+$0x0];
	_ =	sdelay $0x4  }
0x18: {  	vm0 =	vge.s32 v4, v0;
	vm1 =	vlt.s32 v4, v1  }
0x19: {  	v4 =	vsub.s32 v4, v0;
	vm0 =	vmand vm0, vm1  }
0x1a: {  	v4 =	vnsel vm0, $0x0, v4  }
0x1b: {  	(xrf1) =	vunique.msk.u32 vm0, v4;
	_ =	sdelay $0xd  }
0x1c: {  	_, v5, vm15 =	vpop (xrf1)  }
0x1d: {  	vm0 =	vmand vm0, vm15;
	_ =	sdelay $0x4  }
0x1e: {  	v5 =	vor.u32 s3, v3  }
0x1f: {  	s12 =	simm.s32 $0x10;
	s11 =	simm.s32 $0x80;
	s10 =	smov.u32 s3;
	[tilespmem:v4+s8+$0x0] =	vst.idx.msk vm0, v5  }
.LBB2_4:
0x20: {  	p0 =	sne.s32 s11, $0x1FC0;
	v4 =	vld [tilespmem:s12+$0x0];
	_ =	sdelay $0x4  }
0x21: {  	vm0 =	vge.s32 v4, v0;
	vm1 =	vlt.s32 v4, v1  }
0x22: {  	v4 =	vsub.s32 v4, v0;
	vm0 =	vmand vm0, vm1  }
0x23: {  	v4 =	vnsel vm0, $0x0, v4  }
0x24: {  	(xrf1) =	vunique.msk.u32 vm0, v4;
	_ =	sdelay $0xd  }
0x25: {  	_, v5, vm1 =	vpop (xrf1)  }
0x26: {  	vm0 =	vmand vm0, vm1;
	_ =	sdelay $0x1  }
.Ltmp1:
0x27: {  	(pc) =	sbr.rel @p0 .LBB2_4-.Ltmp1, $4  }
0x28: {  	_ = 	snop  }
0x29: {  	s10 =	sadd.s32 $0x10, s10  }
0x2a: {  	v5 =	vor.u32 s10, v3  }
0x2b: {  	s12 =	sshra.s32 s11, $0x2;
	s11 =	sadd.s32 $0x40, s11;
	[tilespmem:v4+s8+$0x0] =	vst.idx.msk vm0, v5  }
0x2c: {  	v4 =	vld [tilespmem:s12+$0x0];
	_ =	sdelay $0x4  }
0x2d: {  	vm0 =	vge.s32 v4, v0;
	vm1 =	vlt.s32 v4, v1  }
0x2e: {  	v4 =	vsub.s32 v4, v0;
	vm0 =	vmand vm0, vm1  }
0x2f: {  	v4 =	vnsel vm0, $0x0, v4  }
0x30: {  	(xrf1) =	vunique.msk.u32 vm0, v4;
	_ =	sdelay $0xd  }
0x31: {  	_, v5, vm15 =	vpop (xrf1)  }
0x32: {  	vm0 =	vmand vm0, vm15;
	_ =	sdelay $0x3  }
0x33: {  	s10 =	sadd.s32 $0x10, s10;
	s9 =	sadd.s32 $0x1, s9  }
0x34: {  	p0 =	sne.s32 s9, s6;
	v5 =	vor.u32 s10, v3  }
.Ltmp2:
0x35: {  	[tilespmem:v4+s8+$0x0] =	vst.idx.msk vm0, v5;
	(pc) =	sbr.rel @p0 .LBB2_1-.Ltmp2, $4  }
0x36: {  	[hbm4b:s5+s2] =	stream.linear.scatter [tilespmem:s8], [sflag:$0x1], $0x61C0, $0x38;
	[tilespmem:$0x6A00] =	vst v63  }
0x37: {  	_ =	swait.ge [sflag:s7], $0x61C0  }
0x38: {  	[sflag:s7] =	ssyncset.done $0x0  }
0x39: {  	[sflag:s7] =	ssyncadd.s32 $0xFFFF9E40  }
0x3a: {  	_ =	sfence.sel $0x180000  }
0x3b: {  	[bflag:$0x0] =	sbarrier.arrive $0xFFFF  }
0x3c: {  	p0 =	sne.s32 s0, $0x0;
	_ =	strace $0x90000047  }
0x3d: {  	s0 =	sadd.s32 @!p0 $0x100000, s1;
	[bflag:$0x2] =	sbarrier.arrive $0xFFFF  }
0x3e: {  	[sflag:s0] =	ssyncadd.tile.s32 @!p0 $0x1;
	_ =	shalt  }
.Lfunc_end2:
_tile_overlayer_lowered:
.L_overlay_start_2:
0x3f: {  	(tag) =	ssettag $0x2  }
0x40: {  	s0 =	rddreg [dreg:$0x0];
	s2 =	stileid.u32  }
0x41: {  	s1 =	rddreg [dreg:$0x1];
	p0 =	sne.s32 s2, $0x0  }
0x42: {  	s3 =	rddreg [dreg:$0x2];
	[bflag:$0x3] =	sbarrier.arrive $0xFFFF;
	s2 =	simm.s32 @!p0 $0x1C01  }
0x43: {  	[timem:s3], [sflag:s2] =	dma.local @!p0 [hbm:s0], s1  }
0x44: {  	s0 =	simm.s32 @!p0 $0x1  }
0x45: {  	_ =	swait.ge @!p0 [sflag:s0], s1  }
0x46: {  	s1 =	ssub.s32 @!p0 $0x0, s1;
	[sflag:s0] =	ssyncset.done @!p0 $0x0  }
0x47: {  	[sflag:s0] =	ssyncadd.s32 @!p0 s1  }
0x48: {  	[bflag:$0x3] =	sbarrier.arrive $0xFFFF  }
0x49: {  	_ =	shalt  }

// kernel: kernel.8.cloned.1.call-start
scs
__scs_entry_jumppad:
0x0: {  	(pc) =	sbr.rel $0x88, $3  }
0x1: {  	(tag) =	ssettag $0x0;
	lr =	simm.s32 $0x1  }
0x2: {  	[smem:$0x3F9C] =	sst lr;
	_ =	strace $0xD0000000  }
0x3: {  	_ = 	snop  }
0x4: {  	_ = 	snop  }
0x5: {  	_ = 	snop  }
0x6: {  	_ = 	snop  }
0x7: {  	_ = 	snop  }
__scs_overlays_trampoline_lowered:
0x8: {  	[smem:$0x3FAB] =	sst s0  }
0x9: {  	[smem:$0x3FAC] =	sst s1  }
0xa: {  	[smem:$0x3FAD] =	sst s2  }
0xb: {  	[smem:$0x3FAE] =	sst s3  }
0xc: {  	[smem:$0x3FAF] =	sst s4  }
0xd: {  	[smem:$0x3FB0] =	sst s5  }
0xe: {  	[smem:$0x3FB1] =	sst s6  }
0xf: {  	[smem:$0x3FB2] =	sst s7  }
0x10: {  	[smem:$0x3FB3] =	sst s8  }
0x11: {  	[smem:$0x3FB4] =	sst s9;
	s0 =	simm.s32 @!p0 $0x0  }
0x12: {  	s1 =	sld [smem:$0x3F9A];
	s0 =	simm.s32 @p0 $0x1  }
0x13: {  	[smem:$0x3FB5] =	sst s0;
	s0 =	simm.s32 @!p1 $0x0  }
0x14: {  	s2 =	sld [smem:$0x3F99];
	s0 =	simm.s32 @p1 $0x1  }
0x15: {  	[smem:$0x3FB6] =	sst s0;
	s0 =	simm.s32 @!p2 $0x0  }
0x16: {  	s3 =	sld [smem:$0x3FDB];
	s0 =	simm.s32 @p2 $0x1  }
0x17: {  	s4 =	simm.s32 $0x1BF5;
	[smem:$0x3FB8] =	sst s0  }
0x18: {  	s0 =	sld [smem:$0x3F9B];
	_ =	swait.ge [sflag:s4], $0x0  }
0x19: {  	s7 =	sld [smem:$0x3F9C]  }
0x1a: {  	s8 =	sadd.s32 $0xFFFFE003, lr  }
0x1b: {  	s9 =	sadd.s32 $0xFFFFFEF7, lr;
	s5 =	simm.s32 $0xFFFFFFFF;
	p2 =	slt.u32 s8, $0xFFFFF086  }
0x1c: {  	p1 =	slt.u32 s9, $0xF7A;
	s5 =	simm.s32 @!p2 $0x0  }
0x1d: {  	s5 =	simm.s32 @p1 $0x1;
	p0 =	seq.s32 s7, s2  }
0x1e: {  	s7 =	smul.u32 @!p0 $0xF7A, s2;
	p2 =	seq.s32 @!p0 s5, $0x0  }
0x1f: {  	s9 =	smul.u32 $0xF7A, s1;
	s8 =	simm.s32 @!p0 $0x1BF5;
	p2 =	por !p2, p0  }
0x20: {  	[sflag:s8] =	ssyncset.s32 @!p0 $0xFFFFF086;
	s6 =	sadd.s32 @!p0 s3, s7;
	s7 =	simm.s32 @!p0 $0x108  }
0x21: {  	s3 =	sadd.s32 s3, s9;
	s6 =	sadd.s32 @!p0 $0x88, s6;
	s7 =	simm.s32 @p2 $0x1082  }
0x22: {  	[simem:s7], [sflag:s8] =	dma.local @!p0 [hbm:s6], $0xF7A  }
0x23: {  	s9 =	sor.u32 $0xD0000000, s2;
	s6 =	simm.s32 $0x108;
	_ =	swait.ge @!p0 [sflag:s8], $0x0  }
0x24: {  	s3 =	sadd.s32 $0x88, s3;
	s6 =	simm.s32 @!p1 $0x1082;
	[sflag:s4] =	ssyncset.s32 $0xFFFFF086  }
0x25: {  	[simem:s6], [sflag:s4] =	dma.local [hbm:s3], $0xF7A  }
0x26: {  	[smem:$0x3F9C] =	sst s1;
	(tag) =	ssettag s2;
	_ =	strace s9  }
0x27: {  	s1 =	sld [smem:$0x3FAC]  }
0x28: {  	s2 =	sld [smem:$0x3FAD]  }
0x29: {  	s4 =	sld [smem:$0x3FAF]  }
0x2a: {  	p0 =	seq.s32 s5, $0x0;
	s5 =	sld [smem:$0x3FB0]  }
0x2b: {  	s6 =	sld [smem:$0x3FB1]  }
0x2c: {  	s7 =	sld [smem:$0x3FB2]  }
0x2d: {  	s3 =	simm.s32 $0x108;
	s8 =	sld [smem:$0x3FB3]  }
0x2e: {  	s3 =	simm.s32 @!p0 $0x1082;
	s9 =	sld [smem:$0x3FB4]  }
0x2f: {  	lr =	sadd.s32 s0, s3;
	s0 =	sld [smem:$0x3FAB]  }
0x30: {  	s3 =	sld [smem:$0x3FAE]  }
0x31: {  	[smem:$0x3FB7] =	sst s10  }
0x32: {  	s10 =	sld [smem:$0x3FB5];
	_ =	sdelay $0x3  }
0x33: {  	p0 =	seq.s32 s10, $0x1;
	s10 =	sld [smem:$0x3FB7];
	_ =	sdelay $0x3  }
0x34: {  	[smem:$0x3FB7] =	sst s10  }
0x35: {  	s10 =	sld [smem:$0x3FB6];
	_ =	sdelay $0x3  }
0x36: {  	p1 =	seq.s32 s10, $0x1;
	s10 =	sld [smem:$0x3FB7];
	_ =	sdelay $0x3  }
0x37: {  	[smem:$0x3FB7] =	sst s10  }
0x38: {  	s10 =	sld [smem:$0x3FB8]  }
0x39: {  	_ = 	snop;
	(pc) =	sbr.ind lr, $3  }
0x3a: {  	_ = 	snop  }
0x3b: {  	_ = 	snop  }
0x3c: {  	p2 =	seq.s32 s10, $0x1;
	s10 =	sld [smem:$0x3FB7]  }
0x3d: {  	_ =	shalt  }
0x3e: {  	_ =	shalt  }
0x3f: {  	_ =	shalt  }
0x40: {  	_ =	shalt  }
0x41: {  	_ =	shalt  }
0x42: {  	_ =	shalt  }
0x43: {  	_ =	shalt  }
0x44: {  	_ =	shalt  }
0x45: {  	_ =	shalt  }
0x46: {  	_ =	shalt  }
0x47: {  	_ =	shalt  }
0x48: {  	_ =	shalt  }
0x49: {  	_ =	shalt  }
0x4a: {  	_ =	shalt  }
0x4b: {  	_ =	shalt  }
0x4c: {  	_ =	shalt  }
0x4d: {  	_ =	shalt  }
0x4e: {  	_ =	shalt  }
0x4f: {  	_ =	shalt  }
0x50: {  	_ =	shalt  }
0x51: {  	_ =	shalt  }
0x52: {  	_ =	shalt  }
0x53: {  	_ =	shalt  }
0x54: {  	_ =	shalt  }
0x55: {  	_ =	shalt  }
0x56: {  	_ =	shalt  }
0x57: {  	_ =	shalt  }
0x58: {  	_ =	shalt  }
0x59: {  	_ =	shalt  }
0x5a: {  	_ =	shalt  }
0x5b: {  	_ =	shalt  }
0x5c: {  	_ =	shalt  }
0x5d: {  	_ =	shalt  }
0x5e: {  	_ =	shalt  }
0x5f: {  	_ =	shalt  }
0x60: {  	_ =	shalt  }
0x61: {  	_ =	shalt  }
0x62: {  	_ =	shalt  }
0x63: {  	_ =	shalt  }
0x64: {  	_ =	shalt  }
0x65: {  	_ =	shalt  }
0x66: {  	_ =	shalt  }
0x67: {  	_ =	shalt  }
0x68: {  	_ =	shalt  }
0x69: {  	_ =	shalt  }
0x6a: {  	_ =	shalt  }
0x6b: {  	_ =	shalt  }
0x6c: {  	_ =	shalt  }
0x6d: {  	_ =	shalt  }
0x6e: {  	_ =	shalt  }
0x6f: {  	_ =	shalt  }
0x70: {  	_ =	shalt  }
0x71: {  	_ =	shalt  }
0x72: {  	_ =	shalt  }
0x73: {  	_ =	shalt  }
0x74: {  	_ =	shalt  }
0x75: {  	_ =	shalt  }
0x76: {  	_ =	shalt  }
0x77: {  	_ =	shalt  }
0x78: {  	_ =	shalt  }
0x79: {  	_ =	shalt  }
0x7a: {  	_ =	shalt  }
0x7b: {  	_ =	shalt  }
0x7c: {  	_ =	shalt  }
0x7d: {  	_ =	shalt  }
0x7e: {  	_ =	shalt  }
0x7f: {  	_ =	shalt  }
0x80: {  	_ =	shalt  }
0x81: {  	_ =	shalt  }
0x82: {  	_ =	shalt  }
0x83: {  	_ =	shalt  }
0x84: {  	_ =	shalt  }
0x85: {  	_ =	shalt  }
0x86: {  	_ =	shalt  }
0x87: {  	_ =	shalt  }
.Lfunc_end0:
.L_simem_size_0:
called_computation.1_lowered:
.L_overlay_start_0:
0x88: {  	s2 =	sld [smem:$0x3FD9]  }
0x89: {  	s3 =	sld [smem:$0x3FFE];
	_ =	sdelay $0x1  }
0x8a: {  	s1 =	srdreg.scid  }
0x8b: {  	s0 =	sand.u32 $0x1, s1  }
0x8c: {  	s17 =	sshll.u32 s0, $0xA;
	s2 =	sadd.s32 s3, s2  }
0x8d: {  	s2 =	sadd.s32 s2, s17  }
0x8e: {  	[smem:$0x3FC3] =	sst s2  }
0x8f: {  	_ = 	snop  }
0x90: {  	s2 =	sld [smem:$0x3FC6]  }
0x91: {  	s18 =	sld [smem:$0x3FC5]  }
0x92: {  	s4 =	sld [smem:$0x3FD0];
	(tm) =	ssettm $0x1  }
0x93: {  	s5 =	sld [smem:$0x3FFB];
	_ =	sdelay $0x3  }
0x94: {  	_ =	strace s5  }
0x95: {  	s5 =	sld [smem:$0x3FFC];
	_ =	sdelay $0x3  }
0x96: {  	_ =	strace s5  }
0x97: {  	s5 =	sld [smem:$0x3FFD];
	_ =	sdelay $0x3  }
0x98: {  	_ =	strace s5  }
0x99: {  	_ =	strace $0x8FFFFFFF  }
0x9a: {  	s19 =	sld [smem:$0x3FDB];
	_ =	sdelay $0x1  }
0x9b: {  	s6 =	simm.s32 $_scs_section_size  }
0x9c: {  	s7 =	simm.s32 $_size__tile_overlayer_lowered;
	s8 =	simm.s32 $_tile_overlayer_lowered  }
0x9d: {  	s22 =	simm.s32 $0x1BFF;
	s21 =	sshll.u32 s8, $0x1;
	s5 =	sadd.s32 s6, s19  }
0x9e: {  	s9 =	simm.s32 $0x0;
	s20 =	sshll.u32 s7, $0x1;
	s7 =	sadd.s32 s21, s5  }
0x9f: {  	[timem:s9], [sflag:s22] =	dma.local [hbm:s7], s20  }
0xa0: {  	_ =	swait.ge [sflag:s22], s20  }
0xa1: {  	s6 =	ssub.s32 $0x0, s20;
	[sflag:s22] =	ssyncset.done $0x0  }
0xa2: {  	[sflag:s22] =	ssyncadd.s32 s6;
	_ =	sdelay $0x1  }
0xa3: {  	s23 =	simm.s32 $0x1B8B  }
0xa4: {  	_ =	swait.ge [sflag:s23], $0x1  }
0xa5: {  	[sflag:s23] =	ssyncset.done $0x0  }
0xa6: {  	s25 =	simm.s32 $0x1B8E;
	s24 =	sld [smem:$0x3FFE];
	[sflag:s23] =	ssyncadd.s32 $0xFFFFFFFF  }
0xa7: {  	s26 =	simm.s32 $execute0_lowered;
	[smem:$0x3FD2] =	sst s25  }
0xa8: {  	s7 =	sshll.u32 s26, $0x1;
	_ =	strace $0x80000049;
	[dreg:$0x1] =	wrdreg $0xFFFFFFFF  }
0xa9: {  	s28 =	simm.s32 $_size_execute0_lowered;
	s5 =	sadd.s32 s5, s7;
	[dreg:$0x0] =	wrdreg $0x0  }
0xaa: {  	s7 =	sshll.u32 s28, $0x1;
	[dreg:$0x2] =	wrdreg s5  }
0xab: {  	[dreg:$0x3] =	wrdreg s7  }
0xac: {  	[dreg:$0x4] =	wrdreg $0xC0  }
0xad: {  	_ =	task [dreg:s9], $0x5FFFF  }
0xae: {  	[dreg:$0x1] =	wrdreg $0xFFFFFFFF  }
0xaf: {  	[dreg:$0x0] =	wrdreg $0x60  }
0xb0: {  	[dreg:$0x2] =	wrdreg s24  }
0xb1: {  	[dreg:$0x3] =	wrdreg s2  }
0xb2: {  	[dreg:$0x4] =	wrdreg s18  }
0xb3: {  	[dreg:$0x5] =	wrdreg s4  }
0xb4: {  	[dreg:$0x6] =	wrdreg $0x9  }
0xb5: {  	_ =	task.clear_ibuf [dreg:s9], $0x7FFFF;
	_ =	strace $0x90000049  }
0xb6: {  	s29 =	simm.s32 $0x9;
	_ =	strace $0x8000004B  }
0xb7: {  	_ =	swait.ge [sflag:s29], $0x1  }
0xb8: {  	[sflag:s29] =	ssyncadd.s32 $0xFFFFFFFF  }
0xb9: {  	_ =	strace $0x9000004B  }
0xba: {  	_ =	sfence  }
0xbb: {  	s30 =	sld [smem:$0x0];
	_ =	sdelay $0x2  }
0xbc: {  	s31 =	sshll.u32 s1, $0xD;
	s1 =	sshrl.u32 s1, $0x2  }
0xbd: {  	s3 =	sand.u32 $0x4000, s31;
	s1 =	sadd.s32 s1, s30  }
0xbe: {  	s0 =	sor.u32 s3, s0;
	s1 =	sshll.u32 s1, $0x11  }
0xbf: {  	s0 =	sor.u32 s1, s0  }
0xc0: {  	s0 =	sadd.s32 $0x8F2B, s0  }
0xc1: {  	[sflag:s0] =	ssyncadd.remote.s32 $0x1  }
0xc2: {  	_ =	sfence.sel $0xFFFF  }
0xc3: {  	[dreg:$0x0] =	wrdreg $0xFFFFFFFF;
	(pc) =	sbr.abs _section_cstart, $3  }
0xc4: {  	[dreg:$0x1] =	wrdreg $0xFFFFFFFF  }
0xc5: {  	_ =	task.clear_ibuf [dreg:s9], $0x2FFFF;
	_ =	strace $0x9FFFFFFF  }
0xc6: {  	(tm) =	ssettm $0x7FFFFFFF  }
0xc7: {  	_ =	shalt  }
tec
execute0_lowered:
.L_overlay_start_1:
0x0: {  	(tag) =	ssettag $0x1  }
0x1: {  	s0 =	srdreg.scid;
	s2 =	rddreg [dreg:$0x0]  }
0x2: {  	s5 =	stileid.u32;
	s3 =	rddreg [dreg:$0x2];
	s17 =	simm.s32 $0x2580  }
0x3: {  	s18 =	simm.s32 $0x3200;
	s19 =	simm.s32 $0x3E80;
	s20 =	simm.s32 $0x4B00  }
0x4: {  	s21 =	simm.s32 $0x5780;
	s0 =	sand.u32 $0x1, s0;
	s1 =	sshll.u32 s5, $0x1  }
0x5: {  	s22 =	simm.s32 $0x1;
	s5 =	sshrl.u32 s5, $0x2;
	s6 =	sor.u32 s0, s1  }
0x6: {  	s1 =	rddreg [dreg:$0x1];
	s8 =	smul.u32 $0x61C0, s5;
	s4 =	sand.u32 $0x7, s6  }
0x7: {  	s5 =	simm.s32 $0x0;
	s0 =	ssub.s32 $0x2, s0;
	s7 =	smul.u32 $0xC38, s4  }
0x8: {  	s23 =	simm.s32 $0x80;
	[smem:$0x7FF] =	sst s5;
	s31 =	sshrl.u32 s0, $0x1  }
0x9: {  	s24 =	smul.u32 $0xC38, s6;
	s4 =	rddreg [dreg:$0x3];
	s7 =	sadd.s32 s8, s7  }
.Ltmp0:
0xa: {  	s0 =	ssub.s32 s0, s31;
	s7 =	sshrl.u32 s7, $0x3;
	(pc) =	sbr.rel .LBB2_1-.Ltmp0, $4  }
0xb: {  	_ =	strace $0x8000004A;
	s14 =	smax.u32 s0, $0x1;
	s2 =	sadd.s32 s7, s2  }
0xc: {  	s0 =	simm.s32 $0x0;
	s6 =	sadd.s32 $0x800, s2;
	s7 =	sadd.s32 $0x38E0, s2  }
0xd: {  	s8 =	sadd.s32 $0x69C0, s2;
	s9 =	sadd.s32 $0x9AA0, s2;
	s10 =	sadd.s32 $0xCB80, s2  }
0xe: {  	v1 =	vlaneseq.u32;
	v0 =	vmov s24;
	s11 =	sadd.s32 $0xFC60, s2;
	s12 =	sadd.s32 $0x12D40, s2;
	s13 =	sadd.s32 $0x15E20, s2  }
.LBB2_14:
0xf: {  	s2 =	simm.s32 @!p0 $0x6  }
0x10: {  	_ =	swait.ge @!p0 [sflag:s2], $0x4000  }
0x11: {  	[sflag:s2] =	ssyncset.done @!p0 $0x0  }
0x12: {  	[sflag:s2] =	ssyncadd.s32 @!p0 $0xFFFFC000;
	s2 =	simm.s32 @!p0 $0x7  }
0x13: {  	_ =	swait.ge @!p0 [sflag:s2], $0x4000  }
0x14: {  	[sflag:s2] =	ssyncset.done @!p0 $0x0  }
0x15: {  	[sflag:s2] =	ssyncadd.s32 @!p0 $0xFFFFC000;
	s2 =	simm.s32 @p2 $0x8  }
0x16: {  	_ =	swait.ge @p2 [sflag:s2], $0x4000  }
0x17: {  	[sflag:s2] =	ssyncset.done @p2 $0x0  }
0x18: {  	s0 =	sadd.s32 $0x1, s0;
	[sflag:s2] =	ssyncadd.s32 @p2 $0xFFFFC000;
	s2 =	simm.s32 @p2 $0x9  }
0x19: {  	p0 =	sne.s32 s0, s14;
	_ =	swait.ge @p2 [sflag:s2], $0x4000  }
.Ltmp1:
0x1a: {  	[sflag:s2] =	ssyncset.done @p2 $0x0;
	(pc) =	sbr.rel @!p0 .LBB2_15-.Ltmp1, $4  }
0x1b: {  	[sflag:s2] =	ssyncadd.s32 @p2 $0xFFFFC000;
	s2 =	simm.s32 @p1 $0xA  }
0x1c: {  	_ =	swait.ge @p1 [sflag:s2], $0x4000  }
0x1d: {  	[sflag:s2] =	ssyncset.done @p1 $0x0  }
0x1e: {  	[sflag:s2] =	ssyncadd.s32 @p1 $0xFFFFC000  }
.LBB2_1:
0x1f: {  	[tilespmem:s5], [sflag:$0x1] =	stream.linear.gather [hbm4b:s6+s5], $0xC38, $0x38;
	[tilespmem:$0x1C600] =	vst v63  }
0x20: {  	s2 =	simm.s32 $0xC80  }
0x21: {  	[tilespmem:s2], [sflag:$0x1] =	stream.linear.gather [hbm4b:s7+s5], $0xC38, $0x38;
	[tilespmem:$0x1C600] =	vst v63  }
0x22: {  	s28 =	simm.s32 $0x1900  }
0x23: {  	[tilespmem:s28], [sflag:$0x1] =	stream.linear.gather [hbm4b:s8+s5], $0xC38, $0x38;
	[tilespmem:$0x1C600] =	vst v63  }
0x24: {  	_ = 	snop  }
0x25: {  	[tilespmem:s17], [sflag:$0x1] =	stream.linear.gather [hbm4b:s9+s5], $0xC38, $0x38;
	[tilespmem:$0x1C600] =	vst v63  }
0x26: {  	_ = 	snop  }
0x27: {  	[tilespmem:s18], [sflag:$0x1] =	stream.linear.gather [hbm4b:s10+s5], $0xC38, $0x38;
	[tilespmem:$0x1C600] =	vst v63  }
0x28: {  	_ = 	snop  }
0x29: {  	[tilespmem:s19], [sflag:$0x1] =	stream.linear.gather [hbm4b:s11+s5], $0xC38, $0x38;
	[tilespmem:$0x1C600] =	vst v63  }
0x2a: {  	_ = 	snop  }
0x2b: {  	[tilespmem:s20], [sflag:$0x1] =	stream.linear.gather [hbm4b:s12+s5], $0xC38, $0x38;
	[tilespmem:$0x1C600] =	vst v63  }
0x2c: {  	_ = 	snop  }
0x2d: {  	[tilespmem:s21], [sflag:$0x1] =	stream.linear.gather [hbm4b:s13+s5], $0xC38, $0x38;
	[tilespmem:$0x1C600] =	vst v63  }
0x2e: {  	_ =	swait.ge [sflag:s22], $0xC38  }
0x2f: {  	[sflag:s22] =	ssyncset.done $0x0  }
0x30: {  	[sflag:s22] =	ssyncadd.s32 $0xFFFFF3C8  }
0x31: {  	_ =	swait.ge [sflag:s22], $0xC38  }
0x32: {  	[sflag:s22] =	ssyncset.done $0x0  }
0x33: {  	[sflag:s22] =	ssyncadd.s32 $0xFFFFF3C8  }
0x34: {  	_ =	swait.ge [sflag:s22], $0xC38  }
0x35: {  	[sflag:s22] =	ssyncset.done $0x0  }
0x36: {  	[sflag:s22] =	ssyncadd.s32 $0xFFFFF3C8  }
0x37: {  	_ =	swait.ge [sflag:s22], $0xC38  }
0x38: {  	[sflag:s22] =	ssyncset.done $0x0  }
0x39: {  	[sflag:s22] =	ssyncadd.s32 $0xFFFFF3C8  }
0x3a: {  	_ =	swait.ge [sflag:s22], $0xC38  }
0x3b: {  	[sflag:s22] =	ssyncset.done $0x0  }
0x3c: {  	[sflag:s22] =	ssyncadd.s32 $0xFFFFF3C8  }
0x3d: {  	_ =	swait.ge [sflag:s22], $0xC38  }
0x3e: {  	[sflag:s22] =	ssyncset.done $0x0  }
0x3f: {  	[sflag:s22] =	ssyncadd.s32 $0xFFFFF3C8  }
0x40: {  	_ =	swait.ge [sflag:s22], $0xC38  }
0x41: {  	[sflag:s22] =	ssyncset.done $0x0  }
0x42: {  	[sflag:s22] =	ssyncadd.s32 $0xFFFFF3C8  }
0x43: {  	_ =	swait.ge [sflag:s22], $0xC38  }
0x44: {  	[sflag:s22] =	ssyncset.done $0x0  }
0x45: {  	s31 =	simm.s32 $0x0;
	[sflag:s22] =	ssyncadd.s32 $0xFFFFF3C8  }
0x46: {  	v2 =	vld [tilespmem:s31+$0x1900]  }
0x47: {  	v3 =	vld [tilespmem:s31+$0xC80]  }
0x48: {  	v4 =	vld [tilespmem:s31+$0x0]  }
0x49: {  	v5 =	vld [tilespmem:s31+$0x2580]  }
0x4a: {  	v6 =	vld [tilespmem:s31+$0x3200]  }
0x4b: {  	v7 =	vld [tilespmem:s31+$0x3E80]  }
0x4c: {  	v8 =	vld [tilespmem:s31+$0x4B00];
	vm0 =	vlt.s32 v3, $0x0  }
0x4d: {  	v63 =	vld [tilespmem:s31+$0x5780];
	vm10 =	vlt.s32 v2, $0x0;
	v3 =	vsel vm0, v4, v3  }
0x4e: {  	vm11 =	vlt.s32 v5, $0x0;
	v2 =	vsel vm10, v3, v2  }
0x4f: {  	vm12 =	vlt.s32 v6, $0x0;
	v2 =	vsel vm11, v2, v5  }
0x50: {  	vm13 =	vlt.s32 v7, $0x0;
	v2 =	vsel vm12, v2, v6  }
0x51: {  	vm14 =	vlt.s32 v8, $0x0;
	v2 =	vsel vm13, v2, v7  }
0x52: {  	vm15 =	vlt.s32 v63, $0x0;
	v2 =	vsel vm14, v2, v8  }
0x53: {  	v3 =	vor.u32 s5, v1;
	v2 =	vsel vm15, v2, v63  }
0x54: {  	vm1 =	vlt.u32 v3, $0xC38;
	vm0 =	vgt.s32 v2, $0xFFFFFFFF  }
0x55: {  	v3 =	vadd.s32 v0, v3;
	vm0 =	vmand vm1, vm0  }
0x56: {  	[tilespmem:s5+$0x6400] =	vst.msk vm0, v3;
	v3 =	vmpcnt.ones.xlane vm0;
	_ =	sdelay $0x1  }
0x57: {  	s30 =	simm.s32 $0x10;
	[tilespmem:s5+$0x7100] =	vst.msk vm0, v2;
	(v2sf) =	vpush v3, $0x0  }
0x58: {  	s29 =	simm.s32 $0x80;
	s24 =	simm.s32 $0x0;
	s2 =	simm.s32 $0x0;
	v2 =	vld [tilespmem:s30+$0x1900]  }
.LBB2_2:
0x59: {  	p0 =	sne.s32 s29, $0x30C0;
	v3 =	vld [tilespmem:s30+$0xC80]  }
0x5a: {  	v4 =	vld [tilespmem:s30+$0x0]  }
0x5b: {  	v5 =	vld [tilespmem:s30+$0x2580]  }
0x5c: {  	v6 =	vld [tilespmem:s30+$0x3200]  }
0x5d: {  	v7 =	vld [tilespmem:s30+$0x3E80]  }
0x5e: {  	vm0 =	vlt.s32 v3, $0x0;
	v8 =	vld [tilespmem:s30+$0x4B00]  }
0x5f: {  	v3 =	vsel vm0, v4, v3;
	vm0 =	vlt.s32 v2, $0x0;
	v4 =	vld [tilespmem:s30+$0x5780]  }
0x60: {  	v2 =	vsel vm0, v3, v2;
	vm0 =	vlt.s32 v5, $0x0  }
0x61: {  	v2 =	vsel vm0, v2, v5;
	vm0 =	vlt.s32 v6, $0x0  }
0x62: {  	v2 =	vsel vm0, v2, v6;
	vm0 =	vlt.s32 v7, $0x0  }
0x63: {  	v2 =	vsel vm0, v2, v7;
	vm0 =	vlt.s32 v8, $0x0  }
0x64: {  	s24 =	sadd.s32 $0x10, s24;
	v2 =	vsel vm0, v2, v8;
	vm0 =	vlt.s32 v4, $0x0  }
0x65: {  	v3 =	vor.u32 s24, v1;
	v2 =	vsel vm0, v2, v4  }
0x66: {  	vm1 =	vlt.u32 v3, $0xC38;
	vm0 =	vgt.s32 v2, $0xFFFFFFFF;
	s30 =	spop (v2sf)  }
.Ltmp2:
0x67: {  	v3 =	vadd.s32 v0, v3;
	vm0 =	vmand vm1, vm0;
	s2 =	sadd.s32 s2, s30;
	(pc) =	sbr.rel @p0 .LBB2_2-.Ltmp2, $4  }
0x68: {  	[tilespmem:s2+$0x6400] =	vst.msk vm0, v3;
	v3 =	vmpcnt.ones.xlane vm0  }
0x69: {  	[tilespmem:s2+$0x7100] =	vst.msk vm0, v2  }
0x6a: {  	s30 =	sshra.s32 s29, $0x2;
	(v2sf) =	vpush v3, $0x0  }
0x6b: {  	s29 =	sadd.s32 $0x40, s29;
	v2 =	vld [tilespmem:s30+$0x1900]  }
0x6c: {  	v3 =	vld [tilespmem:s30+$0xC80]  }
0x6d: {  	v4 =	vld [tilespmem:s30+$0x0]  }
0x6e: {  	v5 =	vld [tilespmem:s30+$0x2580]  }
0x6f: {  	v6 =	vld [tilespmem:s30+$0x3200]  }
0x70: {  	v7 =	vld [tilespmem:s30+$0x3E80]  }
0x71: {  	v8 =	vld [tilespmem:s30+$0x4B00];
	vm0 =	vlt.s32 v3, $0x0  }
0x72: {  	v62 =	vld [tilespmem:s30+$0x5780];
	vm10 =	vlt.s32 v2, $0x0;
	v3 =	vsel vm0, v4, v3  }
0x73: {  	vm11 =	vlt.s32 v5, $0x0;
	v2 =	vsel vm10, v3, v2  }
0x74: {  	vm12 =	vlt.s32 v6, $0x0;
	v2 =	vsel vm11, v2, v5  }
0x75: {  	vm13 =	vlt.s32 v7, $0x0;
	v2 =	vsel vm12, v2, v6  }
0x76: {  	vm14 =	vlt.s32 v8, $0x0;
	v2 =	vsel vm13, v2, v7  }
0x77: {  	s24 =	sadd.s32 $0x10, s24;
	vm15 =	vlt.s32 v62, $0x0;
	v2 =	vsel vm14, v2, v8  }
0x78: {  	v3 =	vor.u32 s24, v1;
	v2 =	vsel vm15, v2, v62  }
0x79: {  	vm1 =	vlt.u32 v3, $0xC38;
	vm0 =	vgt.s32 v2, $0xFFFFFFFF  }
0x7a: {  	vm0 =	vmand vm1, vm0  }
0x7b: {  	v63 =	vmpcnt.ones.xlane vm0;
	_ =	sdelay $0x1  }
0x7c: {  	(v2sf) =	vpush v63, $0x0;
	_ =	sdelay $0xd  }
0x7d: {  	s28 =	spop (v2sf)  }
0x7e: {  	v3 =	vadd.s32 v0, v3;
	s2 =	sadd.s32 s2, s28;
	s30 =	spop (v2sf)  }
0x7f: {  	[tilespmem:s2+$0x6400] =	vst.msk vm0, v3;
	s24 =	sadd.s32 s2, s30  }
0x80: {  	[tilespmem:s2+$0x7100] =	vst.msk vm0, v2;
	p1 =	slt.s32 s24, $0x1  }
0x81: {  	v2 =	vld.msk @!p1 [tilespmem:$0x6400 ss:$0x0], $0xffff  }
0x82: {  	v3 =	vld.msk @!p1 [tilespmem:$0x7100 ss:$0x0], $0xffff;
	_ =	sdelay $0x3  }
0x83: {  	[tilespmem:s24+$0x6400] =	vst @!p1 v2  }
0x84: {  	[tilespmem:s24+$0x7100] =	vst @!p1 v3  }
0x85: {  	[tilespmem:s24+$0x6410] =	vst @!p1 v2  }
0x86: {  	s31 =	sadd.s32 $0x7F, s24;
	[tilespmem:s24+$0x7110] =	vst @!p1 v3  }
0x87: {  	s29 =	sand.u32 $0x7F, s31;
	[tilespmem:s24+$0x6420] =	vst @!p1 v2  }
0x88: {  	p2 =	slt.s32 s31, $0x1;
	p0 =	sne.s32 s29, $0x0;
	s29 =	sshra.s32 s31, $0x1F;
	[tilespmem:s24+$0x7120] =	vst @!p1 v3  }
0x89: {  	p0 =	por !p2, !p0;
	s29 =	sshrl.u32 s29, $0x19;
	[tilespmem:s24+$0x6430] =	vst @!p1 v2  }
0x8a: {  	s2 =	sadd.s32 s29, s31;
	p0 =	por !p0, !p0;
	s29 =	simm.s32 $0x1;
	[tilespmem:s24+$0x7130] =	vst @!p1 v3  }
0x8b: {  	s2 =	sshra.s32 s2, $0x7;
	s29 =	simm.s32 @!p0 $0x0;
	[tilespmem:s24+$0x6440] =	vst @!p1 v2  }
0x8c: {  	[tilespmem:s24+$0x7140] =	vst @!p1 v3;
	s29 =	ssub.s32 s2, s29  }
0x8d: {  	[tilespmem:s24+$0x6450] =	vst @!p1 v2;
	p0 =	slt.s32 s29, $0x1  }
.Ltmp3:
0x8e: {  	[tilespmem:s24+$0x7150] =	vst @!p1 v3;
	(pc) =	sbr.rel @p0 .LBB2_4-.Ltmp3, $4  }
0x8f: {  	[tilespmem:s24+$0x6460] =	vst @!p1 v2  }
0x90: {  	[tilespmem:s24+$0x7160] =	vst @!p1 v3  }
0x91: {  	[tilespmem:s24+$0x6470] =	vst @!p1 v2  }
0x92: {  	[tilespmem:s24+$0x7170] =	vst @!p1 v3;
	p1 =	por $0x0, $0x0  }
0x93: {  	v2 =	vld [tilespmem:$0x6400]  }
0x94: {  	v3 =	vld [tilespmem:$0x7100]  }
0x95: {  	v4 =	vld [tilespmem:$0x6410]  }
0x96: {  	v5 =	vld [tilespmem:$0x7110]  }
0x97: {  	v6 =	vld [tilespmem:$0x6420]  }
0x98: {  	[tilespmem:$0x7E00] =	vst v2;
	v2 =	vld [tilespmem:$0x7120]  }
0x99: {  	v58 =	vld [tilespmem:$0x7130];
	[tilespmem:$0x8200] =	vst v3  }
0x9a: {  	v59 =	vld [tilespmem:$0x6440];
	[tilespmem:$0x7E10] =	vst v4  }
0x9b: {  	v60 =	vld [tilespmem:$0x7140];
	[tilespmem:$0x8210] =	vst v5  }
0x9c: {  	v3 =	vld [tilespmem:$0x6430];
	[tilespmem:$0x7E20] =	vst v6  }
0x9d: {  	[tilespmem:$0x8220] =	vst v2;
	v2 =	vld [tilespmem:$0x6450]  }
0x9e: {  	v61 =	vld [tilespmem:$0x6460];
	[tilespmem:$0x8230] =	vst v58  }
0x9f: {  	v62 =	vld [tilespmem:$0x7160];
	[tilespmem:$0x7E40] =	vst v59  }
0xa0: {  	v63 =	vld [tilespmem:$0x6470];
	[tilespmem:$0x8240] =	vst v60  }
0xa1: {  	[tilespmem:$0x7E30] =	vst v3;
	v3 =	vld [tilespmem:$0x7150]  }
0xa2: {  	[tilespmem:$0x7E50] =	vst v2;
	v2 =	vld [tilespmem:$0x7170]  }
0xa3: {  	[tilespmem:$0x7E60] =	vst v61  }
0xa4: {  	[tilespmem:$0x8260] =	vst v62  }
0xa5: {  	[tilespmem:$0x7E70] =	vst v63  }
0xa6: {  	[tilespmem:$0x8250] =	vst v3  }
0xa7: {  	s2 =	simm.s32 $0x8200;
	s15 =	simm.s32 $0x8600;
	[tilespmem:$0x8270] =	vst v2  }
0xa8: {  	[tilespmem:s15], [sflag:$0x1] =	stream.indirect.gather [hbm4b:s1+s23], $0x80, s2, s23, $0xb8;
	[tilespmem:$0x1C600] =	vst v63  }
0xa9: {  	p2 =	seq.s32 s29, $0x1;
	s2 =	simm.s32 $0x0  }
0xaa: {  	s2 =	simm.s32 @!p2 $0x80  }
0xab: {  	v2 =	vld [tilespmem:s2+$0x6400];
	_ =	sdelay $0x2  }
0xac: {  	s24 =	simm.s32 $0x186A0  }
0xad: {  	s24 =	simm.s32 @!p2 $0x0  }
0xae: {  	v2 =	vadd.s32 s24, v2  }
0xaf: {  	[tilespmem:$0x7E80] =	vst v2  }
0xb0: {  	v2 =	vld [tilespmem:s2+$0x7100];
	_ =	sdelay $0x4  }
0xb1: {  	[tilespmem:$0x8280] =	vst v2  }
0xb2: {  	v2 =	vld [tilespmem:s2+$0x6410];
	_ =	sdelay $0x4  }
0xb3: {  	v2 =	vadd.s32 s24, v2  }
0xb4: {  	[tilespmem:$0x7E90] =	vst v2  }
0xb5: {  	v2 =	vld [tilespmem:s2+$0x7110];
	_ =	sdelay $0x4  }
0xb6: {  	[tilespmem:$0x8290] =	vst v2  }
0xb7: {  	v2 =	vld [tilespmem:s2+$0x6420];
	_ =	sdelay $0x4  }
0xb8: {  	v2 =	vadd.s32 s24, v2  }
0xb9: {  	[tilespmem:$0x7EA0] =	vst v2  }
0xba: {  	v2 =	vld [tilespmem:s2+$0x7120];
	_ =	sdelay $0x4  }
0xbb: {  	[tilespmem:$0x82A0] =	vst v2  }
0xbc: {  	v2 =	vld [tilespmem:s2+$0x6430];
	_ =	sdelay $0x4  }
0xbd: {  	v2 =	vadd.s32 s24, v2  }
0xbe: {  	[tilespmem:$0x7EB0] =	vst v2  }
0xbf: {  	v2 =	vld [tilespmem:s2+$0x7130];
	_ =	sdelay $0x4  }
0xc0: {  	[tilespmem:$0x82B0] =	vst v2  }
0xc1: {  	v2 =	vld [tilespmem:s2+$0x6440];
	_ =	sdelay $0x4  }
0xc2: {  	v2 =	vadd.s32 s24, v2  }
0xc3: {  	[tilespmem:$0x7EC0] =	vst v2  }
0xc4: {  	v2 =	vld [tilespmem:s2+$0x7140];
	_ =	sdelay $0x4  }
0xc5: {  	[tilespmem:$0x82C0] =	vst v2  }
0xc6: {  	v2 =	vld [tilespmem:s2+$0x6450];
	_ =	sdelay $0x4  }
0xc7: {  	v2 =	vadd.s32 s24, v2  }
0xc8: {  	[tilespmem:$0x7ED0] =	vst v2  }
0xc9: {  	v2 =	vld [tilespmem:s2+$0x7150];
	_ =	sdelay $0x4  }
0xca: {  	[tilespmem:$0x82D0] =	vst v2  }
0xcb: {  	v2 =	vld [tilespmem:s2+$0x6460];
	_ =	sdelay $0x4  }
0xcc: {  	v2 =	vadd.s32 s24, v2  }
0xcd: {  	[tilespmem:$0x7EE0] =	vst v2  }
0xce: {  	v2 =	vld [tilespmem:s2+$0x7160];
	_ =	sdelay $0x4  }
0xcf: {  	[tilespmem:$0x82E0] =	vst v2  }
0xd0: {  	v2 =	vld [tilespmem:s2+$0x6470];
	_ =	sdelay $0x4  }
0xd1: {  	v2 =	vadd.s32 s24, v2  }
0xd2: {  	[tilespmem:$0x7EF0] =	vst v2  }
0xd3: {  	p2 =	sne.s32 s29, $0x1;
	v2 =	vld [tilespmem:s2+$0x7170]  }
.Ltmp4:
0xd4: {  	_ = 	snop;
	(pc) =	sbr.rel @p2 .LBB2_7-.Ltmp4, $2  }
0xd5: {  	_ =	sdelay $0x2  }
0xd6: {  	s15 =	simm.s32 $0xC600;
	s2 =	simm.s32 $0x8280;
	[tilespmem:$0x82F0] =	vst v2  }
.Ltmp5:
0xd7: {  	(pc) =	sbr.rel .LBB2_11-.Ltmp5, $3  }
0xd8: {  	_ =	sdelay $0x1  }
0xd9: {  	[tilespmem:s15], [sflag:$0x2] =	stream.indirect.gather [hbm4b:s3+s23], $0x80, s2, s23, $0xb8;
	[tilespmem:$0x1C600] =	vst v63  }
0xda: {  	p2 =	por $0x0, $0x0  }
.LBB2_4:
.Ltmp6:
0xdb: {  	(pc) =	sbr.rel .LBB2_11-.Ltmp6, $2  }
0xdc: {  	_ =	sdelay $0x2  }
0xdd: {  	p2 =	por $0x0, $0x0  }
.LBB2_7:
0xde: {  	[tilespmem:s15], [sflag:$0x2] =	stream.indirect.gather [hbm4b:s1+s23], $0x80, s2, s23, $0xb8;
	[tilespmem:$0x1C600] =	vst v63  }
0xdf: {  	p2 =	seq.s32 s29, $0x2;
	s2 =	simm.s32 $0x0  }
0xe0: {  	s2 =	simm.s32 @!p2 $0x100  }
0xe1: {  	v2 =	vld [tilespmem:s2+$0x6400];
	_ =	sdelay $0x2  }
0xe2: {  	s24 =	simm.s32 $0x186A0  }
0xe3: {  	s24 =	simm.s32 @!p2 $0x0  }
0xe4: {  	v2 =	vadd.s32 s24, v2  }
0xe5: {  	[tilespmem:$0x7F00] =	vst v2  }
0xe6: {  	v2 =	vld [tilespmem:s2+$0x7100];
	_ =	sdelay $0x4  }
0xe7: {  	[tilespmem:$0x8300] =	vst v2  }
0xe8: {  	v2 =	vld [tilespmem:s2+$0x6410];
	_ =	sdelay $0x4  }
0xe9: {  	v2 =	vadd.s32 s24, v2  }
0xea: {  	[tilespmem:$0x7F10] =	vst v2  }
0xeb: {  	v2 =	vld [tilespmem:s2+$0x7110];
	_ =	sdelay $0x4  }
0xec: {  	[tilespmem:$0x8310] =	vst v2  }
0xed: {  	v2 =	vld [tilespmem:s2+$0x6420];
	_ =	sdelay $0x4  }
0xee: {  	v2 =	vadd.s32 s24, v2  }
0xef: {  	[tilespmem:$0x7F20] =	vst v2  }
0xf0: {  	v2 =	vld [tilespmem:s2+$0x7120];
	_ =	sdelay $0x4  }
0xf1: {  	[tilespmem:$0x8320] =	vst v2  }
0xf2: {  	v2 =	vld [tilespmem:s2+$0x6430];
	_ =	sdelay $0x4  }
0xf3: {  	v2 =	vadd.s32 s24, v2  }
0xf4: {  	[tilespmem:$0x7F30] =	vst v2  }
0xf5: {  	v2 =	vld [tilespmem:s2+$0x7130];
	_ =	sdelay $0x4  }
0xf6: {  	[tilespmem:$0x8330] =	vst v2  }
0xf7: {  	v2 =	vld [tilespmem:s2+$0x6440];
	_ =	sdelay $0x4  }
0xf8: {  	v2 =	vadd.s32 s24, v2  }
0xf9: {  	[tilespmem:$0x7F40] =	vst v2  }
0xfa: {  	v2 =	vld [tilespmem:s2+$0x7140];
	_ =	sdelay $0x4  }
0xfb: {  	[tilespmem:$0x8340] =	vst v2  }
0xfc: {  	v2 =	vld [tilespmem:s2+$0x6450];
	_ =	sdelay $0x4  }
0xfd: {  	v2 =	vadd.s32 s24, v2  }
0xfe: {  	[tilespmem:$0x7F50] =	vst v2  }
0xff: {  	v2 =	vld [tilespmem:s2+$0x7150];
	_ =	sdelay $0x4  }
0x100: {  	[tilespmem:$0x8350] =	vst v2  }
0x101: {  	v2 =	vld [tilespmem:s2+$0x6460];
	_ =	sdelay $0x4  }
0x102: {  	v2 =	vadd.s32 s24, v2  }
0x103: {  	[tilespmem:$0x7F60] =	vst v2  }
0x104: {  	v2 =	vld [tilespmem:s2+$0x7160];
	_ =	sdelay $0x4  }
0x105: {  	[tilespmem:$0x8360] =	vst v2  }
0x106: {  	v2 =	vld [tilespmem:s2+$0x6470];
	_ =	sdelay $0x4  }
0x107: {  	v2 =	vadd.s32 s24, v2  }
0x108: {  	[tilespmem:$0x7F70] =	vst v2  }
0x109: {  	v2 =	vld [tilespmem:s2+$0x7170];
	_ =	sdelay $0x3  }
0x10a: {  	s2 =	smov.u32 s1  }
0x10b: {  	s31 =	simm.s32 $0x8300;
	s16 =	simm.s32 $0x10600;
	s2 =	smov.u32 @p2 s3;
	[tilespmem:$0x8370] =	vst v2  }
0x10c: {  	[tilespmem:s16], [sflag:$0x3] =	stream.indirect.gather [hbm4b:s2+s23], $0x80, s31, s23, $0xb8;
	[tilespmem:$0x1C600] =	vst v63  }
0x10d: {  	s2 =	sshll.u32 s29, $0x7  }
0x10e: {  	p2 =	slt.u32 s29, $0x4;
	s24 =	ssub.s32 $0x180, s2  }
0x10f: {  	s24 =	simm.s32 @!p2 $0x180  }
0x110: {  	v2 =	vld [tilespmem:s24+$0x6400];
	_ =	sdelay $0x2  }
0x111: {  	s30 =	simm.s32 $0x186A0  }
0x112: {  	s30 =	simm.s32 @!p2 $0x0  }
0x113: {  	v2 =	vadd.s32 s30, v2  }
0x114: {  	[tilespmem:$0x7F80] =	vst v2  }
0x115: {  	v2 =	vld [tilespmem:s24+$0x7100];
	_ =	sdelay $0x4  }
0x116: {  	[tilespmem:$0x8380] =	vst v2  }
0x117: {  	v2 =	vld [tilespmem:s24+$0x6410];
	_ =	sdelay $0x4  }
0x118: {  	v2 =	vadd.s32 s30, v2  }
0x119: {  	[tilespmem:$0x7F90] =	vst v2  }
0x11a: {  	v2 =	vld [tilespmem:s24+$0x7110];
	_ =	sdelay $0x4  }
0x11b: {  	[tilespmem:$0x8390] =	vst v2  }
0x11c: {  	v2 =	vld [tilespmem:s24+$0x6420];
	_ =	sdelay $0x4  }
0x11d: {  	v2 =	vadd.s32 s30, v2  }
0x11e: {  	[tilespmem:$0x7FA0] =	vst v2  }
0x11f: {  	v2 =	vld [tilespmem:s24+$0x7120];
	_ =	sdelay $0x4  }
0x120: {  	[tilespmem:$0x83A0] =	vst v2  }
0x121: {  	v2 =	vld [tilespmem:s24+$0x6430];
	_ =	sdelay $0x4  }
0x122: {  	v2 =	vadd.s32 s30, v2  }
0x123: {  	[tilespmem:$0x7FB0] =	vst v2  }
0x124: {  	v2 =	vld [tilespmem:s24+$0x7130];
	_ =	sdelay $0x4  }
0x125: {  	[tilespmem:$0x83B0] =	vst v2  }
0x126: {  	v2 =	vld [tilespmem:s24+$0x6440];
	_ =	sdelay $0x4  }
0x127: {  	v2 =	vadd.s32 s30, v2  }
0x128: {  	[tilespmem:$0x7FC0] =	vst v2  }
0x129: {  	v2 =	vld [tilespmem:s24+$0x7140];
	_ =	sdelay $0x4  }
0x12a: {  	[tilespmem:$0x83C0] =	vst v2  }
0x12b: {  	v2 =	vld [tilespmem:s24+$0x6450];
	_ =	sdelay $0x4  }
0x12c: {  	v2 =	vadd.s32 s30, v2  }
0x12d: {  	[tilespmem:$0x7FD0] =	vst v2  }
0x12e: {  	v2 =	vld [tilespmem:s24+$0x7150];
	_ =	sdelay $0x4  }
0x12f: {  	[tilespmem:$0x83D0] =	vst v2  }
0x130: {  	v2 =	vld [tilespmem:s24+$0x6460];
	_ =	sdelay $0x4  }
0x131: {  	v2 =	vadd.s32 s30, v2  }
0x132: {  	[tilespmem:$0x7FE0] =	vst v2  }
0x133: {  	v2 =	vld [tilespmem:s24+$0x7160];
	_ =	sdelay $0x4  }
0x134: {  	[tilespmem:$0x83E0] =	vst v2  }
0x135: {  	v2 =	vld [tilespmem:s24+$0x6470];
	_ =	sdelay $0x4  }
0x136: {  	v2 =	vadd.s32 s30, v2  }
0x137: {  	[tilespmem:$0x7FF0] =	vst v2  }
0x138: {  	v2 =	vld [tilespmem:s24+$0x7170]  }
.Ltmp7:
0x139: {  	_ = 	snop;
	(pc) =	sbr.rel @p2 .LBB2_9-.Ltmp7, $2  }
0x13a: {  	_ =	sdelay $0x2  }
0x13b: {  	s15 =	simm.s32 $0x8380;
	s16 =	simm.s32 $0x14600;
	[tilespmem:$0x83F0] =	vst v2  }
.Ltmp8:
0x13c: {  	(pc) =	sbr.rel .LBB2_10-.Ltmp8, $2  }
0x13d: {  	_ =	sdelay $0x2  }
0x13e: {  	[tilespmem:s16], [sflag:$0x4] =	stream.indirect.gather [hbm4b:s1+s23], $0x80, s15, s23, $0xb8;
	[tilespmem:$0x1C600] =	vst v63  }
.LBB2_9:
0x13f: {  	p3 =	sne.s32 s29, $0x3  }
.Ltmp9:
0x140: {  	_ = 	snop;
	(pc) =	sbr.rel @p3 .LBB2_11-.Ltmp9, $3  }
0x141: {  	_ =	sdelay $0x1  }
0x142: {  	[tilespmem:s16], [sflag:$0x4] =	stream.indirect.gather [hbm4b:s3+s23], $0x80, s15, s23, $0xb8;
	[tilespmem:$0x1C600] =	vst v63  }
0x143: {  	p2 =	por $0x1, $0x1  }
.LBB2_10:
0x144: {  	p3 =	slt.u32 s29, $0x5;
	s2 =	ssub.s32 $0x200, s2  }
0x145: {  	s2 =	simm.s32 @!p3 $0x200  }
0x146: {  	v2 =	vld [tilespmem:s2+$0x6400];
	_ =	sdelay $0x2  }
0x147: {  	s24 =	simm.s32 $0x186A0  }
0x148: {  	s24 =	simm.s32 @!p3 $0x0  }
0x149: {  	v2 =	vadd.s32 s24, v2  }
0x14a: {  	[tilespmem:$0x8000] =	vst v2  }
0x14b: {  	v2 =	vld [tilespmem:s2+$0x7100];
	_ =	sdelay $0x4  }
0x14c: {  	[tilespmem:$0x8400] =	vst v2  }
0x14d: {  	v2 =	vld [tilespmem:s2+$0x6410];
	_ =	sdelay $0x4  }
0x14e: {  	v2 =	vadd.s32 s24, v2  }
0x14f: {  	[tilespmem:$0x8010] =	vst v2  }
0x150: {  	v2 =	vld [tilespmem:s2+$0x7110];
	_ =	sdelay $0x4  }
0x151: {  	[tilespmem:$0x8410] =	vst v2  }
0x152: {  	v2 =	vld [tilespmem:s2+$0x6420];
	_ =	sdelay $0x4  }
0x153: {  	v2 =	vadd.s32 s24, v2  }
0x154: {  	[tilespmem:$0x8020] =	vst v2  }
0x155: {  	v2 =	vld [tilespmem:s2+$0x7120];
	_ =	sdelay $0x4  }
0x156: {  	[tilespmem:$0x8420] =	vst v2  }
0x157: {  	v2 =	vld [tilespmem:s2+$0x6430];
	_ =	sdelay $0x4  }
0x158: {  	v2 =	vadd.s32 s24, v2  }
0x159: {  	[tilespmem:$0x8030] =	vst v2  }
0x15a: {  	v2 =	vld [tilespmem:s2+$0x7130];
	_ =	sdelay $0x4  }
0x15b: {  	[tilespmem:$0x8430] =	vst v2  }
0x15c: {  	v2 =	vld [tilespmem:s2+$0x6440];
	_ =	sdelay $0x4  }
0x15d: {  	v2 =	vadd.s32 s24, v2  }
0x15e: {  	[tilespmem:$0x8040] =	vst v2  }
0x15f: {  	v2 =	vld [tilespmem:s2+$0x7140];
	_ =	sdelay $0x4  }
0x160: {  	[tilespmem:$0x8440] =	vst v2  }
0x161: {  	v2 =	vld [tilespmem:s2+$0x6450];
	_ =	sdelay $0x4  }
0x162: {  	v2 =	vadd.s32 s24, v2  }
0x163: {  	[tilespmem:$0x8050] =	vst v2  }
0x164: {  	v2 =	vld [tilespmem:s2+$0x7150];
	_ =	sdelay $0x4  }
0x165: {  	[tilespmem:$0x8450] =	vst v2  }
0x166: {  	v2 =	vld [tilespmem:s2+$0x6460];
	_ =	sdelay $0x4  }
0x167: {  	v2 =	vadd.s32 s24, v2  }
0x168: {  	[tilespmem:$0x8060] =	vst v2  }
0x169: {  	v2 =	vld [tilespmem:s2+$0x7160];
	_ =	sdelay $0x4  }
0x16a: {  	[tilespmem:$0x8460] =	vst v2  }
0x16b: {  	v2 =	vld [tilespmem:s2+$0x6470];
	_ =	sdelay $0x4  }
0x16c: {  	v2 =	vadd.s32 s24, v2  }
0x16d: {  	[tilespmem:$0x8070] =	vst v2  }
0x16e: {  	v2 =	vld [tilespmem:s2+$0x7170];
	_ =	sdelay $0x2  }
0x16f: {  	p4 =	por @!p3 $0x1, $0x1;
	p1 =	por @p3 $0x1, $0x1  }
0x170: {  	s30 =	simm.s32 @p3 $0x18600;
	p2 =	por @p3 $0x1, $0x1;
	p1 =	por @!p3 p4, p4  }
0x171: {  	p2 =	por @!p3 p4, p4;
	s24 =	simm.s32 @p3 $0x8400;
	s2 =	simm.s32 @p3 $0x80;
	[tilespmem:$0x8470] =	vst v2  }
0x172: {  	[tilespmem:s30], [sflag:$0x5] =	stream.indirect.gather @p3 [hbm4b:s3+s2], $0x80, s24, s2, $0xb8;
	[tilespmem:$0x1C600] =	vst v63  }
0x173: {  	s2 =	simm.s32 @!p3 $0x80;
	s24 =	simm.s32 @!p3 $0x8400;
	s30 =	simm.s32 @!p3 $0x18600  }
0x174: {  	[tilespmem:s30], [sflag:$0x5] =	stream.indirect.gather @!p3 [hbm4b:s1+s2], $0x80, s24, s2, $0xb8;
	[tilespmem:$0x1C600] =	vst v63  }
.LBB2_11:
0x175: {  	s30 =	sshll.u32 s29, $0x1  }
0x176: {  	s2 =	sadd.s32 $0x4, s30  }
0x177: {  	s24 =	smulhi.u32 $0x66666667, s2;
	s2 =	sshra.s32 s2, $0x1F  }
0x178: {  	s2 =	smul.u32 $0x66666667, s2;
	_ =	sdelay $0x1  }
0x179: {  	s2 =	sadd.s32 s2, s24  }
0x17a: {  	s24 =	sshrl.u32 s2, $0x1F;
	s2 =	sshra.s32 s2, $0x1  }
0x17b: {  	s2 =	sadd.s32 s24, s2  }
0x17c: {  	s24 =	smul.u32 $0xFFFFFFFB, s2  }
0x17d: {  	s31 =	ssub.s32 $0xFFFFFFFC, s30  }
0x17e: {  	p3 =	slt.s32 s29, $0xFFFFFFFF;
	p4 =	sne.s32 s24, s31  }
0x17f: {  	p3 =	por !p3, !p4  }
0x180: {  	s24 =	simm.s32 $0x1;
	p3 =	por !p3, !p3  }
0x181: {  	s24 =	simm.s32 @!p3 $0x0  }
0x182: {  	s31 =	ssub.s32 s2, s24  }
0x183: {  	p3 =	slt.s32 s31, $0x1  }
.Ltmp10:
0x184: {  	_ = 	snop;
	(pc) =	sbr.rel @p3 .LBB2_14-.Ltmp10, $1  }
0x185: {  	_ =	sdelay $0x3  }
0x186: {  	s2 =	sadd.s32 $0xFFFFFFFF, s30  }
0x187: {  	s25 =	sadd.s32 $0xFFFFFFFE, s30;
	[dreg:$0x5] =	wrdreg s2  }
0x188: {  	s26 =	sadd.s32 $0xFFFFFFFD, s30;
	[dreg:$0x6] =	wrdreg s25  }
0x189: {  	s28 =	sadd.s32 $0xFFFFFFFC, s30;
	[dreg:$0x7] =	wrdreg s26  }
0x18a: {  	s24 =	simm.s32 $0x0;
	[dreg:$0x8] =	wrdreg s28;
	s2 =	simm.s32 $0x5  }
.LBB2_13:
0x18b: {  	s25 =	sadd.s32 $0xFFFFFFFB, s2  }
0x18c: {  	p3 =	sge.s32 s25, s30  }
0x18d: {  	s26 =	simm.s32 @!p3 $0x1  }
0x18e: {  	_ =	swait.ge @!p3 [sflag:s26], $0x4000  }
0x18f: {  	s28 =	simm.s32 @!p3 $0x80;
	s15 =	simm.s32 @!p3 $0x7E00;
	[sflag:s26] =	ssyncset.done @!p3 $0x0  }
0x190: {  	s16 =	simm.s32 @!p3 $0x8600;
	[sflag:s26] =	ssyncadd.s32 @!p3 $0xFFFFC000;
	s26 =	rddreg [dreg:$0x5]  }
0x191: {  	[hbm4b:s4+s28] =	stream.indirect.scatter @!p3 [tilespmem:s16], [sflag:$0x6], $0x80, s15, s28, $0xb8;
	[tilespmem:$0x1C600] =	vst v63  }
0x192: {  	p3 =	sge.s32 s25, s26  }
0x193: {  	s15 =	simm.s32 @!p3 $0x2  }
0x194: {  	_ =	swait.ge @!p3 [sflag:s15], $0x4000  }
0x195: {  	s16 =	simm.s32 @!p3 $0x80;
	s26 =	simm.s32 @!p3 $0x7E80;
	[sflag:s15] =	ssyncset.done @!p3 $0x0  }
0x196: {  	s28 =	simm.s32 @!p3 $0xC600;
	[sflag:s15] =	ssyncadd.s32 @!p3 $0xFFFFC000;
	s15 =	rddreg [dreg:$0x6]  }
0x197: {  	[hbm4b:s4+s16] =	stream.indirect.scatter @!p3 [tilespmem:s28], [sflag:$0x7], $0x80, s26, s16, $0xb8;
	[tilespmem:$0x1C600] =	vst v63  }
0x198: {  	p3 =	sge.s32 s25, s15  }
0x199: {  	s15 =	simm.s32 @!p3 $0x3  }
0x19a: {  	_ =	swait.ge @!p3 [sflag:s15], $0x4000  }
0x19b: {  	s16 =	simm.s32 @!p3 $0x80;
	s26 =	simm.s32 @!p3 $0x7F00;
	[sflag:s15] =	ssyncset.done @!p3 $0x0  }
0x19c: {  	s28 =	simm.s32 @!p3 $0x10600;
	[sflag:s15] =	ssyncadd.s32 @!p3 $0xFFFFC000;
	s15 =	rddreg [dreg:$0x7]  }
0x19d: {  	[hbm4b:s4+s16] =	stream.indirect.scatter @!p3 [tilespmem:s28], [sflag:$0x8], $0x80, s26, s16, $0xb8;
	[tilespmem:$0x1C600] =	vst v63  }
0x19e: {  	p3 =	sge.s32 s25, s15  }
0x19f: {  	s15 =	simm.s32 @!p3 $0x4  }
0x1a0: {  	_ =	swait.ge @!p3 [sflag:s15], $0x4000  }
0x1a1: {  	s16 =	simm.s32 @!p3 $0x80;
	s26 =	simm.s32 @!p3 $0x7F80;
	[sflag:s15] =	ssyncset.done @!p3 $0x0  }
0x1a2: {  	s28 =	simm.s32 @!p3 $0x14600;
	[sflag:s15] =	ssyncadd.s32 @!p3 $0xFFFFC000;
	s15 =	rddreg [dreg:$0x8]  }
0x1a3: {  	[hbm4b:s4+s16] =	stream.indirect.scatter @!p3 [tilespmem:s28], [sflag:$0x9], $0x80, s26, s16, $0xb8;
	[tilespmem:$0x1C600] =	vst v63  }
0x1a4: {  	p3 =	sge.s32 s25, s15  }
0x1a5: {  	s15 =	simm.s32 @!p3 $0x5  }
0x1a6: {  	_ =	swait.ge @!p3 [sflag:s15], $0x4000  }
0x1a7: {  	s16 =	simm.s32 @!p3 $0x8000;
	[sflag:s15] =	ssyncset.done @!p3 $0x0  }
0x1a8: {  	s25 =	simm.s32 @!p3 $0x18600;
	[sflag:s15] =	ssyncadd.s32 @!p3 $0xFFFFC000;
	s15 =	simm.s32 @!p3 $0x80  }
0x1a9: {  	[hbm4b:s4+s15] =	stream.indirect.scatter @!p3 [tilespmem:s25], [sflag:$0xA], $0x80, s16, s15, $0xb8;
	[tilespmem:$0x1C600] =	vst v63  }
0x1aa: {  	p3 =	sge.s32 s2, s30  }
0x1ab: {  	p4 =	slt.s32 @!p3 s2, s29  }
0x1ac: {  	s15 =	smov.u32 s29;
	p4 =	por !p4, p3  }
0x1ad: {  	s15 =	simm.s32 @!p4 $0x0  }
0x1ae: {  	s16 =	simm.s32 @!p3 $0x6;
	s15 =	sshll.u32 @!p3 s15, $0x9  }
0x1af: {  	_ =	swait.ge @!p3 [sflag:s16], $0x4000;
	s15 =	ssub.s32 @!p3 $0x0, s15  }
0x1b0: {  	s25 =	sshra.s32 @!p3 s24, $0x2;
	[sflag:s16] =	ssyncset.done @!p3 $0x0;
	s15 =	sshra.s32 @!p3 s15, $0x2  }
0x1b1: {  	[sflag:s16] =	ssyncadd.s32 @!p3 $0xFFFFC000;
	s15 =	sadd.s32 @!p3 s25, s15  }
0x1b2: {  	v2 =	vld @!p3 [tilespmem:s15+$0x6680];
	_ =	sdelay $0x2  }
0x1b3: {  	s16 =	simm.s32 @!p3 $0x0  }
0x1b4: {  	s16 =	simm.s32 @p4 $0x186A0  }
0x1b5: {  	v2 =	vadd.s32 @!p3 s16, v2  }
0x1b6: {  	[tilespmem:$0x7E00] =	vst @!p3 v2  }
0x1b7: {  	v2 =	vld @!p3 [tilespmem:s15+$0x7380];
	_ =	sdelay $0x4  }
0x1b8: {  	[tilespmem:$0x8200] =	vst @!p3 v2  }
0x1b9: {  	v2 =	vld @!p3 [tilespmem:s15+$0x6690];
	_ =	sdelay $0x4  }
0x1ba: {  	v2 =	vadd.s32 @!p3 s16, v2  }
0x1bb: {  	[tilespmem:$0x7E10] =	vst @!p3 v2  }
0x1bc: {  	v2 =	vld @!p3 [tilespmem:s15+$0x7390];
	_ =	sdelay $0x4  }
0x1bd: {  	[tilespmem:$0x8210] =	vst @!p3 v2  }
0x1be: {  	v2 =	vld @!p3 [tilespmem:s15+$0x66A0];
	_ =	sdelay $0x4  }
0x1bf: {  	v2 =	vadd.s32 @!p3 s16, v2  }
0x1c0: {  	[tilespmem:$0x7E20] =	vst @!p3 v2  }
0x1c1: {  	v2 =	vld @!p3 [tilespmem:s15+$0x73A0];
	_ =	sdelay $0x4  }
0x1c2: {  	[tilespmem:$0x8220] =	vst @!p3 v2  }
0x1c3: {  	v2 =	vld @!p3 [tilespmem:s15+$0x66B0];
	_ =	sdelay $0x4  }
0x1c4: {  	v2 =	vadd.s32 @!p3 s16, v2  }
0x1c5: {  	[tilespmem:$0x7E30] =	vst @!p3 v2  }
0x1c6: {  	v2 =	vld @!p3 [tilespmem:s15+$0x73B0];
	_ =	sdelay $0x4  }
0x1c7: {  	[tilespmem:$0x8230] =	vst @!p3 v2  }
0x1c8: {  	v2 =	vld @!p3 [tilespmem:s15+$0x66C0];
	_ =	sdelay $0x4  }
0x1c9: {  	v2 =	vadd.s32 @!p3 s16, v2  }
0x1ca: {  	[tilespmem:$0x7E40] =	vst @!p3 v2  }
0x1cb: {  	v2 =	vld @!p3 [tilespmem:s15+$0x73C0];
	_ =	sdelay $0x4  }
0x1cc: {  	[tilespmem:$0x8240] =	vst @!p3 v2  }
0x1cd: {  	v2 =	vld @!p3 [tilespmem:s15+$0x66D0];
	_ =	sdelay $0x4  }
0x1ce: {  	v2 =	vadd.s32 @!p3 s16, v2  }
0x1cf: {  	[tilespmem:$0x7E50] =	vst @!p3 v2  }
0x1d0: {  	v2 =	vld @!p3 [tilespmem:s15+$0x73D0];
	_ =	sdelay $0x4  }
0x1d1: {  	[tilespmem:$0x8250] =	vst @!p3 v2  }
0x1d2: {  	v2 =	vld @!p3 [tilespmem:s15+$0x66E0];
	_ =	sdelay $0x4  }
0x1d3: {  	v2 =	vadd.s32 @!p3 s16, v2  }
0x1d4: {  	[tilespmem:$0x7E60] =	vst @!p3 v2  }
0x1d5: {  	v2 =	vld @!p3 [tilespmem:s15+$0x73E0];
	_ =	sdelay $0x4  }
0x1d6: {  	[tilespmem:$0x8260] =	vst @!p3 v2  }
0x1d7: {  	v2 =	vld @!p3 [tilespmem:s15+$0x66F0];
	_ =	sdelay $0x4  }
0x1d8: {  	v2 =	vadd.s32 @!p3 s16, v2  }
0x1d9: {  	[tilespmem:$0x7E70] =	vst @!p3 v2  }
0x1da: {  	v2 =	vld @!p3 [tilespmem:s15+$0x73F0];
	_ =	sdelay $0x3  }
0x1db: {  	s26 =	simm.s32 @!p3 $0x8600;
	s15 =	smov.u32 s1  }
0x1dc: {  	s25 =	simm.s32 @!p3 $0x8200;
	s16 =	simm.s32 @!p3 $0x80;
	s15 =	smov.u32 @p4 s3;
	[tilespmem:$0x8270] =	vst @!p3 v2  }
0x1dd: {  	[tilespmem:s26], [sflag:$0x1] =	stream.indirect.gather @!p3 [hbm4b:s15+s16], $0x80, s25, s16, $0xb8;
	[tilespmem:$0x1C600] =	vst v63  }
0x1de: {  	s15 =	sadd.s32 $0x1, s2  }
0x1df: {  	p3 =	sge.s32 s15, s30  }
0x1e0: {  	p4 =	slt.s32 @!p3 s15, s29  }
0x1e1: {  	s15 =	smov.u32 s29;
	p4 =	por !p4, p3  }
0x1e2: {  	s15 =	simm.s32 @!p4 $0x0  }
0x1e3: {  	s16 =	simm.s32 @!p3 $0x7;
	s15 =	sshll.u32 @!p3 s15, $0x9  }
0x1e4: {  	_ =	swait.ge @!p3 [sflag:s16], $0x4000;
	s15 =	ssub.s32 @!p3 $0x0, s15  }
0x1e5: {  	s25 =	sshra.s32 @!p3 s24, $0x2;
	[sflag:s16] =	ssyncset.done @!p3 $0x0;
	s15 =	sshra.s32 @!p3 s15, $0x2  }
0x1e6: {  	[sflag:s16] =	ssyncadd.s32 @!p3 $0xFFFFC000;
	s15 =	sadd.s32 @!p3 s25, s15  }
0x1e7: {  	v2 =	vld @!p3 [tilespmem:s15+$0x6700];
	_ =	sdelay $0x2  }
0x1e8: {  	s16 =	simm.s32 @!p3 $0x0  }
0x1e9: {  	s16 =	simm.s32 @p4 $0x186A0  }
0x1ea: {  	v2 =	vadd.s32 @!p3 s16, v2  }
0x1eb: {  	[tilespmem:$0x7E80] =	vst @!p3 v2  }
0x1ec: {  	v2 =	vld @!p3 [tilespmem:s15+$0x7400];
	_ =	sdelay $0x4  }
0x1ed: {  	[tilespmem:$0x8280] =	vst @!p3 v2  }
0x1ee: {  	v2 =	vld @!p3 [tilespmem:s15+$0x6710];
	_ =	sdelay $0x4  }
0x1ef: {  	v2 =	vadd.s32 @!p3 s16, v2  }
0x1f0: {  	[tilespmem:$0x7E90] =	vst @!p3 v2  }
0x1f1: {  	v2 =	vld @!p3 [tilespmem:s15+$0x7410];
	_ =	sdelay $0x4  }
0x1f2: {  	[tilespmem:$0x8290] =	vst @!p3 v2  }
0x1f3: {  	v2 =	vld @!p3 [tilespmem:s15+$0x6720];
	_ =	sdelay $0x4  }
0x1f4: {  	v2 =	vadd.s32 @!p3 s16, v2  }
0x1f5: {  	[tilespmem:$0x7EA0] =	vst @!p3 v2  }
0x1f6: {  	v2 =	vld @!p3 [tilespmem:s15+$0x7420];
	_ =	sdelay $0x4  }
0x1f7: {  	[tilespmem:$0x82A0] =	vst @!p3 v2  }
0x1f8: {  	v2 =	vld @!p3 [tilespmem:s15+$0x6730];
	_ =	sdelay $0x4  }
0x1f9: {  	v2 =	vadd.s32 @!p3 s16, v2  }
0x1fa: {  	[tilespmem:$0x7EB0] =	vst @!p3 v2  }
0x1fb: {  	v2 =	vld @!p3 [tilespmem:s15+$0x7430];
	_ =	sdelay $0x4  }
0x1fc: {  	[tilespmem:$0x82B0] =	vst @!p3 v2  }
0x1fd: {  	v2 =	vld @!p3 [tilespmem:s15+$0x6740];
	_ =	sdelay $0x4  }
0x1fe: {  	v2 =	vadd.s32 @!p3 s16, v2  }
0x1ff: {  	[tilespmem:$0x7EC0] =	vst @!p3 v2  }
0x200: {  	v2 =	vld @!p3 [tilespmem:s15+$0x7440];
	_ =	sdelay $0x4  }
0x201: {  	[tilespmem:$0x82C0] =	vst @!p3 v2  }
0x202: {  	v2 =	vld @!p3 [tilespmem:s15+$0x6750];
	_ =	sdelay $0x4  }
0x203: {  	v2 =	vadd.s32 @!p3 s16, v2  }
0x204: {  	[tilespmem:$0x7ED0] =	vst @!p3 v2  }
0x205: {  	v2 =	vld @!p3 [tilespmem:s15+$0x7450];
	_ =	sdelay $0x4  }
0x206: {  	[tilespmem:$0x82D0] =	vst @!p3 v2  }
0x207: {  	v2 =	vld @!p3 [tilespmem:s15+$0x6760];
	_ =	sdelay $0x4  }
0x208: {  	v2 =	vadd.s32 @!p3 s16, v2  }
0x209: {  	[tilespmem:$0x7EE0] =	vst @!p3 v2  }
0x20a: {  	v2 =	vld @!p3 [tilespmem:s15+$0x7460];
	_ =	sdelay $0x4  }
0x20b: {  	[tilespmem:$0x82E0] =	vst @!p3 v2  }
0x20c: {  	v2 =	vld @!p3 [tilespmem:s15+$0x6770];
	_ =	sdelay $0x4  }
0x20d: {  	v2 =	vadd.s32 @!p3 s16, v2  }
0x20e: {  	[tilespmem:$0x7EF0] =	vst @!p3 v2  }
0x20f: {  	v2 =	vld @!p3 [tilespmem:s15+$0x7470];
	_ =	sdelay $0x3  }
0x210: {  	s26 =	simm.s32 @!p3 $0xC600;
	s15 =	smov.u32 s1  }
0x211: {  	s25 =	simm.s32 @!p3 $0x8280;
	s16 =	simm.s32 @!p3 $0x80;
	s15 =	smov.u32 @p4 s3;
	[tilespmem:$0x82F0] =	vst @!p3 v2  }
0x212: {  	[tilespmem:s26], [sflag:$0x2] =	stream.indirect.gather @!p3 [hbm4b:s15+s16], $0x80, s25, s16, $0xb8;
	[tilespmem:$0x1C600] =	vst v63  }
0x213: {  	s15 =	sadd.s32 $0x2, s2  }
0x214: {  	p3 =	sge.s32 s15, s30  }
0x215: {  	p4 =	slt.s32 @!p3 s15, s29  }
0x216: {  	s15 =	smov.u32 s29;
	p4 =	por !p4, p3  }
0x217: {  	s15 =	simm.s32 @!p4 $0x0  }
0x218: {  	s16 =	simm.s32 @!p3 $0x8;
	s15 =	sshll.u32 @!p3 s15, $0x9  }
0x219: {  	_ =	swait.ge @!p3 [sflag:s16], $0x4000;
	s15 =	ssub.s32 @!p3 $0x0, s15  }
0x21a: {  	s25 =	sshra.s32 @!p3 s24, $0x2;
	[sflag:s16] =	ssyncset.done @!p3 $0x0;
	s15 =	sshra.s32 @!p3 s15, $0x2  }
0x21b: {  	[sflag:s16] =	ssyncadd.s32 @!p3 $0xFFFFC000;
	s15 =	sadd.s32 @!p3 s25, s15  }
0x21c: {  	v2 =	vld @!p3 [tilespmem:s15+$0x6780];
	_ =	sdelay $0x2  }
0x21d: {  	s16 =	simm.s32 @!p3 $0x0  }
0x21e: {  	s16 =	simm.s32 @p4 $0x186A0  }
0x21f: {  	v2 =	vadd.s32 @!p3 s16, v2  }
0x220: {  	[tilespmem:$0x7F00] =	vst @!p3 v2  }
0x221: {  	v2 =	vld @!p3 [tilespmem:s15+$0x7480];
	_ =	sdelay $0x4  }
0x222: {  	[tilespmem:$0x8300] =	vst @!p3 v2  }
0x223: {  	v2 =	vld @!p3 [tilespmem:s15+$0x6790];
	_ =	sdelay $0x4  }
0x224: {  	v2 =	vadd.s32 @!p3 s16, v2  }
0x225: {  	[tilespmem:$0x7F10] =	vst @!p3 v2  }
0x226: {  	v2 =	vld @!p3 [tilespmem:s15+$0x7490];
	_ =	sdelay $0x4  }
0x227: {  	[tilespmem:$0x8310] =	vst @!p3 v2  }
0x228: {  	v2 =	vld @!p3 [tilespmem:s15+$0x67A0];
	_ =	sdelay $0x4  }
0x229: {  	v2 =	vadd.s32 @!p3 s16, v2  }
0x22a: {  	[tilespmem:$0x7F20] =	vst @!p3 v2  }
0x22b: {  	v2 =	vld @!p3 [tilespmem:s15+$0x74A0];
	_ =	sdelay $0x4  }
0x22c: {  	[tilespmem:$0x8320] =	vst @!p3 v2  }
0x22d: {  	v2 =	vld @!p3 [tilespmem:s15+$0x67B0];
	_ =	sdelay $0x4  }
0x22e: {  	v2 =	vadd.s32 @!p3 s16, v2  }
0x22f: {  	[tilespmem:$0x7F30] =	vst @!p3 v2  }
0x230: {  	v2 =	vld @!p3 [tilespmem:s15+$0x74B0];
	_ =	sdelay $0x4  }
0x231: {  	[tilespmem:$0x8330] =	vst @!p3 v2  }
0x232: {  	v2 =	vld @!p3 [tilespmem:s15+$0x67C0];
	_ =	sdelay $0x4  }
0x233: {  	v2 =	vadd.s32 @!p3 s16, v2  }
0x234: {  	[tilespmem:$0x7F40] =	vst @!p3 v2  }
0x235: {  	v2 =	vld @!p3 [tilespmem:s15+$0x74C0];
	_ =	sdelay $0x4  }
0x236: {  	[tilespmem:$0x8340] =	vst @!p3 v2  }
0x237: {  	v2 =	vld @!p3 [tilespmem:s15+$0x67D0];
	_ =	sdelay $0x4  }
0x238: {  	v2 =	vadd.s32 @!p3 s16, v2  }
0x239: {  	[tilespmem:$0x7F50] =	vst @!p3 v2  }
0x23a: {  	v2 =	vld @!p3 [tilespmem:s15+$0x74D0];
	_ =	sdelay $0x4  }
0x23b: {  	[tilespmem:$0x8350] =	vst @!p3 v2  }
0x23c: {  	v2 =	vld @!p3 [tilespmem:s15+$0x67E0];
	_ =	sdelay $0x4  }
0x23d: {  	v2 =	vadd.s32 @!p3 s16, v2  }
0x23e: {  	[tilespmem:$0x7F60] =	vst @!p3 v2  }
0x23f: {  	v2 =	vld @!p3 [tilespmem:s15+$0x74E0];
	_ =	sdelay $0x4  }
0x240: {  	[tilespmem:$0x8360] =	vst @!p3 v2  }
0x241: {  	v2 =	vld @!p3 [tilespmem:s15+$0x67F0];
	_ =	sdelay $0x4  }
0x242: {  	v2 =	vadd.s32 @!p3 s16, v2  }
0x243: {  	[tilespmem:$0x7F70] =	vst @!p3 v2  }
0x244: {  	v2 =	vld @!p3 [tilespmem:s15+$0x74F0];
	_ =	sdelay $0x3  }
0x245: {  	s26 =	simm.s32 @!p3 $0x10600;
	s15 =	smov.u32 s1  }
0x246: {  	s25 =	simm.s32 @!p3 $0x8300;
	s16 =	simm.s32 @!p3 $0x80;
	s15 =	smov.u32 @p4 s3;
	[tilespmem:$0x8370] =	vst @!p3 v2  }
0x247: {  	[tilespmem:s26], [sflag:$0x3] =	stream.indirect.gather @!p3 [hbm4b:s15+s16], $0x80, s25, s16, $0xb8;
	[tilespmem:$0x1C600] =	vst v63  }
0x248: {  	s15 =	sadd.s32 $0x3, s2  }
0x249: {  	p3 =	sge.s32 s15, s30  }
0x24a: {  	p4 =	slt.s32 @!p3 s15, s29  }
0x24b: {  	s15 =	smov.u32 s29;
	p4 =	por !p4, p3  }
0x24c: {  	s15 =	simm.s32 @!p4 $0x0  }
0x24d: {  	s16 =	simm.s32 @!p3 $0x9;
	s15 =	sshll.u32 @!p3 s15, $0x9  }
0x24e: {  	_ =	swait.ge @!p3 [sflag:s16], $0x4000;
	s15 =	ssub.s32 @!p3 $0x0, s15  }
0x24f: {  	s25 =	sshra.s32 @!p3 s24, $0x2;
	[sflag:s16] =	ssyncset.done @!p3 $0x0;
	s15 =	sshra.s32 @!p3 s15, $0x2  }
0x250: {  	[sflag:s16] =	ssyncadd.s32 @!p3 $0xFFFFC000;
	s15 =	sadd.s32 @!p3 s25, s15  }
0x251: {  	v2 =	vld @!p3 [tilespmem:s15+$0x6800];
	_ =	sdelay $0x2  }
0x252: {  	s16 =	simm.s32 @!p3 $0x0  }
0x253: {  	s16 =	simm.s32 @p4 $0x186A0  }
0x254: {  	v2 =	vadd.s32 @!p3 s16, v2  }
0x255: {  	[tilespmem:$0x7F80] =	vst @!p3 v2  }
0x256: {  	v2 =	vld @!p3 [tilespmem:s15+$0x7500];
	_ =	sdelay $0x4  }
0x257: {  	[tilespmem:$0x8380] =	vst @!p3 v2  }
0x258: {  	v2 =	vld @!p3 [tilespmem:s15+$0x6810];
	_ =	sdelay $0x4  }
0x259: {  	v2 =	vadd.s32 @!p3 s16, v2  }
0x25a: {  	[tilespmem:$0x7F90] =	vst @!p3 v2  }
0x25b: {  	v2 =	vld @!p3 [tilespmem:s15+$0x7510];
	_ =	sdelay $0x4  }
0x25c: {  	[tilespmem:$0x8390] =	vst @!p3 v2  }
0x25d: {  	v2 =	vld @!p3 [tilespmem:s15+$0x6820];
	_ =	sdelay $0x4  }
0x25e: {  	v2 =	vadd.s32 @!p3 s16, v2  }
0x25f: {  	[tilespmem:$0x7FA0] =	vst @!p3 v2  }
0x260: {  	v2 =	vld @!p3 [tilespmem:s15+$0x7520];
	_ =	sdelay $0x4  }
0x261: {  	[tilespmem:$0x83A0] =	vst @!p3 v2  }
0x262: {  	v2 =	vld @!p3 [tilespmem:s15+$0x6830];
	_ =	sdelay $0x4  }
0x263: {  	v2 =	vadd.s32 @!p3 s16, v2  }
0x264: {  	[tilespmem:$0x7FB0] =	vst @!p3 v2  }
0x265: {  	v2 =	vld @!p3 [tilespmem:s15+$0x7530];
	_ =	sdelay $0x4  }
0x266: {  	[tilespmem:$0x83B0] =	vst @!p3 v2  }
0x267: {  	v2 =	vld @!p3 [tilespmem:s15+$0x6840];
	_ =	sdelay $0x4  }
0x268: {  	v2 =	vadd.s32 @!p3 s16, v2  }
0x269: {  	[tilespmem:$0x7FC0] =	vst @!p3 v2  }
0x26a: {  	v2 =	vld @!p3 [tilespmem:s15+$0x7540];
	_ =	sdelay $0x4  }
0x26b: {  	[tilespmem:$0x83C0] =	vst @!p3 v2  }
0x26c: {  	v2 =	vld @!p3 [tilespmem:s15+$0x6850];
	_ =	sdelay $0x4  }
0x26d: {  	v2 =	vadd.s32 @!p3 s16, v2  }
0x26e: {  	[tilespmem:$0x7FD0] =	vst @!p3 v2  }
0x26f: {  	v2 =	vld @!p3 [tilespmem:s15+$0x7550];
	_ =	sdelay $0x4  }
0x270: {  	[tilespmem:$0x83D0] =	vst @!p3 v2  }
0x271: {  	v2 =	vld @!p3 [tilespmem:s15+$0x6860];
	_ =	sdelay $0x4  }
0x272: {  	v2 =	vadd.s32 @!p3 s16, v2  }
0x273: {  	[tilespmem:$0x7FE0] =	vst @!p3 v2  }
0x274: {  	v2 =	vld @!p3 [tilespmem:s15+$0x7560];
	_ =	sdelay $0x4  }
0x275: {  	[tilespmem:$0x83E0] =	vst @!p3 v2  }
0x276: {  	v2 =	vld @!p3 [tilespmem:s15+$0x6870];
	_ =	sdelay $0x4  }
0x277: {  	v2 =	vadd.s32 @!p3 s16, v2  }
0x278: {  	[tilespmem:$0x7FF0] =	vst @!p3 v2  }
0x279: {  	v2 =	vld @!p3 [tilespmem:s15+$0x7570];
	_ =	sdelay $0x3  }
0x27a: {  	s26 =	simm.s32 @!p3 $0x14600;
	s15 =	smov.u32 s1  }
0x27b: {  	s25 =	simm.s32 @!p3 $0x8380;
	s16 =	simm.s32 @!p3 $0x80;
	s15 =	smov.u32 @p4 s3;
	[tilespmem:$0x83F0] =	vst @!p3 v2  }
0x27c: {  	[tilespmem:s26], [sflag:$0x4] =	stream.indirect.gather @!p3 [hbm4b:s15+s16], $0x80, s25, s16, $0xb8;
	[tilespmem:$0x1C600] =	vst v63  }
0x27d: {  	s15 =	sadd.s32 $0x4, s2  }
0x27e: {  	p3 =	sge.s32 s15, s30  }
0x27f: {  	p4 =	slt.s32 @!p3 s15, s29  }
0x280: {  	s15 =	smov.u32 s29;
	p4 =	por !p4, p3  }
0x281: {  	s15 =	simm.s32 @!p4 $0x0  }
0x282: {  	s16 =	simm.s32 @!p3 $0xA;
	s15 =	sshll.u32 @!p3 s15, $0x9  }
0x283: {  	_ =	swait.ge @!p3 [sflag:s16], $0x4000;
	s15 =	ssub.s32 @!p3 $0x0, s15  }
0x284: {  	s25 =	sshra.s32 @!p3 s24, $0x2;
	[sflag:s16] =	ssyncset.done @!p3 $0x0;
	s15 =	sshra.s32 @!p3 s15, $0x2  }
0x285: {  	[sflag:s16] =	ssyncadd.s32 @!p3 $0xFFFFC000;
	s15 =	sadd.s32 @!p3 s25, s15  }
0x286: {  	v2 =	vld @!p3 [tilespmem:s15+$0x6880];
	_ =	sdelay $0x2  }
0x287: {  	s16 =	simm.s32 @!p3 $0x0  }
0x288: {  	s16 =	simm.s32 @p4 $0x186A0  }
0x289: {  	v2 =	vadd.s32 @!p3 s16, v2  }
0x28a: {  	[tilespmem:$0x8000] =	vst @!p3 v2  }
0x28b: {  	v2 =	vld @!p3 [tilespmem:s15+$0x7580];
	_ =	sdelay $0x4  }
0x28c: {  	[tilespmem:$0x8400] =	vst @!p3 v2  }
0x28d: {  	v2 =	vld @!p3 [tilespmem:s15+$0x6890];
	_ =	sdelay $0x4  }
0x28e: {  	v2 =	vadd.s32 @!p3 s16, v2  }
0x28f: {  	[tilespmem:$0x8010] =	vst @!p3 v2  }
0x290: {  	v2 =	vld @!p3 [tilespmem:s15+$0x7590];
	_ =	sdelay $0x4  }
0x291: {  	[tilespmem:$0x8410] =	vst @!p3 v2  }
0x292: {  	v2 =	vld @!p3 [tilespmem:s15+$0x68A0];
	_ =	sdelay $0x4  }
0x293: {  	v2 =	vadd.s32 @!p3 s16, v2  }
0x294: {  	[tilespmem:$0x8020] =	vst @!p3 v2  }
0x295: {  	v2 =	vld @!p3 [tilespmem:s15+$0x75A0];
	_ =	sdelay $0x4  }
0x296: {  	[tilespmem:$0x8420] =	vst @!p3 v2  }
0x297: {  	v2 =	vld @!p3 [tilespmem:s15+$0x68B0];
	_ =	sdelay $0x4  }
0x298: {  	v2 =	vadd.s32 @!p3 s16, v2  }
0x299: {  	[tilespmem:$0x8030] =	vst @!p3 v2  }
0x29a: {  	v2 =	vld @!p3 [tilespmem:s15+$0x75B0];
	_ =	sdelay $0x4  }
0x29b: {  	[tilespmem:$0x8430] =	vst @!p3 v2  }
0x29c: {  	v2 =	vld @!p3 [tilespmem:s15+$0x68C0];
	_ =	sdelay $0x4  }
0x29d: {  	v2 =	vadd.s32 @!p3 s16, v2  }
0x29e: {  	[tilespmem:$0x8040] =	vst @!p3 v2  }
0x29f: {  	v2 =	vld @!p3 [tilespmem:s15+$0x75C0];
	_ =	sdelay $0x4  }
0x2a0: {  	[tilespmem:$0x8440] =	vst @!p3 v2  }
0x2a1: {  	v2 =	vld @!p3 [tilespmem:s15+$0x68D0];
	_ =	sdelay $0x4  }
0x2a2: {  	v2 =	vadd.s32 @!p3 s16, v2  }
0x2a3: {  	[tilespmem:$0x8050] =	vst @!p3 v2  }
0x2a4: {  	v2 =	vld @!p3 [tilespmem:s15+$0x75D0];
	_ =	sdelay $0x4  }
0x2a5: {  	[tilespmem:$0x8450] =	vst @!p3 v2  }
0x2a6: {  	v2 =	vld @!p3 [tilespmem:s15+$0x68E0];
	_ =	sdelay $0x4  }
0x2a7: {  	v2 =	vadd.s32 @!p3 s16, v2  }
0x2a8: {  	[tilespmem:$0x8060] =	vst @!p3 v2  }
0x2a9: {  	v2 =	vld @!p3 [tilespmem:s15+$0x75E0];
	_ =	sdelay $0x4  }
0x2aa: {  	[tilespmem:$0x8460] =	vst @!p3 v2  }
0x2ab: {  	v2 =	vld @!p3 [tilespmem:s15+$0x68F0];
	_ =	sdelay $0x4  }
0x2ac: {  	v2 =	vadd.s32 @!p3 s16, v2  }
0x2ad: {  	[tilespmem:$0x8070] =	vst @!p3 v2  }
0x2ae: {  	v2 =	vld @!p3 [tilespmem:s15+$0x75F0];
	_ =	sdelay $0x3  }
0x2af: {  	s31 =	sadd.s32 $0xFFFFFFFF, s31;
	s26 =	simm.s32 @!p3 $0x18600;
	s15 =	smov.u32 s1  }
0x2b0: {  	s25 =	simm.s32 @!p3 $0x8400;
	s16 =	simm.s32 @!p3 $0x80;
	s15 =	smov.u32 @p4 s3;
	[tilespmem:$0x8470] =	vst @!p3 v2  }
0x2b1: {  	[tilespmem:s26], [sflag:$0x5] =	stream.indirect.gather @!p3 [hbm4b:s15+s16], $0x80, s25, s16, $0xb8;
	[tilespmem:$0x1C600] =	vst v63  }
0x2b2: {  	p3 =	sne.s32 s31, $0x0  }
.Ltmp11:
0x2b3: {  	_ = 	snop;
	(pc) =	sbr.rel @p3 .LBB2_13-.Ltmp11, $2  }
0x2b4: {  	_ =	sdelay $0x2  }
0x2b5: {  	s2 =	sadd.s32 $0x5, s2;
	s24 =	sadd.s32 $0xA00, s24  }
.Ltmp12:
0x2b6: {  	_ = 	snop;
	(pc) =	sbr.rel .LBB2_14-.Ltmp12, $1  }
0x2b7: {  	_ =	sdelay $0x3  }
.LBB2_15:
0x2b8: {  	_ =	sfence.sel $0x180000  }
0x2b9: {  	[bflag:$0x0] =	sbarrier.arrive $0xFFFF  }
0x2ba: {  	_ =	strace $0x9000004A  }
0x2bb: {  	s0 =	stileid.u32;
	[bflag:$0x2] =	sbarrier.arrive $0xFFFF  }
0x2bc: {  	p0 =	sne.s32 s0, $0x0;
	s0 =	rddreg [dreg:$0x4]  }
0x2bd: {  	s0 =	sadd.s32 @!p0 $0x100000, s0  }
0x2be: {  	[sflag:s0] =	ssyncadd.tile.s32 @!p0 $0x1;
	_ =	shalt  }
.Lfunc_end2:
_tile_overlayer_lowered:
.L_overlay_start_2:
0x2bf: {  	(tag) =	ssettag $0x2  }
0x2c0: {  	s0 =	rddreg [dreg:$0x0];
	s2 =	stileid.u32  }
0x2c1: {  	s1 =	rddreg [dreg:$0x1];
	p0 =	sne.s32 s2, $0x0  }
0x2c2: {  	s3 =	rddreg [dreg:$0x2];
	[bflag:$0x3] =	sbarrier.arrive $0xFFFF;
	s2 =	simm.s32 @!p0 $0x1C0B  }
0x2c3: {  	[timem:s3], [sflag:s2] =	dma.local @!p0 [hbm:s0], s1  }
0x2c4: {  	s0 =	simm.s32 @!p0 $0xB  }
0x2c5: {  	_ =	swait.ge @!p0 [sflag:s0], s1  }
0x2c6: {  	s1 =	ssub.s32 @!p0 $0x0, s1;
	[sflag:s0] =	ssyncset.done @!p0 $0x0  }
0x2c7: {  	[sflag:s0] =	ssyncadd.s32 @!p0 s1  }
0x2c8: {  	[bflag:$0x3] =	sbarrier.arrive $0xFFFF  }
0x2c9: {  	_ =	shalt  }

</sc_bundles>
